<compile_context>
chip_gen: v7x
topology: tpu7x:2x2x1
jax: 0.10.2.dev20260603
libtpu: 0.0.44.dev20260713+nightly
codegen_flags: <defaults>
</compile_context>

<pallas_src>
import functools

import jax
import jax.numpy as jnp
from jax import lax
from jax.experimental import pallas as pl
from jax.experimental.pallas import tpu as pltpu
from jax.experimental.pallas import tpu_sc as plsc

NC = 2
NS = 16
L = 16
CW = 16


def _sc_count_dst(dst, n):
    e = dst.shape[0]
    nw = NC * NS
    k = 128
    tch = e // k
    assert tch * k == e and tch >= 3 * nw
    wt = 10
    rt = n // wt
    assert rt * wt == n and rt % 8 == 0
    mesh = plsc.VectorSubcoreMesh(core_axis_name="c", subcore_axis_name="s")

    @functools.partial(
        pl.kernel,
        mesh=mesh,
        out_type=jax.ShapeDtypeStruct((NC, n, CW), jnp.float32),
        compiler_params=pltpu.CompilerParams(use_tc_tiling_on_sc=False),
        scratch_types=[
            pltpu.VMEM((k,), jnp.int32),
            pltpu.VMEM((k,), jnp.int32),
            pltpu.VMEM((k,), jnp.int32),
            pltpu.VMEM((k, CW), jnp.float32),
            pltpu.VMEM((rt, CW), jnp.float32),
            pltpu.VMEM_SHARED((n, CW), jnp.float32),
            pltpu.SemaphoreType.DMA,
            pltpu.SemaphoreType.DMA,
            pltpu.SemaphoreType.DMA,
            pltpu.SemaphoreType.DMA,
            pltpu.SemaphoreType.DMA,
            pltpu.SemaphoreType.DMA,
        ],
    )
    def body(dst_hbm, out_hbm, dstv0, dstv1, dstv2, ones, zbuf, acc,
             semd0, semd1, semd2, sems0, sems1, sems2):
        c = lax.axis_index("c")
        s = lax.axis_index("s")
        w = s * NC + c
        cs = (w * tch) // nw
        cn = ((w + 1) * tch) // nw - cs
        dstv = (dstv0, dstv1, dstv2)
        semd = (semd0, semd1, semd2)
        sems = (sems0, sems1, sems2)

        @pl.loop(0, k)
        def _(i):
            ones[i] = jnp.ones((CW,), jnp.float32)

        @pl.loop(0, rt)
        def _(i):
            zbuf[i] = jnp.zeros((CW,), jnp.float32)

        @pl.when(s < wt)
        def _():
            pltpu.sync_copy(zbuf, acc.at[pl.ds(s * rt, rt)])

        def issue(j, b):
            pltpu.async_copy(dst_hbm.at[pl.ds((cs + j) * k, k)],
                             dstv[b], semd[b])

        issue(0, 0)
        issue(1, 1)
        plsc.subcore_barrier()

        @pl.loop(0, (cn + 2) // 3)
        def _(gi):
            for u in range(3):
                i = gi * 3 + u
                b2 = (u + 2) % 3

                @pl.when(i < cn)
                def _():
                    pltpu.make_async_copy(dst_hbm.at[pl.ds(0, k)],
                                          dstv[u], semd[u]).wait()
                    pltpu.async_copy(ones, acc.at[dstv[u]], sems[u], add=True)

                    @pl.when(i + 2 < cn)
                    def _():
                        @pl.when(i >= 1)
                        def _():
                            pltpu.make_async_copy(
                                ones, acc.at[dstv[b2]], sems[b2]).wait()

                        issue(i + 2, b2)

        for b in range(3):
            pltpu.make_async_copy(ones, acc.at[dstv[b]], sems[b]).wait()
        plsc.subcore_barrier()

        @pl.when(s < wt)
        def _():
            pltpu.sync_copy(acc.at[pl.ds(s * rt, rt)],
                            out_hbm.at[c, pl.ds(s * rt, rt)])

    return body(dst)


def _sc_scatter_rows(g, src, dst):
    n, d = g.shape
    e = src.shape[0]
    nw = NC * NS
    ew = e // nw
    k = 80
    ch = ew // k
    assert ew * nw == e and ch * k == ew and ch >= 4
    wt = 10
    rt = n // wt
    zr = 40
    assert rt * wt == n and rt % zr == 0 and zr % 8 == 0
    mesh = plsc.VectorSubcoreMesh(core_axis_name="c", subcore_axis_name="s")

    @functools.partial(
        pl.kernel,
        mesh=mesh,
        out_type=jax.ShapeDtypeStruct((NC, n, d), jnp.float32),
        scratch_types=[
            pltpu.VMEM((ew,), jnp.int32),
            pltpu.VMEM((k,), jnp.int32),
            pltpu.VMEM((k,), jnp.int32),
            pltpu.VMEM((k,), jnp.int32),
            pltpu.VMEM((k, d), jnp.float32),
            pltpu.VMEM((k, d), jnp.float32),
            pltpu.VMEM((k, d), jnp.float32),
            pltpu.VMEM((zr, d), jnp.float32),
            pltpu.VMEM_SHARED((n, d), jnp.float32),
            pltpu.SemaphoreType.DMA,
            pltpu.SemaphoreType.DMA,
            pltpu.SemaphoreType.DMA,
            pltpu.SemaphoreType.DMA,
            pltpu.SemaphoreType.DMA,
            pltpu.SemaphoreType.DMA,
            pltpu.SemaphoreType.DMA,
            pltpu.SemaphoreType.DMA,
            pltpu.SemaphoreType.DMA,
        ],
    )
    def body(g_hbm, src_hbm, dst_hbm, out_hbm, srcall, dstv0, dstv1, dstv2,
             rows0, rows1, rows2, zbuf, acc, semd0, semd1, semd2,
             semg0, semg1, semg2, sems0, sems1, sems2):
        c = lax.axis_index("c")
        s = lax.axis_index("s")
        w = s * NC + c
        cols = d // L
        dstv = (dstv0, dstv1, dstv2)
        rows = (rows0, rows1, rows2)
        semd = (semd0, semd1, semd2)
        semg = (semg0, semg1, semg2)
        sems = (sems0, sems1, sems2)

        @pl.loop(0, zr * cols)
        def _(i):
            zbuf[i // cols, pl.ds((i % cols) * L, L)] = jnp.zeros((L,), jnp.float32)

        @pl.when(s < wt)
        def _():
            for r in range(rt // zr):
                pltpu.sync_copy(zbuf, acc.at[pl.ds(s * rt + r * zr, zr)])

        pltpu.sync_copy(src_hbm.at[pl.ds(w * ew, ew)], srcall)

        def issue(j, b):
            pltpu.async_copy(dst_hbm.at[pl.ds(w * ew + j * k, k)],
                             dstv[b], semd[b])
            pltpu.async_copy(g_hbm.at[srcall.at[pl.ds(j * k, k)]],
                             rows[b], semg[b])

        issue(0, 0)
        issue(1, 1)
        plsc.subcore_barrier()

        @pl.loop(0, (ch + 2) // 3)
        def _(gi):
            for u in range(3):
                i = gi * 3 + u
                b2 = (u + 2) % 3

                @pl.when(i < ch)
                def _():
                    pltpu.make_async_copy(dst_hbm.at[pl.ds(0, k)],
                                          dstv[u], semd[u]).wait()
                    pltpu.make_async_copy(g_hbm.at[srcall.at[pl.ds(0, k)]],
                                          rows[u], semg[u]).wait()
                    pltpu.async_copy(rows[u], acc.at[dstv[u]], sems[u],
                                     add=True)

                    @pl.when(i + 2 < ch)
                    def _():
                        @pl.when(i >= 1)
                        def _():
                            pltpu.make_async_copy(
                                rows[b2], acc.at[dstv[b2]], sems[b2]).wait()

                        issue(i + 2, b2)

        for b in ((ch - 3) % 3, (ch - 2) % 3, (ch - 1) % 3):
            pltpu.make_async_copy(rows[b], acc.at[dstv[b]], sems[b]).wait()
        plsc.subcore_barrier()

        @pl.when(s < wt)
        def _():
            pltpu.sync_copy(acc.at[pl.ds(s * rt, rt)],
                            out_hbm.at[c, pl.ds(s * rt, rt)])

    return body(g, src, dst)


def _dis_block(c0, c1):
    deg = c0[:, :1] + c1[:, :1] + 1.0
    return lax.rsqrt(deg)


def _tc_pre(x, w1, c0, c1):
    n, d = x.shape
    rb = 2000
    grid = n // rb

    def body(x_r, w_r, c0_r, c1_r, g1_r):
        dis = _dis_block(c0_r[...], c1_r[...])
        g1_r[...] = dis * jnp.dot(x_r[...], w_r[...],
                                  preferred_element_type=jnp.float32)

    return pl.pallas_call(
        body,
        grid=(grid,),
        in_specs=[
            pl.BlockSpec((rb, d), lambda i: (i, 0)),
            pl.BlockSpec((d, d), lambda i: (0, 0)),
            pl.BlockSpec((rb, CW), lambda i: (i, 0)),
            pl.BlockSpec((rb, CW), lambda i: (i, 0)),
        ],
        out_specs=pl.BlockSpec((rb, d), lambda i: (i, 0)),
        out_shape=jax.ShapeDtypeStruct((n, d), jnp.float32),
    )(x, w1, c0, c1)


def _tc_mid(s0, s1, g1, c0, c1, b1, xroot, w2):
    n, d = g1.shape
    rb = 2000
    grid = n // rb

    def body(s0_r, s1_r, g1_r, c0_r, c1_r, b1_r, xr_r, w2_r, conv1_r, g2_r):
        dis = _dis_block(c0_r[...], c1_r[...])
        conv1 = dis * (s0_r[...] + s1_r[...] + g1_r[...]) + b1_r[...]
        conv1_r[...] = conv1
        w2 = w2_r[...]
        h2 = (jnp.dot(jnp.maximum(conv1, 0.0), w2[d:],
                      preferred_element_type=jnp.float32)
              + jnp.dot(jnp.maximum(xr_r[...], 0.0), w2[:d],
                        preferred_element_type=jnp.float32))
        g2_r[...] = dis * h2

    return pl.pallas_call(
        body,
        grid=(grid,),
        in_specs=[
            pl.BlockSpec((rb, d), lambda i: (i, 0)),
            pl.BlockSpec((rb, d), lambda i: (i, 0)),
            pl.BlockSpec((rb, d), lambda i: (i, 0)),
            pl.BlockSpec((rb, CW), lambda i: (i, 0)),
            pl.BlockSpec((rb, CW), lambda i: (i, 0)),
            pl.BlockSpec((1, d), lambda i: (0, 0)),
            pl.BlockSpec((1, d), lambda i: (0, 0)),
            pl.BlockSpec((2 * d, d), lambda i: (0, 0)),
        ],
        out_specs=[
            pl.BlockSpec((rb, d), lambda i: (i, 0)),
            pl.BlockSpec((rb, d), lambda i: (i, 0)),
        ],
        out_shape=[
            jax.ShapeDtypeStruct((n, d), jnp.float32),
            jax.ShapeDtypeStruct((n, d), jnp.float32),
        ],
    )(s0, s1, g1, c0, c1, b1, xroot, w2)


def _tc_final(s0, s1, g2, c0, c1, b2):
    n, d = g2.shape
    rb = 2000
    grid = n // rb

    def body(s0_r, s1_r, g2_r, c0_r, c1_r, b2_r, out_r):
        i = pl.program_id(0)
        dis = _dis_block(c0_r[...], c1_r[...])
        conv2 = jnp.maximum(dis * (s0_r[...] + s1_r[...] + g2_r[...]) + b2_r[...], 0.0)
        part = jnp.sum(conv2, axis=0, keepdims=True) * (1.0 / n)

        @pl.when(i == 0)
        def _():
            out_r[...] = part

        @pl.when(i > 0)
        def _():
            out_r[...] = out_r[...] + part

    return pl.pallas_call(
        body,
        grid=(grid,),
        in_specs=[
            pl.BlockSpec((rb, d), lambda i: (i, 0)),
            pl.BlockSpec((rb, d), lambda i: (i, 0)),
            pl.BlockSpec((rb, d), lambda i: (i, 0)),
            pl.BlockSpec((rb, CW), lambda i: (i, 0)),
            pl.BlockSpec((rb, CW), lambda i: (i, 0)),
            pl.BlockSpec((1, d), lambda i: (0, 0)),
        ],
        out_specs=pl.BlockSpec((1, d), lambda i: (0, 0)),
        out_shape=jax.ShapeDtypeStruct((1, d), jnp.float32),
    )(s0, s1, g2, c0, c1, b2)


def kernel(x, edge_index, rootIndex, W1, b1, W2, b2):
    n, d = x.shape
    src = edge_index[0]
    dst = edge_index[1]

    counts = _sc_count_dst(dst, n)
    c0, c1 = counts[0], counts[1]
    g1 = _tc_pre(x, W1, c0, c1)
    parts1 = _sc_scatter_rows(g1, src, dst)
    xroot = lax.dynamic_slice_in_dim(x, rootIndex, 1, axis=0)
    conv1, g2 = _tc_mid(parts1[0], parts1[1], g1, c0, c1,
                        b1.reshape(1, -1), xroot, W2)
    parts2 = _sc_scatter_rows(g2, src, dst)
    mean2 = _tc_final(parts2[0], parts2[1], g2, c0, c1, b2.reshape(1, -1))
    root1 = lax.dynamic_slice_in_dim(conv1, rootIndex, 1, axis=0)
    return jnp.concatenate([root1, mean2], axis=1)

# --- scband reference (transcript-rebuilt; emitter-appended) ---
"""Pipeline reference for scband-gcn-29222957482616 (READ-ONLY COPY).

The authoritative reference and input builder live on the scoring server;
editing this copy changes nothing except your own understanding.
"""

import jax, jax.numpy as jnp
import numpy as np

N = 10000
E = 320000
D_IN = 128
D_HID = 128
D_OUT = 128


def setup_inputs(seed: int = 0) -> dict:
    key = jax.random.key(seed)
    k1, k2, k3, k4 = jax.random.split(key, 4)
    x = jax.random.normal(k1, (N, D_IN), dtype=jnp.float32)
    edge_index = jax.random.randint(k2, (2, E), 0, N, dtype=jnp.int32)
    W1 = jax.random.normal(k3, (D_IN, D_HID), dtype=jnp.float32) * (1.0 / np.sqrt(D_IN))
    b1 = jnp.zeros((D_HID,), dtype=jnp.float32)
    W2 = jax.random.normal(k4, (D_IN + D_HID, D_OUT), dtype=jnp.float32) * (1.0 / np.sqrt(D_IN + D_HID))
    b2 = jnp.zeros((D_OUT,), dtype=jnp.float32)
    return {"x": x, "edge_index": edge_index, "rootIndex": 0, "W1": W1, "b1": b1, "W2": W2, "b2": b2}


def _gcn_conv(x, src, dst, W, b, n):
    # PyG GCNConv with add_self_loops already applied to (src, dst):
    # deg computed on dst, symmetric normalization, linear then scatter-add.
    deg = jnp.zeros((n,), x.dtype).at[dst].add(1.0)
    deg_inv_sqrt = jnp.where(deg > 0, jax.lax.rsqrt(deg), 0.0)
    norm = deg_inv_sqrt[src] * deg_inv_sqrt[dst]
    h = x @ W
    msg = h[src] * norm[:, None]
    out = jnp.zeros((n, h.shape[1]), x.dtype).at[dst].add(msg)
    return out + b


def reference(x, edge_index, rootIndex, W1, b1, W2, b2):
    n = x.shape[0]
    loop = jnp.arange(n, dtype=edge_index.dtype)
    src = jnp.concatenate([edge_index[0], loop])
    dst = jnp.concatenate([edge_index[1], loop])
    postRoot = jnp.broadcast_to(x[rootIndex], (n, x.shape[1]))
    conv1Out = _gcn_conv(x, src, dst, W1, b1, n)
    conv1Root = conv1Out[rootIndex]
    conv2In = jax.nn.relu(jnp.concatenate([postRoot, conv1Out], axis=1))
    # dropout is identity in eval mode (training=False)
    conv2Out = jax.nn.relu(_gcn_conv(conv2In, src, dst, W2, b2, n))
    conv1RootRep = jnp.broadcast_to(conv1Root, (n, conv1Out.shape[1]))
    feature = jnp.concatenate([conv1RootRep, conv2Out], axis=1)
    return jnp.mean(feature, axis=0).reshape(1, -1)

if __name__ == "__main__":
    import jax
    _d = setup_inputs()
    print(jax.jit(kernel)(*tuple(_d.values())))

</pallas_src>

<mosaic_0001>
#map = affine_map<(d0, d1) -> (0)>
#map1 = affine_map<(d0, d1) -> (0, 0, 0)>
module attributes {stable_mosaic.version = 14 : i64} {
  func.func @body(%arg0: i32, %arg1: i32, %arg2: memref<320000xi32, #tpu.memory_space<hbm>>, %arg3: memref<2x10000x16xf32, #tpu.memory_space<hbm>>, %arg4: memref<128xi32, #tpu.memory_space<vmem>>, %arg5: memref<128xi32, #tpu.memory_space<vmem>>, %arg6: memref<128xi32, #tpu.memory_space<vmem>>, %arg7: memref<128x16xf32, #tpu.memory_space<vmem>>, %arg8: memref<1000x16xf32, #tpu.memory_space<vmem>>, %arg9: memref<10000x16xf32, #tpu.memory_space<vmem_shared>>, %arg10: memref<!tpu.dma_semaphore, #tpu.memory_space<semaphore_mem>>, %arg11: memref<!tpu.dma_semaphore, #tpu.memory_space<semaphore_mem>>, %arg12: memref<!tpu.dma_semaphore, #tpu.memory_space<semaphore_mem>>, %arg13: memref<!tpu.dma_semaphore, #tpu.memory_space<semaphore_mem>>, %arg14: memref<!tpu.dma_semaphore, #tpu.memory_space<semaphore_mem>>, %arg15: memref<!tpu.dma_semaphore, #tpu.memory_space<semaphore_mem>>) attributes {dimension_semantics = [#tpu.dimension_semantics<core_parallel>, #tpu.dimension_semantics<subcore_parallel>], iteration_bounds = array<i64: 2, 16>, scalar_prefetch = 0 : i64, scratch_operands = 12 : i64, tpu.core_type = #tpu.core_type<sc_vector_subcore>, window_params = [{transform_indices = #map}, {transform_indices = #map1}]} {
    %mul3A = arith.constant 2 : i32
    %mul3A_0 = arith.muli %arg1, %mul3A : i32
    %add3A = arith.addi %mul3A_0, %arg0 : i32
    %mul3A_1 = arith.constant 2500 : i32
    %mul3A_2 = arith.muli %add3A, %mul3A_1 : i32
    %jit3A = arith.constant 32 : i32
    %div3A = arith.divsi %mul3A_2, %jit3A : i32
    %sign3A = arith.constant 0 : i32
    %sign3A_3 = arith.cmpi sgt, %mul3A_2, %sign3A : i32
    %sign3A_4 = arith.extui %sign3A_3 : i1 to i32
    %sign3A_5 = arith.constant 0 : i32
    %sign3A_6 = arith.cmpi slt, %mul3A_2, %sign3A_5 : i32
    %sign3A_7 = arith.extui %sign3A_6 : i1 to i32
    %sign3A_8 = arith.subi %sign3A_4, %sign3A_7 : i32
    %sign3A_9 = arith.constant 0 : i32
    %sign3A_10 = arith.cmpi sgt, %jit3A, %sign3A_9 : i32
    %sign3A_11 = arith.extui %sign3A_10 : i1 to i32
    %sign3A_12 = arith.constant 0 : i32
    %sign3A_13 = arith.cmpi slt, %jit3A, %sign3A_12 : i32
    %sign3A_14 = arith.extui %sign3A_13 : i1 to i32
    %sign3A_15 = arith.subi %sign3A_11, %sign3A_14 : i32
    %ne3A = arith.cmpi ne, %sign3A_8, %sign3A_15 : i32
    %rem3A = arith.remsi %mul3A_2, %jit3A : i32
    %ne3A_16 = arith.constant 0 : i32
    %ne3A_17 = arith.cmpi ne, %rem3A, %ne3A_16 : i32
    %and3A = arith.andi %ne3A, %ne3A_17 : i1
    %sub3A = arith.constant 1 : i32
    %sub3A_18 = arith.subi %div3A, %sub3A : i32
    %select_n3A = arith.select %and3A, %sub3A_18, %div3A : i32
    %add3A_19 = arith.constant 1 : i32
    %add3A_20 = arith.addi %add3A, %add3A_19 : i32
    %mul3A_21 = arith.constant 2500 : i32
    %mul3A_22 = arith.muli %add3A_20, %mul3A_21 : i32
    %jit3A_23 = arith.constant 32 : i32
    %div3A_24 = arith.divsi %mul3A_22, %jit3A_23 : i32
    %sign3A_25 = arith.constant 0 : i32
    %sign3A_26 = arith.cmpi sgt, %mul3A_22, %sign3A_25 : i32
    %sign3A_27 = arith.extui %sign3A_26 : i1 to i32
    %sign3A_28 = arith.constant 0 : i32
    %sign3A_29 = arith.cmpi slt, %mul3A_22, %sign3A_28 : i32
    %sign3A_30 = arith.extui %sign3A_29 : i1 to i32
    %sign3A_31 = arith.subi %sign3A_27, %sign3A_30 : i32
    %sign3A_32 = arith.constant 0 : i32
    %sign3A_33 = arith.cmpi sgt, %jit3A_23, %sign3A_32 : i32
    %sign3A_34 = arith.extui %sign3A_33 : i1 to i32
    %sign3A_35 = arith.constant 0 : i32
    %sign3A_36 = arith.cmpi slt, %jit3A_23, %sign3A_35 : i32
    %sign3A_37 = arith.extui %sign3A_36 : i1 to i32
    %sign3A_38 = arith.subi %sign3A_34, %sign3A_37 : i32
    %ne3A_39 = arith.cmpi ne, %sign3A_31, %sign3A_38 : i32
    %rem3A_40 = arith.remsi %mul3A_22, %jit3A_23 : i32
    %ne3A_41 = arith.constant 0 : i32
    %ne3A_42 = arith.cmpi ne, %rem3A_40, %ne3A_41 : i32
    %and3A_43 = arith.andi %ne3A_39, %ne3A_42 : i1
    %sub3A_44 = arith.constant 1 : i32
    %sub3A_45 = arith.subi %div3A_24, %sub3A_44 : i32
    %select_n3A_46 = arith.select %and3A_43, %sub3A_45, %div3A_24 : i32
    %sub3A_47 = arith.subi %select_n3A_46, %select_n3A : i32
    %scan3A = arith.constant 0 : i32
    %scan3A_48 = arith.constant 128 : i32
    %scan3A_49 = arith.addi %scan3A, %scan3A_48 : i32
    %scan3A_50 = arith.constant 1 : i32
    scf.for %scan3A_128 = %scan3A to %scan3A_49 step %scan3A_50  : i32 {
      %mul3A_129 = arith.constant 1 : i32
      %mul3A_130 = arith.muli %scan3A_128, %mul3A_129 : i32
      %add3A_131 = arith.constant 0 : i32
      %add3A_132 = arith.addi %add3A_131, %mul3A_130 : i32
      %broadcast_in_dim3A = arith.constant 1.000000e+00 : f32
      %broadcast_in_dim3A_133 = vector.broadcast %broadcast_in_dim3A : f32 to vector<16xf32>
      %swap3A = arith.index_cast %add3A_132 : i32 to index
      %swap3A_134 = arith.constant 0 : index
      %swap3A_135 = tpu.vector_load %arg7[%swap3A, %swap3A_134] {strides = array<i32>} : memref<128x16xf32, #tpu.memory_space<vmem>>, vector<1x16xf32>,
      %swap3A_136 = vector.shape_cast %swap3A_135 : vector<1x16xf32> to vector<16xf32>
      %swap3A_137 = vector.shape_cast %broadcast_in_dim3A_133 : vector<16xf32> to vector<1x16xf32>
      tpu.vector_store %arg7[%swap3A, %swap3A_134], %swap3A_137 {strides = array<i32>} : memref<128x16xf32, #tpu.memory_space<vmem>>, vector<1x16xf32>,
    }
    %scan3A_51 = arith.constant 128 : i32
    %scan3A_52 = arith.constant 0 : i32
    %scan3A_53 = arith.constant 1000 : i32
    %scan3A_54 = arith.addi %scan3A_52, %scan3A_53 : i32
    %scan3A_55 = arith.constant 1 : i32
    scf.for %scan3A_128 = %scan3A_52 to %scan3A_54 step %scan3A_55  : i32 {
      %mul3A_129 = arith.constant 1 : i32
      %mul3A_130 = arith.muli %scan3A_128, %mul3A_129 : i32
      %add3A_131 = arith.constant 0 : i32
      %add3A_132 = arith.addi %add3A_131, %mul3A_130 : i32
      %broadcast_in_dim3A = arith.constant 0.000000e+00 : f32
      %broadcast_in_dim3A_133 = vector.broadcast %broadcast_in_dim3A : f32 to vector<16xf32>
      %swap3A = arith.index_cast %add3A_132 : i32 to index
      %swap3A_134 = arith.constant 0 : index
      %swap3A_135 = tpu.vector_load %arg8[%swap3A, %swap3A_134] {strides = array<i32>} : memref<1000x16xf32, #tpu.memory_space<vmem>>, vector<1x16xf32>,
      %swap3A_136 = vector.shape_cast %swap3A_135 : vector<1x16xf32> to vector<16xf32>
      %swap3A_137 = vector.shape_cast %broadcast_in_dim3A_133 : vector<16xf32> to vector<1x16xf32>
      tpu.vector_store %arg8[%swap3A, %swap3A_134], %swap3A_137 {strides = array<i32>} : memref<1000x16xf32, #tpu.memory_space<vmem>>, vector<1x16xf32>,
    }
    %scan3A_56 = arith.constant 1000 : i32
    %lt3A = arith.constant 10 : i32
    %lt3A_57 = arith.cmpi slt, %arg1, %lt3A : i32
    %convert_element_type3A = arith.extui %lt3A_57 : i1 to i32
    %cond3A = arith.constant 0 : i32
    %cond3A_58 = arith.cmpi ne, %convert_element_type3A, %cond3A : i32
    scf.if %cond3A_58 {
      %mul3A_128 = arith.constant 1000 : i32
      %mul3A_129 = arith.muli %arg1, %mul3A_128 : i32
      "tpu.region"() ({
        %run_scoped3A = tpu.sem_alloc : memref<!tpu.dma_semaphore, #tpu.memory_space<semaphore_mem>>
        %dma_start3A_130 = arith.constant 0 : i32
        %dma_start3A_131 = tpu.memref_slice %arg9[%mul3A_129, %dma_start3A_130] : memref<10000x16xf32, #tpu.memory_space<vmem_shared>> -> memref<1000x16xf32, #tpu.memory_space<vmem_shared>>
        %dma_start3A_132 = arith.constant 0 : i32
        %dma_start3A_133 = tpu.memref_slice %arg9[%mul3A_129, %dma_start3A_132] : memref<10000x16xf32, #tpu.memory_space<vmem_shared>> -> memref<1000x16xf32, #tpu.memory_space<vmem_shared>>
        tpu.enqueue_dma source(%arg8 : memref<1000x16xf32, #tpu.memory_space<vmem>>) target(%dma_start3A_133 : memref<1000x16xf32, #tpu.memory_space<vmem_shared>>) target_semaphore(%run_scoped3A : memref<!tpu.dma_semaphore, #tpu.memory_space<semaphore_mem>>)
        %dma_wait3A_134 = arith.constant 0 : i32
        %dma_wait3A_135 = tpu.memref_slice %arg9[%mul3A_129, %dma_wait3A_134] : memref<10000x16xf32, #tpu.memory_space<vmem_shared>> -> memref<1000x16xf32, #tpu.memory_space<vmem_shared>>
        %dma_wait3A_136 = arith.constant 0 : i32
        %dma_wait3A_137 = tpu.memref_slice %arg9[%mul3A_129, %dma_wait3A_136] : memref<10000x16xf32, #tpu.memory_space<vmem_shared>> -> memref<1000x16xf32, #tpu.memory_space<vmem_shared>>
        tpu.wait_dma2 semaphore(%run_scoped3A : memref<!tpu.dma_semaphore, #tpu.memory_space<semaphore_mem>>) src(%arg8 : memref<1000x16xf32, #tpu.memory_space<vmem>>) dst(%dma_wait3A_137 : memref<1000x16xf32, #tpu.memory_space<vmem_shared>>)
        tpu.yield
      }) : () -> ()
    } else {
    }
    %add3A_59 = arith.constant 0 : i32
    %add3A_60 = arith.addi %select_n3A, %add3A_59 : i32
    %mul3A_61 = arith.constant 128 : i32
    %mul3A_62 = arith.muli %add3A_60, %mul3A_61 : i32
    %dma_start3A = tpu.memref_slice %arg2[%mul3A_62] : memref<320000xi32, #tpu.memory_space<hbm>> -> memref<128xi32, #tpu.memory_space<hbm>>
    %dma_start3A_63 = tpu.memref_slice %arg2[%mul3A_62] : memref<320000xi32, #tpu.memory_space<hbm>> -> memref<128xi32, #tpu.memory_space<hbm>>
    tpu.enqueue_dma source(%dma_start3A_63 : memref<128xi32, #tpu.memory_space<hbm>>) target(%arg4 : memref<128xi32, #tpu.memory_space<vmem>>) target_semaphore(%arg10 : memref<!tpu.dma_semaphore, #tpu.memory_space<semaphore_mem>>)
    %add3A_64 = arith.constant 1 : i32
    %add3A_65 = arith.addi %select_n3A, %add3A_64 : i32
    %mul3A_66 = arith.constant 128 : i32
    %mul3A_67 = arith.muli %add3A_65, %mul3A_66 : i32
    %dma_start3A_68 = tpu.memref_slice %arg2[%mul3A_67] : memref<320000xi32, #tpu.memory_space<hbm>> -> memref<128xi32, #tpu.memory_space<hbm>>
    %dma_start3A_69 = tpu.memref_slice %arg2[%mul3A_67] : memref<320000xi32, #tpu.memory_space<hbm>> -> memref<128xi32, #tpu.memory_space<hbm>>
    tpu.enqueue_dma source(%dma_start3A_69 : memref<128xi32, #tpu.memory_space<hbm>>) target(%arg5 : memref<128xi32, #tpu.memory_space<vmem>>) target_semaphore(%arg11 : memref<!tpu.dma_semaphore, #tpu.memory_space<semaphore_mem>>)
    %barrier3A = arith.constant 0 : index
    tpu.barrier barrier_id(%barrier3A)
    %add3A_70 = arith.constant 2 : i32
    %add3A_71 = arith.addi %sub3A_47, %add3A_70 : i32
    %jit3A_72 = arith.constant 3 : i32
    %div3A_73 = arith.divsi %add3A_71, %jit3A_72 : i32
    %sign3A_74 = arith.constant 0 : i32
    %sign3A_75 = arith.cmpi sgt, %add3A_71, %sign3A_74 : i32
    %sign3A_76 = arith.extui %sign3A_75 : i1 to i32
    %sign3A_77 = arith.constant 0 : i32
    %sign3A_78 = arith.cmpi slt, %add3A_71, %sign3A_77 : i32
    %sign3A_79 = arith.extui %sign3A_78 : i1 to i32
    %sign3A_80 = arith.subi %sign3A_76, %sign3A_79 : i32
    %sign3A_81 = arith.constant 0 : i32
    %sign3A_82 = arith.cmpi sgt, %jit3A_72, %sign3A_81 : i32
    %sign3A_83 = arith.extui %sign3A_82 : i1 to i32
    %sign3A_84 = arith.constant 0 : i32
    %sign3A_85 = arith.cmpi slt, %jit3A_72, %sign3A_84 : i32
    %sign3A_86 = arith.extui %sign3A_85 : i1 to i32
    %sign3A_87 = arith.subi %sign3A_83, %sign3A_86 : i32
    %ne3A_88 = arith.cmpi ne, %sign3A_80, %sign3A_87 : i32
    %rem3A_89 = arith.remsi %add3A_71, %jit3A_72 : i32
    %ne3A_90 = arith.constant 0 : i32
    %ne3A_91 = arith.cmpi ne, %rem3A_89, %ne3A_90 : i32
    %and3A_92 = arith.andi %ne3A_88, %ne3A_91 : i1
    %sub3A_93 = arith.constant 1 : i32
    %sub3A_94 = arith.subi %div3A_73, %sub3A_93 : i32
    %select_n3A_95 = arith.select %and3A_92, %sub3A_94, %div3A_73 : i32
    %sub3A_96 = arith.constant 0 : i32
    %sub3A_97 = arith.subi %select_n3A_95, %sub3A_96 : i32
    %sub3A_98 = arith.constant 1 : i32
    %sub3A_99 = arith.constant 1 : i32
    %sub3A_100 = arith.subi %sub3A_98, %sub3A_99 : i32
    %add3A_101 = arith.addi %sub3A_97, %sub3A_100 : i32
    %div3A_102 = arith.constant 1 : i32
    %div3A_103 = arith.divsi %add3A_101, %div3A_102 : i32
    %while3A = arith.constant 1 : i32
    %while3A_104 = arith.constant 0 : i32
    %while3A_105 = arith.constant 0 : i32
    %while3A_106 = arith.subi %div3A_103, %while3A_105 : i32
    %while3A_107 = arith.addi %while3A_105, %while3A_106 : i32
    %while3A_108 = arith.constant 1 : i32
    %while3A_109 = arith.divsi %while3A_106, %while3A_108 : i32
    %while3A_110 = arith.muli %while3A_109, %while3A_108 : i32
    %while3A_111 = arith.addi %while3A_105, %while3A_110 : i32
    %while3A_112 = arith.constant 1 : i32
    scf.for %while3A_128 = %while3A_105 to %while3A_111 step %while3A_112  : i32 {
      %mul3A_129 = arith.muli %while3A_128, %while3A : i32
      %add3A_130 = arith.addi %while3A_104, %mul3A_129 : i32
      %mul3A_131 = arith.constant 3 : i32
      %mul3A_132 = arith.muli %add3A_130, %mul3A_131 : i32
      %add3A_133 = arith.constant 0 : i32
      %add3A_134 = arith.addi %mul3A_132, %add3A_133 : i32
      %lt3A_135 = arith.cmpi slt, %add3A_134, %sub3A_47 : i32
      %convert_element_type3A_136 = arith.extui %lt3A_135 : i1 to i32
      %cond3A_137 = arith.constant 0 : i32
      %cond3A_138 = arith.cmpi ne, %convert_element_type3A_136, %cond3A_137 : i32
      scf.if %cond3A_138 {
        %dma_wait3A_155 = arith.constant 0 : i32
        %dma_wait3A_156 = tpu.memref_slice %arg2[%dma_wait3A_155] : memref<320000xi32, #tpu.memory_space<hbm>> -> memref<128xi32, #tpu.memory_space<hbm>>
        %dma_wait3A_157 = arith.constant 0 : i32
        %dma_wait3A_158 = tpu.memref_slice %arg2[%dma_wait3A_157] : memref<320000xi32, #tpu.memory_space<hbm>> -> memref<128xi32, #tpu.memory_space<hbm>>
        tpu.wait_dma2 semaphore(%arg10 : memref<!tpu.dma_semaphore, #tpu.memory_space<semaphore_mem>>) src(%dma_wait3A_158 : memref<128xi32, #tpu.memory_space<hbm>>) dst(%arg4 : memref<128xi32, #tpu.memory_space<vmem>>)
        %dma_start3A_159 = arith.constant 0 : i32
        %dma_start3A_160 = arith.constant 0 : i32
        %dma_start3A_161 = tpu.memref_slice %arg9[%dma_start3A_159, %dma_start3A_160] : memref<10000x16xf32, #tpu.memory_space<vmem_shared>> -> memref<10000x16xf32, #tpu.memory_space<vmem_shared>>
        tpu.enqueue_indirect_dma source(%arg7 : memref<128x16xf32, #tpu.memory_space<vmem>>) target(%dma_start3A_161 : memref<10000x16xf32, #tpu.memory_space<vmem_shared>>) offsets(%arg4 : memref<128xi32, #tpu.memory_space<vmem>>) semaphore(%arg13 : memref<!tpu.dma_semaphore, #tpu.memory_space<semaphore_mem>>) {add = true}
        %add3A_162 = arith.constant 2 : i32
        %add3A_163 = arith.addi %add3A_134, %add3A_162 : i32
        %lt3A_164 = arith.cmpi slt, %add3A_163, %sub3A_47 : i32
        %convert_element_type3A_165 = arith.extui %lt3A_164 : i1 to i32
        %cond3A_166 = arith.constant 0 : i32
        %cond3A_167 = arith.cmpi ne, %convert_element_type3A_165, %cond3A_166 : i32
        scf.if %cond3A_167 {
          %ge3A = arith.constant 1 : i32
          %ge3A_168 = arith.cmpi sge, %add3A_134, %ge3A : i32
          %convert_element_type3A_169 = arith.extui %ge3A_168 : i1 to i32
          %cond3A_170 = arith.constant 0 : i32
          %cond3A_171 = arith.cmpi ne, %convert_element_type3A_169, %cond3A_170 : i32
          scf.if %cond3A_171 {
            %dma_wait3A_179 = arith.constant 0 : i32
            %dma_wait3A_180 = arith.constant 0 : i32
            %dma_wait3A_181 = tpu.memref_slice %arg9[%dma_wait3A_179, %dma_wait3A_180] : memref<10000x16xf32, #tpu.memory_space<vmem_shared>> -> memref<10000x16xf32, #tpu.memory_space<vmem_shared>>
            tpu.wait_indirect_dma semaphore(%arg15 : memref<!tpu.dma_semaphore, #tpu.memory_space<semaphore_mem>>) src(%arg7 : memref<128x16xf32, #tpu.memory_space<vmem>>) dst(%dma_wait3A_181 : memref<10000x16xf32, #tpu.memory_space<vmem_shared>>)
          } else {
          }
          %add3A_172 = arith.constant 2 : i32
          %add3A_173 = arith.addi %add3A_134, %add3A_172 : i32
          %add3A_174 = arith.addi %select_n3A, %add3A_173 : i32
          %mul3A_175 = arith.constant 128 : i32
          %mul3A_176 = arith.muli %add3A_174, %mul3A_175 : i32
          %dma_start3A_177 = tpu.memref_slice %arg2[%mul3A_176] : memref<320000xi32, #tpu.memory_space<hbm>> -> memref<128xi32, #tpu.memory_space<hbm>>
          %dma_start3A_178 = tpu.memref_slice %arg2[%mul3A_176] : memref<320000xi32, #tpu.memory_space<hbm>> -> memref<128xi32, #tpu.memory_space<hbm>>
          tpu.enqueue_dma source(%dma_start3A_178 : memref<128xi32, #tpu.memory_space<hbm>>) target(%arg6 : memref<128xi32, #tpu.memory_space<vmem>>) target_semaphore(%arg12 : memref<!tpu.dma_semaphore, #tpu.memory_space<semaphore_mem>>)
        } else {
        }
      } else {
      }
      %mul3A_139 = arith.constant 3 : i32
      %mul3A_140 = arith.muli %add3A_130, %mul3A_139 : i32
      %add3A_141 = arith.constant 1 : i32
      %add3A_142 = arith.addi %mul3A_140, %add3A_141 : i32
      %lt3A_143 = arith.cmpi slt, %add3A_142, %sub3A_47 : i32
      %convert_element_type3A_144 = arith.extui %lt3A_143 : i1 to i32
      %cond3A_145 = arith.constant 0 : i32
      %cond3A_146 = arith.cmpi ne, %convert_element_type3A_144, %cond3A_145 : i32
      scf.if %cond3A_146 {
        %dma_wait3A_155 = arith.constant 0 : i32
        %dma_wait3A_156 = tpu.memref_slice %arg2[%dma_wait3A_155] : memref<320000xi32, #tpu.memory_space<hbm>> -> memref<128xi32, #tpu.memory_space<hbm>>
        %dma_wait3A_157 = arith.constant 0 : i32
        %dma_wait3A_158 = tpu.memref_slice %arg2[%dma_wait3A_157] : memref<320000xi32, #tpu.memory_space<hbm>> -> memref<128xi32, #tpu.memory_space<hbm>>
        tpu.wait_dma2 semaphore(%arg11 : memref<!tpu.dma_semaphore, #tpu.memory_space<semaphore_mem>>) src(%dma_wait3A_158 : memref<128xi32, #tpu.memory_space<hbm>>) dst(%arg5 : memref<128xi32, #tpu.memory_space<vmem>>)
        %dma_start3A_159 = arith.constant 0 : i32
        %dma_start3A_160 = arith.constant 0 : i32
        %dma_start3A_161 = tpu.memref_slice %arg9[%dma_start3A_159, %dma_start3A_160] : memref<10000x16xf32, #tpu.memory_space<vmem_shared>> -> memref<10000x16xf32, #tpu.memory_space<vmem_shared>>
        tpu.enqueue_indirect_dma source(%arg7 : memref<128x16xf32, #tpu.memory_space<vmem>>) target(%dma_start3A_161 : memref<10000x16xf32, #tpu.memory_space<vmem_shared>>) offsets(%arg5 : memref<128xi32, #tpu.memory_space<vmem>>) semaphore(%arg14 : memref<!tpu.dma_semaphore, #tpu.memory_space<semaphore_mem>>) {add = true}
        %add3A_162 = arith.constant 2 : i32
        %add3A_163 = arith.addi %add3A_142, %add3A_162 : i32
        %lt3A_164 = arith.cmpi slt, %add3A_163, %sub3A_47 : i32
        %convert_element_type3A_165 = arith.extui %lt3A_164 : i1 to i32
        %cond3A_166 = arith.constant 0 : i32
        %cond3A_167 = arith.cmpi ne, %convert_element_type3A_165, %cond3A_166 : i32
        scf.if %cond3A_167 {
          %ge3A = arith.constant 1 : i32
          %ge3A_168 = arith.cmpi sge, %add3A_142, %ge3A : i32
          %convert_element_type3A_169 = arith.extui %ge3A_168 : i1 to i32
          %cond3A_170 = arith.constant 0 : i32
          %cond3A_171 = arith.cmpi ne, %convert_element_type3A_169, %cond3A_170 : i32
          scf.if %cond3A_171 {
            %dma_wait3A_179 = arith.constant 0 : i32
            %dma_wait3A_180 = arith.constant 0 : i32
            %dma_wait3A_181 = tpu.memref_slice %arg9[%dma_wait3A_179, %dma_wait3A_180] : memref<10000x16xf32, #tpu.memory_space<vmem_shared>> -> memref<10000x16xf32, #tpu.memory_space<vmem_shared>>
            tpu.wait_indirect_dma semaphore(%arg13 : memref<!tpu.dma_semaphore, #tpu.memory_space<semaphore_mem>>) src(%arg7 : memref<128x16xf32, #tpu.memory_space<vmem>>) dst(%dma_wait3A_181 : memref<10000x16xf32, #tpu.memory_space<vmem_shared>>)
          } else {
          }
          %add3A_172 = arith.constant 2 : i32
          %add3A_173 = arith.addi %add3A_142, %add3A_172 : i32
          %add3A_174 = arith.addi %select_n3A, %add3A_173 : i32
          %mul3A_175 = arith.constant 128 : i32
          %mul3A_176 = arith.muli %add3A_174, %mul3A_175 : i32
          %dma_start3A_177 = tpu.memref_slice %arg2[%mul3A_176] : memref<320000xi32, #tpu.memory_space<hbm>> -> memref<128xi32, #tpu.memory_space<hbm>>
          %dma_start3A_178 = tpu.memref_slice %arg2[%mul3A_176] : memref<320000xi32, #tpu.memory_space<hbm>> -> memref<128xi32, #tpu.memory_space<hbm>>
          tpu.enqueue_dma source(%dma_start3A_178 : memref<128xi32, #tpu.memory_space<hbm>>) target(%arg4 : memref<128xi32, #tpu.memory_space<vmem>>) target_semaphore(%arg10 : memref<!tpu.dma_semaphore, #tpu.memory_space<semaphore_mem>>)
        } else {
        }
      } else {
      }
      %mul3A_147 = arith.constant 3 : i32
      %mul3A_148 = arith.muli %add3A_130, %mul3A_147 : i32
      %add3A_149 = arith.constant 2 : i32
      %add3A_150 = arith.addi %mul3A_148, %add3A_149 : i32
      %lt3A_151 = arith.cmpi slt, %add3A_150, %sub3A_47 : i32
      %convert_element_type3A_152 = arith.extui %lt3A_151 : i1 to i32
      %cond3A_153 = arith.constant 0 : i32
      %cond3A_154 = arith.cmpi ne, %convert_element_type3A_152, %cond3A_153 : i32
      scf.if %cond3A_154 {
        %dma_wait3A_155 = arith.constant 0 : i32
        %dma_wait3A_156 = tpu.memref_slice %arg2[%dma_wait3A_155] : memref<320000xi32, #tpu.memory_space<hbm>> -> memref<128xi32, #tpu.memory_space<hbm>>
        %dma_wait3A_157 = arith.constant 0 : i32
        %dma_wait3A_158 = tpu.memref_slice %arg2[%dma_wait3A_157] : memref<320000xi32, #tpu.memory_space<hbm>> -> memref<128xi32, #tpu.memory_space<hbm>>
        tpu.wait_dma2 semaphore(%arg12 : memref<!tpu.dma_semaphore, #tpu.memory_space<semaphore_mem>>) src(%dma_wait3A_158 : memref<128xi32, #tpu.memory_space<hbm>>) dst(%arg6 : memref<128xi32, #tpu.memory_space<vmem>>)
        %dma_start3A_159 = arith.constant 0 : i32
        %dma_start3A_160 = arith.constant 0 : i32
        %dma_start3A_161 = tpu.memref_slice %arg9[%dma_start3A_159, %dma_start3A_160] : memref<10000x16xf32, #tpu.memory_space<vmem_shared>> -> memref<10000x16xf32, #tpu.memory_space<vmem_shared>>
        tpu.enqueue_indirect_dma source(%arg7 : memref<128x16xf32, #tpu.memory_space<vmem>>) target(%dma_start3A_161 : memref<10000x16xf32, #tpu.memory_space<vmem_shared>>) offsets(%arg6 : memref<128xi32, #tpu.memory_space<vmem>>) semaphore(%arg15 : memref<!tpu.dma_semaphore, #tpu.memory_space<semaphore_mem>>) {add = true}
        %add3A_162 = arith.constant 2 : i32
        %add3A_163 = arith.addi %add3A_150, %add3A_162 : i32
        %lt3A_164 = arith.cmpi slt, %add3A_163, %sub3A_47 : i32
        %convert_element_type3A_165 = arith.extui %lt3A_164 : i1 to i32
        %cond3A_166 = arith.constant 0 : i32
        %cond3A_167 = arith.cmpi ne, %convert_element_type3A_165, %cond3A_166 : i32
        scf.if %cond3A_167 {
          %ge3A = arith.constant 1 : i32
          %ge3A_168 = arith.cmpi sge, %add3A_150, %ge3A : i32
          %convert_element_type3A_169 = arith.extui %ge3A_168 : i1 to i32
          %cond3A_170 = arith.constant 0 : i32
          %cond3A_171 = arith.cmpi ne, %convert_element_type3A_169, %cond3A_170 : i32
          scf.if %cond3A_171 {
            %dma_wait3A_179 = arith.constant 0 : i32
            %dma_wait3A_180 = arith.constant 0 : i32
            %dma_wait3A_181 = tpu.memref_slice %arg9[%dma_wait3A_179, %dma_wait3A_180] : memref<10000x16xf32, #tpu.memory_space<vmem_shared>> -> memref<10000x16xf32, #tpu.memory_space<vmem_shared>>
            tpu.wait_indirect_dma semaphore(%arg14 : memref<!tpu.dma_semaphore, #tpu.memory_space<semaphore_mem>>) src(%arg7 : memref<128x16xf32, #tpu.memory_space<vmem>>) dst(%dma_wait3A_181 : memref<10000x16xf32, #tpu.memory_space<vmem_shared>>)
          } else {
          }
          %add3A_172 = arith.constant 2 : i32
          %add3A_173 = arith.addi %add3A_150, %add3A_172 : i32
          %add3A_174 = arith.addi %select_n3A, %add3A_173 : i32
          %mul3A_175 = arith.constant 128 : i32
          %mul3A_176 = arith.muli %add3A_174, %mul3A_175 : i32
          %dma_start3A_177 = tpu.memref_slice %arg2[%mul3A_176] : memref<320000xi32, #tpu.memory_space<hbm>> -> memref<128xi32, #tpu.memory_space<hbm>>
          %dma_start3A_178 = tpu.memref_slice %arg2[%mul3A_176] : memref<320000xi32, #tpu.memory_space<hbm>> -> memref<128xi32, #tpu.memory_space<hbm>>
          tpu.enqueue_dma source(%dma_start3A_178 : memref<128xi32, #tpu.memory_space<hbm>>) target(%arg5 : memref<128xi32, #tpu.memory_space<vmem>>) target_semaphore(%arg11 : memref<!tpu.dma_semaphore, #tpu.memory_space<semaphore_mem>>)
        } else {
        }
      } else {
      }
    }
    %while3A_113 = arith.constant 1 : i32
    scf.for %while3A_128 = %while3A_111 to %while3A_107 step %while3A_113  : i32 {
      %mul3A_129 = arith.muli %while3A_128, %while3A : i32
      %add3A_130 = arith.addi %while3A_104, %mul3A_129 : i32
      %mul3A_131 = arith.constant 3 : i32
      %mul3A_132 = arith.muli %add3A_130, %mul3A_131 : i32
      %add3A_133 = arith.constant 0 : i32
      %add3A_134 = arith.addi %mul3A_132, %add3A_133 : i32
      %lt3A_135 = arith.cmpi slt, %add3A_134, %sub3A_47 : i32
      %convert_element_type3A_136 = arith.extui %lt3A_135 : i1 to i32
      %cond3A_137 = arith.constant 0 : i32
      %cond3A_138 = arith.cmpi ne, %convert_element_type3A_136, %cond3A_137 : i32
      scf.if %cond3A_138 {
        %dma_wait3A_155 = arith.constant 0 : i32
        %dma_wait3A_156 = tpu.memref_slice %arg2[%dma_wait3A_155] : memref<320000xi32, #tpu.memory_space<hbm>> -> memref<128xi32, #tpu.memory_space<hbm>>
        %dma_wait3A_157 = arith.constant 0 : i32
        %dma_wait3A_158 = tpu.memref_slice %arg2[%dma_wait3A_157] : memref<320000xi32, #tpu.memory_space<hbm>> -> memref<128xi32, #tpu.memory_space<hbm>>
        tpu.wait_dma2 semaphore(%arg10 : memref<!tpu.dma_semaphore, #tpu.memory_space<semaphore_mem>>) src(%dma_wait3A_158 : memref<128xi32, #tpu.memory_space<hbm>>) dst(%arg4 : memref<128xi32, #tpu.memory_space<vmem>>)
        %dma_start3A_159 = arith.constant 0 : i32
        %dma_start3A_160 = arith.constant 0 : i32
        %dma_start3A_161 = tpu.memref_slice %arg9[%dma_start3A_159, %dma_start3A_160] : memref<10000x16xf32, #tpu.memory_space<vmem_shared>> -> memref<10000x16xf32, #tpu.memory_space<vmem_shared>>
        tpu.enqueue_indirect_dma source(%arg7 : memref<128x16xf32, #tpu.memory_space<vmem>>) target(%dma_start3A_161 : memref<10000x16xf32, #tpu.memory_space<vmem_shared>>) offsets(%arg4 : memref<128xi32, #tpu.memory_space<vmem>>) semaphore(%arg13 : memref<!tpu.dma_semaphore, #tpu.memory_space<semaphore_mem>>) {add = true}
        %add3A_162 = arith.constant 2 : i32
        %add3A_163 = arith.addi %add3A_134, %add3A_162 : i32
        %lt3A_164 = arith.cmpi slt, %add3A_163, %sub3A_47 : i32
        %convert_element_type3A_165 = arith.extui %lt3A_164 : i1 to i32
        %cond3A_166 = arith.constant 0 : i32
        %cond3A_167 = arith.cmpi ne, %convert_element_type3A_165, %cond3A_166 : i32
        scf.if %cond3A_167 {
          %ge3A = arith.constant 1 : i32
          %ge3A_168 = arith.cmpi sge, %add3A_134, %ge3A : i32
          %convert_element_type3A_169 = arith.extui %ge3A_168 : i1 to i32
          %cond3A_170 = arith.constant 0 : i32
          %cond3A_171 = arith.cmpi ne, %convert_element_type3A_169, %cond3A_170 : i32
          scf.if %cond3A_171 {
            %dma_wait3A_179 = arith.constant 0 : i32
            %dma_wait3A_180 = arith.constant 0 : i32
            %dma_wait3A_181 = tpu.memref_slice %arg9[%dma_wait3A_179, %dma_wait3A_180] : memref<10000x16xf32, #tpu.memory_space<vmem_shared>> -> memref<10000x16xf32, #tpu.memory_space<vmem_shared>>
            tpu.wait_indirect_dma semaphore(%arg15 : memref<!tpu.dma_semaphore, #tpu.memory_space<semaphore_mem>>) src(%arg7 : memref<128x16xf32, #tpu.memory_space<vmem>>) dst(%dma_wait3A_181 : memref<10000x16xf32, #tpu.memory_space<vmem_shared>>)
          } else {
          }
          %add3A_172 = arith.constant 2 : i32
          %add3A_173 = arith.addi %add3A_134, %add3A_172 : i32
          %add3A_174 = arith.addi %select_n3A, %add3A_173 : i32
          %mul3A_175 = arith.constant 128 : i32
          %mul3A_176 = arith.muli %add3A_174, %mul3A_175 : i32
          %dma_start3A_177 = tpu.memref_slice %arg2[%mul3A_176] : memref<320000xi32, #tpu.memory_space<hbm>> -> memref<128xi32, #tpu.memory_space<hbm>>
          %dma_start3A_178 = tpu.memref_slice %arg2[%mul3A_176] : memref<320000xi32, #tpu.memory_space<hbm>> -> memref<128xi32, #tpu.memory_space<hbm>>
          tpu.enqueue_dma source(%dma_start3A_178 : memref<128xi32, #tpu.memory_space<hbm>>) target(%arg6 : memref<128xi32, #tpu.memory_space<vmem>>) target_semaphore(%arg12 : memref<!tpu.dma_semaphore, #tpu.memory_space<semaphore_mem>>)
        } else {
        }
      } else {
      }
      %mul3A_139 = arith.constant 3 : i32
      %mul3A_140 = arith.muli %add3A_130, %mul3A_139 : i32
      %add3A_141 = arith.constant 1 : i32
      %add3A_142 = arith.addi %mul3A_140, %add3A_141 : i32
      %lt3A_143 = arith.cmpi slt, %add3A_142, %sub3A_47 : i32
      %convert_element_type3A_144 = arith.extui %lt3A_143 : i1 to i32
      %cond3A_145 = arith.constant 0 : i32
      %cond3A_146 = arith.cmpi ne, %convert_element_type3A_144, %cond3A_145 : i32
      scf.if %cond3A_146 {
        %dma_wait3A_155 = arith.constant 0 : i32
        %dma_wait3A_156 = tpu.memref_slice %arg2[%dma_wait3A_155] : memref<320000xi32, #tpu.memory_space<hbm>> -> memref<128xi32, #tpu.memory_space<hbm>>
        %dma_wait3A_157 = arith.constant 0 : i32
        %dma_wait3A_158 = tpu.memref_slice %arg2[%dma_wait3A_157] : memref<320000xi32, #tpu.memory_space<hbm>> -> memref<128xi32, #tpu.memory_space<hbm>>
        tpu.wait_dma2 semaphore(%arg11 : memref<!tpu.dma_semaphore, #tpu.memory_space<semaphore_mem>>) src(%dma_wait3A_158 : memref<128xi32, #tpu.memory_space<hbm>>) dst(%arg5 : memref<128xi32, #tpu.memory_space<vmem>>)
        %dma_start3A_159 = arith.constant 0 : i32
        %dma_start3A_160 = arith.constant 0 : i32
        %dma_start3A_161 = tpu.memref_slice %arg9[%dma_start3A_159, %dma_start3A_160] : memref<10000x16xf32, #tpu.memory_space<vmem_shared>> -> memref<10000x16xf32, #tpu.memory_space<vmem_shared>>
        tpu.enqueue_indirect_dma source(%arg7 : memref<128x16xf32, #tpu.memory_space<vmem>>) target(%dma_start3A_161 : memref<10000x16xf32, #tpu.memory_space<vmem_shared>>) offsets(%arg5 : memref<128xi32, #tpu.memory_space<vmem>>) semaphore(%arg14 : memref<!tpu.dma_semaphore, #tpu.memory_space<semaphore_mem>>) {add = true}
        %add3A_162 = arith.constant 2 : i32
        %add3A_163 = arith.addi %add3A_142, %add3A_162 : i32
        %lt3A_164 = arith.cmpi slt, %add3A_163, %sub3A_47 : i32
        %convert_element_type3A_165 = arith.extui %lt3A_164 : i1 to i32
        %cond3A_166 = arith.constant 0 : i32
        %cond3A_167 = arith.cmpi ne, %convert_element_type3A_165, %cond3A_166 : i32
        scf.if %cond3A_167 {
          %ge3A = arith.constant 1 : i32
          %ge3A_168 = arith.cmpi sge, %add3A_142, %ge3A : i32
          %convert_element_type3A_169 = arith.extui %ge3A_168 : i1 to i32
          %cond3A_170 = arith.constant 0 : i32
          %cond3A_171 = arith.cmpi ne, %convert_element_type3A_169, %cond3A_170 : i32
          scf.if %cond3A_171 {
            %dma_wait3A_179 = arith.constant 0 : i32
            %dma_wait3A_180 = arith.constant 0 : i32
            %dma_wait3A_181 = tpu.memref_slice %arg9[%dma_wait3A_179, %dma_wait3A_180] : memref<10000x16xf32, #tpu.memory_space<vmem_shared>> -> memref<10000x16xf32, #tpu.memory_space<vmem_shared>>
            tpu.wait_indirect_dma semaphore(%arg13 : memref<!tpu.dma_semaphore, #tpu.memory_space<semaphore_mem>>) src(%arg7 : memref<128x16xf32, #tpu.memory_space<vmem>>) dst(%dma_wait3A_181 : memref<10000x16xf32, #tpu.memory_space<vmem_shared>>)
          } else {
          }
          %add3A_172 = arith.constant 2 : i32
          %add3A_173 = arith.addi %add3A_142, %add3A_172 : i32
          %add3A_174 = arith.addi %select_n3A, %add3A_173 : i32
          %mul3A_175 = arith.constant 128 : i32
          %mul3A_176 = arith.muli %add3A_174, %mul3A_175 : i32
          %dma_start3A_177 = tpu.memref_slice %arg2[%mul3A_176] : memref<320000xi32, #tpu.memory_space<hbm>> -> memref<128xi32, #tpu.memory_space<hbm>>
          %dma_start3A_178 = tpu.memref_slice %arg2[%mul3A_176] : memref<320000xi32, #tpu.memory_space<hbm>> -> memref<128xi32, #tpu.memory_space<hbm>>
          tpu.enqueue_dma source(%dma_start3A_178 : memref<128xi32, #tpu.memory_space<hbm>>) target(%arg4 : memref<128xi32, #tpu.memory_space<vmem>>) target_semaphore(%arg10 : memref<!tpu.dma_semaphore, #tpu.memory_space<semaphore_mem>>)
        } else {
        }
      } else {
      }
      %mul3A_147 = arith.constant 3 : i32
      %mul3A_148 = arith.muli %add3A_130, %mul3A_147 : i32
      %add3A_149 = arith.constant 2 : i32
      %add3A_150 = arith.addi %mul3A_148, %add3A_149 : i32
      %lt3A_151 = arith.cmpi slt, %add3A_150, %sub3A_47 : i32
      %convert_element_type3A_152 = arith.extui %lt3A_151 : i1 to i32
      %cond3A_153 = arith.constant 0 : i32
      %cond3A_154 = arith.cmpi ne, %convert_element_type3A_152, %cond3A_153 : i32
      scf.if %cond3A_154 {
        %dma_wait3A_155 = arith.constant 0 : i32
        %dma_wait3A_156 = tpu.memref_slice %arg2[%dma_wait3A_155] : memref<320000xi32, #tpu.memory_space<hbm>> -> memref<128xi32, #tpu.memory_space<hbm>>
        %dma_wait3A_157 = arith.constant 0 : i32
        %dma_wait3A_158 = tpu.memref_slice %arg2[%dma_wait3A_157] : memref<320000xi32, #tpu.memory_space<hbm>> -> memref<128xi32, #tpu.memory_space<hbm>>
        tpu.wait_dma2 semaphore(%arg12 : memref<!tpu.dma_semaphore, #tpu.memory_space<semaphore_mem>>) src(%dma_wait3A_158 : memref<128xi32, #tpu.memory_space<hbm>>) dst(%arg6 : memref<128xi32, #tpu.memory_space<vmem>>)
        %dma_start3A_159 = arith.constant 0 : i32
        %dma_start3A_160 = arith.constant 0 : i32
        %dma_start3A_161 = tpu.memref_slice %arg9[%dma_start3A_159, %dma_start3A_160] : memref<10000x16xf32, #tpu.memory_space<vmem_shared>> -> memref<10000x16xf32, #tpu.memory_space<vmem_shared>>
        tpu.enqueue_indirect_dma source(%arg7 : memref<128x16xf32, #tpu.memory_space<vmem>>) target(%dma_start3A_161 : memref<10000x16xf32, #tpu.memory_space<vmem_shared>>) offsets(%arg6 : memref<128xi32, #tpu.memory_space<vmem>>) semaphore(%arg15 : memref<!tpu.dma_semaphore, #tpu.memory_space<semaphore_mem>>) {add = true}
        %add3A_162 = arith.constant 2 : i32
        %add3A_163 = arith.addi %add3A_150, %add3A_162 : i32
        %lt3A_164 = arith.cmpi slt, %add3A_163, %sub3A_47 : i32
        %convert_element_type3A_165 = arith.extui %lt3A_164 : i1 to i32
        %cond3A_166 = arith.constant 0 : i32
        %cond3A_167 = arith.cmpi ne, %convert_element_type3A_165, %cond3A_166 : i32
        scf.if %cond3A_167 {
          %ge3A = arith.constant 1 : i32
          %ge3A_168 = arith.cmpi sge, %add3A_150, %ge3A : i32
          %convert_element_type3A_169 = arith.extui %ge3A_168 : i1 to i32
          %cond3A_170 = arith.constant 0 : i32
          %cond3A_171 = arith.cmpi ne, %convert_element_type3A_169, %cond3A_170 : i32
          scf.if %cond3A_171 {
            %dma_wait3A_179 = arith.constant 0 : i32
            %dma_wait3A_180 = arith.constant 0 : i32
            %dma_wait3A_181 = tpu.memref_slice %arg9[%dma_wait3A_179, %dma_wait3A_180] : memref<10000x16xf32, #tpu.memory_space<vmem_shared>> -> memref<10000x16xf32, #tpu.memory_space<vmem_shared>>
            tpu.wait_indirect_dma semaphore(%arg14 : memref<!tpu.dma_semaphore, #tpu.memory_space<semaphore_mem>>) src(%arg7 : memref<128x16xf32, #tpu.memory_space<vmem>>) dst(%dma_wait3A_181 : memref<10000x16xf32, #tpu.memory_space<vmem_shared>>)
          } else {
          }
          %add3A_172 = arith.constant 2 : i32
          %add3A_173 = arith.addi %add3A_150, %add3A_172 : i32
          %add3A_174 = arith.addi %select_n3A, %add3A_173 : i32
          %mul3A_175 = arith.constant 128 : i32
          %mul3A_176 = arith.muli %add3A_174, %mul3A_175 : i32
          %dma_start3A_177 = tpu.memref_slice %arg2[%mul3A_176] : memref<320000xi32, #tpu.memory_space<hbm>> -> memref<128xi32, #tpu.memory_space<hbm>>
          %dma_start3A_178 = tpu.memref_slice %arg2[%mul3A_176] : memref<320000xi32, #tpu.memory_space<hbm>> -> memref<128xi32, #tpu.memory_space<hbm>>
          tpu.enqueue_dma source(%dma_start3A_178 : memref<128xi32, #tpu.memory_space<hbm>>) target(%arg5 : memref<128xi32, #tpu.memory_space<vmem>>) target_semaphore(%arg11 : memref<!tpu.dma_semaphore, #tpu.memory_space<semaphore_mem>>)
        } else {
        }
      } else {
      }
    }
    %dma_wait3A = arith.constant 0 : i32
    %dma_wait3A_114 = arith.constant 0 : i32
    %dma_wait3A_115 = tpu.memref_slice %arg9[%dma_wait3A, %dma_wait3A_114] : memref<10000x16xf32, #tpu.memory_space<vmem_shared>> -> memref<10000x16xf32, #tpu.memory_space<vmem_shared>>
    tpu.wait_indirect_dma semaphore(%arg13 : memref<!tpu.dma_semaphore, #tpu.memory_space<semaphore_mem>>) src(%arg7 : memref<128x16xf32, #tpu.memory_space<vmem>>) dst(%dma_wait3A_115 : memref<10000x16xf32, #tpu.memory_space<vmem_shared>>)
    %dma_wait3A_116 = arith.constant 0 : i32
    %dma_wait3A_117 = arith.constant 0 : i32
    %dma_wait3A_118 = tpu.memref_slice %arg9[%dma_wait3A_116, %dma_wait3A_117] : memref<10000x16xf32, #tpu.memory_space<vmem_shared>> -> memref<10000x16xf32, #tpu.memory_space<vmem_shared>>
    tpu.wait_indirect_dma semaphore(%arg14 : memref<!tpu.dma_semaphore, #tpu.memory_space<semaphore_mem>>) src(%arg7 : memref<128x16xf32, #tpu.memory_space<vmem>>) dst(%dma_wait3A_118 : memref<10000x16xf32, #tpu.memory_space<vmem_shared>>)
    %dma_wait3A_119 = arith.constant 0 : i32
    %dma_wait3A_120 = arith.constant 0 : i32
    %dma_wait3A_121 = tpu.memref_slice %arg9[%dma_wait3A_119, %dma_wait3A_120] : memref<10000x16xf32, #tpu.memory_space<vmem_shared>> -> memref<10000x16xf32, #tpu.memory_space<vmem_shared>>
    tpu.wait_indirect_dma semaphore(%arg15 : memref<!tpu.dma_semaphore, #tpu.memory_space<semaphore_mem>>) src(%arg7 : memref<128x16xf32, #tpu.memory_space<vmem>>) dst(%dma_wait3A_121 : memref<10000x16xf32, #tpu.memory_space<vmem_shared>>)
    %barrier3A_122 = arith.constant 0 : index
    tpu.barrier barrier_id(%barrier3A_122)
    %lt3A_123 = arith.constant 10 : i32
    %lt3A_124 = arith.cmpi slt, %arg1, %lt3A_123 : i32
    %convert_element_type3A_125 = arith.extui %lt3A_124 : i1 to i32
    %cond3A_126 = arith.constant 0 : i32
    %cond3A_127 = arith.cmpi ne, %convert_element_type3A_125, %cond3A_126 : i32
    scf.if %cond3A_127 {
      %mul3A_128 = arith.constant 1000 : i32
      %mul3A_129 = arith.muli %arg1, %mul3A_128 : i32
      %mul3A_130 = arith.constant 1000 : i32
      %mul3A_131 = arith.muli %arg1, %mul3A_130 : i32
      "tpu.region"() ({
        %run_scoped3A = tpu.sem_alloc : memref<!tpu.dma_semaphore, #tpu.memory_space<semaphore_mem>>
        %dma_start3A_132 = arith.constant 0 : i32
        %dma_start3A_133 = tpu.memref_slice %arg3[%arg0, %mul3A_131, %dma_start3A_132] : memref<2x10000x16xf32, #tpu.memory_space<hbm>> -> memref<1x1000x16xf32, #tpu.memory_space<hbm>>
        %dma_start3A_134 = tpu.memref_squeeze %dma_start3A_133 : memref<1x1000x16xf32, #tpu.memory_space<hbm>> -> memref<1000x16xf32, #tpu.memory_space<hbm>>
        %dma_start3A_135 = arith.constant 0 : i32
        %dma_start3A_136 = tpu.memref_slice %arg9[%mul3A_129, %dma_start3A_135] : memref<10000x16xf32, #tpu.memory_space<vmem_shared>> -> memref<1000x16xf32, #tpu.memory_space<vmem_shared>>
        tpu.enqueue_dma source(%dma_start3A_136 : memref<1000x16xf32, #tpu.memory_space<vmem_shared>>) target(%dma_start3A_134 : memref<1000x16xf32, #tpu.memory_space<hbm>>) target_semaphore(%run_scoped3A : memref<!tpu.dma_semaphore, #tpu.memory_space<semaphore_mem>>)
        %dma_wait3A_137 = arith.constant 0 : i32
        %dma_wait3A_138 = tpu.memref_slice %arg3[%arg0, %mul3A_131, %dma_wait3A_137] : memref<2x10000x16xf32, #tpu.memory_space<hbm>> -> memref<1x1000x16xf32, #tpu.memory_space<hbm>>
        %dma_wait3A_139 = tpu.memref_squeeze %dma_wait3A_138 : memref<1x1000x16xf32, #tpu.memory_space<hbm>> -> memref<1000x16xf32, #tpu.memory_space<hbm>>
        %dma_wait3A_140 = arith.constant 0 : i32
        %dma_wait3A_141 = tpu.memref_slice %arg9[%mul3A_129, %dma_wait3A_140] : memref<10000x16xf32, #tpu.memory_space<vmem_shared>> -> memref<1000x16xf32, #tpu.memory_space<vmem_shared>>
        tpu.wait_dma2 semaphore(%run_scoped3A : memref<!tpu.dma_semaphore, #tpu.memory_space<semaphore_mem>>) src(%dma_wait3A_141 : memref<1000x16xf32, #tpu.memory_space<vmem_shared>>) dst(%dma_wait3A_139 : memref<1000x16xf32, #tpu.memory_space<hbm>>)
        tpu.yield
      }) : () -> ()
    } else {
    }
    return
  }
}

#map = affine_map<(d0, d1) -> (0, 0)>
#map1 = affine_map<(d0, d1) -> (0)>
#map2 = affine_map<(d0, d1) -> (0, 0, 0)>
module attributes {stable_mosaic.version = 14 : i64} {
  func.func @body(%arg0: i32, %arg1: i32, %arg2: memref<10000x128xf32, #tpu.memory_space<hbm>>, %arg3: memref<320000xi32, #tpu.memory_space<hbm>>, %arg4: memref<320000xi32, #tpu.memory_space<hbm>>, %arg5: memref<2x10000x128xf32, #tpu.memory_space<hbm>>, %arg6: memref<10000xi32, #tpu.memory_space<vmem>>, %arg7: memref<80xi32, #tpu.memory_space<vmem>>, %arg8: memref<80xi32, #tpu.memory_space<vmem>>, %arg9: memref<80xi32, #tpu.memory_space<vmem>>, %arg10: memref<80x128xf32, #tpu.memory_space<vmem>>, %arg11: memref<80x128xf32, #tpu.memory_space<vmem>>, %arg12: memref<80x128xf32, #tpu.memory_space<vmem>>, %arg13: memref<40x128xf32, #tpu.memory_space<vmem>>, %arg14: memref<10000x128xf32, #tpu.memory_space<vmem_shared>>, %arg15: memref<!tpu.dma_semaphore, #tpu.memory_space<semaphore_mem>>, %arg16: memref<!tpu.dma_semaphore, #tpu.memory_space<semaphore_mem>>, %arg17: memref<!tpu.dma_semaphore, #tpu.memory_space<semaphore_mem>>, %arg18: memref<!tpu.dma_semaphore, #tpu.memory_space<semaphore_mem>>, %arg19: memref<!tpu.dma_semaphore, #tpu.memory_space<semaphore_mem>>, %arg20: memref<!tpu.dma_semaphore, #tpu.memory_space<semaphore_mem>>, %arg21: memref<!tpu.dma_semaphore, #tpu.memory_space<semaphore_mem>>, %arg22: memref<!tpu.dma_semaphore, #tpu.memory_space<semaphore_mem>>, %arg23: memref<!tpu.dma_semaphore, #tpu.memory_space<semaphore_mem>>) attributes {dimension_semantics = [#tpu.dimension_semantics<core_parallel>, #tpu.dimension_semantics<subcore_parallel>], iteration_bounds = array<i64: 2, 16>, scalar_prefetch = 0 : i64, scratch_operands = 18 : i64, tpu.core_type = #tpu.core_type<sc_vector_subcore>, window_params = [{transform_indices = #map}, {transform_indices = #map1}, {transform_indices = #map1}, {transform_indices = #map2}]} {
    %mul3A = arith.constant 2 : i32
    %mul3A_0 = arith.muli %arg1, %mul3A : i32
    %add3A = arith.addi %mul3A_0, %arg0 : i32
    %scan3A = arith.constant 0 : i32
    %scan3A_1 = arith.constant 320 : i32
    %scan3A_2 = arith.addi %scan3A, %scan3A_1 : i32
    %scan3A_3 = arith.constant 1 : i32
    scf.for %scan3A_49 = %scan3A to %scan3A_2 step %scan3A_3  : i32 {
      %mul3A_50 = arith.constant 1 : i32
      %mul3A_51 = arith.muli %scan3A_49, %mul3A_50 : i32
      %add3A_52 = arith.constant 0 : i32
      %add3A_53 = arith.addi %add3A_52, %mul3A_51 : i32
      %broadcast_in_dim3A = arith.constant 0.000000e+00 : f32
      %broadcast_in_dim3A_54 = vector.broadcast %broadcast_in_dim3A : f32 to vector<16xf32>
      %jit3A = arith.constant 8 : i32
      %div3A = arith.divsi %add3A_53, %jit3A : i32
      %sign3A = arith.constant 0 : i32
      %sign3A_55 = arith.cmpi sgt, %add3A_53, %sign3A : i32
      %sign3A_56 = arith.extui %sign3A_55 : i1 to i32
      %sign3A_57 = arith.constant 0 : i32
      %sign3A_58 = arith.cmpi slt, %add3A_53, %sign3A_57 : i32
      %sign3A_59 = arith.extui %sign3A_58 : i1 to i32
      %sign3A_60 = arith.subi %sign3A_56, %sign3A_59 : i32
      %sign3A_61 = arith.constant 0 : i32
      %sign3A_62 = arith.cmpi sgt, %jit3A, %sign3A_61 : i32
      %sign3A_63 = arith.extui %sign3A_62 : i1 to i32
      %sign3A_64 = arith.constant 0 : i32
      %sign3A_65 = arith.cmpi slt, %jit3A, %sign3A_64 : i32
      %sign3A_66 = arith.extui %sign3A_65 : i1 to i32
      %sign3A_67 = arith.subi %sign3A_63, %sign3A_66 : i32
      %ne3A = arith.cmpi ne, %sign3A_60, %sign3A_67 : i32
      %rem3A = arith.remsi %add3A_53, %jit3A : i32
      %ne3A_68 = arith.constant 0 : i32
      %ne3A_69 = arith.cmpi ne, %rem3A, %ne3A_68 : i32
      %and3A = arith.andi %ne3A, %ne3A_69 : i1
      %sub3A = arith.constant 1 : i32
      %sub3A_70 = arith.subi %div3A, %sub3A : i32
      %select_n3A = arith.select %and3A, %sub3A_70, %div3A : i32
      %jit3A_71 = arith.constant 8 : i32
      %eq3A = arith.constant 0 : i32
      %eq3A_72 = arith.cmpi eq, %jit3A_71, %eq3A : i32
      %jit3A_73 = arith.constant 1 : i32
      %select_n3A_74 = arith.select %eq3A_72, %jit3A_73, %jit3A_71 : i32
      %rem3A_75 = arith.remsi %add3A_53, %select_n3A_74 : i32
      %ne3A_76 = arith.constant 0 : i32
      %ne3A_77 = arith.cmpi ne, %rem3A_75, %ne3A_76 : i32
      %lt3A_78 = arith.constant 0 : i32
      %lt3A_79 = arith.cmpi slt, %rem3A_75, %lt3A_78 : i32
      %lt3A_80 = arith.constant 0 : i32
      %lt3A_81 = arith.cmpi slt, %select_n3A_74, %lt3A_80 : i32
      %ne3A_82 = arith.xori %lt3A_79, %lt3A_81 : i1
      %and3A_83 = arith.andi %ne3A_82, %ne3A_77 : i1
      %add3A_84 = arith.addi %rem3A_75, %select_n3A_74 : i32
      %select_n3A_85 = arith.select %and3A_83, %add3A_84, %rem3A_75 : i32
      %mul3A_86 = arith.constant 16 : i32
      %mul3A_87 = arith.muli %select_n3A_85, %mul3A_86 : i32
      %swap3A = arith.index_cast %select_n3A : i32 to index
      %swap3A_88 = arith.index_cast %mul3A_87 : i32 to index
      %swap3A_89 = tpu.vector_load %arg13[%swap3A, %swap3A_88] {strides = array<i32>} : memref<40x128xf32, #tpu.memory_space<vmem>>, vector<1x16xf32>,
      %swap3A_90 = vector.shape_cast %swap3A_89 : vector<1x16xf32> to vector<16xf32>
      %swap3A_91 = vector.shape_cast %broadcast_in_dim3A_54 : vector<16xf32> to vector<1x16xf32>
      tpu.vector_store %arg13[%swap3A, %swap3A_88], %swap3A_91 {strides = array<i32>} : memref<40x128xf32, #tpu.memory_space<vmem>>, vector<1x16xf32>,
    }
    %scan3A_4 = arith.constant 320 : i32
    %lt3A = arith.constant 10 : i32
    %lt3A_5 = arith.cmpi slt, %arg1, %lt3A : i32
    %convert_element_type3A = arith.extui %lt3A_5 : i1 to i32
    %cond3A = arith.constant 0 : i32
    %cond3A_6 = arith.cmpi ne, %convert_element_type3A, %cond3A : i32
    scf.if %cond3A_6 {
      %mul3A_49 = arith.constant 1000 : i32
      %mul3A_50 = arith.muli %arg1, %mul3A_49 : i32
      %add3A_51 = arith.constant 0 : i32
      %add3A_52 = arith.addi %mul3A_50, %add3A_51 : i32
      "tpu.region"() ({
        %run_scoped3A = tpu.sem_alloc : memref<!tpu.dma_semaphore, #tpu.memory_space<semaphore_mem>>
        %dma_start3A_149 = arith.constant 0 : i32
        %dma_start3A_150 = tpu.memref_slice %arg14[%add3A_52, %dma_start3A_149] : memref<10000x128xf32, #tpu.memory_space<vmem_shared>> -> memref<40x128xf32, #tpu.memory_space<vmem_shared>>
        %dma_start3A_151 = arith.constant 0 : i32
        %dma_start3A_152 = tpu.memref_slice %arg14[%add3A_52, %dma_start3A_151] : memref<10000x128xf32, #tpu.memory_space<vmem_shared>> -> memref<40x128xf32, #tpu.memory_space<vmem_shared>>
        tpu.enqueue_dma source(%arg13 : memref<40x128xf32, #tpu.memory_space<vmem>>) target(%dma_start3A_152 : memref<40x128xf32, #tpu.memory_space<vmem_shared>>) target_semaphore(%run_scoped3A : memref<!tpu.dma_semaphore, #tpu.memory_space<semaphore_mem>>)
        %dma_wait3A_153 = arith.constant 0 : i32
        %dma_wait3A_154 = tpu.memref_slice %arg14[%add3A_52, %dma_wait3A_153] : memref<10000x128xf32, #tpu.memory_space<vmem_shared>> -> memref<40x128xf32, #tpu.memory_space<vmem_shared>>
        %dma_wait3A_155 = arith.constant 0 : i32
        %dma_wait3A_156 = tpu.memref_slice %arg14[%add3A_52, %dma_wait3A_155] : memref<10000x128xf32, #tpu.memory_space<vmem_shared>> -> memref<40x128xf32, #tpu.memory_space<vmem_shared>>
        tpu.wait_dma2 semaphore(%run_scoped3A : memref<!tpu.dma_semaphore, #tpu.memory_space<semaphore_mem>>) src(%arg13 : memref<40x128xf32, #tpu.memory_space<vmem>>) dst(%dma_wait3A_156 : memref<40x128xf32, #tpu.memory_space<vmem_shared>>)
        tpu.yield
      }) : () -> ()
      %mul3A_53 = arith.constant 1000 : i32
      %mul3A_54 = arith.muli %arg1, %mul3A_53 : i32
      %add3A_55 = arith.constant 40 : i32
      %add3A_56 = arith.addi %mul3A_54, %add3A_55 : i32
      "tpu.region"() ({
        %run_scoped3A = tpu.sem_alloc : memref<!tpu.dma_semaphore, #tpu.memory_space<semaphore_mem>>
        %dma_start3A_149 = arith.constant 0 : i32
        %dma_start3A_150 = tpu.memref_slice %arg14[%add3A_56, %dma_start3A_149] : memref<10000x128xf32, #tpu.memory_space<vmem_shared>> -> memref<40x128xf32, #tpu.memory_space<vmem_shared>>
        %dma_start3A_151 = arith.constant 0 : i32
        %dma_start3A_152 = tpu.memref_slice %arg14[%add3A_56, %dma_start3A_151] : memref<10000x128xf32, #tpu.memory_space<vmem_shared>> -> memref<40x128xf32, #tpu.memory_space<vmem_shared>>
        tpu.enqueue_dma source(%arg13 : memref<40x128xf32, #tpu.memory_space<vmem>>) target(%dma_start3A_152 : memref<40x128xf32, #tpu.memory_space<vmem_shared>>) target_semaphore(%run_scoped3A : memref<!tpu.dma_semaphore, #tpu.memory_space<semaphore_mem>>)
        %dma_wait3A_153 = arith.constant 0 : i32
        %dma_wait3A_154 = tpu.memref_slice %arg14[%add3A_56, %dma_wait3A_153] : memref<10000x128xf32, #tpu.memory_space<vmem_shared>> -> memref<40x128xf32, #tpu.memory_space<vmem_shared>>
        %dma_wait3A_155 = arith.constant 0 : i32
        %dma_wait3A_156 = tpu.memref_slice %arg14[%add3A_56, %dma_wait3A_155] : memref<10000x128xf32, #tpu.memory_space<vmem_shared>> -> memref<40x128xf32, #tpu.memory_space<vmem_shared>>
        tpu.wait_dma2 semaphore(%run_scoped3A : memref<!tpu.dma_semaphore, #tpu.memory_space<semaphore_mem>>) src(%arg13 : memref<40x128xf32, #tpu.memory_space<vmem>>) dst(%dma_wait3A_156 : memref<40x128xf32, #tpu.memory_space<vmem_shared>>)
        tpu.yield
      }) : () -> ()
      %mul3A_57 = arith.constant 1000 : i32
      %mul3A_58 = arith.muli %arg1, %mul3A_57 : i32
      %add3A_59 = arith.constant 80 : i32
      %add3A_60 = arith.addi %mul3A_58, %add3A_59 : i32
      "tpu.region"() ({
        %run_scoped3A = tpu.sem_alloc : memref<!tpu.dma_semaphore, #tpu.memory_space<semaphore_mem>>
        %dma_start3A_149 = arith.constant 0 : i32
        %dma_start3A_150 = tpu.memref_slice %arg14[%add3A_60, %dma_start3A_149] : memref<10000x128xf32, #tpu.memory_space<vmem_shared>> -> memref<40x128xf32, #tpu.memory_space<vmem_shared>>
        %dma_start3A_151 = arith.constant 0 : i32
        %dma_start3A_152 = tpu.memref_slice %arg14[%add3A_60, %dma_start3A_151] : memref<10000x128xf32, #tpu.memory_space<vmem_shared>> -> memref<40x128xf32, #tpu.memory_space<vmem_shared>>
        tpu.enqueue_dma source(%arg13 : memref<40x128xf32, #tpu.memory_space<vmem>>) target(%dma_start3A_152 : memref<40x128xf32, #tpu.memory_space<vmem_shared>>) target_semaphore(%run_scoped3A : memref<!tpu.dma_semaphore, #tpu.memory_space<semaphore_mem>>)
        %dma_wait3A_153 = arith.constant 0 : i32
        %dma_wait3A_154 = tpu.memref_slice %arg14[%add3A_60, %dma_wait3A_153] : memref<10000x128xf32, #tpu.memory_space<vmem_shared>> -> memref<40x128xf32, #tpu.memory_space<vmem_shared>>
        %dma_wait3A_155 = arith.constant 0 : i32
        %dma_wait3A_156 = tpu.memref_slice %arg14[%add3A_60, %dma_wait3A_155] : memref<10000x128xf32, #tpu.memory_space<vmem_shared>> -> memref<40x128xf32, #tpu.memory_space<vmem_shared>>
        tpu.wait_dma2 semaphore(%run_scoped3A : memref<!tpu.dma_semaphore, #tpu.memory_space<semaphore_mem>>) src(%arg13 : memref<40x128xf32, #tpu.memory_space<vmem>>) dst(%dma_wait3A_156 : memref<40x128xf32, #tpu.memory_space<vmem_shared>>)
        tpu.yield
      }) : () -> ()
      %mul3A_61 = arith.constant 1000 : i32
      %mul3A_62 = arith.muli %arg1, %mul3A_61 : i32
      %add3A_63 = arith.constant 120 : i32
      %add3A_64 = arith.addi %mul3A_62, %add3A_63 : i32
      "tpu.region"() ({
        %run_scoped3A = tpu.sem_alloc : memref<!tpu.dma_semaphore, #tpu.memory_space<semaphore_mem>>
        %dma_start3A_149 = arith.constant 0 : i32
        %dma_start3A_150 = tpu.memref_slice %arg14[%add3A_64, %dma_start3A_149] : memref<10000x128xf32, #tpu.memory_space<vmem_shared>> -> memref<40x128xf32, #tpu.memory_space<vmem_shared>>
        %dma_start3A_151 = arith.constant 0 : i32
        %dma_start3A_152 = tpu.memref_slice %arg14[%add3A_64, %dma_start3A_151] : memref<10000x128xf32, #tpu.memory_space<vmem_shared>> -> memref<40x128xf32, #tpu.memory_space<vmem_shared>>
        tpu.enqueue_dma source(%arg13 : memref<40x128xf32, #tpu.memory_space<vmem>>) target(%dma_start3A_152 : memref<40x128xf32, #tpu.memory_space<vmem_shared>>) target_semaphore(%run_scoped3A : memref<!tpu.dma_semaphore, #tpu.memory_space<semaphore_mem>>)
        %dma_wait3A_153 = arith.constant 0 : i32
        %dma_wait3A_154 = tpu.memref_slice %arg14[%add3A_64, %dma_wait3A_153] : memref<10000x128xf32, #tpu.memory_space<vmem_shared>> -> memref<40x128xf32, #tpu.memory_space<vmem_shared>>
        %dma_wait3A_155 = arith.constant 0 : i32
        %dma_wait3A_156 = tpu.memref_slice %arg14[%add3A_64, %dma_wait3A_155] : memref<10000x128xf32, #tpu.memory_space<vmem_shared>> -> memref<40x128xf32, #tpu.memory_space<vmem_shared>>
        tpu.wait_dma2 semaphore(%run_scoped3A : memref<!tpu.dma_semaphore, #tpu.memory_space<semaphore_mem>>) src(%arg13 : memref<40x128xf32, #tpu.memory_space<vmem>>) dst(%dma_wait3A_156 : memref<40x128xf32, #tpu.memory_space<vmem_shared>>)
        tpu.yield
      }) : () -> ()
      %mul3A_65 = arith.constant 1000 : i32
      %mul3A_66 = arith.muli %arg1, %mul3A_65 : i32
      %add3A_67 = arith.constant 160 : i32
      %add3A_68 = arith.addi %mul3A_66, %add3A_67 : i32
      "tpu.region"() ({
        %run_scoped3A = tpu.sem_alloc : memref<!tpu.dma_semaphore, #tpu.memory_space<semaphore_mem>>
        %dma_start3A_149 = arith.constant 0 : i32
        %dma_start3A_150 = tpu.memref_slice %arg14[%add3A_68, %dma_start3A_149] : memref<10000x128xf32, #tpu.memory_space<vmem_shared>> -> memref<40x128xf32, #tpu.memory_space<vmem_shared>>
        %dma_start3A_151 = arith.constant 0 : i32
        %dma_start3A_152 = tpu.memref_slice %arg14[%add3A_68, %dma_start3A_151] : memref<10000x128xf32, #tpu.memory_space<vmem_shared>> -> memref<40x128xf32, #tpu.memory_space<vmem_shared>>
        tpu.enqueue_dma source(%arg13 : memref<40x128xf32, #tpu.memory_space<vmem>>) target(%dma_start3A_152 : memref<40x128xf32, #tpu.memory_space<vmem_shared>>) target_semaphore(%run_scoped3A : memref<!tpu.dma_semaphore, #tpu.memory_space<semaphore_mem>>)
        %dma_wait3A_153 = arith.constant 0 : i32
        %dma_wait3A_154 = tpu.memref_slice %arg14[%add3A_68, %dma_wait3A_153] : memref<10000x128xf32, #tpu.memory_space<vmem_shared>> -> memref<40x128xf32, #tpu.memory_space<vmem_shared>>
        %dma_wait3A_155 = arith.constant 0 : i32
        %dma_wait3A_156 = tpu.memref_slice %arg14[%add3A_68, %dma_wait3A_155] : memref<10000x128xf32, #tpu.memory_space<vmem_shared>> -> memref<40x128xf32, #tpu.memory_space<vmem_shared>>
        tpu.wait_dma2 semaphore(%run_scoped3A : memref<!tpu.dma_semaphore, #tpu.memory_space<semaphore_mem>>) src(%arg13 : memref<40x128xf32, #tpu.memory_space<vmem>>) dst(%dma_wait3A_156 : memref<40x128xf32, #tpu.memory_space<vmem_shared>>)
        tpu.yield
      }) : () -> ()
      %mul3A_69 = arith.constant 1000 : i32
      %mul3A_70 = arith.muli %arg1, %mul3A_69 : i32
      %add3A_71 = arith.constant 200 : i32
      %add3A_72 = arith.addi %mul3A_70, %add3A_71 : i32
      "tpu.region"() ({
        %run_scoped3A = tpu.sem_alloc : memref<!tpu.dma_semaphore, #tpu.memory_space<semaphore_mem>>
        %dma_start3A_149 = arith.constant 0 : i32
        %dma_start3A_150 = tpu.memref_slice %arg14[%add3A_72, %dma_start3A_149] : memref<10000x128xf32, #tpu.memory_space<vmem_shared>> -> memref<40x128xf32, #tpu.memory_space<vmem_shared>>
        %dma_start3A_151 = arith.constant 0 : i32
        %dma_start3A_152 = tpu.memref_slice %arg14[%add3A_72, %dma_start3A_151] : memref<10000x128xf32, #tpu.memory_space<vmem_shared>> -> memref<40x128xf32, #tpu.memory_space<vmem_shared>>
        tpu.enqueue_dma source(%arg13 : memref<40x128xf32, #tpu.memory_space<vmem>>) target(%dma_start3A_152 : memref<40x128xf32, #tpu.memory_space<vmem_shared>>) target_semaphore(%run_scoped3A : memref<!tpu.dma_semaphore, #tpu.memory_space<semaphore_mem>>)
        %dma_wait3A_153 = arith.constant 0 : i32
        %dma_wait3A_154 = tpu.memref_slice %arg14[%add3A_72, %dma_wait3A_153] : memref<10000x128xf32, #tpu.memory_space<vmem_shared>> -> memref<40x128xf32, #tpu.memory_space<vmem_shared>>
        %dma_wait3A_155 = arith.constant 0 : i32
        %dma_wait3A_156 = tpu.memref_slice %arg14[%add3A_72, %dma_wait3A_155] : memref<10000x128xf32, #tpu.memory_space<vmem_shared>> -> memref<40x128xf32, #tpu.memory_space<vmem_shared>>
        tpu.wait_dma2 semaphore(%run_scoped3A : memref<!tpu.dma_semaphore, #tpu.memory_space<semaphore_mem>>) src(%arg13 : memref<40x128xf32, #tpu.memory_space<vmem>>) dst(%dma_wait3A_156 : memref<40x128xf32, #tpu.memory_space<vmem_shared>>)
        tpu.yield
      }) : () -> ()
      %mul3A_73 = arith.constant 1000 : i32
      %mul3A_74 = arith.muli %arg1, %mul3A_73 : i32
      %add3A_75 = arith.constant 240 : i32
      %add3A_76 = arith.addi %mul3A_74, %add3A_75 : i32
      "tpu.region"() ({
        %run_scoped3A = tpu.sem_alloc : memref<!tpu.dma_semaphore, #tpu.memory_space<semaphore_mem>>
        %dma_start3A_149 = arith.constant 0 : i32
        %dma_start3A_150 = tpu.memref_slice %arg14[%add3A_76, %dma_start3A_149] : memref<10000x128xf32, #tpu.memory_space<vmem_shared>> -> memref<40x128xf32, #tpu.memory_space<vmem_shared>>
        %dma_start3A_151 = arith.constant 0 : i32
        %dma_start3A_152 = tpu.memref_slice %arg14[%add3A_76, %dma_start3A_151] : memref<10000x128xf32, #tpu.memory_space<vmem_shared>> -> memref<40x128xf32, #tpu.memory_space<vmem_shared>>
        tpu.enqueue_dma source(%arg13 : memref<40x128xf32, #tpu.memory_space<vmem>>) target(%dma_start3A_152 : memref<40x128xf32, #tpu.memory_space<vmem_shared>>) target_semaphore(%run_scoped3A : memref<!tpu.dma_semaphore, #tpu.memory_space<semaphore_mem>>)
        %dma_wait3A_153 = arith.constant 0 : i32
        %dma_wait3A_154 = tpu.memref_slice %arg14[%add3A_76, %dma_wait3A_153] : memref<10000x128xf32, #tpu.memory_space<vmem_shared>> -> memref<40x128xf32, #tpu.memory_space<vmem_shared>>
        %dma_wait3A_155 = arith.constant 0 : i32
        %dma_wait3A_156 = tpu.memref_slice %arg14[%add3A_76, %dma_wait3A_155] : memref<10000x128xf32, #tpu.memory_space<vmem_shared>> -> memref<40x128xf32, #tpu.memory_space<vmem_shared>>
        tpu.wait_dma2 semaphore(%run_scoped3A : memref<!tpu.dma_semaphore, #tpu.memory_space<semaphore_mem>>) src(%arg13 : memref<40x128xf32, #tpu.memory_space<vmem>>) dst(%dma_wait3A_156 : memref<40x128xf32, #tpu.memory_space<vmem_shared>>)
        tpu.yield
      }) : () -> ()
      %mul3A_77 = arith.constant 1000 : i32
      %mul3A_78 = arith.muli %arg1, %mul3A_77 : i32
      %add3A_79 = arith.constant 280 : i32
      %add3A_80 = arith.addi %mul3A_78, %add3A_79 : i32
      "tpu.region"() ({
        %run_scoped3A = tpu.sem_alloc : memref<!tpu.dma_semaphore, #tpu.memory_space<semaphore_mem>>
        %dma_start3A_149 = arith.constant 0 : i32
        %dma_start3A_150 = tpu.memref_slice %arg14[%add3A_80, %dma_start3A_149] : memref<10000x128xf32, #tpu.memory_space<vmem_shared>> -> memref<40x128xf32, #tpu.memory_space<vmem_shared>>
        %dma_start3A_151 = arith.constant 0 : i32
        %dma_start3A_152 = tpu.memref_slice %arg14[%add3A_80, %dma_start3A_151] : memref<10000x128xf32, #tpu.memory_space<vmem_shared>> -> memref<40x128xf32, #tpu.memory_space<vmem_shared>>
        tpu.enqueue_dma source(%arg13 : memref<40x128xf32, #tpu.memory_space<vmem>>) target(%dma_start3A_152 : memref<40x128xf32, #tpu.memory_space<vmem_shared>>) target_semaphore(%run_scoped3A : memref<!tpu.dma_semaphore, #tpu.memory_space<semaphore_mem>>)
        %dma_wait3A_153 = arith.constant 0 : i32
        %dma_wait3A_154 = tpu.memref_slice %arg14[%add3A_80, %dma_wait3A_153] : memref<10000x128xf32, #tpu.memory_space<vmem_shared>> -> memref<40x128xf32, #tpu.memory_space<vmem_shared>>
        %dma_wait3A_155 = arith.constant 0 : i32
        %dma_wait3A_156 = tpu.memref_slice %arg14[%add3A_80, %dma_wait3A_155] : memref<10000x128xf32, #tpu.memory_space<vmem_shared>> -> memref<40x128xf32, #tpu.memory_space<vmem_shared>>
        tpu.wait_dma2 semaphore(%run_scoped3A : memref<!tpu.dma_semaphore, #tpu.memory_space<semaphore_mem>>) src(%arg13 : memref<40x128xf32, #tpu.memory_space<vmem>>) dst(%dma_wait3A_156 : memref<40x128xf32, #tpu.memory_space<vmem_shared>>)
        tpu.yield
      }) : () -> ()
      %mul3A_81 = arith.constant 1000 : i32
      %mul3A_82 = arith.muli %arg1, %mul3A_81 : i32
      %add3A_83 = arith.constant 320 : i32
      %add3A_84 = arith.addi %mul3A_82, %add3A_83 : i32
      "tpu.region"() ({
        %run_scoped3A = tpu.sem_alloc : memref<!tpu.dma_semaphore, #tpu.memory_space<semaphore_mem>>
        %dma_start3A_149 = arith.constant 0 : i32
        %dma_start3A_150 = tpu.memref_slice %arg14[%add3A_84, %dma_start3A_149] : memref<10000x128xf32, #tpu.memory_space<vmem_shared>> -> memref<40x128xf32, #tpu.memory_space<vmem_shared>>
        %dma_start3A_151 = arith.constant 0 : i32
        %dma_start3A_152 = tpu.memref_slice %arg14[%add3A_84, %dma_start3A_151] : memref<10000x128xf32, #tpu.memory_space<vmem_shared>> -> memref<40x128xf32, #tpu.memory_space<vmem_shared>>
        tpu.enqueue_dma source(%arg13 : memref<40x128xf32, #tpu.memory_space<vmem>>) target(%dma_start3A_152 : memref<40x128xf32, #tpu.memory_space<vmem_shared>>) target_semaphore(%run_scoped3A : memref<!tpu.dma_semaphore, #tpu.memory_space<semaphore_mem>>)
        %dma_wait3A_153 = arith.constant 0 : i32
        %dma_wait3A_154 = tpu.memref_slice %arg14[%add3A_84, %dma_wait3A_153] : memref<10000x128xf32, #tpu.memory_space<vmem_shared>> -> memref<40x128xf32, #tpu.memory_space<vmem_shared>>
        %dma_wait3A_155 = arith.constant 0 : i32
        %dma_wait3A_156 = tpu.memref_slice %arg14[%add3A_84, %dma_wait3A_155] : memref<10000x128xf32, #tpu.memory_space<vmem_shared>> -> memref<40x128xf32, #tpu.memory_space<vmem_shared>>
        tpu.wait_dma2 semaphore(%run_scoped3A : memref<!tpu.dma_semaphore, #tpu.memory_space<semaphore_mem>>) src(%arg13 : memref<40x128xf32, #tpu.memory_space<vmem>>) dst(%dma_wait3A_156 : memref<40x128xf32, #tpu.memory_space<vmem_shared>>)
        tpu.yield
      }) : () -> ()
      %mul3A_85 = arith.constant 1000 : i32
      %mul3A_86 = arith.muli %arg1, %mul3A_85 : i32
      %add3A_87 = arith.constant 360 : i32
      %add3A_88 = arith.addi %mul3A_86, %add3A_87 : i32
      "tpu.region"() ({
        %run_scoped3A = tpu.sem_alloc : memref<!tpu.dma_semaphore, #tpu.memory_space<semaphore_mem>>
        %dma_start3A_149 = arith.constant 0 : i32
        %dma_start3A_150 = tpu.memref_slice %arg14[%add3A_88, %dma_start3A_149] : memref<10000x128xf32, #tpu.memory_space<vmem_shared>> -> memref<40x128xf32, #tpu.memory_space<vmem_shared>>
        %dma_start3A_151 = arith.constant 0 : i32
        %dma_start3A_152 = tpu.memref_slice %arg14[%add3A_88, %dma_start3A_151] : memref<10000x128xf32, #tpu.memory_space<vmem_shared>> -> memref<40x128xf32, #tpu.memory_space<vmem_shared>>
        tpu.enqueue_dma source(%arg13 : memref<40x128xf32, #tpu.memory_space<vmem>>) target(%dma_start3A_152 : memref<40x128xf32, #tpu.memory_space<vmem_shared>>) target_semaphore(%run_scoped3A : memref<!tpu.dma_semaphore, #tpu.memory_space<semaphore_mem>>)
        %dma_wait3A_153 = arith.constant 0 : i32
        %dma_wait3A_154 = tpu.memref_slice %arg14[%add3A_88, %dma_wait3A_153] : memref<10000x128xf32, #tpu.memory_space<vmem_shared>> -> memref<40x128xf32, #tpu.memory_space<vmem_shared>>
        %dma_wait3A_155 = arith.constant 0 : i32
        %dma_wait3A_156 = tpu.memref_slice %arg14[%add3A_88, %dma_wait3A_155] : memref<10000x128xf32, #tpu.memory_space<vmem_shared>> -> memref<40x128xf32, #tpu.memory_space<vmem_shared>>
        tpu.wait_dma2 semaphore(%run_scoped3A : memref<!tpu.dma_semaphore, #tpu.memory_space<semaphore_mem>>) src(%arg13 : memref<40x128xf32, #tpu.memory_space<vmem>>) dst(%dma_wait3A_156 : memref<40x128xf32, #tpu.memory_space<vmem_shared>>)
        tpu.yield
      }) : () -> ()
      %mul3A_89 = arith.constant 1000 : i32
      %mul3A_90 = arith.muli %arg1, %mul3A_89 : i32
      %add3A_91 = arith.constant 400 : i32
      %add3A_92 = arith.addi %mul3A_90, %add3A_91 : i32
      "tpu.region"() ({
        %run_scoped3A = tpu.sem_alloc : memref<!tpu.dma_semaphore, #tpu.memory_space<semaphore_mem>>
        %dma_start3A_149 = arith.constant 0 : i32
        %dma_start3A_150 = tpu.memref_slice %arg14[%add3A_92, %dma_start3A_149] : memref<10000x128xf32, #tpu.memory_space<vmem_shared>> -> memref<40x128xf32, #tpu.memory_space<vmem_shared>>
        %dma_start3A_151 = arith.constant 0 : i32
        %dma_start3A_152 = tpu.memref_slice %arg14[%add3A_92, %dma_start3A_151] : memref<10000x128xf32, #tpu.memory_space<vmem_shared>> -> memref<40x128xf32, #tpu.memory_space<vmem_shared>>
        tpu.enqueue_dma source(%arg13 : memref<40x128xf32, #tpu.memory_space<vmem>>) target(%dma_start3A_152 : memref<40x128xf32, #tpu.memory_space<vmem_shared>>) target_semaphore(%run_scoped3A : memref<!tpu.dma_semaphore, #tpu.memory_space<semaphore_mem>>)
        %dma_wait3A_153 = arith.constant 0 : i32
        %dma_wait3A_154 = tpu.memref_slice %arg14[%add3A_92, %dma_wait3A_153] : memref<10000x128xf32, #tpu.memory_space<vmem_shared>> -> memref<40x128xf32, #tpu.memory_space<vmem_shared>>
        %dma_wait3A_155 = arith.constant 0 : i32
        %dma_wait3A_156 = tpu.memref_slice %arg14[%add3A_92, %dma_wait3A_155] : memref<10000x128xf32, #tpu.memory_space<vmem_shared>> -> memref<40x128xf32, #tpu.memory_space<vmem_shared>>
        tpu.wait_dma2 semaphore(%run_scoped3A : memref<!tpu.dma_semaphore, #tpu.memory_space<semaphore_mem>>) src(%arg13 : memref<40x128xf32, #tpu.memory_space<vmem>>) dst(%dma_wait3A_156 : memref<40x128xf32, #tpu.memory_space<vmem_shared>>)
        tpu.yield
      }) : () -> ()
      %mul3A_93 = arith.constant 1000 : i32
      %mul3A_94 = arith.muli %arg1, %mul3A_93 : i32
      %add3A_95 = arith.constant 440 : i32
      %add3A_96 = arith.addi %mul3A_94, %add3A_95 : i32
      "tpu.region"() ({
        %run_scoped3A = tpu.sem_alloc : memref<!tpu.dma_semaphore, #tpu.memory_space<semaphore_mem>>
        %dma_start3A_149 = arith.constant 0 : i32
        %dma_start3A_150 = tpu.memref_slice %arg14[%add3A_96, %dma_start3A_149] : memref<10000x128xf32, #tpu.memory_space<vmem_shared>> -> memref<40x128xf32, #tpu.memory_space<vmem_shared>>
        %dma_start3A_151 = arith.constant 0 : i32
        %dma_start3A_152 = tpu.memref_slice %arg14[%add3A_96, %dma_start3A_151] : memref<10000x128xf32, #tpu.memory_space<vmem_shared>> -> memref<40x128xf32, #tpu.memory_space<vmem_shared>>
        tpu.enqueue_dma source(%arg13 : memref<40x128xf32, #tpu.memory_space<vmem>>) target(%dma_start3A_152 : memref<40x128xf32, #tpu.memory_space<vmem_shared>>) target_semaphore(%run_scoped3A : memref<!tpu.dma_semaphore, #tpu.memory_space<semaphore_mem>>)
        %dma_wait3A_153 = arith.constant 0 : i32
        %dma_wait3A_154 = tpu.memref_slice %arg14[%add3A_96, %dma_wait3A_153] : memref<10000x128xf32, #tpu.memory_space<vmem_shared>> -> memref<40x128xf32, #tpu.memory_space<vmem_shared>>
        %dma_wait3A_155 = arith.constant 0 : i32
        %dma_wait3A_156 = tpu.memref_slice %arg14[%add3A_96, %dma_wait3A_155] : memref<10000x128xf32, #tpu.memory_space<vmem_shared>> -> memref<40x128xf32, #tpu.memory_space<vmem_shared>>
        tpu.wait_dma2 semaphore(%run_scoped3A : memref<!tpu.dma_semaphore, #tpu.memory_space<semaphore_mem>>) src(%arg13 : memref<40x128xf32, #tpu.memory_space<vmem>>) dst(%dma_wait3A_156 : memref<40x128xf32, #tpu.memory_space<vmem_shared>>)
        tpu.yield
      }) : () -> ()
      %mul3A_97 = arith.constant 1000 : i32
      %mul3A_98 = arith.muli %arg1, %mul3A_97 : i32
      %add3A_99 = arith.constant 480 : i32
      %add3A_100 = arith.addi %mul3A_98, %add3A_99 : i32
      "tpu.region"() ({
        %run_scoped3A = tpu.sem_alloc : memref<!tpu.dma_semaphore, #tpu.memory_space<semaphore_mem>>
        %dma_start3A_149 = arith.constant 0 : i32
        %dma_start3A_150 = tpu.memref_slice %arg14[%add3A_100, %dma_start3A_149] : memref<10000x128xf32, #tpu.memory_space<vmem_shared>> -> memref<40x128xf32, #tpu.memory_space<vmem_shared>>
        %dma_start3A_151 = arith.constant 0 : i32
        %dma_start3A_152 = tpu.memref_slice %arg14[%add3A_100, %dma_start3A_151] : memref<10000x128xf32, #tpu.memory_space<vmem_shared>> -> memref<40x128xf32, #tpu.memory_space<vmem_shared>>
        tpu.enqueue_dma source(%arg13 : memref<40x128xf32, #tpu.memory_space<vmem>>) target(%dma_start3A_152 : memref<40x128xf32, #tpu.memory_space<vmem_shared>>) target_semaphore(%run_scoped3A : memref<!tpu.dma_semaphore, #tpu.memory_space<semaphore_mem>>)
        %dma_wait3A_153 = arith.constant 0 : i32
        %dma_wait3A_154 = tpu.memref_slice %arg14[%add3A_100, %dma_wait3A_153] : memref<10000x128xf32, #tpu.memory_space<vmem_shared>> -> memref<40x128xf32, #tpu.memory_space<vmem_shared>>
        %dma_wait3A_155 = arith.constant 0 : i32
        %dma_wait3A_156 = tpu.memref_slice %arg14[%add3A_100, %dma_wait3A_155] : memref<10000x128xf32, #tpu.memory_space<vmem_shared>> -> memref<40x128xf32, #tpu.memory_space<vmem_shared>>
        tpu.wait_dma2 semaphore(%run_scoped3A : memref<!tpu.dma_semaphore, #tpu.memory_space<semaphore_mem>>) src(%arg13 : memref<40x128xf32, #tpu.memory_space<vmem>>) dst(%dma_wait3A_156 : memref<40x128xf32, #tpu.memory_space<vmem_shared>>)
        tpu.yield
      }) : () -> ()
      %mul3A_101 = arith.constant 1000 : i32
      %mul3A_102 = arith.muli %arg1, %mul3A_101 : i32
      %add3A_103 = arith.constant 520 : i32
      %add3A_104 = arith.addi %mul3A_102, %add3A_103 : i32
      "tpu.region"() ({
        %run_scoped3A = tpu.sem_alloc : memref<!tpu.dma_semaphore, #tpu.memory_space<semaphore_mem>>
        %dma_start3A_149 = arith.constant 0 : i32
        %dma_start3A_150 = tpu.memref_slice %arg14[%add3A_104, %dma_start3A_149] : memref<10000x128xf32, #tpu.memory_space<vmem_shared>> -> memref<40x128xf32, #tpu.memory_space<vmem_shared>>
        %dma_start3A_151 = arith.constant 0 : i32
        %dma_start3A_152 = tpu.memref_slice %arg14[%add3A_104, %dma_start3A_151] : memref<10000x128xf32, #tpu.memory_space<vmem_shared>> -> memref<40x128xf32, #tpu.memory_space<vmem_shared>>
        tpu.enqueue_dma source(%arg13 : memref<40x128xf32, #tpu.memory_space<vmem>>) target(%dma_start3A_152 : memref<40x128xf32, #tpu.memory_space<vmem_shared>>) target_semaphore(%run_scoped3A : memref<!tpu.dma_semaphore, #tpu.memory_space<semaphore_mem>>)
        %dma_wait3A_153 = arith.constant 0 : i32
        %dma_wait3A_154 = tpu.memref_slice %arg14[%add3A_104, %dma_wait3A_153] : memref<10000x128xf32, #tpu.memory_space<vmem_shared>> -> memref<40x128xf32, #tpu.memory_space<vmem_shared>>
        %dma_wait3A_155 = arith.constant 0 : i32
        %dma_wait3A_156 = tpu.memref_slice %arg14[%add3A_104, %dma_wait3A_155] : memref<10000x128xf32, #tpu.memory_space<vmem_shared>> -> memref<40x128xf32, #tpu.memory_space<vmem_shared>>
        tpu.wait_dma2 semaphore(%run_scoped3A : memref<!tpu.dma_semaphore, #tpu.memory_space<semaphore_mem>>) src(%arg13 : memref<40x128xf32, #tpu.memory_space<vmem>>) dst(%dma_wait3A_156 : memref<40x128xf32, #tpu.memory_space<vmem_shared>>)
        tpu.yield
      }) : () -> ()
      %mul3A_105 = arith.constant 1000 : i32
      %mul3A_106 = arith.muli %arg1, %mul3A_105 : i32
      %add3A_107 = arith.constant 560 : i32
      %add3A_108 = arith.addi %mul3A_106, %add3A_107 : i32
      "tpu.region"() ({
        %run_scoped3A = tpu.sem_alloc : memref<!tpu.dma_semaphore, #tpu.memory_space<semaphore_mem>>
        %dma_start3A_149 = arith.constant 0 : i32
        %dma_start3A_150 = tpu.memref_slice %arg14[%add3A_108, %dma_start3A_149] : memref<10000x128xf32, #tpu.memory_space<vmem_shared>> -> memref<40x128xf32, #tpu.memory_space<vmem_shared>>
        %dma_start3A_151 = arith.constant 0 : i32
        %dma_start3A_152 = tpu.memref_slice %arg14[%add3A_108, %dma_start3A_151] : memref<10000x128xf32, #tpu.memory_space<vmem_shared>> -> memref<40x128xf32, #tpu.memory_space<vmem_shared>>
        tpu.enqueue_dma source(%arg13 : memref<40x128xf32, #tpu.memory_space<vmem>>) target(%dma_start3A_152 : memref<40x128xf32, #tpu.memory_space<vmem_shared>>) target_semaphore(%run_scoped3A : memref<!tpu.dma_semaphore, #tpu.memory_space<semaphore_mem>>)
        %dma_wait3A_153 = arith.constant 0 : i32
        %dma_wait3A_154 = tpu.memref_slice %arg14[%add3A_108, %dma_wait3A_153] : memref<10000x128xf32, #tpu.memory_space<vmem_shared>> -> memref<40x128xf32, #tpu.memory_space<vmem_shared>>
        %dma_wait3A_155 = arith.constant 0 : i32
        %dma_wait3A_156 = tpu.memref_slice %arg14[%add3A_108, %dma_wait3A_155] : memref<10000x128xf32, #tpu.memory_space<vmem_shared>> -> memref<40x128xf32, #tpu.memory_space<vmem_shared>>
        tpu.wait_dma2 semaphore(%run_scoped3A : memref<!tpu.dma_semaphore, #tpu.memory_space<semaphore_mem>>) src(%arg13 : memref<40x128xf32, #tpu.memory_space<vmem>>) dst(%dma_wait3A_156 : memref<40x128xf32, #tpu.memory_space<vmem_shared>>)
        tpu.yield
      }) : () -> ()
      %mul3A_109 = arith.constant 1000 : i32
      %mul3A_110 = arith.muli %arg1, %mul3A_109 : i32
      %add3A_111 = arith.constant 600 : i32
      %add3A_112 = arith.addi %mul3A_110, %add3A_111 : i32
      "tpu.region"() ({
        %run_scoped3A = tpu.sem_alloc : memref<!tpu.dma_semaphore, #tpu.memory_space<semaphore_mem>>
        %dma_start3A_149 = arith.constant 0 : i32
        %dma_start3A_150 = tpu.memref_slice %arg14[%add3A_112, %dma_start3A_149] : memref<10000x128xf32, #tpu.memory_space<vmem_shared>> -> memref<40x128xf32, #tpu.memory_space<vmem_shared>>
        %dma_start3A_151 = arith.constant 0 : i32
        %dma_start3A_152 = tpu.memref_slice %arg14[%add3A_112, %dma_start3A_151] : memref<10000x128xf32, #tpu.memory_space<vmem_shared>> -> memref<40x128xf32, #tpu.memory_space<vmem_shared>>
        tpu.enqueue_dma source(%arg13 : memref<40x128xf32, #tpu.memory_space<vmem>>) target(%dma_start3A_152 : memref<40x128xf32, #tpu.memory_space<vmem_shared>>) target_semaphore(%run_scoped3A : memref<!tpu.dma_semaphore, #tpu.memory_space<semaphore_mem>>)
        %dma_wait3A_153 = arith.constant 0 : i32
        %dma_wait3A_154 = tpu.memref_slice %arg14[%add3A_112, %dma_wait3A_153] : memref<10000x128xf32, #tpu.memory_space<vmem_shared>> -> memref<40x128xf32, #tpu.memory_space<vmem_shared>>
        %dma_wait3A_155 = arith.constant 0 : i32
        %dma_wait3A_156 = tpu.memref_slice %arg14[%add3A_112, %dma_wait3A_155] : memref<10000x128xf32, #tpu.memory_space<vmem_shared>> -> memref<40x128xf32, #tpu.memory_space<vmem_shared>>
        tpu.wait_dma2 semaphore(%run_scoped3A : memref<!tpu.dma_semaphore, #tpu.memory_space<semaphore_mem>>) src(%arg13 : memref<40x128xf32, #tpu.memory_space<vmem>>) dst(%dma_wait3A_156 : memref<40x128xf32, #tpu.memory_space<vmem_shared>>)
        tpu.yield
      }) : () -> ()
      %mul3A_113 = arith.constant 1000 : i32
      %mul3A_114 = arith.muli %arg1, %mul3A_113 : i32
      %add3A_115 = arith.constant 640 : i32
      %add3A_116 = arith.addi %mul3A_114, %add3A_115 : i32
      "tpu.region"() ({
        %run_scoped3A = tpu.sem_alloc : memref<!tpu.dma_semaphore, #tpu.memory_space<semaphore_mem>>
        %dma_start3A_149 = arith.constant 0 : i32
        %dma_start3A_150 = tpu.memref_slice %arg14[%add3A_116, %dma_start3A_149] : memref<10000x128xf32, #tpu.memory_space<vmem_shared>> -> memref<40x128xf32, #tpu.memory_space<vmem_shared>>
        %dma_start3A_151 = arith.constant 0 : i32
        %dma_start3A_152 = tpu.memref_slice %arg14[%add3A_116, %dma_start3A_151] : memref<10000x128xf32, #tpu.memory_space<vmem_shared>> -> memref<40x128xf32, #tpu.memory_space<vmem_shared>>
        tpu.enqueue_dma source(%arg13 : memref<40x128xf32, #tpu.memory_space<vmem>>) target(%dma_start3A_152 : memref<40x128xf32, #tpu.memory_space<vmem_shared>>) target_semaphore(%run_scoped3A : memref<!tpu.dma_semaphore, #tpu.memory_space<semaphore_mem>>)
        %dma_wait3A_153 = arith.constant 0 : i32
        %dma_wait3A_154 = tpu.memref_slice %arg14[%add3A_116, %dma_wait3A_153] : memref<10000x128xf32, #tpu.memory_space<vmem_shared>> -> memref<40x128xf32, #tpu.memory_space<vmem_shared>>
        %dma_wait3A_155 = arith.constant 0 : i32
        %dma_wait3A_156 = tpu.memref_slice %arg14[%add3A_116, %dma_wait3A_155] : memref<10000x128xf32, #tpu.memory_space<vmem_shared>> -> memref<40x128xf32, #tpu.memory_space<vmem_shared>>
        tpu.wait_dma2 semaphore(%run_scoped3A : memref<!tpu.dma_semaphore, #tpu.memory_space<semaphore_mem>>) src(%arg13 : memref<40x128xf32, #tpu.memory_space<vmem>>) dst(%dma_wait3A_156 : memref<40x128xf32, #tpu.memory_space<vmem_shared>>)
        tpu.yield
      }) : () -> ()
      %mul3A_117 = arith.constant 1000 : i32
      %mul3A_118 = arith.muli %arg1, %mul3A_117 : i32
      %add3A_119 = arith.constant 680 : i32
      %add3A_120 = arith.addi %mul3A_118, %add3A_119 : i32
      "tpu.region"() ({
        %run_scoped3A = tpu.sem_alloc : memref<!tpu.dma_semaphore, #tpu.memory_space<semaphore_mem>>
        %dma_start3A_149 = arith.constant 0 : i32
        %dma_start3A_150 = tpu.memref_slice %arg14[%add3A_120, %dma_start3A_149] : memref<10000x128xf32, #tpu.memory_space<vmem_shared>> -> memref<40x128xf32, #tpu.memory_space<vmem_shared>>
        %dma_start3A_151 = arith.constant 0 : i32
        %dma_start3A_152 = tpu.memref_slice %arg14[%add3A_120, %dma_start3A_151] : memref<10000x128xf32, #tpu.memory_space<vmem_shared>> -> memref<40x128xf32, #tpu.memory_space<vmem_shared>>
        tpu.enqueue_dma source(%arg13 : memref<40x128xf32, #tpu.memory_space<vmem>>) target(%dma_start3A_152 : memref<40x128xf32, #tpu.memory_space<vmem_shared>>) target_semaphore(%run_scoped3A : memref<!tpu.dma_semaphore, #tpu.memory_space<semaphore_mem>>)
        %dma_wait3A_153 = arith.constant 0 : i32
        %dma_wait3A_154 = tpu.memref_slice %arg14[%add3A_120, %dma_wait3A_153] : memref<10000x128xf32, #tpu.memory_space<vmem_shared>> -> memref<40x128xf32, #tpu.memory_space<vmem_shared>>
        %dma_wait3A_155 = arith.constant 0 : i32
        %dma_wait3A_156 = tpu.memref_slice %arg14[%add3A_120, %dma_wait3A_155] : memref<10000x128xf32, #tpu.memory_space<vmem_shared>> -> memref<40x128xf32, #tpu.memory_space<vmem_shared>>
        tpu.wait_dma2 semaphore(%run_scoped3A : memref<!tpu.dma_semaphore, #tpu.memory_space<semaphore_mem>>) src(%arg13 : memref<40x128xf32, #tpu.memory_space<vmem>>) dst(%dma_wait3A_156 : memref<40x128xf32, #tpu.memory_space<vmem_shared>>)
        tpu.yield
      }) : () -> ()
      %mul3A_121 = arith.constant 1000 : i32
      %mul3A_122 = arith.muli %arg1, %mul3A_121 : i32
      %add3A_123 = arith.constant 720 : i32
      %add3A_124 = arith.addi %mul3A_122, %add3A_123 : i32
      "tpu.region"() ({
        %run_scoped3A = tpu.sem_alloc : memref<!tpu.dma_semaphore, #tpu.memory_space<semaphore_mem>>
        %dma_start3A_149 = arith.constant 0 : i32
        %dma_start3A_150 = tpu.memref_slice %arg14[%add3A_124, %dma_start3A_149] : memref<10000x128xf32, #tpu.memory_space<vmem_shared>> -> memref<40x128xf32, #tpu.memory_space<vmem_shared>>
        %dma_start3A_151 = arith.constant 0 : i32
        %dma_start3A_152 = tpu.memref_slice %arg14[%add3A_124, %dma_start3A_151] : memref<10000x128xf32, #tpu.memory_space<vmem_shared>> -> memref<40x128xf32, #tpu.memory_space<vmem_shared>>
        tpu.enqueue_dma source(%arg13 : memref<40x128xf32, #tpu.memory_space<vmem>>) target(%dma_start3A_152 : memref<40x128xf32, #tpu.memory_space<vmem_shared>>) target_semaphore(%run_scoped3A : memref<!tpu.dma_semaphore, #tpu.memory_space<semaphore_mem>>)
        %dma_wait3A_153 = arith.constant 0 : i32
        %dma_wait3A_154 = tpu.memref_slice %arg14[%add3A_124, %dma_wait3A_153] : memref<10000x128xf32, #tpu.memory_space<vmem_shared>> -> memref<40x128xf32, #tpu.memory_space<vmem_shared>>
        %dma_wait3A_155 = arith.constant 0 : i32
        %dma_wait3A_156 = tpu.memref_slice %arg14[%add3A_124, %dma_wait3A_155] : memref<10000x128xf32, #tpu.memory_space<vmem_shared>> -> memref<40x128xf32, #tpu.memory_space<vmem_shared>>
        tpu.wait_dma2 semaphore(%run_scoped3A : memref<!tpu.dma_semaphore, #tpu.memory_space<semaphore_mem>>) src(%arg13 : memref<40x128xf32, #tpu.memory_space<vmem>>) dst(%dma_wait3A_156 : memref<40x128xf32, #tpu.memory_space<vmem_shared>>)
        tpu.yield
      }) : () -> ()
      %mul3A_125 = arith.constant 1000 : i32
      %mul3A_126 = arith.muli %arg1, %mul3A_125 : i32
      %add3A_127 = arith.constant 760 : i32
      %add3A_128 = arith.addi %mul3A_126, %add3A_127 : i32
      "tpu.region"() ({
        %run_scoped3A = tpu.sem_alloc : memref<!tpu.dma_semaphore, #tpu.memory_space<semaphore_mem>>
        %dma_start3A_149 = arith.constant 0 : i32
        %dma_start3A_150 = tpu.memref_slice %arg14[%add3A_128, %dma_start3A_149] : memref<10000x128xf32, #tpu.memory_space<vmem_shared>> -> memref<40x128xf32, #tpu.memory_space<vmem_shared>>
        %dma_start3A_151 = arith.constant 0 : i32
        %dma_start3A_152 = tpu.memref_slice %arg14[%add3A_128, %dma_start3A_151] : memref<10000x128xf32, #tpu.memory_space<vmem_shared>> -> memref<40x128xf32, #tpu.memory_space<vmem_shared>>
        tpu.enqueue_dma source(%arg13 : memref<40x128xf32, #tpu.memory_space<vmem>>) target(%dma_start3A_152 : memref<40x128xf32, #tpu.memory_space<vmem_shared>>) target_semaphore(%run_scoped3A : memref<!tpu.dma_semaphore, #tpu.memory_space<semaphore_mem>>)
        %dma_wait3A_153 = arith.constant 0 : i32
        %dma_wait3A_154 = tpu.memref_slice %arg14[%add3A_128, %dma_wait3A_153] : memref<10000x128xf32, #tpu.memory_space<vmem_shared>> -> memref<40x128xf32, #tpu.memory_space<vmem_shared>>
        %dma_wait3A_155 = arith.constant 0 : i32
        %dma_wait3A_156 = tpu.memref_slice %arg14[%add3A_128, %dma_wait3A_155] : memref<10000x128xf32, #tpu.memory_space<vmem_shared>> -> memref<40x128xf32, #tpu.memory_space<vmem_shared>>
        tpu.wait_dma2 semaphore(%run_scoped3A : memref<!tpu.dma_semaphore, #tpu.memory_space<semaphore_mem>>) src(%arg13 : memref<40x128xf32, #tpu.memory_space<vmem>>) dst(%dma_wait3A_156 : memref<40x128xf32, #tpu.memory_space<vmem_shared>>)
        tpu.yield
      }) : () -> ()
      %mul3A_129 = arith.constant 1000 : i32
      %mul3A_130 = arith.muli %arg1, %mul3A_129 : i32
      %add3A_131 = arith.constant 800 : i32
      %add3A_132 = arith.addi %mul3A_130, %add3A_131 : i32
      "tpu.region"() ({
        %run_scoped3A = tpu.sem_alloc : memref<!tpu.dma_semaphore, #tpu.memory_space<semaphore_mem>>
        %dma_start3A_149 = arith.constant 0 : i32
        %dma_start3A_150 = tpu.memref_slice %arg14[%add3A_132, %dma_start3A_149] : memref<10000x128xf32, #tpu.memory_space<vmem_shared>> -> memref<40x128xf32, #tpu.memory_space<vmem_shared>>
        %dma_start3A_151 = arith.constant 0 : i32
        %dma_start3A_152 = tpu.memref_slice %arg14[%add3A_132, %dma_start3A_151] : memref<10000x128xf32, #tpu.memory_space<vmem_shared>> -> memref<40x128xf32, #tpu.memory_space<vmem_shared>>
        tpu.enqueue_dma source(%arg13 : memref<40x128xf32, #tpu.memory_space<vmem>>) target(%dma_start3A_152 : memref<40x128xf32, #tpu.memory_space<vmem_shared>>) target_semaphore(%run_scoped3A : memref<!tpu.dma_semaphore, #tpu.memory_space<semaphore_mem>>)
        %dma_wait3A_153 = arith.constant 0 : i32
        %dma_wait3A_154 = tpu.memref_slice %arg14[%add3A_132, %dma_wait3A_153] : memref<10000x128xf32, #tpu.memory_space<vmem_shared>> -> memref<40x128xf32, #tpu.memory_space<vmem_shared>>
        %dma_wait3A_155 = arith.constant 0 : i32
        %dma_wait3A_156 = tpu.memref_slice %arg14[%add3A_132, %dma_wait3A_155] : memref<10000x128xf32, #tpu.memory_space<vmem_shared>> -> memref<40x128xf32, #tpu.memory_space<vmem_shared>>
        tpu.wait_dma2 semaphore(%run_scoped3A : memref<!tpu.dma_semaphore, #tpu.memory_space<semaphore_mem>>) src(%arg13 : memref<40x128xf32, #tpu.memory_space<vmem>>) dst(%dma_wait3A_156 : memref<40x128xf32, #tpu.memory_space<vmem_shared>>)
        tpu.yield
      }) : () -> ()
      %mul3A_133 = arith.constant 1000 : i32
      %mul3A_134 = arith.muli %arg1, %mul3A_133 : i32
      %add3A_135 = arith.constant 840 : i32
      %add3A_136 = arith.addi %mul3A_134, %add3A_135 : i32
      "tpu.region"() ({
        %run_scoped3A = tpu.sem_alloc : memref<!tpu.dma_semaphore, #tpu.memory_space<semaphore_mem>>
        %dma_start3A_149 = arith.constant 0 : i32
        %dma_start3A_150 = tpu.memref_slice %arg14[%add3A_136, %dma_start3A_149] : memref<10000x128xf32, #tpu.memory_space<vmem_shared>> -> memref<40x128xf32, #tpu.memory_space<vmem_shared>>
        %dma_start3A_151 = arith.constant 0 : i32
        %dma_start3A_152 = tpu.memref_slice %arg14[%add3A_136, %dma_start3A_151] : memref<10000x128xf32, #tpu.memory_space<vmem_shared>> -> memref<40x128xf32, #tpu.memory_space<vmem_shared>>
        tpu.enqueue_dma source(%arg13 : memref<40x128xf32, #tpu.memory_space<vmem>>) target(%dma_start3A_152 : memref<40x128xf32, #tpu.memory_space<vmem_shared>>) target_semaphore(%run_scoped3A : memref<!tpu.dma_semaphore, #tpu.memory_space<semaphore_mem>>)
        %dma_wait3A_153 = arith.constant 0 : i32
        %dma_wait3A_154 = tpu.memref_slice %arg14[%add3A_136, %dma_wait3A_153] : memref<10000x128xf32, #tpu.memory_space<vmem_shared>> -> memref<40x128xf32, #tpu.memory_space<vmem_shared>>
        %dma_wait3A_155 = arith.constant 0 : i32
        %dma_wait3A_156 = tpu.memref_slice %arg14[%add3A_136, %dma_wait3A_155] : memref<10000x128xf32, #tpu.memory_space<vmem_shared>> -> memref<40x128xf32, #tpu.memory_space<vmem_shared>>
        tpu.wait_dma2 semaphore(%run_scoped3A : memref<!tpu.dma_semaphore, #tpu.memory_space<semaphore_mem>>) src(%arg13 : memref<40x128xf32, #tpu.memory_space<vmem>>) dst(%dma_wait3A_156 : memref<40x128xf32, #tpu.memory_space<vmem_shared>>)
        tpu.yield
      }) : () -> ()
      %mul3A_137 = arith.constant 1000 : i32
      %mul3A_138 = arith.muli %arg1, %mul3A_137 : i32
      %add3A_139 = arith.constant 880 : i32
      %add3A_140 = arith.addi %mul3A_138, %add3A_139 : i32
      "tpu.region"() ({
        %run_scoped3A = tpu.sem_alloc : memref<!tpu.dma_semaphore, #tpu.memory_space<semaphore_mem>>
        %dma_start3A_149 = arith.constant 0 : i32
        %dma_start3A_150 = tpu.memref_slice %arg14[%add3A_140, %dma_start3A_149] : memref<10000x128xf32, #tpu.memory_space<vmem_shared>> -> memref<40x128xf32, #tpu.memory_space<vmem_shared>>
        %dma_start3A_151 = arith.constant 0 : i32
        %dma_start3A_152 = tpu.memref_slice %arg14[%add3A_140, %dma_start3A_151] : memref<10000x128xf32, #tpu.memory_space<vmem_shared>> -> memref<40x128xf32, #tpu.memory_space<vmem_shared>>
        tpu.enqueue_dma source(%arg13 : memref<40x128xf32, #tpu.memory_space<vmem>>) target(%dma_start3A_152 : memref<40x128xf32, #tpu.memory_space<vmem_shared>>) target_semaphore(%run_scoped3A : memref<!tpu.dma_semaphore, #tpu.memory_space<semaphore_mem>>)
        %dma_wait3A_153 = arith.constant 0 : i32
        %dma_wait3A_154 = tpu.memref_slice %arg14[%add3A_140, %dma_wait3A_153] : memref<10000x128xf32, #tpu.memory_space<vmem_shared>> -> memref<40x128xf32, #tpu.memory_space<vmem_shared>>
        %dma_wait3A_155 = arith.constant 0 : i32
        %dma_wait3A_156 = tpu.memref_slice %arg14[%add3A_140, %dma_wait3A_155] : memref<10000x128xf32, #tpu.memory_space<vmem_shared>> -> memref<40x128xf32, #tpu.memory_space<vmem_shared>>
        tpu.wait_dma2 semaphore(%run_scoped3A : memref<!tpu.dma_semaphore, #tpu.memory_space<semaphore_mem>>) src(%arg13 : memref<40x128xf32, #tpu.memory_space<vmem>>) dst(%dma_wait3A_156 : memref<40x128xf32, #tpu.memory_space<vmem_shared>>)
        tpu.yield
      }) : () -> ()
      %mul3A_141 = arith.constant 1000 : i32
      %mul3A_142 = arith.muli %arg1, %mul3A_141 : i32
      %add3A_143 = arith.constant 920 : i32
      %add3A_144 = arith.addi %mul3A_142, %add3A_143 : i32
      "tpu.region"() ({
        %run_scoped3A = tpu.sem_alloc : memref<!tpu.dma_semaphore, #tpu.memory_space<semaphore_mem>>
        %dma_start3A_149 = arith.constant 0 : i32
        %dma_start3A_150 = tpu.memref_slice %arg14[%add3A_144, %dma_start3A_149] : memref<10000x128xf32, #tpu.memory_space<vmem_shared>> -> memref<40x128xf32, #tpu.memory_space<vmem_shared>>
        %dma_start3A_151 = arith.constant 0 : i32
        %dma_start3A_152 = tpu.memref_slice %arg14[%add3A_144, %dma_start3A_151] : memref<10000x128xf32, #tpu.memory_space<vmem_shared>> -> memref<40x128xf32, #tpu.memory_space<vmem_shared>>
        tpu.enqueue_dma source(%arg13 : memref<40x128xf32, #tpu.memory_space<vmem>>) target(%dma_start3A_152 : memref<40x128xf32, #tpu.memory_space<vmem_shared>>) target_semaphore(%run_scoped3A : memref<!tpu.dma_semaphore, #tpu.memory_space<semaphore_mem>>)
        %dma_wait3A_153 = arith.constant 0 : i32
        %dma_wait3A_154 = tpu.memref_slice %arg14[%add3A_144, %dma_wait3A_153] : memref<10000x128xf32, #tpu.memory_space<vmem_shared>> -> memref<40x128xf32, #tpu.memory_space<vmem_shared>>
        %dma_wait3A_155 = arith.constant 0 : i32
        %dma_wait3A_156 = tpu.memref_slice %arg14[%add3A_144, %dma_wait3A_155] : memref<10000x128xf32, #tpu.memory_space<vmem_shared>> -> memref<40x128xf32, #tpu.memory_space<vmem_shared>>
        tpu.wait_dma2 semaphore(%run_scoped3A : memref<!tpu.dma_semaphore, #tpu.memory_space<semaphore_mem>>) src(%arg13 : memref<40x128xf32, #tpu.memory_space<vmem>>) dst(%dma_wait3A_156 : memref<40x128xf32, #tpu.memory_space<vmem_shared>>)
        tpu.yield
      }) : () -> ()
      %mul3A_145 = arith.constant 1000 : i32
      %mul3A_146 = arith.muli %arg1, %mul3A_145 : i32
      %add3A_147 = arith.constant 960 : i32
      %add3A_148 = arith.addi %mul3A_146, %add3A_147 : i32
      "tpu.region"() ({
        %run_scoped3A = tpu.sem_alloc : memref<!tpu.dma_semaphore, #tpu.memory_space<semaphore_mem>>
        %dma_start3A_149 = arith.constant 0 : i32
        %dma_start3A_150 = tpu.memref_slice %arg14[%add3A_148, %dma_start3A_149] : memref<10000x128xf32, #tpu.memory_space<vmem_shared>> -> memref<40x128xf32, #tpu.memory_space<vmem_shared>>
        %dma_start3A_151 = arith.constant 0 : i32
        %dma_start3A_152 = tpu.memref_slice %arg14[%add3A_148, %dma_start3A_151] : memref<10000x128xf32, #tpu.memory_space<vmem_shared>> -> memref<40x128xf32, #tpu.memory_space<vmem_shared>>
        tpu.enqueue_dma source(%arg13 : memref<40x128xf32, #tpu.memory_space<vmem>>) target(%dma_start3A_152 : memref<40x128xf32, #tpu.memory_space<vmem_shared>>) target_semaphore(%run_scoped3A : memref<!tpu.dma_semaphore, #tpu.memory_space<semaphore_mem>>)
        %dma_wait3A_153 = arith.constant 0 : i32
        %dma_wait3A_154 = tpu.memref_slice %arg14[%add3A_148, %dma_wait3A_153] : memref<10000x128xf32, #tpu.memory_space<vmem_shared>> -> memref<40x128xf32, #tpu.memory_space<vmem_shared>>
        %dma_wait3A_155 = arith.constant 0 : i32
        %dma_wait3A_156 = tpu.memref_slice %arg14[%add3A_148, %dma_wait3A_155] : memref<10000x128xf32, #tpu.memory_space<vmem_shared>> -> memref<40x128xf32, #tpu.memory_space<vmem_shared>>
        tpu.wait_dma2 semaphore(%run_scoped3A : memref<!tpu.dma_semaphore, #tpu.memory_space<semaphore_mem>>) src(%arg13 : memref<40x128xf32, #tpu.memory_space<vmem>>) dst(%dma_wait3A_156 : memref<40x128xf32, #tpu.memory_space<vmem_shared>>)
        tpu.yield
      }) : () -> ()
    } else {
    }
    %mul3A_7 = arith.constant 10000 : i32
    %mul3A_8 = arith.muli %add3A, %mul3A_7 : i32
    "tpu.region"() ({
      %run_scoped3A = tpu.sem_alloc : memref<!tpu.dma_semaphore, #tpu.memory_space<semaphore_mem>>
      %dma_start3A_49 = tpu.memref_slice %arg3[%mul3A_8] : memref<320000xi32, #tpu.memory_space<hbm>> -> memref<10000xi32, #tpu.memory_space<hbm>>
      %dma_start3A_50 = tpu.memref_slice %arg3[%mul3A_8] : memref<320000xi32, #tpu.memory_space<hbm>> -> memref<10000xi32, #tpu.memory_space<hbm>>
      tpu.enqueue_dma source(%dma_start3A_50 : memref<10000xi32, #tpu.memory_space<hbm>>) target(%arg6 : memref<10000xi32, #tpu.memory_space<vmem>>) target_semaphore(%run_scoped3A : memref<!tpu.dma_semaphore, #tpu.memory_space<semaphore_mem>>)
      %dma_wait3A_51 = tpu.memref_slice %arg3[%mul3A_8] : memref<320000xi32, #tpu.memory_space<hbm>> -> memref<10000xi32, #tpu.memory_space<hbm>>
      %dma_wait3A_52 = tpu.memref_slice %arg3[%mul3A_8] : memref<320000xi32, #tpu.memory_space<hbm>> -> memref<10000xi32, #tpu.memory_space<hbm>>
      tpu.wait_dma2 semaphore(%run_scoped3A : memref<!tpu.dma_semaphore, #tpu.memory_space<semaphore_mem>>) src(%dma_wait3A_52 : memref<10000xi32, #tpu.memory_space<hbm>>) dst(%arg6 : memref<10000xi32, #tpu.memory_space<vmem>>)
      tpu.yield
    }) : () -> ()
    %mul3A_9 = arith.constant 10000 : i32
    %mul3A_10 = arith.muli %add3A, %mul3A_9 : i32
    %add3A_11 = arith.constant 0 : i32
    %add3A_12 = arith.addi %mul3A_10, %add3A_11 : i32
    %dma_start3A = tpu.memref_slice %arg4[%add3A_12] : memref<320000xi32, #tpu.memory_space<hbm>> -> memref<80xi32, #tpu.memory_space<hbm>>
    %dma_start3A_13 = tpu.memref_slice %arg4[%add3A_12] : memref<320000xi32, #tpu.memory_space<hbm>> -> memref<80xi32, #tpu.memory_space<hbm>>
    tpu.enqueue_dma source(%dma_start3A_13 : memref<80xi32, #tpu.memory_space<hbm>>) target(%arg7 : memref<80xi32, #tpu.memory_space<vmem>>) target_semaphore(%arg15 : memref<!tpu.dma_semaphore, #tpu.memory_space<semaphore_mem>>)
    %dma_start3A_14 = arith.constant 0 : i32
    %dma_start3A_15 = tpu.memref_slice %arg6[%dma_start3A_14] : memref<10000xi32, #tpu.memory_space<vmem>> -> memref<80xi32, #tpu.memory_space<vmem>>
    %dma_start3A_16 = arith.constant 0 : i32
    %dma_start3A_17 = arith.constant 0 : i32
    %dma_start3A_18 = tpu.memref_slice %arg2[%dma_start3A_16, %dma_start3A_17] : memref<10000x128xf32, #tpu.memory_space<hbm>> -> memref<10000x128xf32, #tpu.memory_space<hbm>>
    tpu.enqueue_indirect_dma source(%dma_start3A_18 : memref<10000x128xf32, #tpu.memory_space<hbm>>) target(%arg10 : memref<80x128xf32, #tpu.memory_space<vmem>>) offsets(%dma_start3A_15 : memref<80xi32, #tpu.memory_space<vmem>>) semaphore(%arg18 : memref<!tpu.dma_semaphore, #tpu.memory_space<semaphore_mem>>)
    %mul3A_19 = arith.constant 10000 : i32
    %mul3A_20 = arith.muli %add3A, %mul3A_19 : i32
    %add3A_21 = arith.constant 80 : i32
    %add3A_22 = arith.addi %mul3A_20, %add3A_21 : i32
    %dma_start3A_23 = tpu.memref_slice %arg4[%add3A_22] : memref<320000xi32, #tpu.memory_space<hbm>> -> memref<80xi32, #tpu.memory_space<hbm>>
    %dma_start3A_24 = tpu.memref_slice %arg4[%add3A_22] : memref<320000xi32, #tpu.memory_space<hbm>> -> memref<80xi32, #tpu.memory_space<hbm>>
    tpu.enqueue_dma source(%dma_start3A_24 : memref<80xi32, #tpu.memory_space<hbm>>) target(%arg8 : memref<80xi32, #tpu.memory_space<vmem>>) target_semaphore(%arg16 : memref<!tpu.dma_semaphore, #tpu.memory_space<semaphore_mem>>)
    %dma_start3A_25 = arith.constant 80 : i32
    %dma_start3A_26 = tpu.memref_slice %arg6[%dma_start3A_25] : memref<10000xi32, #tpu.memory_space<vmem>> -> memref<80xi32, #tpu.memory_space<vmem>>
    %dma_start3A_27 = arith.constant 0 : i32
    %dma_start3A_28 = arith.constant 0 : i32
    %dma_start3A_29 = tpu.memref_slice %arg2[%dma_start3A_27, %dma_start3A_28] : memref<10000x128xf32, #tpu.memory_space<hbm>> -> memref<10000x128xf32, #tpu.memory_space<hbm>>
    tpu.enqueue_indirect_dma source(%dma_start3A_29 : memref<10000x128xf32, #tpu.memory_space<hbm>>) target(%arg11 : memref<80x128xf32, #tpu.memory_space<vmem>>) offsets(%dma_start3A_26 : memref<80xi32, #tpu.memory_space<vmem>>) semaphore(%arg19 : memref<!tpu.dma_semaphore, #tpu.memory_space<semaphore_mem>>)
    %barrier3A = arith.constant 0 : index
    tpu.barrier barrier_id(%barrier3A)
    %scan3A_30 = arith.constant 0 : i32
    %scan3A_31 = arith.constant 42 : i32
    %scan3A_32 = arith.addi %scan3A_30, %scan3A_31 : i32
    %scan3A_33 = arith.constant 1 : i32
    scf.for %scan3A_49 = %scan3A_30 to %scan3A_32 step %scan3A_33  : i32 {
      %mul3A_50 = arith.constant 1 : i32
      %mul3A_51 = arith.muli %scan3A_49, %mul3A_50 : i32
      %add3A_52 = arith.constant 0 : i32
      %add3A_53 = arith.addi %add3A_52, %mul3A_51 : i32
      %mul3A_54 = arith.constant 3 : i32
      %mul3A_55 = arith.muli %add3A_53, %mul3A_54 : i32
      %add3A_56 = arith.constant 0 : i32
      %add3A_57 = arith.addi %mul3A_55, %add3A_56 : i32
      %lt3A_58 = arith.constant 125 : i32
      %lt3A_59 = arith.cmpi slt, %add3A_57, %lt3A_58 : i32
      %convert_element_type3A_60 = arith.extui %lt3A_59 : i1 to i32
      %cond3A_61 = arith.constant 0 : i32
      %cond3A_62 = arith.cmpi ne, %convert_element_type3A_60, %cond3A_61 : i32
      scf.if %cond3A_62 {
        %dma_wait3A_81 = arith.constant 0 : i32
        %dma_wait3A_82 = tpu.memref_slice %arg4[%dma_wait3A_81] : memref<320000xi32, #tpu.memory_space<hbm>> -> memref<80xi32, #tpu.memory_space<hbm>>
        %dma_wait3A_83 = arith.constant 0 : i32
        %dma_wait3A_84 = tpu.memref_slice %arg4[%dma_wait3A_83] : memref<320000xi32, #tpu.memory_space<hbm>> -> memref<80xi32, #tpu.memory_space<hbm>>
        tpu.wait_dma2 semaphore(%arg15 : memref<!tpu.dma_semaphore, #tpu.memory_space<semaphore_mem>>) src(%dma_wait3A_84 : memref<80xi32, #tpu.memory_space<hbm>>) dst(%arg7 : memref<80xi32, #tpu.memory_space<vmem>>)
        %dma_wait3A_85 = arith.constant 0 : i32
        %dma_wait3A_86 = tpu.memref_slice %arg6[%dma_wait3A_85] : memref<10000xi32, #tpu.memory_space<vmem>> -> memref<80xi32, #tpu.memory_space<vmem>>
        %dma_wait3A_87 = arith.constant 0 : i32
        %dma_wait3A_88 = arith.constant 0 : i32
        %dma_wait3A_89 = tpu.memref_slice %arg2[%dma_wait3A_87, %dma_wait3A_88] : memref<10000x128xf32, #tpu.memory_space<hbm>> -> memref<10000x128xf32, #tpu.memory_space<hbm>>
        tpu.wait_indirect_dma semaphore(%arg18 : memref<!tpu.dma_semaphore, #tpu.memory_space<semaphore_mem>>) src(%dma_wait3A_89 : memref<10000x128xf32, #tpu.memory_space<hbm>>) dst(%arg10 : memref<80x128xf32, #tpu.memory_space<vmem>>)
        %dma_start3A_90 = arith.constant 0 : i32
        %dma_start3A_91 = arith.constant 0 : i32
        %dma_start3A_92 = tpu.memref_slice %arg14[%dma_start3A_90, %dma_start3A_91] : memref<10000x128xf32, #tpu.memory_space<vmem_shared>> -> memref<10000x128xf32, #tpu.memory_space<vmem_shared>>
        tpu.enqueue_indirect_dma source(%arg10 : memref<80x128xf32, #tpu.memory_space<vmem>>) target(%dma_start3A_92 : memref<10000x128xf32, #tpu.memory_space<vmem_shared>>) offsets(%arg7 : memref<80xi32, #tpu.memory_space<vmem>>) semaphore(%arg21 : memref<!tpu.dma_semaphore, #tpu.memory_space<semaphore_mem>>) {add = true}
        %add3A_93 = arith.constant 2 : i32
        %add3A_94 = arith.addi %add3A_57, %add3A_93 : i32
        %lt3A_95 = arith.constant 125 : i32
        %lt3A_96 = arith.cmpi slt, %add3A_94, %lt3A_95 : i32
        %convert_element_type3A_97 = arith.extui %lt3A_96 : i1 to i32
        %cond3A_98 = arith.constant 0 : i32
        %cond3A_99 = arith.cmpi ne, %convert_element_type3A_97, %cond3A_98 : i32
        scf.if %cond3A_99 {
          %ge3A = arith.constant 1 : i32
          %ge3A_100 = arith.cmpi sge, %add3A_57, %ge3A : i32
          %convert_element_type3A_101 = arith.extui %ge3A_100 : i1 to i32
          %cond3A_102 = arith.constant 0 : i32
          %cond3A_103 = arith.cmpi ne, %convert_element_type3A_101, %cond3A_102 : i32
          scf.if %cond3A_103 {
            %dma_wait3A_119 = arith.constant 0 : i32
            %dma_wait3A_120 = arith.constant 0 : i32
            %dma_wait3A_121 = tpu.memref_slice %arg14[%dma_wait3A_119, %dma_wait3A_120] : memref<10000x128xf32, #tpu.memory_space<vmem_shared>> -> memref<10000x128xf32, #tpu.memory_space<vmem_shared>>
            tpu.wait_indirect_dma semaphore(%arg23 : memref<!tpu.dma_semaphore, #tpu.memory_space<semaphore_mem>>) src(%arg12 : memref<80x128xf32, #tpu.memory_space<vmem>>) dst(%dma_wait3A_121 : memref<10000x128xf32, #tpu.memory_space<vmem_shared>>)
          } else {
          }
          %add3A_104 = arith.constant 2 : i32
          %add3A_105 = arith.addi %add3A_57, %add3A_104 : i32
          %mul3A_106 = arith.constant 10000 : i32
          %mul3A_107 = arith.muli %add3A, %mul3A_106 : i32
          %mul3A_108 = arith.constant 80 : i32
          %mul3A_109 = arith.muli %add3A_105, %mul3A_108 : i32
          %add3A_110 = arith.addi %mul3A_107, %mul3A_109 : i32
          %dma_start3A_111 = tpu.memref_slice %arg4[%add3A_110] : memref<320000xi32, #tpu.memory_space<hbm>> -> memref<80xi32, #tpu.memory_space<hbm>>
          %dma_start3A_112 = tpu.memref_slice %arg4[%add3A_110] : memref<320000xi32, #tpu.memory_space<hbm>> -> memref<80xi32, #tpu.memory_space<hbm>>
          tpu.enqueue_dma source(%dma_start3A_112 : memref<80xi32, #tpu.memory_space<hbm>>) target(%arg9 : memref<80xi32, #tpu.memory_space<vmem>>) target_semaphore(%arg17 : memref<!tpu.dma_semaphore, #tpu.memory_space<semaphore_mem>>)
          %mul3A_113 = arith.constant 80 : i32
          %mul3A_114 = arith.muli %add3A_105, %mul3A_113 : i32
          %dma_start3A_115 = tpu.memref_slice %arg6[%mul3A_114] : memref<10000xi32, #tpu.memory_space<vmem>> -> memref<80xi32, #tpu.memory_space<vmem>>
          %dma_start3A_116 = arith.constant 0 : i32
          %dma_start3A_117 = arith.constant 0 : i32
          %dma_start3A_118 = tpu.memref_slice %arg2[%dma_start3A_116, %dma_start3A_117] : memref<10000x128xf32, #tpu.memory_space<hbm>> -> memref<10000x128xf32, #tpu.memory_space<hbm>>
          tpu.enqueue_indirect_dma source(%dma_start3A_118 : memref<10000x128xf32, #tpu.memory_space<hbm>>) target(%arg12 : memref<80x128xf32, #tpu.memory_space<vmem>>) offsets(%dma_start3A_115 : memref<80xi32, #tpu.memory_space<vmem>>) semaphore(%arg20 : memref<!tpu.dma_semaphore, #tpu.memory_space<semaphore_mem>>)
        } else {
        }
      } else {
      }
      %mul3A_63 = arith.constant 3 : i32
      %mul3A_64 = arith.muli %add3A_53, %mul3A_63 : i32
      %add3A_65 = arith.constant 1 : i32
      %add3A_66 = arith.addi %mul3A_64, %add3A_65 : i32
      %lt3A_67 = arith.constant 125 : i32
      %lt3A_68 = arith.cmpi slt, %add3A_66, %lt3A_67 : i32
      %convert_element_type3A_69 = arith.extui %lt3A_68 : i1 to i32
      %cond3A_70 = arith.constant 0 : i32
      %cond3A_71 = arith.cmpi ne, %convert_element_type3A_69, %cond3A_70 : i32
      scf.if %cond3A_71 {
        %dma_wait3A_81 = arith.constant 0 : i32
        %dma_wait3A_82 = tpu.memref_slice %arg4[%dma_wait3A_81] : memref<320000xi32, #tpu.memory_space<hbm>> -> memref<80xi32, #tpu.memory_space<hbm>>
        %dma_wait3A_83 = arith.constant 0 : i32
        %dma_wait3A_84 = tpu.memref_slice %arg4[%dma_wait3A_83] : memref<320000xi32, #tpu.memory_space<hbm>> -> memref<80xi32, #tpu.memory_space<hbm>>
        tpu.wait_dma2 semaphore(%arg16 : memref<!tpu.dma_semaphore, #tpu.memory_space<semaphore_mem>>) src(%dma_wait3A_84 : memref<80xi32, #tpu.memory_space<hbm>>) dst(%arg8 : memref<80xi32, #tpu.memory_space<vmem>>)
        %dma_wait3A_85 = arith.constant 0 : i32
        %dma_wait3A_86 = tpu.memref_slice %arg6[%dma_wait3A_85] : memref<10000xi32, #tpu.memory_space<vmem>> -> memref<80xi32, #tpu.memory_space<vmem>>
        %dma_wait3A_87 = arith.constant 0 : i32
        %dma_wait3A_88 = arith.constant 0 : i32
        %dma_wait3A_89 = tpu.memref_slice %arg2[%dma_wait3A_87, %dma_wait3A_88] : memref<10000x128xf32, #tpu.memory_space<hbm>> -> memref<10000x128xf32, #tpu.memory_space<hbm>>
        tpu.wait_indirect_dma semaphore(%arg19 : memref<!tpu.dma_semaphore, #tpu.memory_space<semaphore_mem>>) src(%dma_wait3A_89 : memref<10000x128xf32, #tpu.memory_space<hbm>>) dst(%arg11 : memref<80x128xf32, #tpu.memory_space<vmem>>)
        %dma_start3A_90 = arith.constant 0 : i32
        %dma_start3A_91 = arith.constant 0 : i32
        %dma_start3A_92 = tpu.memref_slice %arg14[%dma_start3A_90, %dma_start3A_91] : memref<10000x128xf32, #tpu.memory_space<vmem_shared>> -> memref<10000x128xf32, #tpu.memory_space<vmem_shared>>
        tpu.enqueue_indirect_dma source(%arg11 : memref<80x128xf32, #tpu.memory_space<vmem>>) target(%dma_start3A_92 : memref<10000x128xf32, #tpu.memory_space<vmem_shared>>) offsets(%arg8 : memref<80xi32, #tpu.memory_space<vmem>>) semaphore(%arg22 : memref<!tpu.dma_semaphore, #tpu.memory_space<semaphore_mem>>) {add = true}
        %add3A_93 = arith.constant 2 : i32
        %add3A_94 = arith.addi %add3A_66, %add3A_93 : i32
        %lt3A_95 = arith.constant 125 : i32
        %lt3A_96 = arith.cmpi slt, %add3A_94, %lt3A_95 : i32
        %convert_element_type3A_97 = arith.extui %lt3A_96 : i1 to i32
        %cond3A_98 = arith.constant 0 : i32
        %cond3A_99 = arith.cmpi ne, %convert_element_type3A_97, %cond3A_98 : i32
        scf.if %cond3A_99 {
          %ge3A = arith.constant 1 : i32
          %ge3A_100 = arith.cmpi sge, %add3A_66, %ge3A : i32
          %convert_element_type3A_101 = arith.extui %ge3A_100 : i1 to i32
          %cond3A_102 = arith.constant 0 : i32
          %cond3A_103 = arith.cmpi ne, %convert_element_type3A_101, %cond3A_102 : i32
          scf.if %cond3A_103 {
            %dma_wait3A_119 = arith.constant 0 : i32
            %dma_wait3A_120 = arith.constant 0 : i32
            %dma_wait3A_121 = tpu.memref_slice %arg14[%dma_wait3A_119, %dma_wait3A_120] : memref<10000x128xf32, #tpu.memory_space<vmem_shared>> -> memref<10000x128xf32, #tpu.memory_space<vmem_shared>>
            tpu.wait_indirect_dma semaphore(%arg21 : memref<!tpu.dma_semaphore, #tpu.memory_space<semaphore_mem>>) src(%arg10 : memref<80x128xf32, #tpu.memory_space<vmem>>) dst(%dma_wait3A_121 : memref<10000x128xf32, #tpu.memory_space<vmem_shared>>)
          } else {
          }
          %add3A_104 = arith.constant 2 : i32
          %add3A_105 = arith.addi %add3A_66, %add3A_104 : i32
          %mul3A_106 = arith.constant 10000 : i32
          %mul3A_107 = arith.muli %add3A, %mul3A_106 : i32
          %mul3A_108 = arith.constant 80 : i32
          %mul3A_109 = arith.muli %add3A_105, %mul3A_108 : i32
          %add3A_110 = arith.addi %mul3A_107, %mul3A_109 : i32
          %dma_start3A_111 = tpu.memref_slice %arg4[%add3A_110] : memref<320000xi32, #tpu.memory_space<hbm>> -> memref<80xi32, #tpu.memory_space<hbm>>
          %dma_start3A_112 = tpu.memref_slice %arg4[%add3A_110] : memref<320000xi32, #tpu.memory_space<hbm>> -> memref<80xi32, #tpu.memory_space<hbm>>
          tpu.enqueue_dma source(%dma_start3A_112 : memref<80xi32, #tpu.memory_space<hbm>>) target(%arg7 : memref<80xi32, #tpu.memory_space<vmem>>) target_semaphore(%arg15 : memref<!tpu.dma_semaphore, #tpu.memory_space<semaphore_mem>>)
          %mul3A_113 = arith.constant 80 : i32
          %mul3A_114 = arith.muli %add3A_105, %mul3A_113 : i32
          %dma_start3A_115 = tpu.memref_slice %arg6[%mul3A_114] : memref<10000xi32, #tpu.memory_space<vmem>> -> memref<80xi32, #tpu.memory_space<vmem>>
          %dma_start3A_116 = arith.constant 0 : i32
          %dma_start3A_117 = arith.constant 0 : i32
          %dma_start3A_118 = tpu.memref_slice %arg2[%dma_start3A_116, %dma_start3A_117] : memref<10000x128xf32, #tpu.memory_space<hbm>> -> memref<10000x128xf32, #tpu.memory_space<hbm>>
          tpu.enqueue_indirect_dma source(%dma_start3A_118 : memref<10000x128xf32, #tpu.memory_space<hbm>>) target(%arg10 : memref<80x128xf32, #tpu.memory_space<vmem>>) offsets(%dma_start3A_115 : memref<80xi32, #tpu.memory_space<vmem>>) semaphore(%arg18 : memref<!tpu.dma_semaphore, #tpu.memory_space<semaphore_mem>>)
        } else {
        }
      } else {
      }
      %mul3A_72 = arith.constant 3 : i32
      %mul3A_73 = arith.muli %add3A_53, %mul3A_72 : i32
      %add3A_74 = arith.constant 2 : i32
      %add3A_75 = arith.addi %mul3A_73, %add3A_74 : i32
      %lt3A_76 = arith.constant 125 : i32
      %lt3A_77 = arith.cmpi slt, %add3A_75, %lt3A_76 : i32
      %convert_element_type3A_78 = arith.extui %lt3A_77 : i1 to i32
      %cond3A_79 = arith.constant 0 : i32
      %cond3A_80 = arith.cmpi ne, %convert_element_type3A_78, %cond3A_79 : i32
      scf.if %cond3A_80 {
        %dma_wait3A_81 = arith.constant 0 : i32
        %dma_wait3A_82 = tpu.memref_slice %arg4[%dma_wait3A_81] : memref<320000xi32, #tpu.memory_space<hbm>> -> memref<80xi32, #tpu.memory_space<hbm>>
        %dma_wait3A_83 = arith.constant 0 : i32
        %dma_wait3A_84 = tpu.memref_slice %arg4[%dma_wait3A_83] : memref<320000xi32, #tpu.memory_space<hbm>> -> memref<80xi32, #tpu.memory_space<hbm>>
        tpu.wait_dma2 semaphore(%arg17 : memref<!tpu.dma_semaphore, #tpu.memory_space<semaphore_mem>>) src(%dma_wait3A_84 : memref<80xi32, #tpu.memory_space<hbm>>) dst(%arg9 : memref<80xi32, #tpu.memory_space<vmem>>)
        %dma_wait3A_85 = arith.constant 0 : i32
        %dma_wait3A_86 = tpu.memref_slice %arg6[%dma_wait3A_85] : memref<10000xi32, #tpu.memory_space<vmem>> -> memref<80xi32, #tpu.memory_space<vmem>>
        %dma_wait3A_87 = arith.constant 0 : i32
        %dma_wait3A_88 = arith.constant 0 : i32
        %dma_wait3A_89 = tpu.memref_slice %arg2[%dma_wait3A_87, %dma_wait3A_88] : memref<10000x128xf32, #tpu.memory_space<hbm>> -> memref<10000x128xf32, #tpu.memory_space<hbm>>
        tpu.wait_indirect_dma semaphore(%arg20 : memref<!tpu.dma_semaphore, #tpu.memory_space<semaphore_mem>>) src(%dma_wait3A_89 : memref<10000x128xf32, #tpu.memory_space<hbm>>) dst(%arg12 : memref<80x128xf32, #tpu.memory_space<vmem>>)
        %dma_start3A_90 = arith.constant 0 : i32
        %dma_start3A_91 = arith.constant 0 : i32
        %dma_start3A_92 = tpu.memref_slice %arg14[%dma_start3A_90, %dma_start3A_91] : memref<10000x128xf32, #tpu.memory_space<vmem_shared>> -> memref<10000x128xf32, #tpu.memory_space<vmem_shared>>
        tpu.enqueue_indirect_dma source(%arg12 : memref<80x128xf32, #tpu.memory_space<vmem>>) target(%dma_start3A_92 : memref<10000x128xf32, #tpu.memory_space<vmem_shared>>) offsets(%arg9 : memref<80xi32, #tpu.memory_space<vmem>>) semaphore(%arg23 : memref<!tpu.dma_semaphore, #tpu.memory_space<semaphore_mem>>) {add = true}
        %add3A_93 = arith.constant 2 : i32
        %add3A_94 = arith.addi %add3A_75, %add3A_93 : i32
        %lt3A_95 = arith.constant 125 : i32
        %lt3A_96 = arith.cmpi slt, %add3A_94, %lt3A_95 : i32
        %convert_element_type3A_97 = arith.extui %lt3A_96 : i1 to i32
        %cond3A_98 = arith.constant 0 : i32
        %cond3A_99 = arith.cmpi ne, %convert_element_type3A_97, %cond3A_98 : i32
        scf.if %cond3A_99 {
          %ge3A = arith.constant 1 : i32
          %ge3A_100 = arith.cmpi sge, %add3A_75, %ge3A : i32
          %convert_element_type3A_101 = arith.extui %ge3A_100 : i1 to i32
          %cond3A_102 = arith.constant 0 : i32
          %cond3A_103 = arith.cmpi ne, %convert_element_type3A_101, %cond3A_102 : i32
          scf.if %cond3A_103 {
            %dma_wait3A_119 = arith.constant 0 : i32
            %dma_wait3A_120 = arith.constant 0 : i32
            %dma_wait3A_121 = tpu.memref_slice %arg14[%dma_wait3A_119, %dma_wait3A_120] : memref<10000x128xf32, #tpu.memory_space<vmem_shared>> -> memref<10000x128xf32, #tpu.memory_space<vmem_shared>>
            tpu.wait_indirect_dma semaphore(%arg22 : memref<!tpu.dma_semaphore, #tpu.memory_space<semaphore_mem>>) src(%arg11 : memref<80x128xf32, #tpu.memory_space<vmem>>) dst(%dma_wait3A_121 : memref<10000x128xf32, #tpu.memory_space<vmem_shared>>)
          } else {
          }
          %add3A_104 = arith.constant 2 : i32
          %add3A_105 = arith.addi %add3A_75, %add3A_104 : i32
          %mul3A_106 = arith.constant 10000 : i32
          %mul3A_107 = arith.muli %add3A, %mul3A_106 : i32
          %mul3A_108 = arith.constant 80 : i32
          %mul3A_109 = arith.muli %add3A_105, %mul3A_108 : i32
          %add3A_110 = arith.addi %mul3A_107, %mul3A_109 : i32
          %dma_start3A_111 = tpu.memref_slice %arg4[%add3A_110] : memref<320000xi32, #tpu.memory_space<hbm>> -> memref<80xi32, #tpu.memory_space<hbm>>
          %dma_start3A_112 = tpu.memref_slice %arg4[%add3A_110] : memref<320000xi32, #tpu.memory_space<hbm>> -> memref<80xi32, #tpu.memory_space<hbm>>
          tpu.enqueue_dma source(%dma_start3A_112 : memref<80xi32, #tpu.memory_space<hbm>>) target(%arg8 : memref<80xi32, #tpu.memory_space<vmem>>) target_semaphore(%arg16 : memref<!tpu.dma_semaphore, #tpu.memory_space<semaphore_mem>>)
          %mul3A_113 = arith.constant 80 : i32
          %mul3A_114 = arith.muli %add3A_105, %mul3A_113 : i32
          %dma_start3A_115 = tpu.memref_slice %arg6[%mul3A_114] : memref<10000xi32, #tpu.memory_space<vmem>> -> memref<80xi32, #tpu.memory_space<vmem>>
          %dma_start3A_116 = arith.constant 0 : i32
          %dma_start3A_117 = arith.constant 0 : i32
          %dma_start3A_118 = tpu.memref_slice %arg2[%dma_start3A_116, %dma_start3A_117] : memref<10000x128xf32, #tpu.memory_space<hbm>> -> memref<10000x128xf32, #tpu.memory_space<hbm>>
          tpu.enqueue_indirect_dma source(%dma_start3A_118 : memref<10000x128xf32, #tpu.memory_space<hbm>>) target(%arg11 : memref<80x128xf32, #tpu.memory_space<vmem>>) offsets(%dma_start3A_115 : memref<80xi32, #tpu.memory_space<vmem>>) semaphore(%arg19 : memref<!tpu.dma_semaphore, #tpu.memory_space<semaphore_mem>>)
        } else {
        }
      } else {
      }
    }
    %scan3A_34 = arith.constant 42 : i32
    %dma_wait3A = arith.constant 0 : i32
    %dma_wait3A_35 = arith.constant 0 : i32
    %dma_wait3A_36 = tpu.memref_slice %arg14[%dma_wait3A, %dma_wait3A_35] : memref<10000x128xf32, #tpu.memory_space<vmem_shared>> -> memref<10000x128xf32, #tpu.memory_space<vmem_shared>>
    tpu.wait_indirect_dma semaphore(%arg23 : memref<!tpu.dma_semaphore, #tpu.memory_space<semaphore_mem>>) src(%arg12 : memref<80x128xf32, #tpu.memory_space<vmem>>) dst(%dma_wait3A_36 : memref<10000x128xf32, #tpu.memory_space<vmem_shared>>)
    %dma_wait3A_37 = arith.constant 0 : i32
    %dma_wait3A_38 = arith.constant 0 : i32
    %dma_wait3A_39 = tpu.memref_slice %arg14[%dma_wait3A_37, %dma_wait3A_38] : memref<10000x128xf32, #tpu.memory_space<vmem_shared>> -> memref<10000x128xf32, #tpu.memory_space<vmem_shared>>
    tpu.wait_indirect_dma semaphore(%arg21 : memref<!tpu.dma_semaphore, #tpu.memory_space<semaphore_mem>>) src(%arg10 : memref<80x128xf32, #tpu.memory_space<vmem>>) dst(%dma_wait3A_39 : memref<10000x128xf32, #tpu.memory_space<vmem_shared>>)
    %dma_wait3A_40 = arith.constant 0 : i32
    %dma_wait3A_41 = arith.constant 0 : i32
    %dma_wait3A_42 = tpu.memref_slice %arg14[%dma_wait3A_40, %dma_wait3A_41] : memref<10000x128xf32, #tpu.memory_space<vmem_shared>> -> memref<10000x128xf32, #tpu.memory_space<vmem_shared>>
    tpu.wait_indirect_dma semaphore(%arg22 : memref<!tpu.dma_semaphore, #tpu.memory_space<semaphore_mem>>) src(%arg11 : memref<80x128xf32, #tpu.memory_space<vmem>>) dst(%dma_wait3A_42 : memref<10000x128xf32, #tpu.memory_space<vmem_shared>>)
    %barrier3A_43 = arith.constant 0 : index
    tpu.barrier barrier_id(%barrier3A_43)
    %lt3A_44 = arith.constant 10 : i32
    %lt3A_45 = arith.cmpi slt, %arg1, %lt3A_44 : i32
    %convert_element_type3A_46 = arith.extui %lt3A_45 : i1 to i32
    %cond3A_47 = arith.constant 0 : i32
    %cond3A_48 = arith.cmpi ne, %convert_element_type3A_46, %cond3A_47 : i32
    scf.if %cond3A_48 {
      %mul3A_49 = arith.constant 1000 : i32
      %mul3A_50 = arith.muli %arg1, %mul3A_49 : i32
      %mul3A_51 = arith.constant 1000 : i32
      %mul3A_52 = arith.muli %arg1, %mul3A_51 : i32
      "tpu.region"() ({
        %run_scoped3A = tpu.sem_alloc : memref<!tpu.dma_semaphore, #tpu.memory_space<semaphore_mem>>
        %dma_start3A_53 = arith.constant 0 : i32
        %dma_start3A_54 = tpu.memref_slice %arg5[%arg0, %mul3A_52, %dma_start3A_53] : memref<2x10000x128xf32, #tpu.memory_space<hbm>> -> memref<1x1000x128xf32, #tpu.memory_space<hbm>>
        %dma_start3A_55 = tpu.memref_squeeze %dma_start3A_54 : memref<1x1000x128xf32, #tpu.memory_space<hbm>> -> memref<1000x128xf32, #tpu.memory_space<hbm>>
        %dma_start3A_56 = arith.constant 0 : i32
        %dma_start3A_57 = tpu.memref_slice %arg14[%mul3A_50, %dma_start3A_56] : memref<10000x128xf32, #tpu.memory_space<vmem_shared>> -> memref<1000x128xf32, #tpu.memory_space<vmem_shared>>
        tpu.enqueue_dma source(%dma_start3A_57 : memref<1000x128xf32, #tpu.memory_space<vmem_shared>>) target(%dma_start3A_55 : memref<1000x128xf32, #tpu.memory_space<hbm>>) target_semaphore(%run_scoped3A : memref<!tpu.dma_semaphore, #tpu.memory_space<semaphore_mem>>)
        %dma_wait3A_58 = arith.constant 0 : i32
        %dma_wait3A_59 = tpu.memref_slice %arg5[%arg0, %mul3A_52, %dma_wait3A_58] : memref<2x10000x128xf32, #tpu.memory_space<hbm>> -> memref<1x1000x128xf32, #tpu.memory_space<hbm>>
        %dma_wait3A_60 = tpu.memref_squeeze %dma_wait3A_59 : memref<1x1000x128xf32, #tpu.memory_space<hbm>> -> memref<1000x128xf32, #tpu.memory_space<hbm>>
        %dma_wait3A_61 = arith.constant 0 : i32
        %dma_wait3A_62 = tpu.memref_slice %arg14[%mul3A_50, %dma_wait3A_61] : memref<10000x128xf32, #tpu.memory_space<vmem_shared>> -> memref<1000x128xf32, #tpu.memory_space<vmem_shared>>
        tpu.wait_dma2 semaphore(%run_scoped3A : memref<!tpu.dma_semaphore, #tpu.memory_space<semaphore_mem>>) src(%dma_wait3A_62 : memref<1000x128xf32, #tpu.memory_space<vmem_shared>>) dst(%dma_wait3A_60 : memref<1000x128xf32, #tpu.memory_space<hbm>>)
        tpu.yield
      }) : () -> ()
    } else {
    }
    return
  }
}

#map = affine_map<(d0, d1) -> (0, 0)>
#map1 = affine_map<(d0, d1) -> (0)>
#map2 = affine_map<(d0, d1) -> (0, 0, 0)>
module attributes {stable_mosaic.version = 14 : i64} {
  func.func @body(%arg0: i32, %arg1: i32, %arg2: memref<10000x128xf32, #tpu.memory_space<hbm>>, %arg3: memref<320000xi32, #tpu.memory_space<hbm>>, %arg4: memref<320000xi32, #tpu.memory_space<hbm>>, %arg5: memref<2x10000x128xf32, #tpu.memory_space<hbm>>, %arg6: memref<10000xi32, #tpu.memory_space<vmem>>, %arg7: memref<80xi32, #tpu.memory_space<vmem>>, %arg8: memref<80xi32, #tpu.memory_space<vmem>>, %arg9: memref<80xi32, #tpu.memory_space<vmem>>, %arg10: memref<80x128xf32, #tpu.memory_space<vmem>>, %arg11: memref<80x128xf32, #tpu.memory_space<vmem>>, %arg12: memref<80x128xf32, #tpu.memory_space<vmem>>, %arg13: memref<40x128xf32, #tpu.memory_space<vmem>>, %arg14: memref<10000x128xf32, #tpu.memory_space<vmem_shared>>, %arg15: memref<!tpu.dma_semaphore, #tpu.memory_space<semaphore_mem>>, %arg16: memref<!tpu.dma_semaphore, #tpu.memory_space<semaphore_mem>>, %arg17: memref<!tpu.dma_semaphore, #tpu.memory_space<semaphore_mem>>, %arg18: memref<!tpu.dma_semaphore, #tpu.memory_space<semaphore_mem>>, %arg19: memref<!tpu.dma_semaphore, #tpu.memory_space<semaphore_mem>>, %arg20: memref<!tpu.dma_semaphore, #tpu.memory_space<semaphore_mem>>, %arg21: memref<!tpu.dma_semaphore, #tpu.memory_space<semaphore_mem>>, %arg22: memref<!tpu.dma_semaphore, #tpu.memory_space<semaphore_mem>>, %arg23: memref<!tpu.dma_semaphore, #tpu.memory_space<semaphore_mem>>) attributes {dimension_semantics = [#tpu.dimension_semantics<core_parallel>, #tpu.dimension_semantics<subcore_parallel>], iteration_bounds = array<i64: 2, 16>, scalar_prefetch = 0 : i64, scratch_operands = 18 : i64, tpu.core_type = #tpu.core_type<sc_vector_subcore>, window_params = [{transform_indices = #map}, {transform_indices = #map1}, {transform_indices = #map1}, {transform_indices = #map2}]} {
    %mul3A = arith.constant 2 : i32
    %mul3A_0 = arith.muli %arg1, %mul3A : i32
    %add3A = arith.addi %mul3A_0, %arg0 : i32
    %scan3A = arith.constant 0 : i32
    %scan3A_1 = arith.constant 320 : i32
    %scan3A_2 = arith.addi %scan3A, %scan3A_1 : i32
    %scan3A_3 = arith.constant 1 : i32
    scf.for %scan3A_49 = %scan3A to %scan3A_2 step %scan3A_3  : i32 {
      %mul3A_50 = arith.constant 1 : i32
      %mul3A_51 = arith.muli %scan3A_49, %mul3A_50 : i32
      %add3A_52 = arith.constant 0 : i32
      %add3A_53 = arith.addi %add3A_52, %mul3A_51 : i32
      %broadcast_in_dim3A = arith.constant 0.000000e+00 : f32
      %broadcast_in_dim3A_54 = vector.broadcast %broadcast_in_dim3A : f32 to vector<16xf32>
      %jit3A = arith.constant 8 : i32
      %div3A = arith.divsi %add3A_53, %jit3A : i32
      %sign3A = arith.constant 0 : i32
      %sign3A_55 = arith.cmpi sgt, %add3A_53, %sign3A : i32
      %sign3A_56 = arith.extui %sign3A_55 : i1 to i32
      %sign3A_57 = arith.constant 0 : i32
      %sign3A_58 = arith.cmpi slt, %add3A_53, %sign3A_57 : i32
      %sign3A_59 = arith.extui %sign3A_58 : i1 to i32
      %sign3A_60 = arith.subi %sign3A_56, %sign3A_59 : i32
      %sign3A_61 = arith.constant 0 : i32
      %sign3A_62 = arith.cmpi sgt, %jit3A, %sign3A_61 : i32
      %sign3A_63 = arith.extui %sign3A_62 : i1 to i32
      %sign3A_64 = arith.constant 0 : i32
      %sign3A_65 = arith.cmpi slt, %jit3A, %sign3A_64 : i32
      %sign3A_66 = arith.extui %sign3A_65 : i1 to i32
      %sign3A_67 = arith.subi %sign3A_63, %sign3A_66 : i32
      %ne3A = arith.cmpi ne, %sign3A_60, %sign3A_67 : i32
      %rem3A = arith.remsi %add3A_53, %jit3A : i32
      %ne3A_68 = arith.constant 0 : i32
      %ne3A_69 = arith.cmpi ne, %rem3A, %ne3A_68 : i32
      %and3A = arith.andi %ne3A, %ne3A_69 : i1
      %sub3A = arith.constant 1 : i32
      %sub3A_70 = arith.subi %div3A, %sub3A : i32
      %select_n3A = arith.select %and3A, %sub3A_70, %div3A : i32
      %jit3A_71 = arith.constant 8 : i32
      %eq3A = arith.constant 0 : i32
      %eq3A_72 = arith.cmpi eq, %jit3A_71, %eq3A : i32
      %jit3A_73 = arith.constant 1 : i32
      %select_n3A_74 = arith.select %eq3A_72, %jit3A_73, %jit3A_71 : i32
      %rem3A_75 = arith.remsi %add3A_53, %select_n3A_74 : i32
      %ne3A_76 = arith.constant 0 : i32
      %ne3A_77 = arith.cmpi ne, %rem3A_75, %ne3A_76 : i32
      %lt3A_78 = arith.constant 0 : i32
      %lt3A_79 = arith.cmpi slt, %rem3A_75, %lt3A_78 : i32
      %lt3A_80 = arith.constant 0 : i32
      %lt3A_81 = arith.cmpi slt, %select_n3A_74, %lt3A_80 : i32
      %ne3A_82 = arith.xori %lt3A_79, %lt3A_81 : i1
      %and3A_83 = arith.andi %ne3A_82, %ne3A_77 : i1
      %add3A_84 = arith.addi %rem3A_75, %select_n3A_74 : i32
      %select_n3A_85 = arith.select %and3A_83, %add3A_84, %rem3A_75 : i32
      %mul3A_86 = arith.constant 16 : i32
      %mul3A_87 = arith.muli %select_n3A_85, %mul3A_86 : i32
      %swap3A = arith.index_cast %select_n3A : i32 to index
      %swap3A_88 = arith.index_cast %mul3A_87 : i32 to index
      %swap3A_89 = tpu.vector_load %arg13[%swap3A, %swap3A_88] {strides = array<i32>} : memref<40x128xf32, #tpu.memory_space<vmem>>, vector<1x16xf32>,
      %swap3A_90 = vector.shape_cast %swap3A_89 : vector<1x16xf32> to vector<16xf32>
      %swap3A_91 = vector.shape_cast %broadcast_in_dim3A_54 : vector<16xf32> to vector<1x16xf32>
      tpu.vector_store %arg13[%swap3A, %swap3A_88], %swap3A_91 {strides = array<i32>} : memref<40x128xf32, #tpu.memory_space<vmem>>, vector<1x16xf32>,
    }
    %scan3A_4 = arith.constant 320 : i32
    %lt3A = arith.constant 10 : i32
    %lt3A_5 = arith.cmpi slt, %arg1, %lt3A : i32
    %convert_element_type3A = arith.extui %lt3A_5 : i1 to i32
    %cond3A = arith.constant 0 : i32
    %cond3A_6 = arith.cmpi ne, %convert_element_type3A, %cond3A : i32
    scf.if %cond3A_6 {
      %mul3A_49 = arith.constant 1000 : i32
      %mul3A_50 = arith.muli %arg1, %mul3A_49 : i32
      %add3A_51 = arith.constant 0 : i32
      %add3A_52 = arith.addi %mul3A_50, %add3A_51 : i32
      "tpu.region"() ({
        %run_scoped3A = tpu.sem_alloc : memref<!tpu.dma_semaphore, #tpu.memory_space<semaphore_mem>>
        %dma_start3A_149 = arith.constant 0 : i32
        %dma_start3A_150 = tpu.memref_slice %arg14[%add3A_52, %dma_start3A_149] : memref<10000x128xf32, #tpu.memory_space<vmem_shared>> -> memref<40x128xf32, #tpu.memory_space<vmem_shared>>
        %dma_start3A_151 = arith.constant 0 : i32
        %dma_start3A_152 = tpu.memref_slice %arg14[%add3A_52, %dma_start3A_151] : memref<10000x128xf32, #tpu.memory_space<vmem_shared>> -> memref<40x128xf32, #tpu.memory_space<vmem_shared>>
        tpu.enqueue_dma source(%arg13 : memref<40x128xf32, #tpu.memory_space<vmem>>) target(%dma_start3A_152 : memref<40x128xf32, #tpu.memory_space<vmem_shared>>) target_semaphore(%run_scoped3A : memref<!tpu.dma_semaphore, #tpu.memory_space<semaphore_mem>>)
        %dma_wait3A_153 = arith.constant 0 : i32
        %dma_wait3A_154 = tpu.memref_slice %arg14[%add3A_52, %dma_wait3A_153] : memref<10000x128xf32, #tpu.memory_space<vmem_shared>> -> memref<40x128xf32, #tpu.memory_space<vmem_shared>>
        %dma_wait3A_155 = arith.constant 0 : i32
        %dma_wait3A_156 = tpu.memref_slice %arg14[%add3A_52, %dma_wait3A_155] : memref<10000x128xf32, #tpu.memory_space<vmem_shared>> -> memref<40x128xf32, #tpu.memory_space<vmem_shared>>
        tpu.wait_dma2 semaphore(%run_scoped3A : memref<!tpu.dma_semaphore, #tpu.memory_space<semaphore_mem>>) src(%arg13 : memref<40x128xf32, #tpu.memory_space<vmem>>) dst(%dma_wait3A_156 : memref<40x128xf32, #tpu.memory_space<vmem_shared>>)
        tpu.yield
      }) : () -> ()
      %mul3A_53 = arith.constant 1000 : i32
      %mul3A_54 = arith.muli %arg1, %mul3A_53 : i32
      %add3A_55 = arith.constant 40 : i32
      %add3A_56 = arith.addi %mul3A_54, %add3A_55 : i32
      "tpu.region"() ({
        %run_scoped3A = tpu.sem_alloc : memref<!tpu.dma_semaphore, #tpu.memory_space<semaphore_mem>>
        %dma_start3A_149 = arith.constant 0 : i32
        %dma_start3A_150 = tpu.memref_slice %arg14[%add3A_56, %dma_start3A_149] : memref<10000x128xf32, #tpu.memory_space<vmem_shared>> -> memref<40x128xf32, #tpu.memory_space<vmem_shared>>
        %dma_start3A_151 = arith.constant 0 : i32
        %dma_start3A_152 = tpu.memref_slice %arg14[%add3A_56, %dma_start3A_151] : memref<10000x128xf32, #tpu.memory_space<vmem_shared>> -> memref<40x128xf32, #tpu.memory_space<vmem_shared>>
        tpu.enqueue_dma source(%arg13 : memref<40x128xf32, #tpu.memory_space<vmem>>) target(%dma_start3A_152 : memref<40x128xf32, #tpu.memory_space<vmem_shared>>) target_semaphore(%run_scoped3A : memref<!tpu.dma_semaphore, #tpu.memory_space<semaphore_mem>>)
        %dma_wait3A_153 = arith.constant 0 : i32
        %dma_wait3A_154 = tpu.memref_slice %arg14[%add3A_56, %dma_wait3A_153] : memref<10000x128xf32, #tpu.memory_space<vmem_shared>> -> memref<40x128xf32, #tpu.memory_space<vmem_shared>>
        %dma_wait3A_155 = arith.constant 0 : i32
        %dma_wait3A_156 = tpu.memref_slice %arg14[%add3A_56, %dma_wait3A_155] : memref<10000x128xf32, #tpu.memory_space<vmem_shared>> -> memref<40x128xf32, #tpu.memory_space<vmem_shared>>
        tpu.wait_dma2 semaphore(%run_scoped3A : memref<!tpu.dma_semaphore, #tpu.memory_space<semaphore_mem>>) src(%arg13 : memref<40x128xf32, #tpu.memory_space<vmem>>) dst(%dma_wait3A_156 : memref<40x128xf32, #tpu.memory_space<vmem_shared>>)
        tpu.yield
      }) : () -> ()
      %mul3A_57 = arith.constant 1000 : i32
      %mul3A_58 = arith.muli %arg1, %mul3A_57 : i32
      %add3A_59 = arith.constant 80 : i32
      %add3A_60 = arith.addi %mul3A_58, %add3A_59 : i32
      "tpu.region"() ({
        %run_scoped3A = tpu.sem_alloc : memref<!tpu.dma_semaphore, #tpu.memory_space<semaphore_mem>>
        %dma_start3A_149 = arith.constant 0 : i32
        %dma_start3A_150 = tpu.memref_slice %arg14[%add3A_60, %dma_start3A_149] : memref<10000x128xf32, #tpu.memory_space<vmem_shared>> -> memref<40x128xf32, #tpu.memory_space<vmem_shared>>
        %dma_start3A_151 = arith.constant 0 : i32
        %dma_start3A_152 = tpu.memref_slice %arg14[%add3A_60, %dma_start3A_151] : memref<10000x128xf32, #tpu.memory_space<vmem_shared>> -> memref<40x128xf32, #tpu.memory_space<vmem_shared>>
        tpu.enqueue_dma source(%arg13 : memref<40x128xf32, #tpu.memory_space<vmem>>) target(%dma_start3A_152 : memref<40x128xf32, #tpu.memory_space<vmem_shared>>) target_semaphore(%run_scoped3A : memref<!tpu.dma_semaphore, #tpu.memory_space<semaphore_mem>>)
        %dma_wait3A_153 = arith.constant 0 : i32
        %dma_wait3A_154 = tpu.memref_slice %arg14[%add3A_60, %dma_wait3A_153] : memref<10000x128xf32, #tpu.memory_space<vmem_shared>> -> memref<40x128xf32, #tpu.memory_space<vmem_shared>>
        %dma_wait3A_155 = arith.constant 0 : i32
        %dma_wait3A_156 = tpu.memref_slice %arg14[%add3A_60, %dma_wait3A_155] : memref<10000x128xf32, #tpu.memory_space<vmem_shared>> -> memref<40x128xf32, #tpu.memory_space<vmem_shared>>
        tpu.wait_dma2 semaphore(%run_scoped3A : memref<!tpu.dma_semaphore, #tpu.memory_space<semaphore_mem>>) src(%arg13 : memref<40x128xf32, #tpu.memory_space<vmem>>) dst(%dma_wait3A_156 : memref<40x128xf32, #tpu.memory_space<vmem_shared>>)
        tpu.yield
      }) : () -> ()
      %mul3A_61 = arith.constant 1000 : i32
      %mul3A_62 = arith.muli %arg1, %mul3A_61 : i32
      %add3A_63 = arith.constant 120 : i32
      %add3A_64 = arith.addi %mul3A_62, %add3A_63 : i32
      "tpu.region"() ({
        %run_scoped3A = tpu.sem_alloc : memref<!tpu.dma_semaphore, #tpu.memory_space<semaphore_mem>>
        %dma_start3A_149 = arith.constant 0 : i32
        %dma_start3A_150 = tpu.memref_slice %arg14[%add3A_64, %dma_start3A_149] : memref<10000x128xf32, #tpu.memory_space<vmem_shared>> -> memref<40x128xf32, #tpu.memory_space<vmem_shared>>
        %dma_start3A_151 = arith.constant 0 : i32
        %dma_start3A_152 = tpu.memref_slice %arg14[%add3A_64, %dma_start3A_151] : memref<10000x128xf32, #tpu.memory_space<vmem_shared>> -> memref<40x128xf32, #tpu.memory_space<vmem_shared>>
        tpu.enqueue_dma source(%arg13 : memref<40x128xf32, #tpu.memory_space<vmem>>) target(%dma_start3A_152 : memref<40x128xf32, #tpu.memory_space<vmem_shared>>) target_semaphore(%run_scoped3A : memref<!tpu.dma_semaphore, #tpu.memory_space<semaphore_mem>>)
        %dma_wait3A_153 = arith.constant 0 : i32
        %dma_wait3A_154 = tpu.memref_slice %arg14[%add3A_64, %dma_wait3A_153] : memref<10000x128xf32, #tpu.memory_space<vmem_shared>> -> memref<40x128xf32, #tpu.memory_space<vmem_shared>>
        %dma_wait3A_155 = arith.constant 0 : i32
        %dma_wait3A_156 = tpu.memref_slice %arg14[%add3A_64, %dma_wait3A_155] : memref<10000x128xf32, #tpu.memory_space<vmem_shared>> -> memref<40x128xf32, #tpu.memory_space<vmem_shared>>
        tpu.wait_dma2 semaphore(%run_scoped3A : memref<!tpu.dma_semaphore, #tpu.memory_space<semaphore_mem>>) src(%arg13 : memref<40x128xf32, #tpu.memory_space<vmem>>) dst(%dma_wait3A_156 : memref<40x128xf32, #tpu.memory_space<vmem_shared>>)
        tpu.yield
      }) : () -> ()
      %mul3A_65 = arith.constant 1000 : i32
      %mul3A_66 = arith.muli %arg1, %mul3A_65 : i32
      %add3A_67 = arith.constant 160 : i32
      %add3A_68 = arith.addi %mul3A_66, %add3A_67 : i32
      "tpu.region"() ({
        %run_scoped3A = tpu.sem_alloc : memref<!tpu.dma_semaphore, #tpu.memory_space<semaphore_mem>>
        %dma_start3A_149 = arith.constant 0 : i32
        %dma_start3A_150 = tpu.memref_slice %arg14[%add3A_68, %dma_start3A_149] : memref<10000x128xf32, #tpu.memory_space<vmem_shared>> -> memref<40x128xf32, #tpu.memory_space<vmem_shared>>
        %dma_start3A_151 = arith.constant 0 : i32
        %dma_start3A_152 = tpu.memref_slice %arg14[%add3A_68, %dma_start3A_151] : memref<10000x128xf32, #tpu.memory_space<vmem_shared>> -> memref<40x128xf32, #tpu.memory_space<vmem_shared>>
        tpu.enqueue_dma source(%arg13 : memref<40x128xf32, #tpu.memory_space<vmem>>) target(%dma_start3A_152 : memref<40x128xf32, #tpu.memory_space<vmem_shared>>) target_semaphore(%run_scoped3A : memref<!tpu.dma_semaphore, #tpu.memory_space<semaphore_mem>>)
        %dma_wait3A_153 = arith.constant 0 : i32
        %dma_wait3A_154 = tpu.memref_slice %arg14[%add3A_68, %dma_wait3A_153] : memref<10000x128xf32, #tpu.memory_space<vmem_shared>> -> memref<40x128xf32, #tpu.memory_space<vmem_shared>>
        %dma_wait3A_155 = arith.constant 0 : i32
        %dma_wait3A_156 = tpu.memref_slice %arg14[%add3A_68, %dma_wait3A_155] : memref<10000x128xf32, #tpu.memory_space<vmem_shared>> -> memref<40x128xf32, #tpu.memory_space<vmem_shared>>
        tpu.wait_dma2 semaphore(%run_scoped3A : memref<!tpu.dma_semaphore, #tpu.memory_space<semaphore_mem>>) src(%arg13 : memref<40x128xf32, #tpu.memory_space<vmem>>) dst(%dma_wait3A_156 : memref<40x128xf32, #tpu.memory_space<vmem_shared>>)
        tpu.yield
      }) : () -> ()
      %mul3A_69 = arith.constant 1000 : i32
      %mul3A_70 = arith.muli %arg1, %mul3A_69 : i32
      %add3A_71 = arith.constant 200 : i32
      %add3A_72 = arith.addi %mul3A_70, %add3A_71 : i32
      "tpu.region"() ({
        %run_scoped3A = tpu.sem_alloc : memref<!tpu.dma_semaphore, #tpu.memory_space<semaphore_mem>>
        %dma_start3A_149 = arith.constant 0 : i32
        %dma_start3A_150 = tpu.memref_slice %arg14[%add3A_72, %dma_start3A_149] : memref<10000x128xf32, #tpu.memory_space<vmem_shared>> -> memref<40x128xf32, #tpu.memory_space<vmem_shared>>
        %dma_start3A_151 = arith.constant 0 : i32
        %dma_start3A_152 = tpu.memref_slice %arg14[%add3A_72, %dma_start3A_151] : memref<10000x128xf32, #tpu.memory_space<vmem_shared>> -> memref<40x128xf32, #tpu.memory_space<vmem_shared>>
        tpu.enqueue_dma source(%arg13 : memref<40x128xf32, #tpu.memory_space<vmem>>) target(%dma_start3A_152 : memref<40x128xf32, #tpu.memory_space<vmem_shared>>) target_semaphore(%run_scoped3A : memref<!tpu.dma_semaphore, #tpu.memory_space<semaphore_mem>>)
        %dma_wait3A_153 = arith.constant 0 : i32
        %dma_wait3A_154 = tpu.memref_slice %arg14[%add3A_72, %dma_wait3A_153] : memref<10000x128xf32, #tpu.memory_space<vmem_shared>> -> memref<40x128xf32, #tpu.memory_space<vmem_shared>>
        %dma_wait3A_155 = arith.constant 0 : i32
        %dma_wait3A_156 = tpu.memref_slice %arg14[%add3A_72, %dma_wait3A_155] : memref<10000x128xf32, #tpu.memory_space<vmem_shared>> -> memref<40x128xf32, #tpu.memory_space<vmem_shared>>
        tpu.wait_dma2 semaphore(%run_scoped3A : memref<!tpu.dma_semaphore, #tpu.memory_space<semaphore_mem>>) src(%arg13 : memref<40x128xf32, #tpu.memory_space<vmem>>) dst(%dma_wait3A_156 : memref<40x128xf32, #tpu.memory_space<vmem_shared>>)
        tpu.yield
      }) : () -> ()
      %mul3A_73 = arith.constant 1000 : i32
      %mul3A_74 = arith.muli %arg1, %mul3A_73 : i32
      %add3A_75 = arith.constant 240 : i32
      %add3A_76 = arith.addi %mul3A_74, %add3A_75 : i32
      "tpu.region"() ({
        %run_scoped3A = tpu.sem_alloc : memref<!tpu.dma_semaphore, #tpu.memory_space<semaphore_mem>>
        %dma_start3A_149 = arith.constant 0 : i32
        %dma_start3A_150 = tpu.memref_slice %arg14[%add3A_76, %dma_start3A_149] : memref<10000x128xf32, #tpu.memory_space<vmem_shared>> -> memref<40x128xf32, #tpu.memory_space<vmem_shared>>
        %dma_start3A_151 = arith.constant 0 : i32
        %dma_start3A_152 = tpu.memref_slice %arg14[%add3A_76, %dma_start3A_151] : memref<10000x128xf32, #tpu.memory_space<vmem_shared>> -> memref<40x128xf32, #tpu.memory_space<vmem_shared>>
        tpu.enqueue_dma source(%arg13 : memref<40x128xf32, #tpu.memory_space<vmem>>) target(%dma_start3A_152 : memref<40x128xf32, #tpu.memory_space<vmem_shared>>) target_semaphore(%run_scoped3A : memref<!tpu.dma_semaphore, #tpu.memory_space<semaphore_mem>>)
        %dma_wait3A_153 = arith.constant 0 : i32
        %dma_wait3A_154 = tpu.memref_slice %arg14[%add3A_76, %dma_wait3A_153] : memref<10000x128xf32, #tpu.memory_space<vmem_shared>> -> memref<40x128xf32, #tpu.memory_space<vmem_shared>>
        %dma_wait3A_155 = arith.constant 0 : i32
        %dma_wait3A_156 = tpu.memref_slice %arg14[%add3A_76, %dma_wait3A_155] : memref<10000x128xf32, #tpu.memory_space<vmem_shared>> -> memref<40x128xf32, #tpu.memory_space<vmem_shared>>
        tpu.wait_dma2 semaphore(%run_scoped3A : memref<!tpu.dma_semaphore, #tpu.memory_space<semaphore_mem>>) src(%arg13 : memref<40x128xf32, #tpu.memory_space<vmem>>) dst(%dma_wait3A_156 : memref<40x128xf32, #tpu.memory_space<vmem_shared>>)
        tpu.yield
      }) : () -> ()
      %mul3A_77 = arith.constant 1000 : i32
      %mul3A_78 = arith.muli %arg1, %mul3A_77 : i32
      %add3A_79 = arith.constant 280 : i32
      %add3A_80 = arith.addi %mul3A_78, %add3A_79 : i32
      "tpu.region"() ({
        %run_scoped3A = tpu.sem_alloc : memref<!tpu.dma_semaphore, #tpu.memory_space<semaphore_mem>>
        %dma_start3A_149 = arith.constant 0 : i32
        %dma_start3A_150 = tpu.memref_slice %arg14[%add3A_80, %dma_start3A_149] : memref<10000x128xf32, #tpu.memory_space<vmem_shared>> -> memref<40x128xf32, #tpu.memory_space<vmem_shared>>
        %dma_start3A_151 = arith.constant 0 : i32
        %dma_start3A_152 = tpu.memref_slice %arg14[%add3A_80, %dma_start3A_151] : memref<10000x128xf32, #tpu.memory_space<vmem_shared>> -> memref<40x128xf32, #tpu.memory_space<vmem_shared>>
        tpu.enqueue_dma source(%arg13 : memref<40x128xf32, #tpu.memory_space<vmem>>) target(%dma_start3A_152 : memref<40x128xf32, #tpu.memory_space<vmem_shared>>) target_semaphore(%run_scoped3A : memref<!tpu.dma_semaphore, #tpu.memory_space<semaphore_mem>>)
        %dma_wait3A_153 = arith.constant 0 : i32
        %dma_wait3A_154 = tpu.memref_slice %arg14[%add3A_80, %dma_wait3A_153] : memref<10000x128xf32, #tpu.memory_space<vmem_shared>> -> memref<40x128xf32, #tpu.memory_space<vmem_shared>>
        %dma_wait3A_155 = arith.constant 0 : i32
        %dma_wait3A_156 = tpu.memref_slice %arg14[%add3A_80, %dma_wait3A_155] : memref<10000x128xf32, #tpu.memory_space<vmem_shared>> -> memref<40x128xf32, #tpu.memory_space<vmem_shared>>
        tpu.wait_dma2 semaphore(%run_scoped3A : memref<!tpu.dma_semaphore, #tpu.memory_space<semaphore_mem>>) src(%arg13 : memref<40x128xf32, #tpu.memory_space<vmem>>) dst(%dma_wait3A_156 : memref<40x128xf32, #tpu.memory_space<vmem_shared>>)
        tpu.yield
      }) : () -> ()
      %mul3A_81 = arith.constant 1000 : i32
      %mul3A_82 = arith.muli %arg1, %mul3A_81 : i32
      %add3A_83 = arith.constant 320 : i32
      %add3A_84 = arith.addi %mul3A_82, %add3A_83 : i32
      "tpu.region"() ({
        %run_scoped3A = tpu.sem_alloc : memref<!tpu.dma_semaphore, #tpu.memory_space<semaphore_mem>>
        %dma_start3A_149 = arith.constant 0 : i32
        %dma_start3A_150 = tpu.memref_slice %arg14[%add3A_84, %dma_start3A_149] : memref<10000x128xf32, #tpu.memory_space<vmem_shared>> -> memref<40x128xf32, #tpu.memory_space<vmem_shared>>
        %dma_start3A_151 = arith.constant 0 : i32
        %dma_start3A_152 = tpu.memref_slice %arg14[%add3A_84, %dma_start3A_151] : memref<10000x128xf32, #tpu.memory_space<vmem_shared>> -> memref<40x128xf32, #tpu.memory_space<vmem_shared>>
        tpu.enqueue_dma source(%arg13 : memref<40x128xf32, #tpu.memory_space<vmem>>) target(%dma_start3A_152 : memref<40x128xf32, #tpu.memory_space<vmem_shared>>) target_semaphore(%run_scoped3A : memref<!tpu.dma_semaphore, #tpu.memory_space<semaphore_mem>>)
        %dma_wait3A_153 = arith.constant 0 : i32
        %dma_wait3A_154 = tpu.memref_slice %arg14[%add3A_84, %dma_wait3A_153] : memref<10000x128xf32, #tpu.memory_space<vmem_shared>> -> memref<40x128xf32, #tpu.memory_space<vmem_shared>>
        %dma_wait3A_155 = arith.constant 0 : i32
        %dma_wait3A_156 = tpu.memref_slice %arg14[%add3A_84, %dma_wait3A_155] : memref<10000x128xf32, #tpu.memory_space<vmem_shared>> -> memref<40x128xf32, #tpu.memory_space<vmem_shared>>
        tpu.wait_dma2 semaphore(%run_scoped3A : memref<!tpu.dma_semaphore, #tpu.memory_space<semaphore_mem>>) src(%arg13 : memref<40x128xf32, #tpu.memory_space<vmem>>) dst(%dma_wait3A_156 : memref<40x128xf32, #tpu.memory_space<vmem_shared>>)
        tpu.yield
      }) : () -> ()
      %mul3A_85 = arith.constant 1000 : i32
      %mul3A_86 = arith.muli %arg1, %mul3A_85 : i32
      %add3A_87 = arith.constant 360 : i32
      %add3A_88 = arith.addi %mul3A_86, %add3A_87 : i32
      "tpu.region"() ({
        %run_scoped3A = tpu.sem_alloc : memref<!tpu.dma_semaphore, #tpu.memory_space<semaphore_mem>>
        %dma_start3A_149 = arith.constant 0 : i32
        %dma_start3A_150 = tpu.memref_slice %arg14[%add3A_88, %dma_start3A_149] : memref<10000x128xf32, #tpu.memory_space<vmem_shared>> -> memref<40x128xf32, #tpu.memory_space<vmem_shared>>
        %dma_start3A_151 = arith.constant 0 : i32
        %dma_start3A_152 = tpu.memref_slice %arg14[%add3A_88, %dma_start3A_151] : memref<10000x128xf32, #tpu.memory_space<vmem_shared>> -> memref<40x128xf32, #tpu.memory_space<vmem_shared>>
        tpu.enqueue_dma source(%arg13 : memref<40x128xf32, #tpu.memory_space<vmem>>) target(%dma_start3A_152 : memref<40x128xf32, #tpu.memory_space<vmem_shared>>) target_semaphore(%run_scoped3A : memref<!tpu.dma_semaphore, #tpu.memory_space<semaphore_mem>>)
        %dma_wait3A_153 = arith.constant 0 : i32
        %dma_wait3A_154 = tpu.memref_slice %arg14[%add3A_88, %dma_wait3A_153] : memref<10000x128xf32, #tpu.memory_space<vmem_shared>> -> memref<40x128xf32, #tpu.memory_space<vmem_shared>>
        %dma_wait3A_155 = arith.constant 0 : i32
        %dma_wait3A_156 = tpu.memref_slice %arg14[%add3A_88, %dma_wait3A_155] : memref<10000x128xf32, #tpu.memory_space<vmem_shared>> -> memref<40x128xf32, #tpu.memory_space<vmem_shared>>
        tpu.wait_dma2 semaphore(%run_scoped3A : memref<!tpu.dma_semaphore, #tpu.memory_space<semaphore_mem>>) src(%arg13 : memref<40x128xf32, #tpu.memory_space<vmem>>) dst(%dma_wait3A_156 : memref<40x128xf32, #tpu.memory_space<vmem_shared>>)
        tpu.yield
      }) : () -> ()
      %mul3A_89 = arith.constant 1000 : i32
      %mul3A_90 = arith.muli %arg1, %mul3A_89 : i32
      %add3A_91 = arith.constant 400 : i32
      %add3A_92 = arith.addi %mul3A_90, %add3A_91 : i32
      "tpu.region"() ({
        %run_scoped3A = tpu.sem_alloc : memref<!tpu.dma_semaphore, #tpu.memory_space<semaphore_mem>>
        %dma_start3A_149 = arith.constant 0 : i32
        %dma_start3A_150 = tpu.memref_slice %arg14[%add3A_92, %dma_start3A_149] : memref<10000x128xf32, #tpu.memory_space<vmem_shared>> -> memref<40x128xf32, #tpu.memory_space<vmem_shared>>
        %dma_start3A_151 = arith.constant 0 : i32
        %dma_start3A_152 = tpu.memref_slice %arg14[%add3A_92, %dma_start3A_151] : memref<10000x128xf32, #tpu.memory_space<vmem_shared>> -> memref<40x128xf32, #tpu.memory_space<vmem_shared>>
        tpu.enqueue_dma source(%arg13 : memref<40x128xf32, #tpu.memory_space<vmem>>) target(%dma_start3A_152 : memref<40x128xf32, #tpu.memory_space<vmem_shared>>) target_semaphore(%run_scoped3A : memref<!tpu.dma_semaphore, #tpu.memory_space<semaphore_mem>>)
        %dma_wait3A_153 = arith.constant 0 : i32
        %dma_wait3A_154 = tpu.memref_slice %arg14[%add3A_92, %dma_wait3A_153] : memref<10000x128xf32, #tpu.memory_space<vmem_shared>> -> memref<40x128xf32, #tpu.memory_space<vmem_shared>>
        %dma_wait3A_155 = arith.constant 0 : i32
        %dma_wait3A_156 = tpu.memref_slice %arg14[%add3A_92, %dma_wait3A_155] : memref<10000x128xf32, #tpu.memory_space<vmem_shared>> -> memref<40x128xf32, #tpu.memory_space<vmem_shared>>
        tpu.wait_dma2 semaphore(%run_scoped3A : memref<!tpu.dma_semaphore, #tpu.memory_space<semaphore_mem>>) src(%arg13 : memref<40x128xf32, #tpu.memory_space<vmem>>) dst(%dma_wait3A_156 : memref<40x128xf32, #tpu.memory_space<vmem_shared>>)
        tpu.yield
      }) : () -> ()
      %mul3A_93 = arith.constant 1000 : i32
      %mul3A_94 = arith.muli %arg1, %mul3A_93 : i32
      %add3A_95 = arith.constant 440 : i32
      %add3A_96 = arith.addi %mul3A_94, %add3A_95 : i32
      "tpu.region"() ({
        %run_scoped3A = tpu.sem_alloc : memref<!tpu.dma_semaphore, #tpu.memory_space<semaphore_mem>>
        %dma_start3A_149 = arith.constant 0 : i32
        %dma_start3A_150 = tpu.memref_slice %arg14[%add3A_96, %dma_start3A_149] : memref<10000x128xf32, #tpu.memory_space<vmem_shared>> -> memref<40x128xf32, #tpu.memory_space<vmem_shared>>
        %dma_start3A_151 = arith.constant 0 : i32
        %dma_start3A_152 = tpu.memref_slice %arg14[%add3A_96, %dma_start3A_151] : memref<10000x128xf32, #tpu.memory_space<vmem_shared>> -> memref<40x128xf32, #tpu.memory_space<vmem_shared>>
        tpu.enqueue_dma source(%arg13 : memref<40x128xf32, #tpu.memory_space<vmem>>) target(%dma_start3A_152 : memref<40x128xf32, #tpu.memory_space<vmem_shared>>) target_semaphore(%run_scoped3A : memref<!tpu.dma_semaphore, #tpu.memory_space<semaphore_mem>>)
        %dma_wait3A_153 = arith.constant 0 : i32
        %dma_wait3A_154 = tpu.memref_slice %arg14[%add3A_96, %dma_wait3A_153] : memref<10000x128xf32, #tpu.memory_space<vmem_shared>> -> memref<40x128xf32, #tpu.memory_space<vmem_shared>>
        %dma_wait3A_155 = arith.constant 0 : i32
        %dma_wait3A_156 = tpu.memref_slice %arg14[%add3A_96, %dma_wait3A_155] : memref<10000x128xf32, #tpu.memory_space<vmem_shared>> -> memref<40x128xf32, #tpu.memory_space<vmem_shared>>
        tpu.wait_dma2 semaphore(%run_scoped3A : memref<!tpu.dma_semaphore, #tpu.memory_space<semaphore_mem>>) src(%arg13 : memref<40x128xf32, #tpu.memory_space<vmem>>) dst(%dma_wait3A_156 : memref<40x128xf32, #tpu.memory_space<vmem_shared>>)
        tpu.yield
      }) : () -> ()
      %mul3A_97 = arith.constant 1000 : i32
      %mul3A_98 = arith.muli %arg1, %mul3A_97 : i32
      %add3A_99 = arith.constant 480 : i32
      %add3A_100 = arith.addi %mul3A_98, %add3A_99 : i32
      "tpu.region"() ({
        %run_scoped3A = tpu.sem_alloc : memref<!tpu.dma_semaphore, #tpu.memory_space<semaphore_mem>>
        %dma_start3A_149 = arith.constant 0 : i32
        %dma_start3A_150 = tpu.memref_slice %arg14[%add3A_100, %dma_start3A_149] : memref<10000x128xf32, #tpu.memory_space<vmem_shared>> -> memref<40x128xf32, #tpu.memory_space<vmem_shared>>
        %dma_start3A_151 = arith.constant 0 : i32
        %dma_start3A_152 = tpu.memref_slice %arg14[%add3A_100, %dma_start3A_151] : memref<10000x128xf32, #tpu.memory_space<vmem_shared>> -> memref<40x128xf32, #tpu.memory_space<vmem_shared>>
        tpu.enqueue_dma source(%arg13 : memref<40x128xf32, #tpu.memory_space<vmem>>) target(%dma_start3A_152 : memref<40x128xf32, #tpu.memory_space<vmem_shared>>) target_semaphore(%run_scoped3A : memref<!tpu.dma_semaphore, #tpu.memory_space<semaphore_mem>>)
        %dma_wait3A_153 = arith.constant 0 : i32
        %dma_wait3A_154 = tpu.memref_slice %arg14[%add3A_100, %dma_wait3A_153] : memref<10000x128xf32, #tpu.memory_space<vmem_shared>> -> memref<40x128xf32, #tpu.memory_space<vmem_shared>>
        %dma_wait3A_155 = arith.constant 0 : i32
        %dma_wait3A_156 = tpu.memref_slice %arg14[%add3A_100, %dma_wait3A_155] : memref<10000x128xf32, #tpu.memory_space<vmem_shared>> -> memref<40x128xf32, #tpu.memory_space<vmem_shared>>
        tpu.wait_dma2 semaphore(%run_scoped3A : memref<!tpu.dma_semaphore, #tpu.memory_space<semaphore_mem>>) src(%arg13 : memref<40x128xf32, #tpu.memory_space<vmem>>) dst(%dma_wait3A_156 : memref<40x128xf32, #tpu.memory_space<vmem_shared>>)
        tpu.yield
      }) : () -> ()
      %mul3A_101 = arith.constant 1000 : i32
      %mul3A_102 = arith.muli %arg1, %mul3A_101 : i32
      %add3A_103 = arith.constant 520 : i32
      %add3A_104 = arith.addi %mul3A_102, %add3A_103 : i32
      "tpu.region"() ({
        %run_scoped3A = tpu.sem_alloc : memref<!tpu.dma_semaphore, #tpu.memory_space<semaphore_mem>>
        %dma_start3A_149 = arith.constant 0 : i32
        %dma_start3A_150 = tpu.memref_slice %arg14[%add3A_104, %dma_start3A_149] : memref<10000x128xf32, #tpu.memory_space<vmem_shared>> -> memref<40x128xf32, #tpu.memory_space<vmem_shared>>
        %dma_start3A_151 = arith.constant 0 : i32
        %dma_start3A_152 = tpu.memref_slice %arg14[%add3A_104, %dma_start3A_151] : memref<10000x128xf32, #tpu.memory_space<vmem_shared>> -> memref<40x128xf32, #tpu.memory_space<vmem_shared>>
        tpu.enqueue_dma source(%arg13 : memref<40x128xf32, #tpu.memory_space<vmem>>) target(%dma_start3A_152 : memref<40x128xf32, #tpu.memory_space<vmem_shared>>) target_semaphore(%run_scoped3A : memref<!tpu.dma_semaphore, #tpu.memory_space<semaphore_mem>>)
        %dma_wait3A_153 = arith.constant 0 : i32
        %dma_wait3A_154 = tpu.memref_slice %arg14[%add3A_104, %dma_wait3A_153] : memref<10000x128xf32, #tpu.memory_space<vmem_shared>> -> memref<40x128xf32, #tpu.memory_space<vmem_shared>>
        %dma_wait3A_155 = arith.constant 0 : i32
        %dma_wait3A_156 = tpu.memref_slice %arg14[%add3A_104, %dma_wait3A_155] : memref<10000x128xf32, #tpu.memory_space<vmem_shared>> -> memref<40x128xf32, #tpu.memory_space<vmem_shared>>
        tpu.wait_dma2 semaphore(%run_scoped3A : memref<!tpu.dma_semaphore, #tpu.memory_space<semaphore_mem>>) src(%arg13 : memref<40x128xf32, #tpu.memory_space<vmem>>) dst(%dma_wait3A_156 : memref<40x128xf32, #tpu.memory_space<vmem_shared>>)
        tpu.yield
      }) : () -> ()
      %mul3A_105 = arith.constant 1000 : i32
      %mul3A_106 = arith.muli %arg1, %mul3A_105 : i32
      %add3A_107 = arith.constant 560 : i32
      %add3A_108 = arith.addi %mul3A_106, %add3A_107 : i32
      "tpu.region"() ({
        %run_scoped3A = tpu.sem_alloc : memref<!tpu.dma_semaphore, #tpu.memory_space<semaphore_mem>>
        %dma_start3A_149 = arith.constant 0 : i32
        %dma_start3A_150 = tpu.memref_slice %arg14[%add3A_108, %dma_start3A_149] : memref<10000x128xf32, #tpu.memory_space<vmem_shared>> -> memref<40x128xf32, #tpu.memory_space<vmem_shared>>
        %dma_start3A_151 = arith.constant 0 : i32
        %dma_start3A_152 = tpu.memref_slice %arg14[%add3A_108, %dma_start3A_151] : memref<10000x128xf32, #tpu.memory_space<vmem_shared>> -> memref<40x128xf32, #tpu.memory_space<vmem_shared>>
        tpu.enqueue_dma source(%arg13 : memref<40x128xf32, #tpu.memory_space<vmem>>) target(%dma_start3A_152 : memref<40x128xf32, #tpu.memory_space<vmem_shared>>) target_semaphore(%run_scoped3A : memref<!tpu.dma_semaphore, #tpu.memory_space<semaphore_mem>>)
        %dma_wait3A_153 = arith.constant 0 : i32
        %dma_wait3A_154 = tpu.memref_slice %arg14[%add3A_108, %dma_wait3A_153] : memref<10000x128xf32, #tpu.memory_space<vmem_shared>> -> memref<40x128xf32, #tpu.memory_space<vmem_shared>>
        %dma_wait3A_155 = arith.constant 0 : i32
        %dma_wait3A_156 = tpu.memref_slice %arg14[%add3A_108, %dma_wait3A_155] : memref<10000x128xf32, #tpu.memory_space<vmem_shared>> -> memref<40x128xf32, #tpu.memory_space<vmem_shared>>
        tpu.wait_dma2 semaphore(%run_scoped3A : memref<!tpu.dma_semaphore, #tpu.memory_space<semaphore_mem>>) src(%arg13 : memref<40x128xf32, #tpu.memory_space<vmem>>) dst(%dma_wait3A_156 : memref<40x128xf32, #tpu.memory_space<vmem_shared>>)
        tpu.yield
      }) : () -> ()
      %mul3A_109 = arith.constant 1000 : i32
      %mul3A_110 = arith.muli %arg1, %mul3A_109 : i32
      %add3A_111 = arith.constant 600 : i32
      %add3A_112 = arith.addi %mul3A_110, %add3A_111 : i32
      "tpu.region"() ({
        %run_scoped3A = tpu.sem_alloc : memref<!tpu.dma_semaphore, #tpu.memory_space<semaphore_mem>>
        %dma_start3A_149 = arith.constant 0 : i32
        %dma_start3A_150 = tpu.memref_slice %arg14[%add3A_112, %dma_start3A_149] : memref<10000x128xf32, #tpu.memory_space<vmem_shared>> -> memref<40x128xf32, #tpu.memory_space<vmem_shared>>
        %dma_start3A_151 = arith.constant 0 : i32
        %dma_start3A_152 = tpu.memref_slice %arg14[%add3A_112, %dma_start3A_151] : memref<10000x128xf32, #tpu.memory_space<vmem_shared>> -> memref<40x128xf32, #tpu.memory_space<vmem_shared>>
        tpu.enqueue_dma source(%arg13 : memref<40x128xf32, #tpu.memory_space<vmem>>) target(%dma_start3A_152 : memref<40x128xf32, #tpu.memory_space<vmem_shared>>) target_semaphore(%run_scoped3A : memref<!tpu.dma_semaphore, #tpu.memory_space<semaphore_mem>>)
        %dma_wait3A_153 = arith.constant 0 : i32
        %dma_wait3A_154 = tpu.memref_slice %arg14[%add3A_112, %dma_wait3A_153] : memref<10000x128xf32, #tpu.memory_space<vmem_shared>> -> memref<40x128xf32, #tpu.memory_space<vmem_shared>>
        %dma_wait3A_155 = arith.constant 0 : i32
        %dma_wait3A_156 = tpu.memref_slice %arg14[%add3A_112, %dma_wait3A_155] : memref<10000x128xf32, #tpu.memory_space<vmem_shared>> -> memref<40x128xf32, #tpu.memory_space<vmem_shared>>
        tpu.wait_dma2 semaphore(%run_scoped3A : memref<!tpu.dma_semaphore, #tpu.memory_space<semaphore_mem>>) src(%arg13 : memref<40x128xf32, #tpu.memory_space<vmem>>) dst(%dma_wait3A_156 : memref<40x128xf32, #tpu.memory_space<vmem_shared>>)
        tpu.yield
      }) : () -> ()
      %mul3A_113 = arith.constant 1000 : i32
      %mul3A_114 = arith.muli %arg1, %mul3A_113 : i32
      %add3A_115 = arith.constant 640 : i32
      %add3A_116 = arith.addi %mul3A_114, %add3A_115 : i32
      "tpu.region"() ({
        %run_scoped3A = tpu.sem_alloc : memref<!tpu.dma_semaphore, #tpu.memory_space<semaphore_mem>>
        %dma_start3A_149 = arith.constant 0 : i32
        %dma_start3A_150 = tpu.memref_slice %arg14[%add3A_116, %dma_start3A_149] : memref<10000x128xf32, #tpu.memory_space<vmem_shared>> -> memref<40x128xf32, #tpu.memory_space<vmem_shared>>
        %dma_start3A_151 = arith.constant 0 : i32
        %dma_start3A_152 = tpu.memref_slice %arg14[%add3A_116, %dma_start3A_151] : memref<10000x128xf32, #tpu.memory_space<vmem_shared>> -> memref<40x128xf32, #tpu.memory_space<vmem_shared>>
        tpu.enqueue_dma source(%arg13 : memref<40x128xf32, #tpu.memory_space<vmem>>) target(%dma_start3A_152 : memref<40x128xf32, #tpu.memory_space<vmem_shared>>) target_semaphore(%run_scoped3A : memref<!tpu.dma_semaphore, #tpu.memory_space<semaphore_mem>>)
        %dma_wait3A_153 = arith.constant 0 : i32
        %dma_wait3A_154 = tpu.memref_slice %arg14[%add3A_116, %dma_wait3A_153] : memref<10000x128xf32, #tpu.memory_space<vmem_shared>> -> memref<40x128xf32, #tpu.memory_space<vmem_shared>>
        %dma_wait3A_155 = arith.constant 0 : i32
        %dma_wait3A_156 = tpu.memref_slice %arg14[%add3A_116, %dma_wait3A_155] : memref<10000x128xf32, #tpu.memory_space<vmem_shared>> -> memref<40x128xf32, #tpu.memory_space<vmem_shared>>
        tpu.wait_dma2 semaphore(%run_scoped3A : memref<!tpu.dma_semaphore, #tpu.memory_space<semaphore_mem>>) src(%arg13 : memref<40x128xf32, #tpu.memory_space<vmem>>) dst(%dma_wait3A_156 : memref<40x128xf32, #tpu.memory_space<vmem_shared>>)
        tpu.yield
      }) : () -> ()
      %mul3A_117 = arith.constant 1000 : i32
      %mul3A_118 = arith.muli %arg1, %mul3A_117 : i32
      %add3A_119 = arith.constant 680 : i32
      %add3A_120 = arith.addi %mul3A_118, %add3A_119 : i32
      "tpu.region"() ({
        %run_scoped3A = tpu.sem_alloc : memref<!tpu.dma_semaphore, #tpu.memory_space<semaphore_mem>>
        %dma_start3A_149 = arith.constant 0 : i32
        %dma_start3A_150 = tpu.memref_slice %arg14[%add3A_120, %dma_start3A_149] : memref<10000x128xf32, #tpu.memory_space<vmem_shared>> -> memref<40x128xf32, #tpu.memory_space<vmem_shared>>
        %dma_start3A_151 = arith.constant 0 : i32
        %dma_start3A_152 = tpu.memref_slice %arg14[%add3A_120, %dma_start3A_151] : memref<10000x128xf32, #tpu.memory_space<vmem_shared>> -> memref<40x128xf32, #tpu.memory_space<vmem_shared>>
        tpu.enqueue_dma source(%arg13 : memref<40x128xf32, #tpu.memory_space<vmem>>) target(%dma_start3A_152 : memref<40x128xf32, #tpu.memory_space<vmem_shared>>) target_semaphore(%run_scoped3A : memref<!tpu.dma_semaphore, #tpu.memory_space<semaphore_mem>>)
        %dma_wait3A_153 = arith.constant 0 : i32
        %dma_wait3A_154 = tpu.memref_slice %arg14[%add3A_120, %dma_wait3A_153] : memref<10000x128xf32, #tpu.memory_space<vmem_shared>> -> memref<40x128xf32, #tpu.memory_space<vmem_shared>>
        %dma_wait3A_155 = arith.constant 0 : i32
        %dma_wait3A_156 = tpu.memref_slice %arg14[%add3A_120, %dma_wait3A_155] : memref<10000x128xf32, #tpu.memory_space<vmem_shared>> -> memref<40x128xf32, #tpu.memory_space<vmem_shared>>
        tpu.wait_dma2 semaphore(%run_scoped3A : memref<!tpu.dma_semaphore, #tpu.memory_space<semaphore_mem>>) src(%arg13 : memref<40x128xf32, #tpu.memory_space<vmem>>) dst(%dma_wait3A_156 : memref<40x128xf32, #tpu.memory_space<vmem_shared>>)
        tpu.yield
      }) : () -> ()
      %mul3A_121 = arith.constant 1000 : i32
      %mul3A_122 = arith.muli %arg1, %mul3A_121 : i32
      %add3A_123 = arith.constant 720 : i32
      %add3A_124 = arith.addi %mul3A_122, %add3A_123 : i32
      "tpu.region"() ({
        %run_scoped3A = tpu.sem_alloc : memref<!tpu.dma_semaphore, #tpu.memory_space<semaphore_mem>>
        %dma_start3A_149 = arith.constant 0 : i32
        %dma_start3A_150 = tpu.memref_slice %arg14[%add3A_124, %dma_start3A_149] : memref<10000x128xf32, #tpu.memory_space<vmem_shared>> -> memref<40x128xf32, #tpu.memory_space<vmem_shared>>
        %dma_start3A_151 = arith.constant 0 : i32
        %dma_start3A_152 = tpu.memref_slice %arg14[%add3A_124, %dma_start3A_151] : memref<10000x128xf32, #tpu.memory_space<vmem_shared>> -> memref<40x128xf32, #tpu.memory_space<vmem_shared>>
        tpu.enqueue_dma source(%arg13 : memref<40x128xf32, #tpu.memory_space<vmem>>) target(%dma_start3A_152 : memref<40x128xf32, #tpu.memory_space<vmem_shared>>) target_semaphore(%run_scoped3A : memref<!tpu.dma_semaphore, #tpu.memory_space<semaphore_mem>>)
        %dma_wait3A_153 = arith.constant 0 : i32
        %dma_wait3A_154 = tpu.memref_slice %arg14[%add3A_124, %dma_wait3A_153] : memref<10000x128xf32, #tpu.memory_space<vmem_shared>> -> memref<40x128xf32, #tpu.memory_space<vmem_shared>>
        %dma_wait3A_155 = arith.constant 0 : i32
        %dma_wait3A_156 = tpu.memref_slice %arg14[%add3A_124, %dma_wait3A_155] : memref<10000x128xf32, #tpu.memory_space<vmem_shared>> -> memref<40x128xf32, #tpu.memory_space<vmem_shared>>
        tpu.wait_dma2 semaphore(%run_scoped3A : memref<!tpu.dma_semaphore, #tpu.memory_space<semaphore_mem>>) src(%arg13 : memref<40x128xf32, #tpu.memory_space<vmem>>) dst(%dma_wait3A_156 : memref<40x128xf32, #tpu.memory_space<vmem_shared>>)
        tpu.yield
      }) : () -> ()
      %mul3A_125 = arith.constant 1000 : i32
      %mul3A_126 = arith.muli %arg1, %mul3A_125 : i32
      %add3A_127 = arith.constant 760 : i32
      %add3A_128 = arith.addi %mul3A_126, %add3A_127 : i32
      "tpu.region"() ({
        %run_scoped3A = tpu.sem_alloc : memref<!tpu.dma_semaphore, #tpu.memory_space<semaphore_mem>>
        %dma_start3A_149 = arith.constant 0 : i32
        %dma_start3A_150 = tpu.memref_slice %arg14[%add3A_128, %dma_start3A_149] : memref<10000x128xf32, #tpu.memory_space<vmem_shared>> -> memref<40x128xf32, #tpu.memory_space<vmem_shared>>
        %dma_start3A_151 = arith.constant 0 : i32
        %dma_start3A_152 = tpu.memref_slice %arg14[%add3A_128, %dma_start3A_151] : memref<10000x128xf32, #tpu.memory_space<vmem_shared>> -> memref<40x128xf32, #tpu.memory_space<vmem_shared>>
        tpu.enqueue_dma source(%arg13 : memref<40x128xf32, #tpu.memory_space<vmem>>) target(%dma_start3A_152 : memref<40x128xf32, #tpu.memory_space<vmem_shared>>) target_semaphore(%run_scoped3A : memref<!tpu.dma_semaphore, #tpu.memory_space<semaphore_mem>>)
        %dma_wait3A_153 = arith.constant 0 : i32
        %dma_wait3A_154 = tpu.memref_slice %arg14[%add3A_128, %dma_wait3A_153] : memref<10000x128xf32, #tpu.memory_space<vmem_shared>> -> memref<40x128xf32, #tpu.memory_space<vmem_shared>>
        %dma_wait3A_155 = arith.constant 0 : i32
        %dma_wait3A_156 = tpu.memref_slice %arg14[%add3A_128, %dma_wait3A_155] : memref<10000x128xf32, #tpu.memory_space<vmem_shared>> -> memref<40x128xf32, #tpu.memory_space<vmem_shared>>
        tpu.wait_dma2 semaphore(%run_scoped3A : memref<!tpu.dma_semaphore, #tpu.memory_space<semaphore_mem>>) src(%arg13 : memref<40x128xf32, #tpu.memory_space<vmem>>) dst(%dma_wait3A_156 : memref<40x128xf32, #tpu.memory_space<vmem_shared>>)
        tpu.yield
      }) : () -> ()
      %mul3A_129 = arith.constant 1000 : i32
      %mul3A_130 = arith.muli %arg1, %mul3A_129 : i32
      %add3A_131 = arith.constant 800 : i32
      %add3A_132 = arith.addi %mul3A_130, %add3A_131 : i32
      "tpu.region"() ({
        %run_scoped3A = tpu.sem_alloc : memref<!tpu.dma_semaphore, #tpu.memory_space<semaphore_mem>>
        %dma_start3A_149 = arith.constant 0 : i32
        %dma_start3A_150 = tpu.memref_slice %arg14[%add3A_132, %dma_start3A_149] : memref<10000x128xf32, #tpu.memory_space<vmem_shared>> -> memref<40x128xf32, #tpu.memory_space<vmem_shared>>
        %dma_start3A_151 = arith.constant 0 : i32
        %dma_start3A_152 = tpu.memref_slice %arg14[%add3A_132, %dma_start3A_151] : memref<10000x128xf32, #tpu.memory_space<vmem_shared>> -> memref<40x128xf32, #tpu.memory_space<vmem_shared>>
        tpu.enqueue_dma source(%arg13 : memref<40x128xf32, #tpu.memory_space<vmem>>) target(%dma_start3A_152 : memref<40x128xf32, #tpu.memory_space<vmem_shared>>) target_semaphore(%run_scoped3A : memref<!tpu.dma_semaphore, #tpu.memory_space<semaphore_mem>>)
        %dma_wait3A_153 = arith.constant 0 : i32
        %dma_wait3A_154 = tpu.memref_slice %arg14[%add3A_132, %dma_wait3A_153] : memref<10000x128xf32, #tpu.memory_space<vmem_shared>> -> memref<40x128xf32, #tpu.memory_space<vmem_shared>>
        %dma_wait3A_155 = arith.constant 0 : i32
        %dma_wait3A_156 = tpu.memref_slice %arg14[%add3A_132, %dma_wait3A_155] : memref<10000x128xf32, #tpu.memory_space<vmem_shared>> -> memref<40x128xf32, #tpu.memory_space<vmem_shared>>
        tpu.wait_dma2 semaphore(%run_scoped3A : memref<!tpu.dma_semaphore, #tpu.memory_space<semaphore_mem>>) src(%arg13 : memref<40x128xf32, #tpu.memory_space<vmem>>) dst(%dma_wait3A_156 : memref<40x128xf32, #tpu.memory_space<vmem_shared>>)
        tpu.yield
      }) : () -> ()
      %mul3A_133 = arith.constant 1000 : i32
      %mul3A_134 = arith.muli %arg1, %mul3A_133 : i32
      %add3A_135 = arith.constant 840 : i32
      %add3A_136 = arith.addi %mul3A_134, %add3A_135 : i32
      "tpu.region"() ({
        %run_scoped3A = tpu.sem_alloc : memref<!tpu.dma_semaphore, #tpu.memory_space<semaphore_mem>>
        %dma_start3A_149 = arith.constant 0 : i32
        %dma_start3A_150 = tpu.memref_slice %arg14[%add3A_136, %dma_start3A_149] : memref<10000x128xf32, #tpu.memory_space<vmem_shared>> -> memref<40x128xf32, #tpu.memory_space<vmem_shared>>
        %dma_start3A_151 = arith.constant 0 : i32
        %dma_start3A_152 = tpu.memref_slice %arg14[%add3A_136, %dma_start3A_151] : memref<10000x128xf32, #tpu.memory_space<vmem_shared>> -> memref<40x128xf32, #tpu.memory_space<vmem_shared>>
        tpu.enqueue_dma source(%arg13 : memref<40x128xf32, #tpu.memory_space<vmem>>) target(%dma_start3A_152 : memref<40x128xf32, #tpu.memory_space<vmem_shared>>) target_semaphore(%run_scoped3A : memref<!tpu.dma_semaphore, #tpu.memory_space<semaphore_mem>>)
        %dma_wait3A_153 = arith.constant 0 : i32
        %dma_wait3A_154 = tpu.memref_slice %arg14[%add3A_136, %dma_wait3A_153] : memref<10000x128xf32, #tpu.memory_space<vmem_shared>> -> memref<40x128xf32, #tpu.memory_space<vmem_shared>>
        %dma_wait3A_155 = arith.constant 0 : i32
        %dma_wait3A_156 = tpu.memref_slice %arg14[%add3A_136, %dma_wait3A_155] : memref<10000x128xf32, #tpu.memory_space<vmem_shared>> -> memref<40x128xf32, #tpu.memory_space<vmem_shared>>
        tpu.wait_dma2 semaphore(%run_scoped3A : memref<!tpu.dma_semaphore, #tpu.memory_space<semaphore_mem>>) src(%arg13 : memref<40x128xf32, #tpu.memory_space<vmem>>) dst(%dma_wait3A_156 : memref<40x128xf32, #tpu.memory_space<vmem_shared>>)
        tpu.yield
      }) : () -> ()
      %mul3A_137 = arith.constant 1000 : i32
      %mul3A_138 = arith.muli %arg1, %mul3A_137 : i32
      %add3A_139 = arith.constant 880 : i32
      %add3A_140 = arith.addi %mul3A_138, %add3A_139 : i32
      "tpu.region"() ({
        %run_scoped3A = tpu.sem_alloc : memref<!tpu.dma_semaphore, #tpu.memory_space<semaphore_mem>>
        %dma_start3A_149 = arith.constant 0 : i32
        %dma_start3A_150 = tpu.memref_slice %arg14[%add3A_140, %dma_start3A_149] : memref<10000x128xf32, #tpu.memory_space<vmem_shared>> -> memref<40x128xf32, #tpu.memory_space<vmem_shared>>
        %dma_start3A_151 = arith.constant 0 : i32
        %dma_start3A_152 = tpu.memref_slice %arg14[%add3A_140, %dma_start3A_151] : memref<10000x128xf32, #tpu.memory_space<vmem_shared>> -> memref<40x128xf32, #tpu.memory_space<vmem_shared>>
        tpu.enqueue_dma source(%arg13 : memref<40x128xf32, #tpu.memory_space<vmem>>) target(%dma_start3A_152 : memref<40x128xf32, #tpu.memory_space<vmem_shared>>) target_semaphore(%run_scoped3A : memref<!tpu.dma_semaphore, #tpu.memory_space<semaphore_mem>>)
        %dma_wait3A_153 = arith.constant 0 : i32
        %dma_wait3A_154 = tpu.memref_slice %arg14[%add3A_140, %dma_wait3A_153] : memref<10000x128xf32, #tpu.memory_space<vmem_shared>> -> memref<40x128xf32, #tpu.memory_space<vmem_shared>>
        %dma_wait3A_155 = arith.constant 0 : i32
        %dma_wait3A_156 = tpu.memref_slice %arg14[%add3A_140, %dma_wait3A_155] : memref<10000x128xf32, #tpu.memory_space<vmem_shared>> -> memref<40x128xf32, #tpu.memory_space<vmem_shared>>
        tpu.wait_dma2 semaphore(%run_scoped3A : memref<!tpu.dma_semaphore, #tpu.memory_space<semaphore_mem>>) src(%arg13 : memref<40x128xf32, #tpu.memory_space<vmem>>) dst(%dma_wait3A_156 : memref<40x128xf32, #tpu.memory_space<vmem_shared>>)
        tpu.yield
      }) : () -> ()
      %mul3A_141 = arith.constant 1000 : i32
      %mul3A_142 = arith.muli %arg1, %mul3A_141 : i32
      %add3A_143 = arith.constant 920 : i32
      %add3A_144 = arith.addi %mul3A_142, %add3A_143 : i32
      "tpu.region"() ({
        %run_scoped3A = tpu.sem_alloc : memref<!tpu.dma_semaphore, #tpu.memory_space<semaphore_mem>>
        %dma_start3A_149 = arith.constant 0 : i32
        %dma_start3A_150 = tpu.memref_slice %arg14[%add3A_144, %dma_start3A_149] : memref<10000x128xf32, #tpu.memory_space<vmem_shared>> -> memref<40x128xf32, #tpu.memory_space<vmem_shared>>
        %dma_start3A_151 = arith.constant 0 : i32
        %dma_start3A_152 = tpu.memref_slice %arg14[%add3A_144, %dma_start3A_151] : memref<10000x128xf32, #tpu.memory_space<vmem_shared>> -> memref<40x128xf32, #tpu.memory_space<vmem_shared>>
        tpu.enqueue_dma source(%arg13 : memref<40x128xf32, #tpu.memory_space<vmem>>) target(%dma_start3A_152 : memref<40x128xf32, #tpu.memory_space<vmem_shared>>) target_semaphore(%run_scoped3A : memref<!tpu.dma_semaphore, #tpu.memory_space<semaphore_mem>>)
        %dma_wait3A_153 = arith.constant 0 : i32
        %dma_wait3A_154 = tpu.memref_slice %arg14[%add3A_144, %dma_wait3A_153] : memref<10000x128xf32, #tpu.memory_space<vmem_shared>> -> memref<40x128xf32, #tpu.memory_space<vmem_shared>>
        %dma_wait3A_155 = arith.constant 0 : i32
        %dma_wait3A_156 = tpu.memref_slice %arg14[%add3A_144, %dma_wait3A_155] : memref<10000x128xf32, #tpu.memory_space<vmem_shared>> -> memref<40x128xf32, #tpu.memory_space<vmem_shared>>
        tpu.wait_dma2 semaphore(%run_scoped3A : memref<!tpu.dma_semaphore, #tpu.memory_space<semaphore_mem>>) src(%arg13 : memref<40x128xf32, #tpu.memory_space<vmem>>) dst(%dma_wait3A_156 : memref<40x128xf32, #tpu.memory_space<vmem_shared>>)
        tpu.yield
      }) : () -> ()
      %mul3A_145 = arith.constant 1000 : i32
      %mul3A_146 = arith.muli %arg1, %mul3A_145 : i32
      %add3A_147 = arith.constant 960 : i32
      %add3A_148 = arith.addi %mul3A_146, %add3A_147 : i32
      "tpu.region"() ({
        %run_scoped3A = tpu.sem_alloc : memref<!tpu.dma_semaphore, #tpu.memory_space<semaphore_mem>>
        %dma_start3A_149 = arith.constant 0 : i32
        %dma_start3A_150 = tpu.memref_slice %arg14[%add3A_148, %dma_start3A_149] : memref<10000x128xf32, #tpu.memory_space<vmem_shared>> -> memref<40x128xf32, #tpu.memory_space<vmem_shared>>
        %dma_start3A_151 = arith.constant 0 : i32
        %dma_start3A_152 = tpu.memref_slice %arg14[%add3A_148, %dma_start3A_151] : memref<10000x128xf32, #tpu.memory_space<vmem_shared>> -> memref<40x128xf32, #tpu.memory_space<vmem_shared>>
        tpu.enqueue_dma source(%arg13 : memref<40x128xf32, #tpu.memory_space<vmem>>) target(%dma_start3A_152 : memref<40x128xf32, #tpu.memory_space<vmem_shared>>) target_semaphore(%run_scoped3A : memref<!tpu.dma_semaphore, #tpu.memory_space<semaphore_mem>>)
        %dma_wait3A_153 = arith.constant 0 : i32
        %dma_wait3A_154 = tpu.memref_slice %arg14[%add3A_148, %dma_wait3A_153] : memref<10000x128xf32, #tpu.memory_space<vmem_shared>> -> memref<40x128xf32, #tpu.memory_space<vmem_shared>>
        %dma_wait3A_155 = arith.constant 0 : i32
        %dma_wait3A_156 = tpu.memref_slice %arg14[%add3A_148, %dma_wait3A_155] : memref<10000x128xf32, #tpu.memory_space<vmem_shared>> -> memref<40x128xf32, #tpu.memory_space<vmem_shared>>
        tpu.wait_dma2 semaphore(%run_scoped3A : memref<!tpu.dma_semaphore, #tpu.memory_space<semaphore_mem>>) src(%arg13 : memref<40x128xf32, #tpu.memory_space<vmem>>) dst(%dma_wait3A_156 : memref<40x128xf32, #tpu.memory_space<vmem_shared>>)
        tpu.yield
      }) : () -> ()
    } else {
    }
    %mul3A_7 = arith.constant 10000 : i32
    %mul3A_8 = arith.muli %add3A, %mul3A_7 : i32
    "tpu.region"() ({
      %run_scoped3A = tpu.sem_alloc : memref<!tpu.dma_semaphore, #tpu.memory_space<semaphore_mem>>
      %dma_start3A_49 = tpu.memref_slice %arg3[%mul3A_8] : memref<320000xi32, #tpu.memory_space<hbm>> -> memref<10000xi32, #tpu.memory_space<hbm>>
      %dma_start3A_50 = tpu.memref_slice %arg3[%mul3A_8] : memref<320000xi32, #tpu.memory_space<hbm>> -> memref<10000xi32, #tpu.memory_space<hbm>>
      tpu.enqueue_dma source(%dma_start3A_50 : memref<10000xi32, #tpu.memory_space<hbm>>) target(%arg6 : memref<10000xi32, #tpu.memory_space<vmem>>) target_semaphore(%run_scoped3A : memref<!tpu.dma_semaphore, #tpu.memory_space<semaphore_mem>>)
      %dma_wait3A_51 = tpu.memref_slice %arg3[%mul3A_8] : memref<320000xi32, #tpu.memory_space<hbm>> -> memref<10000xi32, #tpu.memory_space<hbm>>
      %dma_wait3A_52 = tpu.memref_slice %arg3[%mul3A_8] : memref<320000xi32, #tpu.memory_space<hbm>> -> memref<10000xi32, #tpu.memory_space<hbm>>
      tpu.wait_dma2 semaphore(%run_scoped3A : memref<!tpu.dma_semaphore, #tpu.memory_space<semaphore_mem>>) src(%dma_wait3A_52 : memref<10000xi32, #tpu.memory_space<hbm>>) dst(%arg6 : memref<10000xi32, #tpu.memory_space<vmem>>)
      tpu.yield
    }) : () -> ()
    %mul3A_9 = arith.constant 10000 : i32
    %mul3A_10 = arith.muli %add3A, %mul3A_9 : i32
    %add3A_11 = arith.constant 0 : i32
    %add3A_12 = arith.addi %mul3A_10, %add3A_11 : i32
    %dma_start3A = tpu.memref_slice %arg4[%add3A_12] : memref<320000xi32, #tpu.memory_space<hbm>> -> memref<80xi32, #tpu.memory_space<hbm>>
    %dma_start3A_13 = tpu.memref_slice %arg4[%add3A_12] : memref<320000xi32, #tpu.memory_space<hbm>> -> memref<80xi32, #tpu.memory_space<hbm>>
    tpu.enqueue_dma source(%dma_start3A_13 : memref<80xi32, #tpu.memory_space<hbm>>) target(%arg7 : memref<80xi32, #tpu.memory_space<vmem>>) target_semaphore(%arg15 : memref<!tpu.dma_semaphore, #tpu.memory_space<semaphore_mem>>)
    %dma_start3A_14 = arith.constant 0 : i32
    %dma_start3A_15 = tpu.memref_slice %arg6[%dma_start3A_14] : memref<10000xi32, #tpu.memory_space<vmem>> -> memref<80xi32, #tpu.memory_space<vmem>>
    %dma_start3A_16 = arith.constant 0 : i32
    %dma_start3A_17 = arith.constant 0 : i32
    %dma_start3A_18 = tpu.memref_slice %arg2[%dma_start3A_16, %dma_start3A_17] : memref<10000x128xf32, #tpu.memory_space<hbm>> -> memref<10000x128xf32, #tpu.memory_space<hbm>>
    tpu.enqueue_indirect_dma source(%dma_start3A_18 : memref<10000x128xf32, #tpu.memory_space<hbm>>) target(%arg10 : memref<80x128xf32, #tpu.memory_space<vmem>>) offsets(%dma_start3A_15 : memref<80xi32, #tpu.memory_space<vmem>>) semaphore(%arg18 : memref<!tpu.dma_semaphore, #tpu.memory_space<semaphore_mem>>)
    %mul3A_19 = arith.constant 10000 : i32
    %mul3A_20 = arith.muli %add3A, %mul3A_19 : i32
    %add3A_21 = arith.constant 80 : i32
    %add3A_22 = arith.addi %mul3A_20, %add3A_21 : i32
    %dma_start3A_23 = tpu.memref_slice %arg4[%add3A_22] : memref<320000xi32, #tpu.memory_space<hbm>> -> memref<80xi32, #tpu.memory_space<hbm>>
    %dma_start3A_24 = tpu.memref_slice %arg4[%add3A_22] : memref<320000xi32, #tpu.memory_space<hbm>> -> memref<80xi32, #tpu.memory_space<hbm>>
    tpu.enqueue_dma source(%dma_start3A_24 : memref<80xi32, #tpu.memory_space<hbm>>) target(%arg8 : memref<80xi32, #tpu.memory_space<vmem>>) target_semaphore(%arg16 : memref<!tpu.dma_semaphore, #tpu.memory_space<semaphore_mem>>)
    %dma_start3A_25 = arith.constant 80 : i32
    %dma_start3A_26 = tpu.memref_slice %arg6[%dma_start3A_25] : memref<10000xi32, #tpu.memory_space<vmem>> -> memref<80xi32, #tpu.memory_space<vmem>>
    %dma_start3A_27 = arith.constant 0 : i32
    %dma_start3A_28 = arith.constant 0 : i32
    %dma_start3A_29 = tpu.memref_slice %arg2[%dma_start3A_27, %dma_start3A_28] : memref<10000x128xf32, #tpu.memory_space<hbm>> -> memref<10000x128xf32, #tpu.memory_space<hbm>>
    tpu.enqueue_indirect_dma source(%dma_start3A_29 : memref<10000x128xf32, #tpu.memory_space<hbm>>) target(%arg11 : memref<80x128xf32, #tpu.memory_space<vmem>>) offsets(%dma_start3A_26 : memref<80xi32, #tpu.memory_space<vmem>>) semaphore(%arg19 : memref<!tpu.dma_semaphore, #tpu.memory_space<semaphore_mem>>)
    %barrier3A = arith.constant 0 : index
    tpu.barrier barrier_id(%barrier3A)
    %scan3A_30 = arith.constant 0 : i32
    %scan3A_31 = arith.constant 42 : i32
    %scan3A_32 = arith.addi %scan3A_30, %scan3A_31 : i32
    %scan3A_33 = arith.constant 1 : i32
    scf.for %scan3A_49 = %scan3A_30 to %scan3A_32 step %scan3A_33  : i32 {
      %mul3A_50 = arith.constant 1 : i32
      %mul3A_51 = arith.muli %scan3A_49, %mul3A_50 : i32
      %add3A_52 = arith.constant 0 : i32
      %add3A_53 = arith.addi %add3A_52, %mul3A_51 : i32
      %mul3A_54 = arith.constant 3 : i32
      %mul3A_55 = arith.muli %add3A_53, %mul3A_54 : i32
      %add3A_56 = arith.constant 0 : i32
      %add3A_57 = arith.addi %mul3A_55, %add3A_56 : i32
      %lt3A_58 = arith.constant 125 : i32
      %lt3A_59 = arith.cmpi slt, %add3A_57, %lt3A_58 : i32
      %convert_element_type3A_60 = arith.extui %lt3A_59 : i1 to i32
      %cond3A_61 = arith.constant 0 : i32
      %cond3A_62 = arith.cmpi ne, %convert_element_type3A_60, %cond3A_61 : i32
      scf.if %cond3A_62 {
        %dma_wait3A_81 = arith.constant 0 : i32
        %dma_wait3A_82 = tpu.memref_slice %arg4[%dma_wait3A_81] : memref<320000xi32, #tpu.memory_space<hbm>> -> memref<80xi32, #tpu.memory_space<hbm>>
        %dma_wait3A_83 = arith.constant 0 : i32
        %dma_wait3A_84 = tpu.memref_slice %arg4[%dma_wait3A_83] : memref<320000xi32, #tpu.memory_space<hbm>> -> memref<80xi32, #tpu.memory_space<hbm>>
        tpu.wait_dma2 semaphore(%arg15 : memref<!tpu.dma_semaphore, #tpu.memory_space<semaphore_mem>>) src(%dma_wait3A_84 : memref<80xi32, #tpu.memory_space<hbm>>) dst(%arg7 : memref<80xi32, #tpu.memory_space<vmem>>)
        %dma_wait3A_85 = arith.constant 0 : i32
        %dma_wait3A_86 = tpu.memref_slice %arg6[%dma_wait3A_85] : memref<10000xi32, #tpu.memory_space<vmem>> -> memref<80xi32, #tpu.memory_space<vmem>>
        %dma_wait3A_87 = arith.constant 0 : i32
        %dma_wait3A_88 = arith.constant 0 : i32
        %dma_wait3A_89 = tpu.memref_slice %arg2[%dma_wait3A_87, %dma_wait3A_88] : memref<10000x128xf32, #tpu.memory_space<hbm>> -> memref<10000x128xf32, #tpu.memory_space<hbm>>
        tpu.wait_indirect_dma semaphore(%arg18 : memref<!tpu.dma_semaphore, #tpu.memory_space<semaphore_mem>>) src(%dma_wait3A_89 : memref<10000x128xf32, #tpu.memory_space<hbm>>) dst(%arg10 : memref<80x128xf32, #tpu.memory_space<vmem>>)
        %dma_start3A_90 = arith.constant 0 : i32
        %dma_start3A_91 = arith.constant 0 : i32
        %dma_start3A_92 = tpu.memref_slice %arg14[%dma_start3A_90, %dma_start3A_91] : memref<10000x128xf32, #tpu.memory_space<vmem_shared>> -> memref<10000x128xf32, #tpu.memory_space<vmem_shared>>
        tpu.enqueue_indirect_dma source(%arg10 : memref<80x128xf32, #tpu.memory_space<vmem>>) target(%dma_start3A_92 : memref<10000x128xf32, #tpu.memory_space<vmem_shared>>) offsets(%arg7 : memref<80xi32, #tpu.memory_space<vmem>>) semaphore(%arg21 : memref<!tpu.dma_semaphore, #tpu.memory_space<semaphore_mem>>) {add = true}
        %add3A_93 = arith.constant 2 : i32
        %add3A_94 = arith.addi %add3A_57, %add3A_93 : i32
        %lt3A_95 = arith.constant 125 : i32
        %lt3A_96 = arith.cmpi slt, %add3A_94, %lt3A_95 : i32
        %convert_element_type3A_97 = arith.extui %lt3A_96 : i1 to i32
        %cond3A_98 = arith.constant 0 : i32
        %cond3A_99 = arith.cmpi ne, %convert_element_type3A_97, %cond3A_98 : i32
        scf.if %cond3A_99 {
          %ge3A = arith.constant 1 : i32
          %ge3A_100 = arith.cmpi sge, %add3A_57, %ge3A : i32
          %convert_element_type3A_101 = arith.extui %ge3A_100 : i1 to i32
          %cond3A_102 = arith.constant 0 : i32
          %cond3A_103 = arith.cmpi ne, %convert_element_type3A_101, %cond3A_102 : i32
          scf.if %cond3A_103 {
            %dma_wait3A_119 = arith.constant 0 : i32
            %dma_wait3A_120 = arith.constant 0 : i32
            %dma_wait3A_121 = tpu.memref_slice %arg14[%dma_wait3A_119, %dma_wait3A_120] : memref<10000x128xf32, #tpu.memory_space<vmem_shared>> -> memref<10000x128xf32, #tpu.memory_space<vmem_shared>>
            tpu.wait_indirect_dma semaphore(%arg23 : memref<!tpu.dma_semaphore, #tpu.memory_space<semaphore_mem>>) src(%arg12 : memref<80x128xf32, #tpu.memory_space<vmem>>) dst(%dma_wait3A_121 : memref<10000x128xf32, #tpu.memory_space<vmem_shared>>)
          } else {
          }
          %add3A_104 = arith.constant 2 : i32
          %add3A_105 = arith.addi %add3A_57, %add3A_104 : i32
          %mul3A_106 = arith.constant 10000 : i32
          %mul3A_107 = arith.muli %add3A, %mul3A_106 : i32
          %mul3A_108 = arith.constant 80 : i32
          %mul3A_109 = arith.muli %add3A_105, %mul3A_108 : i32
          %add3A_110 = arith.addi %mul3A_107, %mul3A_109 : i32
          %dma_start3A_111 = tpu.memref_slice %arg4[%add3A_110] : memref<320000xi32, #tpu.memory_space<hbm>> -> memref<80xi32, #tpu.memory_space<hbm>>
          %dma_start3A_112 = tpu.memref_slice %arg4[%add3A_110] : memref<320000xi32, #tpu.memory_space<hbm>> -> memref<80xi32, #tpu.memory_space<hbm>>
          tpu.enqueue_dma source(%dma_start3A_112 : memref<80xi32, #tpu.memory_space<hbm>>) target(%arg9 : memref<80xi32, #tpu.memory_space<vmem>>) target_semaphore(%arg17 : memref<!tpu.dma_semaphore, #tpu.memory_space<semaphore_mem>>)
          %mul3A_113 = arith.constant 80 : i32
          %mul3A_114 = arith.muli %add3A_105, %mul3A_113 : i32
          %dma_start3A_115 = tpu.memref_slice %arg6[%mul3A_114] : memref<10000xi32, #tpu.memory_space<vmem>> -> memref<80xi32, #tpu.memory_space<vmem>>
          %dma_start3A_116 = arith.constant 0 : i32
          %dma_start3A_117 = arith.constant 0 : i32
          %dma_start3A_118 = tpu.memref_slice %arg2[%dma_start3A_116, %dma_start3A_117] : memref<10000x128xf32, #tpu.memory_space<hbm>> -> memref<10000x128xf32, #tpu.memory_space<hbm>>
          tpu.enqueue_indirect_dma source(%dma_start3A_118 : memref<10000x128xf32, #tpu.memory_space<hbm>>) target(%arg12 : memref<80x128xf32, #tpu.memory_space<vmem>>) offsets(%dma_start3A_115 : memref<80xi32, #tpu.memory_space<vmem>>) semaphore(%arg20 : memref<!tpu.dma_semaphore, #tpu.memory_space<semaphore_mem>>)
        } else {
        }
      } else {
      }
      %mul3A_63 = arith.constant 3 : i32
      %mul3A_64 = arith.muli %add3A_53, %mul3A_63 : i32
      %add3A_65 = arith.constant 1 : i32
      %add3A_66 = arith.addi %mul3A_64, %add3A_65 : i32
      %lt3A_67 = arith.constant 125 : i32
      %lt3A_68 = arith.cmpi slt, %add3A_66, %lt3A_67 : i32
      %convert_element_type3A_69 = arith.extui %lt3A_68 : i1 to i32
      %cond3A_70 = arith.constant 0 : i32
      %cond3A_71 = arith.cmpi ne, %convert_element_type3A_69, %cond3A_70 : i32
      scf.if %cond3A_71 {
        %dma_wait3A_81 = arith.constant 0 : i32
        %dma_wait3A_82 = tpu.memref_slice %arg4[%dma_wait3A_81] : memref<320000xi32, #tpu.memory_space<hbm>> -> memref<80xi32, #tpu.memory_space<hbm>>
        %dma_wait3A_83 = arith.constant 0 : i32
        %dma_wait3A_84 = tpu.memref_slice %arg4[%dma_wait3A_83] : memref<320000xi32, #tpu.memory_space<hbm>> -> memref<80xi32, #tpu.memory_space<hbm>>
        tpu.wait_dma2 semaphore(%arg16 : memref<!tpu.dma_semaphore, #tpu.memory_space<semaphore_mem>>) src(%dma_wait3A_84 : memref<80xi32, #tpu.memory_space<hbm>>) dst(%arg8 : memref<80xi32, #tpu.memory_space<vmem>>)
        %dma_wait3A_85 = arith.constant 0 : i32
        %dma_wait3A_86 = tpu.memref_slice %arg6[%dma_wait3A_85] : memref<10000xi32, #tpu.memory_space<vmem>> -> memref<80xi32, #tpu.memory_space<vmem>>
        %dma_wait3A_87 = arith.constant 0 : i32
        %dma_wait3A_88 = arith.constant 0 : i32
        %dma_wait3A_89 = tpu.memref_slice %arg2[%dma_wait3A_87, %dma_wait3A_88] : memref<10000x128xf32, #tpu.memory_space<hbm>> -> memref<10000x128xf32, #tpu.memory_space<hbm>>
        tpu.wait_indirect_dma semaphore(%arg19 : memref<!tpu.dma_semaphore, #tpu.memory_space<semaphore_mem>>) src(%dma_wait3A_89 : memref<10000x128xf32, #tpu.memory_space<hbm>>) dst(%arg11 : memref<80x128xf32, #tpu.memory_space<vmem>>)
        %dma_start3A_90 = arith.constant 0 : i32
        %dma_start3A_91 = arith.constant 0 : i32
        %dma_start3A_92 = tpu.memref_slice %arg14[%dma_start3A_90, %dma_start3A_91] : memref<10000x128xf32, #tpu.memory_space<vmem_shared>> -> memref<10000x128xf32, #tpu.memory_space<vmem_shared>>
        tpu.enqueue_indirect_dma source(%arg11 : memref<80x128xf32, #tpu.memory_space<vmem>>) target(%dma_start3A_92 : memref<10000x128xf32, #tpu.memory_space<vmem_shared>>) offsets(%arg8 : memref<80xi32, #tpu.memory_space<vmem>>) semaphore(%arg22 : memref<!tpu.dma_semaphore, #tpu.memory_space<semaphore_mem>>) {add = true}
        %add3A_93 = arith.constant 2 : i32
        %add3A_94 = arith.addi %add3A_66, %add3A_93 : i32
        %lt3A_95 = arith.constant 125 : i32
        %lt3A_96 = arith.cmpi slt, %add3A_94, %lt3A_95 : i32
        %convert_element_type3A_97 = arith.extui %lt3A_96 : i1 to i32
        %cond3A_98 = arith.constant 0 : i32
        %cond3A_99 = arith.cmpi ne, %convert_element_type3A_97, %cond3A_98 : i32
        scf.if %cond3A_99 {
          %ge3A = arith.constant 1 : i32
          %ge3A_100 = arith.cmpi sge, %add3A_66, %ge3A : i32
          %convert_element_type3A_101 = arith.extui %ge3A_100 : i1 to i32
          %cond3A_102 = arith.constant 0 : i32
          %cond3A_103 = arith.cmpi ne, %convert_element_type3A_101, %cond3A_102 : i32
          scf.if %cond3A_103 {
            %dma_wait3A_119 = arith.constant 0 : i32
            %dma_wait3A_120 = arith.constant 0 : i32
            %dma_wait3A_121 = tpu.memref_slice %arg14[%dma_wait3A_119, %dma_wait3A_120] : memref<10000x128xf32, #tpu.memory_space<vmem_shared>> -> memref<10000x128xf32, #tpu.memory_space<vmem_shared>>
            tpu.wait_indirect_dma semaphore(%arg21 : memref<!tpu.dma_semaphore, #tpu.memory_space<semaphore_mem>>) src(%arg10 : memref<80x128xf32, #tpu.memory_space<vmem>>) dst(%dma_wait3A_121 : memref<10000x128xf32, #tpu.memory_space<vmem_shared>>)
          } else {
          }
          %add3A_104 = arith.constant 2 : i32
          %add3A_105 = arith.addi %add3A_66, %add3A_104 : i32
          %mul3A_106 = arith.constant 10000 : i32
          %mul3A_107 = arith.muli %add3A, %mul3A_106 : i32
          %mul3A_108 = arith.constant 80 : i32
          %mul3A_109 = arith.muli %add3A_105, %mul3A_108 : i32
          %add3A_110 = arith.addi %mul3A_107, %mul3A_109 : i32
          %dma_start3A_111 = tpu.memref_slice %arg4[%add3A_110] : memref<320000xi32, #tpu.memory_space<hbm>> -> memref<80xi32, #tpu.memory_space<hbm>>
          %dma_start3A_112 = tpu.memref_slice %arg4[%add3A_110] : memref<320000xi32, #tpu.memory_space<hbm>> -> memref<80xi32, #tpu.memory_space<hbm>>
          tpu.enqueue_dma source(%dma_start3A_112 : memref<80xi32, #tpu.memory_space<hbm>>) target(%arg7 : memref<80xi32, #tpu.memory_space<vmem>>) target_semaphore(%arg15 : memref<!tpu.dma_semaphore, #tpu.memory_space<semaphore_mem>>)
          %mul3A_113 = arith.constant 80 : i32
          %mul3A_114 = arith.muli %add3A_105, %mul3A_113 : i32
          %dma_start3A_115 = tpu.memref_slice %arg6[%mul3A_114] : memref<10000xi32, #tpu.memory_space<vmem>> -> memref<80xi32, #tpu.memory_space<vmem>>
          %dma_start3A_116 = arith.constant 0 : i32
          %dma_start3A_117 = arith.constant 0 : i32
          %dma_start3A_118 = tpu.memref_slice %arg2[%dma_start3A_116, %dma_start3A_117] : memref<10000x128xf32, #tpu.memory_space<hbm>> -> memref<10000x128xf32, #tpu.memory_space<hbm>>
          tpu.enqueue_indirect_dma source(%dma_start3A_118 : memref<10000x128xf32, #tpu.memory_space<hbm>>) target(%arg10 : memref<80x128xf32, #tpu.memory_space<vmem>>) offsets(%dma_start3A_115 : memref<80xi32, #tpu.memory_space<vmem>>) semaphore(%arg18 : memref<!tpu.dma_semaphore, #tpu.memory_space<semaphore_mem>>)
        } else {
        }
      } else {
      }
      %mul3A_72 = arith.constant 3 : i32
      %mul3A_73 = arith.muli %add3A_53, %mul3A_72 : i32
      %add3A_74 = arith.constant 2 : i32
      %add3A_75 = arith.addi %mul3A_73, %add3A_74 : i32
      %lt3A_76 = arith.constant 125 : i32
      %lt3A_77 = arith.cmpi slt, %add3A_75, %lt3A_76 : i32
      %convert_element_type3A_78 = arith.extui %lt3A_77 : i1 to i32
      %cond3A_79 = arith.constant 0 : i32
      %cond3A_80 = arith.cmpi ne, %convert_element_type3A_78, %cond3A_79 : i32
      scf.if %cond3A_80 {
        %dma_wait3A_81 = arith.constant 0 : i32
        %dma_wait3A_82 = tpu.memref_slice %arg4[%dma_wait3A_81] : memref<320000xi32, #tpu.memory_space<hbm>> -> memref<80xi32, #tpu.memory_space<hbm>>
        %dma_wait3A_83 = arith.constant 0 : i32
        %dma_wait3A_84 = tpu.memref_slice %arg4[%dma_wait3A_83] : memref<320000xi32, #tpu.memory_space<hbm>> -> memref<80xi32, #tpu.memory_space<hbm>>
        tpu.wait_dma2 semaphore(%arg17 : memref<!tpu.dma_semaphore, #tpu.memory_space<semaphore_mem>>) src(%dma_wait3A_84 : memref<80xi32, #tpu.memory_space<hbm>>) dst(%arg9 : memref<80xi32, #tpu.memory_space<vmem>>)
        %dma_wait3A_85 = arith.constant 0 : i32
        %dma_wait3A_86 = tpu.memref_slice %arg6[%dma_wait3A_85] : memref<10000xi32, #tpu.memory_space<vmem>> -> memref<80xi32, #tpu.memory_space<vmem>>
        %dma_wait3A_87 = arith.constant 0 : i32
        %dma_wait3A_88 = arith.constant 0 : i32
        %dma_wait3A_89 = tpu.memref_slice %arg2[%dma_wait3A_87, %dma_wait3A_88] : memref<10000x128xf32, #tpu.memory_space<hbm>> -> memref<10000x128xf32, #tpu.memory_space<hbm>>
        tpu.wait_indirect_dma semaphore(%arg20 : memref<!tpu.dma_semaphore, #tpu.memory_space<semaphore_mem>>) src(%dma_wait3A_89 : memref<10000x128xf32, #tpu.memory_space<hbm>>) dst(%arg12 : memref<80x128xf32, #tpu.memory_space<vmem>>)
        %dma_start3A_90 = arith.constant 0 : i32
        %dma_start3A_91 = arith.constant 0 : i32
        %dma_start3A_92 = tpu.memref_slice %arg14[%dma_start3A_90, %dma_start3A_91] : memref<10000x128xf32, #tpu.memory_space<vmem_shared>> -> memref<10000x128xf32, #tpu.memory_space<vmem_shared>>
        tpu.enqueue_indirect_dma source(%arg12 : memref<80x128xf32, #tpu.memory_space<vmem>>) target(%dma_start3A_92 : memref<10000x128xf32, #tpu.memory_space<vmem_shared>>) offsets(%arg9 : memref<80xi32, #tpu.memory_space<vmem>>) semaphore(%arg23 : memref<!tpu.dma_semaphore, #tpu.memory_space<semaphore_mem>>) {add = true}
        %add3A_93 = arith.constant 2 : i32
        %add3A_94 = arith.addi %add3A_75, %add3A_93 : i32
        %lt3A_95 = arith.constant 125 : i32
        %lt3A_96 = arith.cmpi slt, %add3A_94, %lt3A_95 : i32
        %convert_element_type3A_97 = arith.extui %lt3A_96 : i1 to i32
        %cond3A_98 = arith.constant 0 : i32
        %cond3A_99 = arith.cmpi ne, %convert_element_type3A_97, %cond3A_98 : i32
        scf.if %cond3A_99 {
          %ge3A = arith.constant 1 : i32
          %ge3A_100 = arith.cmpi sge, %add3A_75, %ge3A : i32
          %convert_element_type3A_101 = arith.extui %ge3A_100 : i1 to i32
          %cond3A_102 = arith.constant 0 : i32
          %cond3A_103 = arith.cmpi ne, %convert_element_type3A_101, %cond3A_102 : i32
          scf.if %cond3A_103 {
            %dma_wait3A_119 = arith.constant 0 : i32
            %dma_wait3A_120 = arith.constant 0 : i32
            %dma_wait3A_121 = tpu.memref_slice %arg14[%dma_wait3A_119, %dma_wait3A_120] : memref<10000x128xf32, #tpu.memory_space<vmem_shared>> -> memref<10000x128xf32, #tpu.memory_space<vmem_shared>>
            tpu.wait_indirect_dma semaphore(%arg22 : memref<!tpu.dma_semaphore, #tpu.memory_space<semaphore_mem>>) src(%arg11 : memref<80x128xf32, #tpu.memory_space<vmem>>) dst(%dma_wait3A_121 : memref<10000x128xf32, #tpu.memory_space<vmem_shared>>)
          } else {
          }
          %add3A_104 = arith.constant 2 : i32
          %add3A_105 = arith.addi %add3A_75, %add3A_104 : i32
          %mul3A_106 = arith.constant 10000 : i32
          %mul3A_107 = arith.muli %add3A, %mul3A_106 : i32
          %mul3A_108 = arith.constant 80 : i32
          %mul3A_109 = arith.muli %add3A_105, %mul3A_108 : i32
          %add3A_110 = arith.addi %mul3A_107, %mul3A_109 : i32
          %dma_start3A_111 = tpu.memref_slice %arg4[%add3A_110] : memref<320000xi32, #tpu.memory_space<hbm>> -> memref<80xi32, #tpu.memory_space<hbm>>
          %dma_start3A_112 = tpu.memref_slice %arg4[%add3A_110] : memref<320000xi32, #tpu.memory_space<hbm>> -> memref<80xi32, #tpu.memory_space<hbm>>
          tpu.enqueue_dma source(%dma_start3A_112 : memref<80xi32, #tpu.memory_space<hbm>>) target(%arg8 : memref<80xi32, #tpu.memory_space<vmem>>) target_semaphore(%arg16 : memref<!tpu.dma_semaphore, #tpu.memory_space<semaphore_mem>>)
          %mul3A_113 = arith.constant 80 : i32
          %mul3A_114 = arith.muli %add3A_105, %mul3A_113 : i32
          %dma_start3A_115 = tpu.memref_slice %arg6[%mul3A_114] : memref<10000xi32, #tpu.memory_space<vmem>> -> memref<80xi32, #tpu.memory_space<vmem>>
          %dma_start3A_116 = arith.constant 0 : i32
          %dma_start3A_117 = arith.constant 0 : i32
          %dma_start3A_118 = tpu.memref_slice %arg2[%dma_start3A_116, %dma_start3A_117] : memref<10000x128xf32, #tpu.memory_space<hbm>> -> memref<10000x128xf32, #tpu.memory_space<hbm>>
          tpu.enqueue_indirect_dma source(%dma_start3A_118 : memref<10000x128xf32, #tpu.memory_space<hbm>>) target(%arg11 : memref<80x128xf32, #tpu.memory_space<vmem>>) offsets(%dma_start3A_115 : memref<80xi32, #tpu.memory_space<vmem>>) semaphore(%arg19 : memref<!tpu.dma_semaphore, #tpu.memory_space<semaphore_mem>>)
        } else {
        }
      } else {
      }
    }
    %scan3A_34 = arith.constant 42 : i32
    %dma_wait3A = arith.constant 0 : i32
    %dma_wait3A_35 = arith.constant 0 : i32
    %dma_wait3A_36 = tpu.memref_slice %arg14[%dma_wait3A, %dma_wait3A_35] : memref<10000x128xf32, #tpu.memory_space<vmem_shared>> -> memref<10000x128xf32, #tpu.memory_space<vmem_shared>>
    tpu.wait_indirect_dma semaphore(%arg23 : memref<!tpu.dma_semaphore, #tpu.memory_space<semaphore_mem>>) src(%arg12 : memref<80x128xf32, #tpu.memory_space<vmem>>) dst(%dma_wait3A_36 : memref<10000x128xf32, #tpu.memory_space<vmem_shared>>)
    %dma_wait3A_37 = arith.constant 0 : i32
    %dma_wait3A_38 = arith.constant 0 : i32
    %dma_wait3A_39 = tpu.memref_slice %arg14[%dma_wait3A_37, %dma_wait3A_38] : memref<10000x128xf32, #tpu.memory_space<vmem_shared>> -> memref<10000x128xf32, #tpu.memory_space<vmem_shared>>
    tpu.wait_indirect_dma semaphore(%arg21 : memref<!tpu.dma_semaphore, #tpu.memory_space<semaphore_mem>>) src(%arg10 : memref<80x128xf32, #tpu.memory_space<vmem>>) dst(%dma_wait3A_39 : memref<10000x128xf32, #tpu.memory_space<vmem_shared>>)
    %dma_wait3A_40 = arith.constant 0 : i32
    %dma_wait3A_41 = arith.constant 0 : i32
    %dma_wait3A_42 = tpu.memref_slice %arg14[%dma_wait3A_40, %dma_wait3A_41] : memref<10000x128xf32, #tpu.memory_space<vmem_shared>> -> memref<10000x128xf32, #tpu.memory_space<vmem_shared>>
    tpu.wait_indirect_dma semaphore(%arg22 : memref<!tpu.dma_semaphore, #tpu.memory_space<semaphore_mem>>) src(%arg11 : memref<80x128xf32, #tpu.memory_space<vmem>>) dst(%dma_wait3A_42 : memref<10000x128xf32, #tpu.memory_space<vmem_shared>>)
    %barrier3A_43 = arith.constant 0 : index
    tpu.barrier barrier_id(%barrier3A_43)
    %lt3A_44 = arith.constant 10 : i32
    %lt3A_45 = arith.cmpi slt, %arg1, %lt3A_44 : i32
    %convert_element_type3A_46 = arith.extui %lt3A_45 : i1 to i32
    %cond3A_47 = arith.constant 0 : i32
    %cond3A_48 = arith.cmpi ne, %convert_element_type3A_46, %cond3A_47 : i32
    scf.if %cond3A_48 {
      %mul3A_49 = arith.constant 1000 : i32
      %mul3A_50 = arith.muli %arg1, %mul3A_49 : i32
      %mul3A_51 = arith.constant 1000 : i32
      %mul3A_52 = arith.muli %arg1, %mul3A_51 : i32
      "tpu.region"() ({
        %run_scoped3A = tpu.sem_alloc : memref<!tpu.dma_semaphore, #tpu.memory_space<semaphore_mem>>
        %dma_start3A_53 = arith.constant 0 : i32
        %dma_start3A_54 = tpu.memref_slice %arg5[%arg0, %mul3A_52, %dma_start3A_53] : memref<2x10000x128xf32, #tpu.memory_space<hbm>> -> memref<1x1000x128xf32, #tpu.memory_space<hbm>>
        %dma_start3A_55 = tpu.memref_squeeze %dma_start3A_54 : memref<1x1000x128xf32, #tpu.memory_space<hbm>> -> memref<1000x128xf32, #tpu.memory_space<hbm>>
        %dma_start3A_56 = arith.constant 0 : i32
        %dma_start3A_57 = tpu.memref_slice %arg14[%mul3A_50, %dma_start3A_56] : memref<10000x128xf32, #tpu.memory_space<vmem_shared>> -> memref<1000x128xf32, #tpu.memory_space<vmem_shared>>
        tpu.enqueue_dma source(%dma_start3A_57 : memref<1000x128xf32, #tpu.memory_space<vmem_shared>>) target(%dma_start3A_55 : memref<1000x128xf32, #tpu.memory_space<hbm>>) target_semaphore(%run_scoped3A : memref<!tpu.dma_semaphore, #tpu.memory_space<semaphore_mem>>)
        %dma_wait3A_58 = arith.constant 0 : i32
        %dma_wait3A_59 = tpu.memref_slice %arg5[%arg0, %mul3A_52, %dma_wait3A_58] : memref<2x10000x128xf32, #tpu.memory_space<hbm>> -> memref<1x1000x128xf32, #tpu.memory_space<hbm>>
        %dma_wait3A_60 = tpu.memref_squeeze %dma_wait3A_59 : memref<1x1000x128xf32, #tpu.memory_space<hbm>> -> memref<1000x128xf32, #tpu.memory_space<hbm>>
        %dma_wait3A_61 = arith.constant 0 : i32
        %dma_wait3A_62 = tpu.memref_slice %arg14[%mul3A_50, %dma_wait3A_61] : memref<10000x128xf32, #tpu.memory_space<vmem_shared>> -> memref<1000x128xf32, #tpu.memory_space<vmem_shared>>
        tpu.wait_dma2 semaphore(%run_scoped3A : memref<!tpu.dma_semaphore, #tpu.memory_space<semaphore_mem>>) src(%dma_wait3A_62 : memref<1000x128xf32, #tpu.memory_space<vmem_shared>>) dst(%dma_wait3A_60 : memref<1000x128xf32, #tpu.memory_space<hbm>>)
        tpu.yield
      }) : () -> ()
    } else {
    }
    return
  }
}

module attributes {stable_mosaic.version = 14 : i64} {
  func.func @body(%arg0: i32, %arg1: memref<2000x128xf32, #tpu.memory_space<vmem>>, %arg2: memref<128x128xf32, #tpu.memory_space<vmem>>, %arg3: memref<2000x16xf32, #tpu.memory_space<vmem>>, %arg4: memref<2000x16xf32, #tpu.memory_space<vmem>>, %arg5: memref<2000x128xf32, #tpu.memory_space<vmem>>) attributes {dimension_semantics = [#tpu.dimension_semantics<arbitrary>], iteration_bounds = array<i64: 5>, scalar_prefetch = 0 : i64, scratch_operands = 0 : i64, tpu.core_type = #tpu.core_type<tc>, window_params = [{transform_indices = @transform_0, window_bounds = array<i64: 2000, 128>}, {pipeline_mode = #tpu.pipeline_mode<synchronous>, transform_indices = @transform_1, window_bounds = array<i64: 128, 128>}, {transform_indices = @transform_2, window_bounds = array<i64: 2000, 16>}, {transform_indices = @transform_3, window_bounds = array<i64: 2000, 16>}, {transform_indices = @transform_4, window_bounds = array<i64: 2000, 128>}]} {
    %get3A = arith.constant 0 : index
    %get3A_0 = arith.constant 0 : index
    %get3A_1 = vector.load %arg3[%get3A, %get3A_0] : memref<2000x16xf32, #tpu.memory_space<vmem>>, vector<2000x16xf32>
    %get3A_2 = arith.constant 0 : index
    %get3A_3 = arith.constant 0 : index
    %get3A_4 = vector.load %arg4[%get3A_2, %get3A_3] : memref<2000x16xf32, #tpu.memory_space<vmem>>, vector<2000x16xf32>
    %slice3A = vector.extract_strided_slice %get3A_1 {offsets = [0, 0], sizes = [2000, 1], strides = [1, 1]} : vector<2000x16xf32> to vector<2000x1xf32>
    %slice3A_5 = vector.extract_strided_slice %get3A_4 {offsets = [0, 0], sizes = [2000, 1], strides = [1, 1]} : vector<2000x16xf32> to vector<2000x1xf32>
    %add3A = arith.addf %slice3A, %slice3A_5 : vector<2000x1xf32>
    %add3A_6 = arith.constant 1.000000e+00 : f32
    %add3A_7 = vector.broadcast %add3A_6 : f32 to vector<2000x1xf32>
    %add3A_8 = arith.addf %add3A, %add3A_7 : vector<2000x1xf32>
    %rsqrt3A = math.rsqrt %add3A_8 : vector<2000x1xf32>
    %get3A_9 = arith.constant 0 : index
    %get3A_10 = arith.constant 0 : index
    %get3A_11 = vector.load %arg1[%get3A_9, %get3A_10] : memref<2000x128xf32, #tpu.memory_space<vmem>>, vector<2000x128xf32>
    %get3A_12 = arith.constant 0 : index
    %get3A_13 = arith.constant 0 : index
    %get3A_14 = vector.load %arg2[%get3A_12, %get3A_13] : memref<128x128xf32, #tpu.memory_space<vmem>>, vector<128x128xf32>
    %dot_general3A = arith.constant dense<0.000000e+00> : vector<2000x128xf32>
    %dot_general3A_15 = tpu.matmul %get3A_11, %get3A_14, %dot_general3A {dimension_numbers = #tpu.dot_dimension_numbers<[1], [0], [0], [1], [0, 0, 1, 1], [], []>, transpose_lhs_hint = false} : vector<2000x128xf32>, vector<128x128xf32>, vector<2000x128xf32> -> vector<2000x128xf32>
    %mul3A = vector.broadcast %rsqrt3A : vector<2000x1xf32> to vector<2000x128xf32>
    %mul3A_16 = arith.mulf %mul3A, %dot_general3A_15 : vector<2000x128xf32>
    %swap3A = arith.constant 0 : index
    %swap3A_17 = arith.constant 0 : index
    %swap3A_18 = vector.load %arg5[%swap3A, %swap3A_17] : memref<2000x128xf32, #tpu.memory_space<vmem>>, vector<2000x128xf32>
    tpu.vector_store %arg5[%swap3A, %swap3A_17], %mul3A_16 {strides = array<i32>} : memref<2000x128xf32, #tpu.memory_space<vmem>>, vector<2000x128xf32>,
    return
  }
  func.func @transform_0(%arg0: i32) -> (i32, i32) {
    %c0_i32 = arith.constant 0 : i32
    %c0_i32_0 = arith.constant 0 : i32
    return %arg0, %c0_i32 : i32, i32
  }
  func.func @transform_1(%arg0: i32) -> (i32, i32) {
    %c0_i32 = arith.constant 0 : i32
    %c0_i32_0 = arith.constant 0 : i32
    %c0_i32_1 = arith.constant 0 : i32
    return %c0_i32, %c0_i32_0 : i32, i32
  }
  func.func @transform_2(%arg0: i32) -> (i32, i32) {
    %c0_i32 = arith.constant 0 : i32
    %c0_i32_0 = arith.constant 0 : i32
    return %arg0, %c0_i32 : i32, i32
  }
  func.func @transform_3(%arg0: i32) -> (i32, i32) {
    %c0_i32 = arith.constant 0 : i32
    %c0_i32_0 = arith.constant 0 : i32
    return %arg0, %c0_i32 : i32, i32
  }
  func.func @transform_4(%arg0: i32) -> (i32, i32) {
    %c0_i32 = arith.constant 0 : i32
    %c0_i32_0 = arith.constant 0 : i32
    return %arg0, %c0_i32 : i32, i32
  }
}

module attributes {stable_mosaic.version = 14 : i64} {
  func.func @body(%arg0: i32, %arg1: memref<2000x128xf32, #tpu.memory_space<vmem>>, %arg2: memref<2000x128xf32, #tpu.memory_space<vmem>>, %arg3: memref<2000x128xf32, #tpu.memory_space<vmem>>, %arg4: memref<2000x16xf32, #tpu.memory_space<vmem>>, %arg5: memref<2000x16xf32, #tpu.memory_space<vmem>>, %arg6: memref<1x128xf32, #tpu.memory_space<vmem>>, %arg7: memref<1x128xf32, #tpu.memory_space<vmem>>, %arg8: memref<256x128xf32, #tpu.memory_space<vmem>>, %arg9: memref<2000x128xf32, #tpu.memory_space<vmem>>, %arg10: memref<2000x128xf32, #tpu.memory_space<vmem>>) attributes {dimension_semantics = [#tpu.dimension_semantics<arbitrary>], iteration_bounds = array<i64: 5>, scalar_prefetch = 0 : i64, scratch_operands = 0 : i64, tpu.core_type = #tpu.core_type<tc>, window_params = [{transform_indices = @transform_0, window_bounds = array<i64: 2000, 128>}, {transform_indices = @transform_1, window_bounds = array<i64: 2000, 128>}, {transform_indices = @transform_2, window_bounds = array<i64: 2000, 128>}, {transform_indices = @transform_3, window_bounds = array<i64: 2000, 16>}, {transform_indices = @transform_4, window_bounds = array<i64: 2000, 16>}, {pipeline_mode = #tpu.pipeline_mode<synchronous>, transform_indices = @transform_5, window_bounds = array<i64: 1, 128>}, {pipeline_mode = #tpu.pipeline_mode<synchronous>, transform_indices = @transform_6, window_bounds = array<i64: 1, 128>}, {pipeline_mode = #tpu.pipeline_mode<synchronous>, transform_indices = @transform_7, window_bounds = array<i64: 256, 128>}, {transform_indices = @transform_8, window_bounds = array<i64: 2000, 128>}, {transform_indices = @transform_9, window_bounds = array<i64: 2000, 128>}]} {
    %get3A = arith.constant 0 : index
    %get3A_0 = arith.constant 0 : index
    %get3A_1 = vector.load %arg4[%get3A, %get3A_0] : memref<2000x16xf32, #tpu.memory_space<vmem>>, vector<2000x16xf32>
    %get3A_2 = arith.constant 0 : index
    %get3A_3 = arith.constant 0 : index
    %get3A_4 = vector.load %arg5[%get3A_2, %get3A_3] : memref<2000x16xf32, #tpu.memory_space<vmem>>, vector<2000x16xf32>
    %slice3A = vector.extract_strided_slice %get3A_1 {offsets = [0, 0], sizes = [2000, 1], strides = [1, 1]} : vector<2000x16xf32> to vector<2000x1xf32>
    %slice3A_5 = vector.extract_strided_slice %get3A_4 {offsets = [0, 0], sizes = [2000, 1], strides = [1, 1]} : vector<2000x16xf32> to vector<2000x1xf32>
    %add3A = arith.addf %slice3A, %slice3A_5 : vector<2000x1xf32>
    %add3A_6 = arith.constant 1.000000e+00 : f32
    %add3A_7 = vector.broadcast %add3A_6 : f32 to vector<2000x1xf32>
    %add3A_8 = arith.addf %add3A, %add3A_7 : vector<2000x1xf32>
    %rsqrt3A = math.rsqrt %add3A_8 : vector<2000x1xf32>
    %get3A_9 = arith.constant 0 : index
    %get3A_10 = arith.constant 0 : index
    %get3A_11 = vector.load %arg1[%get3A_9, %get3A_10] : memref<2000x128xf32, #tpu.memory_space<vmem>>, vector<2000x128xf32>
    %get3A_12 = arith.constant 0 : index
    %get3A_13 = arith.constant 0 : index
    %get3A_14 = vector.load %arg2[%get3A_12, %get3A_13] : memref<2000x128xf32, #tpu.memory_space<vmem>>, vector<2000x128xf32>
    %add3A_15 = arith.addf %get3A_11, %get3A_14 : vector<2000x128xf32>
    %get3A_16 = arith.constant 0 : index
    %get3A_17 = arith.constant 0 : index
    %get3A_18 = vector.load %arg3[%get3A_16, %get3A_17] : memref<2000x128xf32, #tpu.memory_space<vmem>>, vector<2000x128xf32>
    %add3A_19 = arith.addf %add3A_15, %get3A_18 : vector<2000x128xf32>
    %mul3A = vector.broadcast %rsqrt3A : vector<2000x1xf32> to vector<2000x128xf32>
    %mul3A_20 = arith.mulf %mul3A, %add3A_19 : vector<2000x128xf32>
    %get3A_21 = arith.constant 0 : index
    %get3A_22 = arith.constant 0 : index
    %get3A_23 = vector.load %arg6[%get3A_21, %get3A_22] : memref<1x128xf32, #tpu.memory_space<vmem>>, vector<1x128xf32>
    %add3A_24 = vector.broadcast %get3A_23 : vector<1x128xf32> to vector<2000x128xf32>
    %add3A_25 = arith.addf %mul3A_20, %add3A_24 : vector<2000x128xf32>
    %swap3A = arith.constant 0 : index
    %swap3A_26 = arith.constant 0 : index
    %swap3A_27 = vector.load %arg9[%swap3A, %swap3A_26] : memref<2000x128xf32, #tpu.memory_space<vmem>>, vector<2000x128xf32>
    tpu.vector_store %arg9[%swap3A, %swap3A_26], %add3A_25 {strides = array<i32>} : memref<2000x128xf32, #tpu.memory_space<vmem>>, vector<2000x128xf32>,
    %get3A_28 = arith.constant 0 : index
    %get3A_29 = arith.constant 0 : index
    %get3A_30 = vector.load %arg8[%get3A_28, %get3A_29] : memref<256x128xf32, #tpu.memory_space<vmem>>, vector<256x128xf32>
    %max3A = arith.constant 0.000000e+00 : f32
    %max3A_31 = vector.broadcast %max3A : f32 to vector<2000x128xf32>
    %max3A_32 = arith.maximumf %add3A_25, %max3A_31 : vector<2000x128xf32>
    %slice3A_33 = vector.extract_strided_slice %get3A_30 {offsets = [128, 0], sizes = [128, 128], strides = [1, 1]} : vector<256x128xf32> to vector<128x128xf32>
    %dot_general3A = arith.constant dense<0.000000e+00> : vector<2000x128xf32>
    %dot_general3A_34 = tpu.matmul %max3A_32, %slice3A_33, %dot_general3A {dimension_numbers = #tpu.dot_dimension_numbers<[1], [0], [0], [1], [0, 0, 1, 1], [], []>, transpose_lhs_hint = false} : vector<2000x128xf32>, vector<128x128xf32>, vector<2000x128xf32> -> vector<2000x128xf32>
    %get3A_35 = arith.constant 0 : index
    %get3A_36 = arith.constant 0 : index
    %get3A_37 = vector.load %arg7[%get3A_35, %get3A_36] : memref<1x128xf32, #tpu.memory_space<vmem>>, vector<1x128xf32>
    %max3A_38 = arith.constant 0.000000e+00 : f32
    %max3A_39 = vector.broadcast %max3A_38 : f32 to vector<1x128xf32>
    %max3A_40 = arith.maximumf %get3A_37, %max3A_39 : vector<1x128xf32>
    %slice3A_41 = vector.extract_strided_slice %get3A_30 {offsets = [0, 0], sizes = [128, 128], strides = [1, 1]} : vector<256x128xf32> to vector<128x128xf32>
    %dot_general3A_42 = arith.constant dense<0.000000e+00> : vector<1x128xf32>
    %dot_general3A_43 = tpu.matmul %max3A_40, %slice3A_41, %dot_general3A_42 {dimension_numbers = #tpu.dot_dimension_numbers<[1], [0], [0], [1], [0, 0, 1, 1], [], []>, transpose_lhs_hint = false} : vector<1x128xf32>, vector<128x128xf32>, vector<1x128xf32> -> vector<1x128xf32>
    %add3A_44 = vector.broadcast %dot_general3A_43 : vector<1x128xf32> to vector<2000x128xf32>
    %add3A_45 = arith.addf %dot_general3A_34, %add3A_44 : vector<2000x128xf32>
    %mul3A_46 = vector.broadcast %rsqrt3A : vector<2000x1xf32> to vector<2000x128xf32>
    %mul3A_47 = arith.mulf %mul3A_46, %add3A_45 : vector<2000x128xf32>
    %swap3A_48 = arith.constant 0 : index
    %swap3A_49 = arith.constant 0 : index
    %swap3A_50 = vector.load %arg10[%swap3A_48, %swap3A_49] : memref<2000x128xf32, #tpu.memory_space<vmem>>, vector<2000x128xf32>
    tpu.vector_store %arg10[%swap3A_48, %swap3A_49], %mul3A_47 {strides = array<i32>} : memref<2000x128xf32, #tpu.memory_space<vmem>>, vector<2000x128xf32>,
    return
  }
  func.func @transform_0(%arg0: i32) -> (i32, i32) {
    %c0_i32 = arith.constant 0 : i32
    %c0_i32_0 = arith.constant 0 : i32
    return %arg0, %c0_i32 : i32, i32
  }
  func.func @transform_1(%arg0: i32) -> (i32, i32) {
    %c0_i32 = arith.constant 0 : i32
    %c0_i32_0 = arith.constant 0 : i32
    return %arg0, %c0_i32 : i32, i32
  }
  func.func @transform_2(%arg0: i32) -> (i32, i32) {
    %c0_i32 = arith.constant 0 : i32
    %c0_i32_0 = arith.constant 0 : i32
    return %arg0, %c0_i32 : i32, i32
  }
  func.func @transform_3(%arg0: i32) -> (i32, i32) {
    %c0_i32 = arith.constant 0 : i32
    %c0_i32_0 = arith.constant 0 : i32
    return %arg0, %c0_i32 : i32, i32
  }
  func.func @transform_4(%arg0: i32) -> (i32, i32) {
    %c0_i32 = arith.constant 0 : i32
    %c0_i32_0 = arith.constant 0 : i32
    return %arg0, %c0_i32 : i32, i32
  }
  func.func @transform_5(%arg0: i32) -> (i32, i32) {
    %c0_i32 = arith.constant 0 : i32
    %c0_i32_0 = arith.constant 0 : i32
    %c0_i32_1 = arith.constant 0 : i32
    return %c0_i32, %c0_i32_0 : i32, i32
  }
  func.func @transform_6(%arg0: i32) -> (i32, i32) {
    %c0_i32 = arith.constant 0 : i32
    %c0_i32_0 = arith.constant 0 : i32
    %c0_i32_1 = arith.constant 0 : i32
    return %c0_i32, %c0_i32_0 : i32, i32
  }
  func.func @transform_7(%arg0: i32) -> (i32, i32) {
    %c0_i32 = arith.constant 0 : i32
    %c0_i32_0 = arith.constant 0 : i32
    %c0_i32_1 = arith.constant 0 : i32
    return %c0_i32, %c0_i32_0 : i32, i32
  }
  func.func @transform_8(%arg0: i32) -> (i32, i32) {
    %c0_i32 = arith.constant 0 : i32
    %c0_i32_0 = arith.constant 0 : i32
    return %arg0, %c0_i32 : i32, i32
  }
  func.func @transform_9(%arg0: i32) -> (i32, i32) {
    %c0_i32 = arith.constant 0 : i32
    %c0_i32_0 = arith.constant 0 : i32
    return %arg0, %c0_i32 : i32, i32
  }
}

module attributes {stable_mosaic.version = 14 : i64} {
  func.func @body(%arg0: i32, %arg1: memref<2000x128xf32, #tpu.memory_space<vmem>>, %arg2: memref<2000x128xf32, #tpu.memory_space<vmem>>, %arg3: memref<2000x128xf32, #tpu.memory_space<vmem>>, %arg4: memref<2000x16xf32, #tpu.memory_space<vmem>>, %arg5: memref<2000x16xf32, #tpu.memory_space<vmem>>, %arg6: memref<1x128xf32, #tpu.memory_space<vmem>>, %arg7: memref<1x128xf32, #tpu.memory_space<vmem>>) attributes {dimension_semantics = [#tpu.dimension_semantics<arbitrary>], iteration_bounds = array<i64: 5>, scalar_prefetch = 0 : i64, scratch_operands = 0 : i64, tpu.core_type = #tpu.core_type<tc>, window_params = [{transform_indices = @transform_0, window_bounds = array<i64: 2000, 128>}, {transform_indices = @transform_1, window_bounds = array<i64: 2000, 128>}, {transform_indices = @transform_2, window_bounds = array<i64: 2000, 128>}, {transform_indices = @transform_3, window_bounds = array<i64: 2000, 16>}, {transform_indices = @transform_4, window_bounds = array<i64: 2000, 16>}, {pipeline_mode = #tpu.pipeline_mode<synchronous>, transform_indices = @transform_5, window_bounds = array<i64: 1, 128>}, {pipeline_mode = #tpu.pipeline_mode<synchronous>, transform_indices = @transform_6, window_bounds = array<i64: 1, 128>}]} {
    %get3A = arith.constant 0 : index
    %get3A_0 = arith.constant 0 : index
    %get3A_1 = vector.load %arg4[%get3A, %get3A_0] : memref<2000x16xf32, #tpu.memory_space<vmem>>, vector<2000x16xf32>
    %get3A_2 = arith.constant 0 : index
    %get3A_3 = arith.constant 0 : index
    %get3A_4 = vector.load %arg5[%get3A_2, %get3A_3] : memref<2000x16xf32, #tpu.memory_space<vmem>>, vector<2000x16xf32>
    %slice3A = vector.extract_strided_slice %get3A_1 {offsets = [0, 0], sizes = [2000, 1], strides = [1, 1]} : vector<2000x16xf32> to vector<2000x1xf32>
    %slice3A_5 = vector.extract_strided_slice %get3A_4 {offsets = [0, 0], sizes = [2000, 1], strides = [1, 1]} : vector<2000x16xf32> to vector<2000x1xf32>
    %add3A = arith.addf %slice3A, %slice3A_5 : vector<2000x1xf32>
    %add3A_6 = arith.constant 1.000000e+00 : f32
    %add3A_7 = vector.broadcast %add3A_6 : f32 to vector<2000x1xf32>
    %add3A_8 = arith.addf %add3A, %add3A_7 : vector<2000x1xf32>
    %rsqrt3A = math.rsqrt %add3A_8 : vector<2000x1xf32>
    %get3A_9 = arith.constant 0 : index
    %get3A_10 = arith.constant 0 : index
    %get3A_11 = vector.load %arg1[%get3A_9, %get3A_10] : memref<2000x128xf32, #tpu.memory_space<vmem>>, vector<2000x128xf32>
    %get3A_12 = arith.constant 0 : index
    %get3A_13 = arith.constant 0 : index
    %get3A_14 = vector.load %arg2[%get3A_12, %get3A_13] : memref<2000x128xf32, #tpu.memory_space<vmem>>, vector<2000x128xf32>
    %add3A_15 = arith.addf %get3A_11, %get3A_14 : vector<2000x128xf32>
    %get3A_16 = arith.constant 0 : index
    %get3A_17 = arith.constant 0 : index
    %get3A_18 = vector.load %arg3[%get3A_16, %get3A_17] : memref<2000x128xf32, #tpu.memory_space<vmem>>, vector<2000x128xf32>
    %add3A_19 = arith.addf %add3A_15, %get3A_18 : vector<2000x128xf32>
    %mul3A = vector.broadcast %rsqrt3A : vector<2000x1xf32> to vector<2000x128xf32>
    %mul3A_20 = arith.mulf %mul3A, %add3A_19 : vector<2000x128xf32>
    %get3A_21 = arith.constant 0 : index
    %get3A_22 = arith.constant 0 : index
    %get3A_23 = vector.load %arg6[%get3A_21, %get3A_22] : memref<1x128xf32, #tpu.memory_space<vmem>>, vector<1x128xf32>
    %add3A_24 = vector.broadcast %get3A_23 : vector<1x128xf32> to vector<2000x128xf32>
    %add3A_25 = arith.addf %mul3A_20, %add3A_24 : vector<2000x128xf32>
    %max3A = arith.constant 0.000000e+00 : f32
    %max3A_26 = vector.broadcast %max3A : f32 to vector<2000x128xf32>
    %max3A_27 = arith.maximumf %add3A_25, %max3A_26 : vector<2000x128xf32>
    %reduce_sum3A = arith.constant dense<0.000000e+00> : vector<128xf32>
    %reduce_sum3A_28 = vector.multi_reduction <add>, %max3A_27, %reduce_sum3A [0] : vector<2000x128xf32> to vector<128xf32>
    %broadcast_in_dim3A = vector.shape_cast %reduce_sum3A_28 : vector<128xf32> to vector<1x128xf32>
    %mul3A_29 = arith.constant 9.99999974E-5 : f32
    %mul3A_30 = vector.broadcast %mul3A_29 : f32 to vector<1x128xf32>
    %mul3A_31 = arith.mulf %broadcast_in_dim3A, %mul3A_30 : vector<1x128xf32>
    %eq3A = arith.constant 0 : i32
    %eq3A_32 = arith.cmpi eq, %arg0, %eq3A : i32
    %convert_element_type3A = arith.extui %eq3A_32 : i1 to i32
    %cond3A = arith.constant 0 : i32
    %cond3A_33 = arith.cmpi ne, %convert_element_type3A, %cond3A : i32
    scf.if %cond3A_33 {
      %swap3A = arith.constant 0 : index
      %swap3A_38 = arith.constant 0 : index
      %swap3A_39 = vector.load %arg7[%swap3A, %swap3A_38] : memref<1x128xf32, #tpu.memory_space<vmem>>, vector<1x128xf32>
      tpu.vector_store %arg7[%swap3A, %swap3A_38], %mul3A_31 {strides = array<i32>} : memref<1x128xf32, #tpu.memory_space<vmem>>, vector<1x128xf32>,
    } else {
    }
    %gt3A = arith.constant 0 : i32
    %gt3A_34 = arith.cmpi sgt, %arg0, %gt3A : i32
    %convert_element_type3A_35 = arith.extui %gt3A_34 : i1 to i32
    %cond3A_36 = arith.constant 0 : i32
    %cond3A_37 = arith.cmpi ne, %convert_element_type3A_35, %cond3A_36 : i32
    scf.if %cond3A_37 {
      %get3A_38 = arith.constant 0 : index
      %get3A_39 = arith.constant 0 : index
      %get3A_40 = vector.load %arg7[%get3A_38, %get3A_39] : memref<1x128xf32, #tpu.memory_space<vmem>>, vector<1x128xf32>
      %add3A_41 = arith.addf %get3A_40, %mul3A_31 : vector<1x128xf32>
      %swap3A = arith.constant 0 : index
      %swap3A_42 = arith.constant 0 : index
      %swap3A_43 = vector.load %arg7[%swap3A, %swap3A_42] : memref<1x128xf32, #tpu.memory_space<vmem>>, vector<1x128xf32>
      tpu.vector_store %arg7[%swap3A, %swap3A_42], %add3A_41 {strides = array<i32>} : memref<1x128xf32, #tpu.memory_space<vmem>>, vector<1x128xf32>,
    } else {
    }
    return
  }
  func.func @transform_0(%arg0: i32) -> (i32, i32) {
    %c0_i32 = arith.constant 0 : i32
    %c0_i32_0 = arith.constant 0 : i32
    return %arg0, %c0_i32 : i32, i32
  }
  func.func @transform_1(%arg0: i32) -> (i32, i32) {
    %c0_i32 = arith.constant 0 : i32
    %c0_i32_0 = arith.constant 0 : i32
    return %arg0, %c0_i32 : i32, i32
  }
  func.func @transform_2(%arg0: i32) -> (i32, i32) {
    %c0_i32 = arith.constant 0 : i32
    %c0_i32_0 = arith.constant 0 : i32
    return %arg0, %c0_i32 : i32, i32
  }
  func.func @transform_3(%arg0: i32) -> (i32, i32) {
    %c0_i32 = arith.constant 0 : i32
    %c0_i32_0 = arith.constant 0 : i32
    return %arg0, %c0_i32 : i32, i32
  }
  func.func @transform_4(%arg0: i32) -> (i32, i32) {
    %c0_i32 = arith.constant 0 : i32
    %c0_i32_0 = arith.constant 0 : i32
    return %arg0, %c0_i32 : i32, i32
  }
  func.func @transform_5(%arg0: i32) -> (i32, i32) {
    %c0_i32 = arith.constant 0 : i32
    %c0_i32_0 = arith.constant 0 : i32
    %c0_i32_1 = arith.constant 0 : i32
    return %c0_i32, %c0_i32_0 : i32, i32
  }
  func.func @transform_6(%arg0: i32) -> (i32, i32) {
    %c0_i32 = arith.constant 0 : i32
    %c0_i32_0 = arith.constant 0 : i32
    %c0_i32_1 = arith.constant 0 : i32
    return %c0_i32, %c0_i32_0 : i32, i32
  }
}

</mosaic_0001>

<sc_bundles>
// kernel: kernel.11.cloned.1.call-start
scs
__scs_entry_jumppad:
0x0: {  	(pc) =	sbr.rel $0x88, $3  }
0x1: {  	(tag) =	ssettag $0x0;
	lr =	simm.s32 $0x1  }
0x2: {  	[smem:$0x3F9A] =	sst lr;
	_ =	strace $0xD0000000  }
0x3: {  	_ = 	snop  }
0x4: {  	_ = 	snop  }
0x5: {  	_ = 	snop  }
0x6: {  	_ = 	snop  }
0x7: {  	_ = 	snop  }
__scs_overlays_trampoline_lowered:
0x8: {  	[smem:$0x3FA9] =	sst s0  }
0x9: {  	[smem:$0x3FAA] =	sst s1  }
0xa: {  	[smem:$0x3FAB] =	sst s2  }
0xb: {  	[smem:$0x3FAC] =	sst s3  }
0xc: {  	[smem:$0x3FAD] =	sst s4  }
0xd: {  	[smem:$0x3FAE] =	sst s5  }
0xe: {  	[smem:$0x3FAF] =	sst s6  }
0xf: {  	[smem:$0x3FB0] =	sst s7  }
0x10: {  	[smem:$0x3FB1] =	sst s8  }
0x11: {  	[smem:$0x3FB2] =	sst s9;
	s0 =	simm.s32 @!p0 $0x0  }
0x12: {  	s1 =	sld [smem:$0x3F98];
	s0 =	simm.s32 @p0 $0x1  }
0x13: {  	[smem:$0x3FB3] =	sst s0;
	s0 =	simm.s32 @!p1 $0x0  }
0x14: {  	s2 =	sld [smem:$0x3F97];
	s0 =	simm.s32 @p1 $0x1  }
0x15: {  	[smem:$0x3FB4] =	sst s0;
	s0 =	simm.s32 @!p2 $0x0  }
0x16: {  	s3 =	sld [smem:$0x3FDB];
	s0 =	simm.s32 @p2 $0x1  }
0x17: {  	s4 =	simm.s32 $0x1BF5;
	[smem:$0x3FB6] =	sst s0  }
0x18: {  	s0 =	sld [smem:$0x3F99];
	_ =	swait.ge [sflag:s4], $0x0  }
0x19: {  	s7 =	sld [smem:$0x3F9A]  }
0x1a: {  	s8 =	sadd.s32 $0xFFFFE003, lr  }
0x1b: {  	s9 =	sadd.s32 $0xFFFFFEF7, lr;
	s5 =	simm.s32 $0xFFFFFFFF;
	p2 =	slt.u32 s8, $0xFFFFF086  }
0x1c: {  	p1 =	slt.u32 s9, $0xF7A;
	s5 =	simm.s32 @!p2 $0x0  }
0x1d: {  	s5 =	simm.s32 @p1 $0x1;
	p0 =	seq.s32 s7, s2  }
0x1e: {  	s7 =	smul.u32 @!p0 $0xF7A, s2;
	p2 =	seq.s32 @!p0 s5, $0x0  }
0x1f: {  	s9 =	smul.u32 $0xF7A, s1;
	s8 =	simm.s32 @!p0 $0x1BF5;
	p2 =	por !p2, p0  }
0x20: {  	[sflag:s8] =	ssyncset.s32 @!p0 $0xFFFFF086;
	s6 =	sadd.s32 @!p0 s3, s7;
	s7 =	simm.s32 @!p0 $0x108  }
0x21: {  	s3 =	sadd.s32 s3, s9;
	s6 =	sadd.s32 @!p0 $0x88, s6;
	s7 =	simm.s32 @p2 $0x1082  }
0x22: {  	[simem:s7], [sflag:s8] =	dma.local @!p0 [hbm:s6], $0xF7A  }
0x23: {  	s9 =	sor.u32 $0xD0000000, s2;
	s6 =	simm.s32 $0x108;
	_ =	swait.ge @!p0 [sflag:s8], $0x0  }
0x24: {  	s3 =	sadd.s32 $0x88, s3;
	s6 =	simm.s32 @!p1 $0x1082;
	[sflag:s4] =	ssyncset.s32 $0xFFFFF086  }
0x25: {  	[simem:s6], [sflag:s4] =	dma.local [hbm:s3], $0xF7A  }
0x26: {  	[smem:$0x3F9A] =	sst s1;
	(tag) =	ssettag s2;
	_ =	strace s9  }
0x27: {  	s1 =	sld [smem:$0x3FAA]  }
0x28: {  	s2 =	sld [smem:$0x3FAB]  }
0x29: {  	s4 =	sld [smem:$0x3FAD]  }
0x2a: {  	p0 =	seq.s32 s5, $0x0;
	s5 =	sld [smem:$0x3FAE]  }
0x2b: {  	s6 =	sld [smem:$0x3FAF]  }
0x2c: {  	s7 =	sld [smem:$0x3FB0]  }
0x2d: {  	s3 =	simm.s32 $0x108;
	s8 =	sld [smem:$0x3FB1]  }
0x2e: {  	s3 =	simm.s32 @!p0 $0x1082;
	s9 =	sld [smem:$0x3FB2]  }
0x2f: {  	lr =	sadd.s32 s0, s3;
	s0 =	sld [smem:$0x3FA9]  }
0x30: {  	s3 =	sld [smem:$0x3FAC]  }
0x31: {  	[smem:$0x3FB5] =	sst s10  }
0x32: {  	s10 =	sld [smem:$0x3FB3];
	_ =	sdelay $0x3  }
0x33: {  	p0 =	seq.s32 s10, $0x1;
	s10 =	sld [smem:$0x3FB5];
	_ =	sdelay $0x3  }
0x34: {  	[smem:$0x3FB5] =	sst s10  }
0x35: {  	s10 =	sld [smem:$0x3FB4];
	_ =	sdelay $0x3  }
0x36: {  	p1 =	seq.s32 s10, $0x1;
	s10 =	sld [smem:$0x3FB5];
	_ =	sdelay $0x3  }
0x37: {  	[smem:$0x3FB5] =	sst s10  }
0x38: {  	s10 =	sld [smem:$0x3FB6]  }
0x39: {  	_ = 	snop;
	(pc) =	sbr.ind lr, $3  }
0x3a: {  	_ = 	snop  }
0x3b: {  	_ = 	snop  }
0x3c: {  	p2 =	seq.s32 s10, $0x1;
	s10 =	sld [smem:$0x3FB5]  }
0x3d: {  	_ =	shalt  }
0x3e: {  	_ =	shalt  }
0x3f: {  	_ =	shalt  }
0x40: {  	_ =	shalt  }
0x41: {  	_ =	shalt  }
0x42: {  	_ =	shalt  }
0x43: {  	_ =	shalt  }
0x44: {  	_ =	shalt  }
0x45: {  	_ =	shalt  }
0x46: {  	_ =	shalt  }
0x47: {  	_ =	shalt  }
0x48: {  	_ =	shalt  }
0x49: {  	_ =	shalt  }
0x4a: {  	_ =	shalt  }
0x4b: {  	_ =	shalt  }
0x4c: {  	_ =	shalt  }
0x4d: {  	_ =	shalt  }
0x4e: {  	_ =	shalt  }
0x4f: {  	_ =	shalt  }
0x50: {  	_ =	shalt  }
0x51: {  	_ =	shalt  }
0x52: {  	_ =	shalt  }
0x53: {  	_ =	shalt  }
0x54: {  	_ =	shalt  }
0x55: {  	_ =	shalt  }
0x56: {  	_ =	shalt  }
0x57: {  	_ =	shalt  }
0x58: {  	_ =	shalt  }
0x59: {  	_ =	shalt  }
0x5a: {  	_ =	shalt  }
0x5b: {  	_ =	shalt  }
0x5c: {  	_ =	shalt  }
0x5d: {  	_ =	shalt  }
0x5e: {  	_ =	shalt  }
0x5f: {  	_ =	shalt  }
0x60: {  	_ =	shalt  }
0x61: {  	_ =	shalt  }
0x62: {  	_ =	shalt  }
0x63: {  	_ =	shalt  }
0x64: {  	_ =	shalt  }
0x65: {  	_ =	shalt  }
0x66: {  	_ =	shalt  }
0x67: {  	_ =	shalt  }
0x68: {  	_ =	shalt  }
0x69: {  	_ =	shalt  }
0x6a: {  	_ =	shalt  }
0x6b: {  	_ =	shalt  }
0x6c: {  	_ =	shalt  }
0x6d: {  	_ =	shalt  }
0x6e: {  	_ =	shalt  }
0x6f: {  	_ =	shalt  }
0x70: {  	_ =	shalt  }
0x71: {  	_ =	shalt  }
0x72: {  	_ =	shalt  }
0x73: {  	_ =	shalt  }
0x74: {  	_ =	shalt  }
0x75: {  	_ =	shalt  }
0x76: {  	_ =	shalt  }
0x77: {  	_ =	shalt  }
0x78: {  	_ =	shalt  }
0x79: {  	_ =	shalt  }
0x7a: {  	_ =	shalt  }
0x7b: {  	_ =	shalt  }
0x7c: {  	_ =	shalt  }
0x7d: {  	_ =	shalt  }
0x7e: {  	_ =	shalt  }
0x7f: {  	_ =	shalt  }
0x80: {  	_ =	shalt  }
0x81: {  	_ =	shalt  }
0x82: {  	_ =	shalt  }
0x83: {  	_ =	shalt  }
0x84: {  	_ =	shalt  }
0x85: {  	_ =	shalt  }
0x86: {  	_ =	shalt  }
0x87: {  	_ =	shalt  }
.Lfunc_end0:
.L_simem_size_0:
called_computation.1_lowered:
.L_overlay_start_0:
0x88: {  	s2 =	sld [smem:$0x3FD9]  }
0x89: {  	s3 =	sld [smem:$0x3FFE];
	_ =	sdelay $0x1  }
0x8a: {  	s1 =	srdreg.scid  }
0x8b: {  	s0 =	sand.u32 $0x1, s1  }
0x8c: {  	s16 =	sshll.u32 s0, $0xA;
	s2 =	sadd.s32 s3, s2  }
0x8d: {  	s2 =	sadd.s32 s2, s16  }
0x8e: {  	[smem:$0x3FC1] =	sst s2  }
0x8f: {  	_ = 	snop  }
0x90: {  	(tm) =	ssettm $0x1  }
0x91: {  	s17 =	sld [smem:$0x3FFB];
	_ =	sdelay $0x3  }
0x92: {  	_ =	strace s17  }
0x93: {  	s2 =	sld [smem:$0x3FFC];
	_ =	sdelay $0x3  }
0x94: {  	_ =	strace s2  }
0x95: {  	s2 =	sld [smem:$0x3FFD];
	_ =	sdelay $0x3  }
0x96: {  	_ =	strace s2  }
0x97: {  	_ =	strace $0x8FFFFFFF  }
0x98: {  	s18 =	sld [smem:$0x3FDB];
	_ =	sdelay $0x1  }
0x99: {  	s19 =	simm.s32 $_scs_section_size  }
0x9a: {  	s4 =	simm.s32 $_size__tile_overlayer_lowered;
	s5 =	simm.s32 $_tile_overlayer_lowered  }
0x9b: {  	s22 =	simm.s32 $0x1BFF;
	s21 =	sshll.u32 s5, $0x1;
	s2 =	sadd.s32 s19, s18  }
0x9c: {  	s6 =	simm.s32 $0x0;
	s20 =	sshll.u32 s4, $0x1;
	s4 =	sadd.s32 s21, s2  }
0x9d: {  	[timem:s6], [sflag:s22] =	dma.local [hbm:s4], s20  }
0x9e: {  	_ =	swait.ge [sflag:s22], s20  }
0x9f: {  	s3 =	ssub.s32 $0x0, s20;
	[sflag:s22] =	ssyncset.done $0x0  }
0xa0: {  	[sflag:s22] =	ssyncadd.s32 s3;
	_ =	sdelay $0x1  }
0xa1: {  	s23 =	simm.s32 $0x1B8B  }
0xa2: {  	_ =	swait.ge [sflag:s23], $0x1  }
0xa3: {  	[sflag:s23] =	ssyncset.done $0x0  }
0xa4: {  	s25 =	simm.s32 $0x1B8E;
	s24 =	sld [smem:$0x3FFE];
	[sflag:s23] =	ssyncadd.s32 $0xFFFFFFFF  }
0xa5: {  	s26 =	simm.s32 $execute0_lowered;
	[smem:$0x3FD2] =	sst s25  }
0xa6: {  	s4 =	sshll.u32 s26, $0x1;
	_ =	strace $0x80000049;
	[dreg:$0x1] =	wrdreg $0xFFFFFFFF  }
0xa7: {  	s28 =	simm.s32 $_size_execute0_lowered;
	s2 =	sadd.s32 s2, s4;
	[dreg:$0x0] =	wrdreg $0x0  }
0xa8: {  	s4 =	sshll.u32 s28, $0x1;
	[dreg:$0x2] =	wrdreg s2  }
0xa9: {  	[dreg:$0x3] =	wrdreg s4  }
0xaa: {  	[dreg:$0x4] =	wrdreg $0xC0  }
0xab: {  	_ =	task [dreg:s6], $0x5FFFF  }
0xac: {  	[dreg:$0x1] =	wrdreg $0xFFFFFFFF  }
0xad: {  	[dreg:$0x0] =	wrdreg $0x60  }
0xae: {  	[dreg:$0x2] =	wrdreg s24  }
0xaf: {  	[dreg:$0x3] =	wrdreg $0xB5000  }
0xb0: {  	[dreg:$0x4] =	wrdreg $0x9  }
0xb1: {  	_ =	task.clear_ibuf [dreg:s6], $0x5FFFF;
	_ =	strace $0x90000049  }
0xb2: {  	s29 =	simm.s32 $0x9;
	_ =	strace $0x8000004B  }
0xb3: {  	_ =	swait.ge [sflag:s29], $0x1  }
0xb4: {  	[sflag:s29] =	ssyncadd.s32 $0xFFFFFFFF  }
0xb5: {  	_ =	strace $0x9000004B  }
0xb6: {  	_ =	sfence  }
0xb7: {  	s30 =	sld [smem:$0x0];
	_ =	sdelay $0x2  }
0xb8: {  	s31 =	sshll.u32 s1, $0xD;
	s1 =	sshrl.u32 s1, $0x2  }
0xb9: {  	s3 =	sand.u32 $0x4000, s31;
	s1 =	sadd.s32 s1, s30  }
0xba: {  	s0 =	sor.u32 s3, s0;
	s1 =	sshll.u32 s1, $0x11  }
0xbb: {  	s0 =	sor.u32 s1, s0  }
0xbc: {  	s0 =	sadd.s32 $0x8F2B, s0  }
0xbd: {  	[sflag:s0] =	ssyncadd.remote.s32 $0x1  }
0xbe: {  	_ =	sfence.sel $0xFFFF  }
0xbf: {  	[dreg:$0x0] =	wrdreg $0xFFFFFFFF;
	(pc) =	sbr.abs _section_cstart, $3  }
0xc0: {  	[dreg:$0x1] =	wrdreg $0xFFFFFFFF  }
0xc1: {  	_ =	task.clear_ibuf [dreg:s6], $0x2FFFF;
	_ =	strace $0x9FFFFFFF  }
0xc2: {  	(tm) =	ssettm $0x7FFFFFFF  }
0xc3: {  	_ =	shalt  }
tec
execute0_lowered:
.L_overlay_start_1:
0x0: {  	(tag) =	ssettag $0x1  }
0x1: {  	s0 =	srdreg.scid  }
0x2: {  	s12 =	stileid.u32;
	s1 =	rddreg [dreg:$0x0]  }
0x3: {  	s2 =	rddreg [dreg:$0x1];
	s7 =	smul.u32 $0x1F400, s12  }
0x4: {  	s0 =	sand.u32 $0x1, s0;
	s3 =	sshll.u32 s12, $0x1;
	s9 =	smul.u32 $0x7D000, s12  }
0x5: {  	s4 =	sor.u32 s0, s3;
	s3 =	simm.s32 $0x0;
	s6 =	smul.u32 $0x138800, s0  }
0x6: {  	s13 =	ssub.s32 $0x2, s0;
	s5 =	smul.u32 $0x2710, s4;
	[smem:$0x7FF] =	sst s3  }
0x7: {  	s4 =	sadd.s32 $0x65400, s1;
	s9 =	sshrl.u32 s9, $0x2;
	s11 =	sshrl.u32 s13, $0x1  }
0x8: {  	_ =	strace $0x8000004A;
	s6 =	sadd.s32 s7, s6;
	s7 =	ssub.s32 s13, s11  }
0x9: {  	s8 =	sshrl.u32 s5, $0x3;
	s5 =	sadd.s32 $0xD200, s1;
	s6 =	sshrl.u32 s6, $0x3  }
0xa: {  	s7 =	smax.u32 s7, $0x1;
	s10 =	sadd.s32 s8, s1;
	s1 =	sadd.s32 s6, s1  }
0xb: {  	s6 =	sadd.s32 s9, s2;
	s26 =	sadd.s32 s5, s8;
	[dreg:$0x12] =	wrdreg s7  }
0xc: {  	s9 =	sadd.s32 $0x1400, s6;
	[dreg:$0x10] =	wrdreg s26  }
0xd: {  	s14 =	sadd.s32 $0x2800, s6;
	[dreg:$0x3] =	wrdreg s9  }
0xe: {  	s15 =	sadd.s32 $0x3C00, s6;
	[dreg:$0x4] =	wrdreg s14  }
0xf: {  	s16 =	sadd.s32 $0x5000, s6;
	[dreg:$0x5] =	wrdreg s15  }
0x10: {  	s17 =	sadd.s32 $0x6400, s6;
	[dreg:$0x6] =	wrdreg s16  }
0x11: {  	s18 =	sadd.s32 $0x7800, s6;
	[dreg:$0x7] =	wrdreg s17  }
0x12: {  	s19 =	sadd.s32 $0x8C00, s6;
	[dreg:$0x8] =	wrdreg s18  }
0x13: {  	s21 =	sadd.s32 $0xA000, s6;
	[dreg:$0x9] =	wrdreg s19  }
0x14: {  	s22 =	sadd.s32 $0xB400, s6;
	[dreg:$0xa] =	wrdreg s21  }
0x15: {  	s23 =	sadd.s32 $0xC800, s6;
	[dreg:$0xb] =	wrdreg s22  }
0x16: {  	s28 =	simm.s32 $0x1;
	s24 =	sadd.s32 $0xDC00, s6;
	[dreg:$0xc] =	wrdreg s23  }
0x17: {  	s20 =	smul.u32 $0x4E20, s12;
	s25 =	sadd.s32 $0xF000, s6;
	[dreg:$0xd] =	wrdreg s24  }
0x18: {  	s0 =	smul.u32 $0x2710, s0;
	s10 =	sadd.s32 $0x3400, s10;
	[dreg:$0xe] =	wrdreg s25  }
0x19: {  	s29 =	simm.s32 $0x4;
	s1 =	sadd.s32 $0x8C600, s1;
	[dreg:$0xf] =	wrdreg s10  }
0x1a: {  	s0 =	sadd.s32 s0, s20;
	s20 =	sadd.s32 $0x17C00, s6;
	[dreg:$0x11] =	wrdreg s1  }
0x1b: {  	s8 =	sadd.s32 $0xA0, s0;
	s26 =	sadd.s32 $0xA, s26;
	[dreg:$0x1c] =	wrdreg s20  }
0x1c: {  	s9 =	sadd.s32 $0x140, s0;
	s0 =	sadd.s32 $0xF0, s0;
	[smem:$0x7FD] =	sst s26  }
0x1d: {  	s30 =	simm.s32 $0x2880;
	s14 =	sadd.s32 $0x10400, s6;
	[dreg:$0x15] =	wrdreg s0  }
0x1e: {  	s31 =	simm.s32 $0x7900;
	s15 =	sadd.s32 $0x11800, s6;
	[dreg:$0x16] =	wrdreg s14  }
0x1f: {  	p0 =	sgt.u32 s12, $0x9;
	s16 =	sadd.s32 $0x12C00, s6;
	[dreg:$0x17] =	wrdreg s15  }
0x20: {  	s12 =	simm.s32 $0x9;
	s17 =	sadd.s32 $0x14000, s6;
	[dreg:$0x18] =	wrdreg s16  }
0x21: {  	s7 =	simm.s32 $0x5;
	s18 =	sadd.s32 $0x15400, s6;
	[dreg:$0x19] =	wrdreg s17  }
0x22: {  	s1 =	sshrl.u32 s8, $0x3;
	s19 =	sadd.s32 $0x16800, s6;
	[dreg:$0x1a] =	wrdreg s18  }
0x23: {  	s21 =	sadd.s32 $0x19000, s6;
	s22 =	sadd.s32 $0x1A400, s6;
	[dreg:$0x1b] =	wrdreg s19  }
0x24: {  	s23 =	sadd.s32 $0x1B800, s6;
	s24 =	sadd.s32 $0x1CC00, s6;
	[dreg:$0x1d] =	wrdreg s21  }
0x25: {  	s25 =	sadd.s32 $0x1E000, s6;
	s26 =	simm.s32 $0x5100;
	[dreg:$0x1e] =	wrdreg s22  }
0x26: {  	s8 =	simm.s32 $0x7;
	s10 =	simm.s32 $0x6;
	[dreg:$0x1f] =	wrdreg s23  }
0x27: {  	s11 =	sshrl.u32 s9, $0x3;
	s1 =	sadd.s32 s1, s5;
	[smem:$0x7FB] =	sst s24  }
.Ltmp0:
0x28: {  	[smem:$0x7FC] =	sst s25;
	s14 =	simm.s32 $0xA100;
	(pc) =	sbr.rel .LBB2_1-.Ltmp0, $4  }
0x29: {  	s15 =	simm.s32 $0xA;
	s16 =	simm.s32 $0x2780;
	s17 =	simm.s32 $0x50  }
0x2a: {  	s18 =	simm.s32 $0x2900;
	s0 =	simm.s32 $0x2800;
	s9 =	simm.s32 $0x3  }
0x2b: {  	s19 =	simm.s32 $0x0;
	[dreg:$0x13] =	wrdreg s1;
	s13 =	sadd.s32 s11, s5  }
0x2c: {  	v0 =	vimm.f32 $0.0e+00;
	s1 =	simm.s32 $0x2;
	s11 =	simm.s32 $0x8;
	[dreg:$0x14] =	wrdreg s13  }
.LBB2_11:
0x2d: {  	_ =	swait.ge [sflag:s28], $0x50  }
0x2e: {  	[sflag:s28] =	ssyncset.done $0x0  }
0x2f: {  	[sflag:s28] =	ssyncadd.s32 $0xFFFFFFB0  }
0x30: {  	_ =	swait.ge [sflag:s29], $0x2800  }
0x31: {  	[sflag:s29] =	ssyncset.done $0x0  }
0x32: {  	[sflag:s29] =	ssyncadd.s32 $0xFFFFD800  }
0x33: {  	[spmem:s2] =	stream.indirect.scatter.add.f32 [tilespmem:s18], [sflag:$0x7], $0x80, s16, s17, $0xb8;
	[tilespmem:$0x1ED80] =	vst v63  }
0x34: {  	_ =	swait.ge [sflag:s1], $0x50  }
0x35: {  	[sflag:s1] =	ssyncset.done $0x0  }
0x36: {  	[sflag:s1] =	ssyncadd.s32 $0xFFFFFFB0  }
0x37: {  	_ =	swait.ge [sflag:s7], $0x2800  }
0x38: {  	[sflag:s7] =	ssyncset.done $0x0  }
0x39: {  	[sflag:s7] =	ssyncadd.s32 $0xFFFFD800  }
0x3a: {  	[spmem:s2] =	stream.indirect.scatter.add.f32 [tilespmem:s26], [sflag:$0x8], $0x80, s0, s17, $0xb8;
	[tilespmem:$0x1ED80] =	vst v63  }
0x3b: {  	_ =	swait.ge [sflag:s12], $0x2800  }
0x3c: {  	[sflag:s12] =	ssyncset.done $0x0  }
0x3d: {  	[sflag:s12] =	ssyncadd.s32 $0xFFFFD800  }
0x3e: {  	_ =	swait.ge [sflag:s8], $0x2800  }
0x3f: {  	[sflag:s8] =	ssyncset.done $0x0  }
0x40: {  	[sflag:s8] =	ssyncadd.s32 $0xFFFFD800  }
0x41: {  	_ =	swait.ge [sflag:s11], $0x2800  }
0x42: {  	[sflag:s11] =	ssyncset.done $0x0  }
0x43: {  	s13 =	stileid.u32;
	[sflag:s11] =	ssyncadd.s32 $0xFFFFD800  }
0x44: {  	s13 =	sshll.u32 @!p0 s13, $0x6;
	[bflag:$0x0] =	sbarrier.arrive $0xFFFF  }
0x45: {  	s20 =	sshrl.u32 @!p0 s6, $0x3;
	s13 =	sor.u32 @!p0 $0x1C0A, s13;
	s21 =	rddreg [dreg:$0x11]  }
0x46: {  	[hbm:s21], [sflag:s13] =	dma.local @!p0 [spmem:s20], $0x3E80  }
0x47: {  	s13 =	simm.s32 @!p0 $0xA  }
0x48: {  	_ =	swait.ge @!p0 [sflag:s13], $0x3E80  }
0x49: {  	s19 =	sadd.s32 $0x1, s19;
	s25 =	rddreg [dreg:$0x12]  }
0x4a: {  	p1 =	sne.s32 s19, s25  }
.Ltmp1:
0x4b: {  	_ = 	snop;
	(pc) =	sbr.rel @!p1 .LBB2_12-.Ltmp1, $3  }
0x4c: {  	_ =	sdelay $0x1  }
0x4d: {  	[sflag:s13] =	ssyncset.done @!p0 $0x0  }
0x4e: {  	[sflag:s13] =	ssyncadd.s32 @!p0 $0xFFFFC180  }
.LBB2_1:
0x4f: {  	s20 =	sand.u32 $0x7E00, s3  }
0x50: {  	s21 =	sand.u32 $0x70, s3;
	s23 =	sshrl.u32 s20, $0x2  }
0x51: {  	s20 =	simm.s32 $0x40;
	s23 =	sor.u32 s21, s23;
	s21 =	simm.s32 $0x0  }
.LBB2_2:
0x52: {  	p1 =	sne.s32 s20, $0x4FC0  }
0x53: {  	[tilespmem:s23+$0xA100] =	vst v0;
	s21 =	sadd.s32 $0x10, s21;
	s23 =	smov.u32 s20;
	s20 =	sadd.s32 $0x40, s20  }
.Ltmp2:
0x54: {  	(pc) =	sbr.rel @p1 .LBB2_2-.Ltmp2, $4  }
0x55: {  	_ = 	snop  }
0x56: {  	s23 =	sand.u32 $0x7E00, s23  }
0x57: {  	s24 =	sand.u32 $0x70, s21;
	s23 =	sshrl.u32 s23, $0x2  }
0x58: {  	s23 =	sor.u32 s24, s23  }
.Ltmp3:
0x59: {  	(pc) =	sbr.rel @p0 .LBB2_5-.Ltmp3, $2  }
0x5a: {  	_ =	sdelay $0x2  }
0x5b: {  	[tilespmem:s23+$0xA100] =	vst v0  }
0x5c: {  	[spmem:s6] =	stream.linear.scatter [tilespmem:s14], [sflag:$0xA], $0x1400, $0x38;
	[tilespmem:$0x1ED80] =	vst v63  }
0x5d: {  	_ =	swait.ge [sflag:s15], $0x1400  }
0x5e: {  	[sflag:s15] =	ssyncset.done $0x0  }
0x5f: {  	s13 =	rddreg [dreg:$0x3];
	[sflag:s15] =	ssyncadd.s32 $0xFFFFEC00  }
0x60: {  	[spmem:s13] =	stream.linear.scatter [tilespmem:s14], [sflag:$0xA], $0x1400, $0x38;
	[tilespmem:$0x1ED80] =	vst v63  }
0x61: {  	_ =	swait.ge [sflag:s15], $0x1400  }
0x62: {  	[sflag:s15] =	ssyncset.done $0x0  }
0x63: {  	s21 =	rddreg [dreg:$0x4];
	[sflag:s15] =	ssyncadd.s32 $0xFFFFEC00  }
0x64: {  	[spmem:s21] =	stream.linear.scatter [tilespmem:s14], [sflag:$0xA], $0x1400, $0x38;
	[tilespmem:$0x1ED80] =	vst v63  }
0x65: {  	_ =	swait.ge [sflag:s15], $0x1400  }
0x66: {  	[sflag:s15] =	ssyncset.done $0x0  }
0x67: {  	s22 =	rddreg [dreg:$0x5];
	[sflag:s15] =	ssyncadd.s32 $0xFFFFEC00  }
0x68: {  	[spmem:s22] =	stream.linear.scatter [tilespmem:s14], [sflag:$0xA], $0x1400, $0x38;
	[tilespmem:$0x1ED80] =	vst v63  }
0x69: {  	_ =	swait.ge [sflag:s15], $0x1400  }
0x6a: {  	[sflag:s15] =	ssyncset.done $0x0  }
0x6b: {  	s23 =	rddreg [dreg:$0x6];
	[sflag:s15] =	ssyncadd.s32 $0xFFFFEC00  }
0x6c: {  	[spmem:s23] =	stream.linear.scatter [tilespmem:s14], [sflag:$0xA], $0x1400, $0x38;
	[tilespmem:$0x1ED80] =	vst v63  }
0x6d: {  	_ =	swait.ge [sflag:s15], $0x1400  }
0x6e: {  	[sflag:s15] =	ssyncset.done $0x0  }
0x6f: {  	s24 =	rddreg [dreg:$0x7];
	[sflag:s15] =	ssyncadd.s32 $0xFFFFEC00  }
0x70: {  	[spmem:s24] =	stream.linear.scatter [tilespmem:s14], [sflag:$0xA], $0x1400, $0x38;
	[tilespmem:$0x1ED80] =	vst v63  }
0x71: {  	_ =	swait.ge [sflag:s15], $0x1400  }
0x72: {  	[sflag:s15] =	ssyncset.done $0x0  }
0x73: {  	s25 =	rddreg [dreg:$0x8];
	[sflag:s15] =	ssyncadd.s32 $0xFFFFEC00  }
0x74: {  	[spmem:s25] =	stream.linear.scatter [tilespmem:s14], [sflag:$0xA], $0x1400, $0x38;
	[tilespmem:$0x1ED80] =	vst v63  }
0x75: {  	_ =	swait.ge [sflag:s15], $0x1400  }
0x76: {  	[sflag:s15] =	ssyncset.done $0x0  }
0x77: {  	s20 =	rddreg [dreg:$0x9];
	[sflag:s15] =	ssyncadd.s32 $0xFFFFEC00  }
0x78: {  	[spmem:s20] =	stream.linear.scatter [tilespmem:s14], [sflag:$0xA], $0x1400, $0x38;
	[tilespmem:$0x1ED80] =	vst v63  }
0x79: {  	_ =	swait.ge [sflag:s15], $0x1400  }
0x7a: {  	[sflag:s15] =	ssyncset.done $0x0  }
0x7b: {  	s21 =	rddreg [dreg:$0xa];
	[sflag:s15] =	ssyncadd.s32 $0xFFFFEC00  }
0x7c: {  	[spmem:s21] =	stream.linear.scatter [tilespmem:s14], [sflag:$0xA], $0x1400, $0x38;
	[tilespmem:$0x1ED80] =	vst v63  }
0x7d: {  	_ =	swait.ge [sflag:s15], $0x1400  }
0x7e: {  	[sflag:s15] =	ssyncset.done $0x0  }
0x7f: {  	s22 =	rddreg [dreg:$0xb];
	[sflag:s15] =	ssyncadd.s32 $0xFFFFEC00  }
0x80: {  	[spmem:s22] =	stream.linear.scatter [tilespmem:s14], [sflag:$0xA], $0x1400, $0x38;
	[tilespmem:$0x1ED80] =	vst v63  }
0x81: {  	_ =	swait.ge [sflag:s15], $0x1400  }
0x82: {  	[sflag:s15] =	ssyncset.done $0x0  }
0x83: {  	s23 =	rddreg [dreg:$0xc];
	[sflag:s15] =	ssyncadd.s32 $0xFFFFEC00  }
0x84: {  	[spmem:s23] =	stream.linear.scatter [tilespmem:s14], [sflag:$0xA], $0x1400, $0x38;
	[tilespmem:$0x1ED80] =	vst v63  }
0x85: {  	_ =	swait.ge [sflag:s15], $0x1400  }
0x86: {  	[sflag:s15] =	ssyncset.done $0x0  }
0x87: {  	s24 =	rddreg [dreg:$0xd];
	[sflag:s15] =	ssyncadd.s32 $0xFFFFEC00  }
0x88: {  	[spmem:s24] =	stream.linear.scatter [tilespmem:s14], [sflag:$0xA], $0x1400, $0x38;
	[tilespmem:$0x1ED80] =	vst v63  }
0x89: {  	_ =	swait.ge [sflag:s15], $0x1400  }
0x8a: {  	[sflag:s15] =	ssyncset.done $0x0  }
0x8b: {  	s25 =	rddreg [dreg:$0xe];
	[sflag:s15] =	ssyncadd.s32 $0xFFFFEC00  }
0x8c: {  	[spmem:s25] =	stream.linear.scatter [tilespmem:s14], [sflag:$0xA], $0x1400, $0x38;
	[tilespmem:$0x1ED80] =	vst v63  }
0x8d: {  	_ =	swait.ge [sflag:s15], $0x1400  }
0x8e: {  	[sflag:s15] =	ssyncset.done $0x0  }
0x8f: {  	s20 =	rddreg [dreg:$0x16];
	[sflag:s15] =	ssyncadd.s32 $0xFFFFEC00  }
0x90: {  	[spmem:s20] =	stream.linear.scatter [tilespmem:s14], [sflag:$0xA], $0x1400, $0x38;
	[tilespmem:$0x1ED80] =	vst v63  }
0x91: {  	_ =	swait.ge [sflag:s15], $0x1400  }
0x92: {  	[sflag:s15] =	ssyncset.done $0x0  }
0x93: {  	s21 =	rddreg [dreg:$0x17];
	[sflag:s15] =	ssyncadd.s32 $0xFFFFEC00  }
0x94: {  	[spmem:s21] =	stream.linear.scatter [tilespmem:s14], [sflag:$0xA], $0x1400, $0x38;
	[tilespmem:$0x1ED80] =	vst v63  }
0x95: {  	_ =	swait.ge [sflag:s15], $0x1400  }
0x96: {  	[sflag:s15] =	ssyncset.done $0x0  }
0x97: {  	s22 =	rddreg [dreg:$0x18];
	[sflag:s15] =	ssyncadd.s32 $0xFFFFEC00  }
0x98: {  	[spmem:s22] =	stream.linear.scatter [tilespmem:s14], [sflag:$0xA], $0x1400, $0x38;
	[tilespmem:$0x1ED80] =	vst v63  }
0x99: {  	_ =	swait.ge [sflag:s15], $0x1400  }
0x9a: {  	[sflag:s15] =	ssyncset.done $0x0  }
0x9b: {  	s23 =	rddreg [dreg:$0x19];
	[sflag:s15] =	ssyncadd.s32 $0xFFFFEC00  }
0x9c: {  	[spmem:s23] =	stream.linear.scatter [tilespmem:s14], [sflag:$0xA], $0x1400, $0x38;
	[tilespmem:$0x1ED80] =	vst v63  }
0x9d: {  	_ =	swait.ge [sflag:s15], $0x1400  }
0x9e: {  	[sflag:s15] =	ssyncset.done $0x0  }
0x9f: {  	s24 =	rddreg [dreg:$0x1a];
	[sflag:s15] =	ssyncadd.s32 $0xFFFFEC00  }
0xa0: {  	[spmem:s24] =	stream.linear.scatter [tilespmem:s14], [sflag:$0xA], $0x1400, $0x38;
	[tilespmem:$0x1ED80] =	vst v63  }
0xa1: {  	_ =	swait.ge [sflag:s15], $0x1400  }
0xa2: {  	[sflag:s15] =	ssyncset.done $0x0  }
0xa3: {  	s25 =	rddreg [dreg:$0x1b];
	[sflag:s15] =	ssyncadd.s32 $0xFFFFEC00  }
0xa4: {  	[spmem:s25] =	stream.linear.scatter [tilespmem:s14], [sflag:$0xA], $0x1400, $0x38;
	[tilespmem:$0x1ED80] =	vst v63  }
0xa5: {  	_ =	swait.ge [sflag:s15], $0x1400  }
0xa6: {  	[sflag:s15] =	ssyncset.done $0x0  }
0xa7: {  	s20 =	rddreg [dreg:$0x1c];
	[sflag:s15] =	ssyncadd.s32 $0xFFFFEC00  }
0xa8: {  	[spmem:s20] =	stream.linear.scatter [tilespmem:s14], [sflag:$0xA], $0x1400, $0x38;
	[tilespmem:$0x1ED80] =	vst v63  }
0xa9: {  	_ =	swait.ge [sflag:s15], $0x1400  }
0xaa: {  	[sflag:s15] =	ssyncset.done $0x0  }
0xab: {  	s21 =	rddreg [dreg:$0x1d];
	[sflag:s15] =	ssyncadd.s32 $0xFFFFEC00  }
0xac: {  	[spmem:s21] =	stream.linear.scatter [tilespmem:s14], [sflag:$0xA], $0x1400, $0x38;
	[tilespmem:$0x1ED80] =	vst v63  }
0xad: {  	_ =	swait.ge [sflag:s15], $0x1400  }
0xae: {  	[sflag:s15] =	ssyncset.done $0x0  }
0xaf: {  	s22 =	rddreg [dreg:$0x1e];
	[sflag:s15] =	ssyncadd.s32 $0xFFFFEC00  }
0xb0: {  	[spmem:s22] =	stream.linear.scatter [tilespmem:s14], [sflag:$0xA], $0x1400, $0x38;
	[tilespmem:$0x1ED80] =	vst v63  }
0xb1: {  	_ =	swait.ge [sflag:s15], $0x1400  }
0xb2: {  	[sflag:s15] =	ssyncset.done $0x0  }
0xb3: {  	s23 =	rddreg [dreg:$0x1f];
	[sflag:s15] =	ssyncadd.s32 $0xFFFFEC00  }
0xb4: {  	[spmem:s23] =	stream.linear.scatter [tilespmem:s14], [sflag:$0xA], $0x1400, $0x38;
	[tilespmem:$0x1ED80] =	vst v63  }
0xb5: {  	_ =	swait.ge [sflag:s15], $0x1400  }
0xb6: {  	s24 =	sld [smem:$0x7FB]  }
0xb7: {  	[sflag:s15] =	ssyncset.done $0x0  }
0xb8: {  	[sflag:s15] =	ssyncadd.s32 $0xFFFFEC00  }
0xb9: {  	[spmem:s24] =	stream.linear.scatter [tilespmem:s14], [sflag:$0xA], $0x1400, $0x38;
	[tilespmem:$0x1ED80] =	vst v63  }
0xba: {  	_ =	swait.ge [sflag:s15], $0x1400  }
0xbb: {  	s25 =	sld [smem:$0x7FC]  }
0xbc: {  	[sflag:s15] =	ssyncset.done $0x0  }
0xbd: {  	[sflag:s15] =	ssyncadd.s32 $0xFFFFEC00  }
0xbe: {  	[spmem:s25] =	stream.linear.scatter [tilespmem:s14], [sflag:$0xA], $0x1400, $0x38;
	[tilespmem:$0x1ED80] =	vst v63  }
0xbf: {  	_ =	swait.ge [sflag:s15], $0x1400  }
0xc0: {  	[sflag:s15] =	ssyncset.done $0x0  }
0xc1: {  	[sflag:s15] =	ssyncadd.s32 $0xFFFFEC00  }
.LBB2_5:
0xc2: {  	s21 =	simm.s32 $0x0;
	s13 =	rddreg [dreg:$0xf]  }
0xc3: {  	[tilespmem:s21], [sflag:$0xA] =	stream.linear.gather [hbm4b:s13+s21], $0x2710, $0x38;
	[tilespmem:$0x1ED80] =	vst v63  }
0xc4: {  	_ =	swait.ge [sflag:s15], $0x2710  }
0xc5: {  	[sflag:s15] =	ssyncset.done $0x0  }
0xc6: {  	s24 =	rddreg [dreg:$0x10];
	[sflag:s15] =	ssyncadd.s32 $0xFFFFD8F0  }
0xc7: {  	[tilespmem:s16], [sflag:$0x1] =	stream.linear.gather [hbm4b:s24+s21], $0x50, $0x38;
	[tilespmem:$0x1ED80] =	vst v63  }
0xc8: {  	s25 =	sld [smem:$0x7FD]  }
0xc9: {  	[tilespmem:s18], [sflag:$0x4] =	stream.indirect.gather [hbm4b:s4+s17], $0x80, s21, s17, $0xb8;
	[tilespmem:$0x1ED80] =	vst v63  }
0xca: {  	_ = 	snop  }
0xcb: {  	[tilespmem:s0], [sflag:$0x2] =	stream.linear.gather [hbm4b:s25+s21], $0x50, $0x38;
	[tilespmem:$0x1ED80] =	vst v63  }
0xcc: {  	_ = 	snop  }
0xcd: {  	[tilespmem:s26], [sflag:$0x5] =	stream.indirect.gather [hbm4b:s4+s17], $0x80, s17, s17, $0xb8;
	[tilespmem:$0x1ED80] =	vst v63  }
.Ltmp4:
0xce: {  	_ = 	snop;
	(pc) =	sbr.rel .LBB2_6-.Ltmp4, $4  }
0xcf: {  	[bflag:$0x0] =	sbarrier.arrive $0xFFFF  }
0xd0: {  	s25 =	rddreg [dreg:$0x15]  }
0xd1: {  	s24 =	rddreg [dreg:$0x14]  }
0xd2: {  	s20 =	simm.s32 $0x0;
	s23 =	rddreg [dreg:$0x13]  }
.LBB2_9:
0xd3: {  	[tilespmem:s30], [sflag:$0x3] =	stream.linear.gather [hbm4b:s23+s3], $0x50, $0x38;
	[tilespmem:$0x1ED80] =	vst v63  }
0xd4: {  	s22 =	sshra.s32 s21, $0x2  }
0xd5: {  	s22 =	sadd.s32 $0xA0, s22  }
0xd6: {  	[tilespmem:s31], [sflag:$0x6] =	stream.indirect.gather [hbm4b:s4+s17], $0x80, s22, s17, $0xb8;
	[tilespmem:$0x1ED80] =	vst v63  }
.LBB2_10:
0xd7: {  	_ =	swait.ge [sflag:s1], $0x50  }
0xd8: {  	[sflag:s1] =	ssyncset.done $0x0  }
0xd9: {  	[sflag:s1] =	ssyncadd.s32 $0xFFFFFFB0  }
0xda: {  	_ =	swait.ge [sflag:s7], $0x2800  }
0xdb: {  	[sflag:s7] =	ssyncset.done $0x0  }
0xdc: {  	[sflag:s7] =	ssyncadd.s32 $0xFFFFD800  }
0xdd: {  	[spmem:s2] =	stream.indirect.scatter.add.f32 [tilespmem:s26], [sflag:$0x8], $0x80, s0, s17, $0xb8;
	[tilespmem:$0x1ED80] =	vst v63  }
0xde: {  	_ =	swait.ge [sflag:s8], $0x2800  }
0xdf: {  	s22 =	sshrl.u32 s25, $0x3;
	[sflag:s8] =	ssyncset.done $0x0  }
0xe0: {  	s22 =	sadd.s32 s5, s22;
	[sflag:s8] =	ssyncadd.s32 $0xFFFFD800  }
0xe1: {  	[tilespmem:s16], [sflag:$0x1] =	stream.linear.gather [hbm4b:s22+s3], $0x50, $0x38;
	[tilespmem:$0x1ED80] =	vst v63  }
0xe2: {  	s22 =	sshra.s32 s21, $0x2  }
0xe3: {  	s13 =	sadd.s32 $0xF0, s22  }
0xe4: {  	[tilespmem:s18], [sflag:$0x4] =	stream.indirect.gather [hbm4b:s4+s17], $0x80, s13, s17, $0xb8;
	[tilespmem:$0x1ED80] =	vst v63  }
0xe5: {  	_ =	swait.ge [sflag:s9], $0x50  }
0xe6: {  	[sflag:s9] =	ssyncset.done $0x0  }
0xe7: {  	[sflag:s9] =	ssyncadd.s32 $0xFFFFFFB0  }
0xe8: {  	_ =	swait.ge [sflag:s10], $0x2800  }
0xe9: {  	[sflag:s10] =	ssyncset.done $0x0  }
0xea: {  	s21 =	sadd.s32 $0x3C0, s21;
	[sflag:s10] =	ssyncadd.s32 $0xFFFFD800  }
0xeb: {  	[spmem:s2] =	stream.indirect.scatter.add.f32 [tilespmem:s31], [sflag:$0x9], $0x80, s30, s17, $0xb8;
	[tilespmem:$0x1ED80] =	vst v63  }
0xec: {  	p1 =	sne.s32 s21, $0x99C0;
	_ =	swait.ge [sflag:s11], $0x2800  }
.Ltmp5:
0xed: {  	[sflag:s11] =	ssyncset.done $0x0;
	(pc) =	sbr.rel @!p1 .LBB2_11-.Ltmp5, $4  }
0xee: {  	s20 =	sadd.s32 $0x1, s20;
	s23 =	sadd.s32 $0x1E, s23;
	[sflag:s11] =	ssyncadd.s32 $0xFFFFD800  }
0xef: {  	[tilespmem:s0], [sflag:$0x2] =	stream.linear.gather [hbm4b:s24+s3], $0x50, $0x38;
	[tilespmem:$0x1ED80] =	vst v63  }
0xf0: {  	s25 =	sadd.s32 $0xF0, s25;
	s22 =	sadd.s32 $0x140, s22;
	s24 =	sadd.s32 $0x1E, s24  }
0xf1: {  	[tilespmem:s26], [sflag:$0x5] =	stream.indirect.gather [hbm4b:s4+s17], $0x80, s22, s17, $0xb8;
	[tilespmem:$0x1ED80] =	vst v63  }
.LBB2_6:
0xf2: {  	_ =	swait.ge [sflag:s28], $0x50  }
0xf3: {  	p1 =	seq.s32 s20, $0x0;
	[sflag:s28] =	ssyncset.done $0x0  }
.Ltmp6:
0xf4: {  	[sflag:s28] =	ssyncadd.s32 $0xFFFFFFB0;
	(pc) =	sbr.rel @p1 .LBB2_9-.Ltmp6, $4  }
0xf5: {  	_ =	swait.ge [sflag:s29], $0x2800  }
0xf6: {  	[sflag:s29] =	ssyncset.done $0x0  }
0xf7: {  	[sflag:s29] =	ssyncadd.s32 $0xFFFFD800  }
0xf8: {  	[spmem:s2] =	stream.indirect.scatter.add.f32 [tilespmem:s18], [sflag:$0x7], $0x80, s16, s17, $0xb8;
	[tilespmem:$0x1ED80] =	vst v63  }
0xf9: {  	p1 =	seq.s32 s20, $0x29  }
.Ltmp7:
0xfa: {  	_ = 	snop;
	(pc) =	sbr.rel @p1 .LBB2_10-.Ltmp7, $1  }
0xfb: {  	_ =	sdelay $0x3  }
.Ltmp8:
0xfc: {  	(pc) =	sbr.rel .LBB2_9-.Ltmp8, $4  }
0xfd: {  	_ = 	snop  }
0xfe: {  	_ =	swait.ge [sflag:s12], $0x2800  }
0xff: {  	[sflag:s12] =	ssyncset.done $0x0  }
0x100: {  	[sflag:s12] =	ssyncadd.s32 $0xFFFFD800  }
.LBB2_12:
0x101: {  	_ =	sfence.sel $0x180000  }
0x102: {  	[bflag:$0x0] =	sbarrier.arrive $0xFFFF  }
0x103: {  	_ =	strace $0x9000004A  }
0x104: {  	s0 =	stileid.u32;
	[bflag:$0x2] =	sbarrier.arrive $0xFFFF  }
0x105: {  	p0 =	sne.s32 s0, $0x0;
	s0 =	rddreg [dreg:$0x2]  }
0x106: {  	s0 =	sadd.s32 @!p0 $0x100000, s0  }
0x107: {  	[sflag:s0] =	ssyncadd.tile.s32 @!p0 $0x1;
	_ =	shalt  }
.Lfunc_end2:
_tile_overlayer_lowered:
.L_overlay_start_2:
0x108: {  	(tag) =	ssettag $0x2  }
0x109: {  	s0 =	rddreg [dreg:$0x0];
	s2 =	stileid.u32  }
0x10a: {  	s1 =	rddreg [dreg:$0x1];
	p0 =	sne.s32 s2, $0x0  }
0x10b: {  	s3 =	rddreg [dreg:$0x2];
	[bflag:$0x3] =	sbarrier.arrive $0xFFFF;
	s2 =	simm.s32 @!p0 $0x1C0A  }
0x10c: {  	[timem:s3], [sflag:s2] =	dma.local @!p0 [hbm:s0], s1  }
0x10d: {  	s0 =	simm.s32 @!p0 $0xA  }
0x10e: {  	_ =	swait.ge @!p0 [sflag:s0], s1  }
0x10f: {  	s1 =	ssub.s32 @!p0 $0x0, s1;
	[sflag:s0] =	ssyncset.done @!p0 $0x0  }
0x110: {  	[sflag:s0] =	ssyncadd.s32 @!p0 s1  }
0x111: {  	[bflag:$0x3] =	sbarrier.arrive $0xFFFF  }
0x112: {  	_ =	shalt  }

// kernel: kernel.14.cloned.1.call-start
scs
__scs_entry_jumppad:
0x0: {  	(pc) =	sbr.rel $0x88, $3  }
0x1: {  	(tag) =	ssettag $0x0;
	lr =	simm.s32 $0x1  }
0x2: {  	[smem:$0x3F9A] =	sst lr;
	_ =	strace $0xD0000000  }
0x3: {  	_ = 	snop  }
0x4: {  	_ = 	snop  }
0x5: {  	_ = 	snop  }
0x6: {  	_ = 	snop  }
0x7: {  	_ = 	snop  }
__scs_overlays_trampoline_lowered:
0x8: {  	[smem:$0x3FA9] =	sst s0  }
0x9: {  	[smem:$0x3FAA] =	sst s1  }
0xa: {  	[smem:$0x3FAB] =	sst s2  }
0xb: {  	[smem:$0x3FAC] =	sst s3  }
0xc: {  	[smem:$0x3FAD] =	sst s4  }
0xd: {  	[smem:$0x3FAE] =	sst s5  }
0xe: {  	[smem:$0x3FAF] =	sst s6  }
0xf: {  	[smem:$0x3FB0] =	sst s7  }
0x10: {  	[smem:$0x3FB1] =	sst s8  }
0x11: {  	[smem:$0x3FB2] =	sst s9;
	s0 =	simm.s32 @!p0 $0x0  }
0x12: {  	s1 =	sld [smem:$0x3F98];
	s0 =	simm.s32 @p0 $0x1  }
0x13: {  	[smem:$0x3FB3] =	sst s0;
	s0 =	simm.s32 @!p1 $0x0  }
0x14: {  	s2 =	sld [smem:$0x3F97];
	s0 =	simm.s32 @p1 $0x1  }
0x15: {  	[smem:$0x3FB4] =	sst s0;
	s0 =	simm.s32 @!p2 $0x0  }
0x16: {  	s3 =	sld [smem:$0x3FDB];
	s0 =	simm.s32 @p2 $0x1  }
0x17: {  	s4 =	simm.s32 $0x1BF5;
	[smem:$0x3FB6] =	sst s0  }
0x18: {  	s0 =	sld [smem:$0x3F99];
	_ =	swait.ge [sflag:s4], $0x0  }
0x19: {  	s7 =	sld [smem:$0x3F9A]  }
0x1a: {  	s8 =	sadd.s32 $0xFFFFE003, lr  }
0x1b: {  	s9 =	sadd.s32 $0xFFFFFEF7, lr;
	s5 =	simm.s32 $0xFFFFFFFF;
	p2 =	slt.u32 s8, $0xFFFFF086  }
0x1c: {  	p1 =	slt.u32 s9, $0xF7A;
	s5 =	simm.s32 @!p2 $0x0  }
0x1d: {  	s5 =	simm.s32 @p1 $0x1;
	p0 =	seq.s32 s7, s2  }
0x1e: {  	s7 =	smul.u32 @!p0 $0xF7A, s2;
	p2 =	seq.s32 @!p0 s5, $0x0  }
0x1f: {  	s9 =	smul.u32 $0xF7A, s1;
	s8 =	simm.s32 @!p0 $0x1BF5;
	p2 =	por !p2, p0  }
0x20: {  	[sflag:s8] =	ssyncset.s32 @!p0 $0xFFFFF086;
	s6 =	sadd.s32 @!p0 s3, s7;
	s7 =	simm.s32 @!p0 $0x108  }
0x21: {  	s3 =	sadd.s32 s3, s9;
	s6 =	sadd.s32 @!p0 $0x88, s6;
	s7 =	simm.s32 @p2 $0x1082  }
0x22: {  	[simem:s7], [sflag:s8] =	dma.local @!p0 [hbm:s6], $0xF7A  }
0x23: {  	s9 =	sor.u32 $0xD0000000, s2;
	s6 =	simm.s32 $0x108;
	_ =	swait.ge @!p0 [sflag:s8], $0x0  }
0x24: {  	s3 =	sadd.s32 $0x88, s3;
	s6 =	simm.s32 @!p1 $0x1082;
	[sflag:s4] =	ssyncset.s32 $0xFFFFF086  }
0x25: {  	[simem:s6], [sflag:s4] =	dma.local [hbm:s3], $0xF7A  }
0x26: {  	[smem:$0x3F9A] =	sst s1;
	(tag) =	ssettag s2;
	_ =	strace s9  }
0x27: {  	s1 =	sld [smem:$0x3FAA]  }
0x28: {  	s2 =	sld [smem:$0x3FAB]  }
0x29: {  	s4 =	sld [smem:$0x3FAD]  }
0x2a: {  	p0 =	seq.s32 s5, $0x0;
	s5 =	sld [smem:$0x3FAE]  }
0x2b: {  	s6 =	sld [smem:$0x3FAF]  }
0x2c: {  	s7 =	sld [smem:$0x3FB0]  }
0x2d: {  	s3 =	simm.s32 $0x108;
	s8 =	sld [smem:$0x3FB1]  }
0x2e: {  	s3 =	simm.s32 @!p0 $0x1082;
	s9 =	sld [smem:$0x3FB2]  }
0x2f: {  	lr =	sadd.s32 s0, s3;
	s0 =	sld [smem:$0x3FA9]  }
0x30: {  	s3 =	sld [smem:$0x3FAC]  }
0x31: {  	[smem:$0x3FB5] =	sst s10  }
0x32: {  	s10 =	sld [smem:$0x3FB3];
	_ =	sdelay $0x3  }
0x33: {  	p0 =	seq.s32 s10, $0x1;
	s10 =	sld [smem:$0x3FB5];
	_ =	sdelay $0x3  }
0x34: {  	[smem:$0x3FB5] =	sst s10  }
0x35: {  	s10 =	sld [smem:$0x3FB4];
	_ =	sdelay $0x3  }
0x36: {  	p1 =	seq.s32 s10, $0x1;
	s10 =	sld [smem:$0x3FB5];
	_ =	sdelay $0x3  }
0x37: {  	[smem:$0x3FB5] =	sst s10  }
0x38: {  	s10 =	sld [smem:$0x3FB6]  }
0x39: {  	_ = 	snop;
	(pc) =	sbr.ind lr, $3  }
0x3a: {  	_ = 	snop  }
0x3b: {  	_ = 	snop  }
0x3c: {  	p2 =	seq.s32 s10, $0x1;
	s10 =	sld [smem:$0x3FB5]  }
0x3d: {  	_ =	shalt  }
0x3e: {  	_ =	shalt  }
0x3f: {  	_ =	shalt  }
0x40: {  	_ =	shalt  }
0x41: {  	_ =	shalt  }
0x42: {  	_ =	shalt  }
0x43: {  	_ =	shalt  }
0x44: {  	_ =	shalt  }
0x45: {  	_ =	shalt  }
0x46: {  	_ =	shalt  }
0x47: {  	_ =	shalt  }
0x48: {  	_ =	shalt  }
0x49: {  	_ =	shalt  }
0x4a: {  	_ =	shalt  }
0x4b: {  	_ =	shalt  }
0x4c: {  	_ =	shalt  }
0x4d: {  	_ =	shalt  }
0x4e: {  	_ =	shalt  }
0x4f: {  	_ =	shalt  }
0x50: {  	_ =	shalt  }
0x51: {  	_ =	shalt  }
0x52: {  	_ =	shalt  }
0x53: {  	_ =	shalt  }
0x54: {  	_ =	shalt  }
0x55: {  	_ =	shalt  }
0x56: {  	_ =	shalt  }
0x57: {  	_ =	shalt  }
0x58: {  	_ =	shalt  }
0x59: {  	_ =	shalt  }
0x5a: {  	_ =	shalt  }
0x5b: {  	_ =	shalt  }
0x5c: {  	_ =	shalt  }
0x5d: {  	_ =	shalt  }
0x5e: {  	_ =	shalt  }
0x5f: {  	_ =	shalt  }
0x60: {  	_ =	shalt  }
0x61: {  	_ =	shalt  }
0x62: {  	_ =	shalt  }
0x63: {  	_ =	shalt  }
0x64: {  	_ =	shalt  }
0x65: {  	_ =	shalt  }
0x66: {  	_ =	shalt  }
0x67: {  	_ =	shalt  }
0x68: {  	_ =	shalt  }
0x69: {  	_ =	shalt  }
0x6a: {  	_ =	shalt  }
0x6b: {  	_ =	shalt  }
0x6c: {  	_ =	shalt  }
0x6d: {  	_ =	shalt  }
0x6e: {  	_ =	shalt  }
0x6f: {  	_ =	shalt  }
0x70: {  	_ =	shalt  }
0x71: {  	_ =	shalt  }
0x72: {  	_ =	shalt  }
0x73: {  	_ =	shalt  }
0x74: {  	_ =	shalt  }
0x75: {  	_ =	shalt  }
0x76: {  	_ =	shalt  }
0x77: {  	_ =	shalt  }
0x78: {  	_ =	shalt  }
0x79: {  	_ =	shalt  }
0x7a: {  	_ =	shalt  }
0x7b: {  	_ =	shalt  }
0x7c: {  	_ =	shalt  }
0x7d: {  	_ =	shalt  }
0x7e: {  	_ =	shalt  }
0x7f: {  	_ =	shalt  }
0x80: {  	_ =	shalt  }
0x81: {  	_ =	shalt  }
0x82: {  	_ =	shalt  }
0x83: {  	_ =	shalt  }
0x84: {  	_ =	shalt  }
0x85: {  	_ =	shalt  }
0x86: {  	_ =	shalt  }
0x87: {  	_ =	shalt  }
.Lfunc_end0:
.L_simem_size_0:
called_computation.2_lowered:
.L_overlay_start_0:
0x88: {  	s2 =	sld [smem:$0x3FD9]  }
0x89: {  	s3 =	sld [smem:$0x3FFE];
	_ =	sdelay $0x1  }
0x8a: {  	s1 =	srdreg.scid  }
0x8b: {  	s0 =	sand.u32 $0x1, s1  }
0x8c: {  	s16 =	sshll.u32 s0, $0xA;
	s2 =	sadd.s32 s3, s2  }
0x8d: {  	s2 =	sadd.s32 s2, s16  }
0x8e: {  	[smem:$0x3FC1] =	sst s2  }
0x8f: {  	_ = 	snop  }
0x90: {  	(tm) =	ssettm $0x1  }
0x91: {  	s17 =	sld [smem:$0x3FFB];
	_ =	sdelay $0x3  }
0x92: {  	_ =	strace s17  }
0x93: {  	s2 =	sld [smem:$0x3FFC];
	_ =	sdelay $0x3  }
0x94: {  	_ =	strace s2  }
0x95: {  	s2 =	sld [smem:$0x3FFD];
	_ =	sdelay $0x3  }
0x96: {  	_ =	strace s2  }
0x97: {  	_ =	strace $0x8FFFFFFF  }
0x98: {  	s18 =	sld [smem:$0x3FDB];
	_ =	sdelay $0x1  }
0x99: {  	s19 =	simm.s32 $_scs_section_size  }
0x9a: {  	s4 =	simm.s32 $_size__tile_overlayer_lowered;
	s5 =	simm.s32 $_tile_overlayer_lowered  }
0x9b: {  	s22 =	simm.s32 $0x1BFF;
	s21 =	sshll.u32 s5, $0x1;
	s2 =	sadd.s32 s19, s18  }
0x9c: {  	s6 =	simm.s32 $0x0;
	s20 =	sshll.u32 s4, $0x1;
	s4 =	sadd.s32 s21, s2  }
0x9d: {  	[timem:s6], [sflag:s22] =	dma.local [hbm:s4], s20  }
0x9e: {  	_ =	swait.ge [sflag:s22], s20  }
0x9f: {  	s3 =	ssub.s32 $0x0, s20;
	[sflag:s22] =	ssyncset.done $0x0  }
0xa0: {  	[sflag:s22] =	ssyncadd.s32 s3;
	_ =	sdelay $0x1  }
0xa1: {  	s23 =	simm.s32 $0x1B8B  }
0xa2: {  	_ =	swait.ge [sflag:s23], $0x1  }
0xa3: {  	[sflag:s23] =	ssyncset.done $0x0  }
0xa4: {  	s25 =	simm.s32 $0x1B8E;
	s24 =	sld [smem:$0x3FFE];
	[sflag:s23] =	ssyncadd.s32 $0xFFFFFFFF  }
0xa5: {  	s26 =	simm.s32 $execute0_lowered;
	[smem:$0x3FD2] =	sst s25  }
0xa6: {  	s4 =	sshll.u32 s26, $0x1;
	_ =	strace $0x8000004C;
	[dreg:$0x1] =	wrdreg $0xFFFFFFFF  }
0xa7: {  	s28 =	simm.s32 $_size_execute0_lowered;
	s2 =	sadd.s32 s2, s4;
	[dreg:$0x0] =	wrdreg $0x0  }
0xa8: {  	s4 =	sshll.u32 s28, $0x1;
	[dreg:$0x2] =	wrdreg s2  }
0xa9: {  	[dreg:$0x3] =	wrdreg s4  }
0xaa: {  	[dreg:$0x4] =	wrdreg $0xC0  }
0xab: {  	_ =	task [dreg:s6], $0x5FFFF  }
0xac: {  	[dreg:$0x1] =	wrdreg $0xFFFFFFFF  }
0xad: {  	[dreg:$0x0] =	wrdreg $0x60  }
0xae: {  	[dreg:$0x2] =	wrdreg s24  }
0xaf: {  	[dreg:$0x3] =	wrdreg $0xB5000  }
0xb0: {  	[dreg:$0x4] =	wrdreg $0x9  }
0xb1: {  	_ =	task.clear_ibuf [dreg:s6], $0x5FFFF;
	_ =	strace $0x9000004C  }
0xb2: {  	s29 =	simm.s32 $0x9;
	_ =	strace $0x8000004E  }
0xb3: {  	_ =	swait.ge [sflag:s29], $0x1  }
0xb4: {  	[sflag:s29] =	ssyncadd.s32 $0xFFFFFFFF  }
0xb5: {  	_ =	strace $0x9000004E  }
0xb6: {  	_ =	sfence  }
0xb7: {  	s30 =	sld [smem:$0x0];
	_ =	sdelay $0x2  }
0xb8: {  	s31 =	sshll.u32 s1, $0xD;
	s1 =	sshrl.u32 s1, $0x2  }
0xb9: {  	s3 =	sand.u32 $0x4000, s31;
	s1 =	sadd.s32 s1, s30  }
0xba: {  	s0 =	sor.u32 s3, s0;
	s1 =	sshll.u32 s1, $0x11  }
0xbb: {  	s0 =	sor.u32 s1, s0  }
0xbc: {  	s0 =	sadd.s32 $0x8F2B, s0  }
0xbd: {  	[sflag:s0] =	ssyncadd.remote.s32 $0x1  }
0xbe: {  	_ =	sfence.sel $0xFFFF  }
0xbf: {  	[dreg:$0x0] =	wrdreg $0xFFFFFFFF;
	(pc) =	sbr.abs _section_cstart, $3  }
0xc0: {  	[dreg:$0x1] =	wrdreg $0xFFFFFFFF  }
0xc1: {  	_ =	task.clear_ibuf [dreg:s6], $0x2FFFF;
	_ =	strace $0x9FFFFFFF  }
0xc2: {  	(tm) =	ssettm $0x7FFFFFFF  }
0xc3: {  	_ =	shalt  }
tec
execute0_lowered:
.L_overlay_start_1:
0x0: {  	(tag) =	ssettag $0x1  }
0x1: {  	s0 =	srdreg.scid  }
0x2: {  	s12 =	stileid.u32;
	s1 =	rddreg [dreg:$0x0]  }
0x3: {  	s2 =	rddreg [dreg:$0x1];
	s7 =	smul.u32 $0x1F400, s12  }
0x4: {  	s0 =	sand.u32 $0x1, s0;
	s3 =	sshll.u32 s12, $0x1;
	s9 =	smul.u32 $0x7D000, s12  }
0x5: {  	s4 =	sor.u32 s0, s3;
	s3 =	simm.s32 $0x0;
	s6 =	smul.u32 $0x138800, s0  }
0x6: {  	s13 =	ssub.s32 $0x2, s0;
	s5 =	smul.u32 $0x2710, s4;
	[smem:$0x7FF] =	sst s3  }
0x7: {  	s4 =	sadd.s32 $0x65400, s1;
	s9 =	sshrl.u32 s9, $0x2;
	s11 =	sshrl.u32 s13, $0x1  }
0x8: {  	_ =	strace $0x8000004D;
	s6 =	sadd.s32 s7, s6;
	s7 =	ssub.s32 s13, s11  }
0x9: {  	s8 =	sshrl.u32 s5, $0x3;
	s5 =	sadd.s32 $0xD200, s1;
	s6 =	sshrl.u32 s6, $0x3  }
0xa: {  	s7 =	smax.u32 s7, $0x1;
	s10 =	sadd.s32 s8, s1;
	s1 =	sadd.s32 s6, s1  }
0xb: {  	s6 =	sadd.s32 s9, s2;
	s26 =	sadd.s32 s5, s8;
	[dreg:$0x12] =	wrdreg s7  }
0xc: {  	s9 =	sadd.s32 $0x1400, s6;
	[dreg:$0x10] =	wrdreg s26  }
0xd: {  	s14 =	sadd.s32 $0x2800, s6;
	[dreg:$0x3] =	wrdreg s9  }
0xe: {  	s15 =	sadd.s32 $0x3C00, s6;
	[dreg:$0x4] =	wrdreg s14  }
0xf: {  	s16 =	sadd.s32 $0x5000, s6;
	[dreg:$0x5] =	wrdreg s15  }
0x10: {  	s17 =	sadd.s32 $0x6400, s6;
	[dreg:$0x6] =	wrdreg s16  }
0x11: {  	s18 =	sadd.s32 $0x7800, s6;
	[dreg:$0x7] =	wrdreg s17  }
0x12: {  	s19 =	sadd.s32 $0x8C00, s6;
	[dreg:$0x8] =	wrdreg s18  }
0x13: {  	s21 =	sadd.s32 $0xA000, s6;
	[dreg:$0x9] =	wrdreg s19  }
0x14: {  	s22 =	sadd.s32 $0xB400, s6;
	[dreg:$0xa] =	wrdreg s21  }
0x15: {  	s23 =	sadd.s32 $0xC800, s6;
	[dreg:$0xb] =	wrdreg s22  }
0x16: {  	s28 =	simm.s32 $0x1;
	s24 =	sadd.s32 $0xDC00, s6;
	[dreg:$0xc] =	wrdreg s23  }
0x17: {  	s20 =	smul.u32 $0x4E20, s12;
	s25 =	sadd.s32 $0xF000, s6;
	[dreg:$0xd] =	wrdreg s24  }
0x18: {  	s0 =	smul.u32 $0x2710, s0;
	s10 =	sadd.s32 $0x3400, s10;
	[dreg:$0xe] =	wrdreg s25  }
0x19: {  	s29 =	simm.s32 $0x4;
	s1 =	sadd.s32 $0x8C600, s1;
	[dreg:$0xf] =	wrdreg s10  }
0x1a: {  	s0 =	sadd.s32 s0, s20;
	s20 =	sadd.s32 $0x17C00, s6;
	[dreg:$0x11] =	wrdreg s1  }
0x1b: {  	s8 =	sadd.s32 $0xA0, s0;
	s26 =	sadd.s32 $0xA, s26;
	[dreg:$0x1c] =	wrdreg s20  }
0x1c: {  	s9 =	sadd.s32 $0x140, s0;
	s0 =	sadd.s32 $0xF0, s0;
	[smem:$0x7FD] =	sst s26  }
0x1d: {  	s30 =	simm.s32 $0x2880;
	s14 =	sadd.s32 $0x10400, s6;
	[dreg:$0x15] =	wrdreg s0  }
0x1e: {  	s31 =	simm.s32 $0x7900;
	s15 =	sadd.s32 $0x11800, s6;
	[dreg:$0x16] =	wrdreg s14  }
0x1f: {  	p0 =	sgt.u32 s12, $0x9;
	s16 =	sadd.s32 $0x12C00, s6;
	[dreg:$0x17] =	wrdreg s15  }
0x20: {  	s12 =	simm.s32 $0x9;
	s17 =	sadd.s32 $0x14000, s6;
	[dreg:$0x18] =	wrdreg s16  }
0x21: {  	s7 =	simm.s32 $0x5;
	s18 =	sadd.s32 $0x15400, s6;
	[dreg:$0x19] =	wrdreg s17  }
0x22: {  	s1 =	sshrl.u32 s8, $0x3;
	s19 =	sadd.s32 $0x16800, s6;
	[dreg:$0x1a] =	wrdreg s18  }
0x23: {  	s21 =	sadd.s32 $0x19000, s6;
	s22 =	sadd.s32 $0x1A400, s6;
	[dreg:$0x1b] =	wrdreg s19  }
0x24: {  	s23 =	sadd.s32 $0x1B800, s6;
	s24 =	sadd.s32 $0x1CC00, s6;
	[dreg:$0x1d] =	wrdreg s21  }
0x25: {  	s25 =	sadd.s32 $0x1E000, s6;
	s26 =	simm.s32 $0x5100;
	[dreg:$0x1e] =	wrdreg s22  }
0x26: {  	s8 =	simm.s32 $0x7;
	s10 =	simm.s32 $0x6;
	[dreg:$0x1f] =	wrdreg s23  }
0x27: {  	s11 =	sshrl.u32 s9, $0x3;
	s1 =	sadd.s32 s1, s5;
	[smem:$0x7FB] =	sst s24  }
.Ltmp0:
0x28: {  	[smem:$0x7FC] =	sst s25;
	s14 =	simm.s32 $0xA100;
	(pc) =	sbr.rel .LBB2_1-.Ltmp0, $4  }
0x29: {  	s15 =	simm.s32 $0xA;
	s16 =	simm.s32 $0x2780;
	s17 =	simm.s32 $0x50  }
0x2a: {  	s18 =	simm.s32 $0x2900;
	s0 =	simm.s32 $0x2800;
	s9 =	simm.s32 $0x3  }
0x2b: {  	s19 =	simm.s32 $0x0;
	[dreg:$0x13] =	wrdreg s1;
	s13 =	sadd.s32 s11, s5  }
0x2c: {  	v0 =	vimm.f32 $0.0e+00;
	s1 =	simm.s32 $0x2;
	s11 =	simm.s32 $0x8;
	[dreg:$0x14] =	wrdreg s13  }
.LBB2_11:
0x2d: {  	_ =	swait.ge [sflag:s28], $0x50  }
0x2e: {  	[sflag:s28] =	ssyncset.done $0x0  }
0x2f: {  	[sflag:s28] =	ssyncadd.s32 $0xFFFFFFB0  }
0x30: {  	_ =	swait.ge [sflag:s29], $0x2800  }
0x31: {  	[sflag:s29] =	ssyncset.done $0x0  }
0x32: {  	[sflag:s29] =	ssyncadd.s32 $0xFFFFD800  }
0x33: {  	[spmem:s2] =	stream.indirect.scatter.add.f32 [tilespmem:s18], [sflag:$0x7], $0x80, s16, s17, $0xb8;
	[tilespmem:$0x1ED80] =	vst v63  }
0x34: {  	_ =	swait.ge [sflag:s1], $0x50  }
0x35: {  	[sflag:s1] =	ssyncset.done $0x0  }
0x36: {  	[sflag:s1] =	ssyncadd.s32 $0xFFFFFFB0  }
0x37: {  	_ =	swait.ge [sflag:s7], $0x2800  }
0x38: {  	[sflag:s7] =	ssyncset.done $0x0  }
0x39: {  	[sflag:s7] =	ssyncadd.s32 $0xFFFFD800  }
0x3a: {  	[spmem:s2] =	stream.indirect.scatter.add.f32 [tilespmem:s26], [sflag:$0x8], $0x80, s0, s17, $0xb8;
	[tilespmem:$0x1ED80] =	vst v63  }
0x3b: {  	_ =	swait.ge [sflag:s12], $0x2800  }
0x3c: {  	[sflag:s12] =	ssyncset.done $0x0  }
0x3d: {  	[sflag:s12] =	ssyncadd.s32 $0xFFFFD800  }
0x3e: {  	_ =	swait.ge [sflag:s8], $0x2800  }
0x3f: {  	[sflag:s8] =	ssyncset.done $0x0  }
0x40: {  	[sflag:s8] =	ssyncadd.s32 $0xFFFFD800  }
0x41: {  	_ =	swait.ge [sflag:s11], $0x2800  }
0x42: {  	[sflag:s11] =	ssyncset.done $0x0  }
0x43: {  	s13 =	stileid.u32;
	[sflag:s11] =	ssyncadd.s32 $0xFFFFD800  }
0x44: {  	s13 =	sshll.u32 @!p0 s13, $0x6;
	[bflag:$0x0] =	sbarrier.arrive $0xFFFF  }
0x45: {  	s20 =	sshrl.u32 @!p0 s6, $0x3;
	s13 =	sor.u32 @!p0 $0x1C0A, s13;
	s21 =	rddreg [dreg:$0x11]  }
0x46: {  	[hbm:s21], [sflag:s13] =	dma.local @!p0 [spmem:s20], $0x3E80  }
0x47: {  	s13 =	simm.s32 @!p0 $0xA  }
0x48: {  	_ =	swait.ge @!p0 [sflag:s13], $0x3E80  }
0x49: {  	s19 =	sadd.s32 $0x1, s19;
	s25 =	rddreg [dreg:$0x12]  }
0x4a: {  	p1 =	sne.s32 s19, s25  }
.Ltmp1:
0x4b: {  	_ = 	snop;
	(pc) =	sbr.rel @!p1 .LBB2_12-.Ltmp1, $3  }
0x4c: {  	_ =	sdelay $0x1  }
0x4d: {  	[sflag:s13] =	ssyncset.done @!p0 $0x0  }
0x4e: {  	[sflag:s13] =	ssyncadd.s32 @!p0 $0xFFFFC180  }
.LBB2_1:
0x4f: {  	s20 =	sand.u32 $0x7E00, s3  }
0x50: {  	s21 =	sand.u32 $0x70, s3;
	s23 =	sshrl.u32 s20, $0x2  }
0x51: {  	s20 =	simm.s32 $0x40;
	s23 =	sor.u32 s21, s23;
	s21 =	simm.s32 $0x0  }
.LBB2_2:
0x52: {  	p1 =	sne.s32 s20, $0x4FC0  }
0x53: {  	[tilespmem:s23+$0xA100] =	vst v0;
	s21 =	sadd.s32 $0x10, s21;
	s23 =	smov.u32 s20;
	s20 =	sadd.s32 $0x40, s20  }
.Ltmp2:
0x54: {  	(pc) =	sbr.rel @p1 .LBB2_2-.Ltmp2, $4  }
0x55: {  	_ = 	snop  }
0x56: {  	s23 =	sand.u32 $0x7E00, s23  }
0x57: {  	s24 =	sand.u32 $0x70, s21;
	s23 =	sshrl.u32 s23, $0x2  }
0x58: {  	s23 =	sor.u32 s24, s23  }
.Ltmp3:
0x59: {  	(pc) =	sbr.rel @p0 .LBB2_5-.Ltmp3, $2  }
0x5a: {  	_ =	sdelay $0x2  }
0x5b: {  	[tilespmem:s23+$0xA100] =	vst v0  }
0x5c: {  	[spmem:s6] =	stream.linear.scatter [tilespmem:s14], [sflag:$0xA], $0x1400, $0x38;
	[tilespmem:$0x1ED80] =	vst v63  }
0x5d: {  	_ =	swait.ge [sflag:s15], $0x1400  }
0x5e: {  	[sflag:s15] =	ssyncset.done $0x0  }
0x5f: {  	s13 =	rddreg [dreg:$0x3];
	[sflag:s15] =	ssyncadd.s32 $0xFFFFEC00  }
0x60: {  	[spmem:s13] =	stream.linear.scatter [tilespmem:s14], [sflag:$0xA], $0x1400, $0x38;
	[tilespmem:$0x1ED80] =	vst v63  }
0x61: {  	_ =	swait.ge [sflag:s15], $0x1400  }
0x62: {  	[sflag:s15] =	ssyncset.done $0x0  }
0x63: {  	s21 =	rddreg [dreg:$0x4];
	[sflag:s15] =	ssyncadd.s32 $0xFFFFEC00  }
0x64: {  	[spmem:s21] =	stream.linear.scatter [tilespmem:s14], [sflag:$0xA], $0x1400, $0x38;
	[tilespmem:$0x1ED80] =	vst v63  }
0x65: {  	_ =	swait.ge [sflag:s15], $0x1400  }
0x66: {  	[sflag:s15] =	ssyncset.done $0x0  }
0x67: {  	s22 =	rddreg [dreg:$0x5];
	[sflag:s15] =	ssyncadd.s32 $0xFFFFEC00  }
0x68: {  	[spmem:s22] =	stream.linear.scatter [tilespmem:s14], [sflag:$0xA], $0x1400, $0x38;
	[tilespmem:$0x1ED80] =	vst v63  }
0x69: {  	_ =	swait.ge [sflag:s15], $0x1400  }
0x6a: {  	[sflag:s15] =	ssyncset.done $0x0  }
0x6b: {  	s23 =	rddreg [dreg:$0x6];
	[sflag:s15] =	ssyncadd.s32 $0xFFFFEC00  }
0x6c: {  	[spmem:s23] =	stream.linear.scatter [tilespmem:s14], [sflag:$0xA], $0x1400, $0x38;
	[tilespmem:$0x1ED80] =	vst v63  }
0x6d: {  	_ =	swait.ge [sflag:s15], $0x1400  }
0x6e: {  	[sflag:s15] =	ssyncset.done $0x0  }
0x6f: {  	s24 =	rddreg [dreg:$0x7];
	[sflag:s15] =	ssyncadd.s32 $0xFFFFEC00  }
0x70: {  	[spmem:s24] =	stream.linear.scatter [tilespmem:s14], [sflag:$0xA], $0x1400, $0x38;
	[tilespmem:$0x1ED80] =	vst v63  }
0x71: {  	_ =	swait.ge [sflag:s15], $0x1400  }
0x72: {  	[sflag:s15] =	ssyncset.done $0x0  }
0x73: {  	s25 =	rddreg [dreg:$0x8];
	[sflag:s15] =	ssyncadd.s32 $0xFFFFEC00  }
0x74: {  	[spmem:s25] =	stream.linear.scatter [tilespmem:s14], [sflag:$0xA], $0x1400, $0x38;
	[tilespmem:$0x1ED80] =	vst v63  }
0x75: {  	_ =	swait.ge [sflag:s15], $0x1400  }
0x76: {  	[sflag:s15] =	ssyncset.done $0x0  }
0x77: {  	s20 =	rddreg [dreg:$0x9];
	[sflag:s15] =	ssyncadd.s32 $0xFFFFEC00  }
0x78: {  	[spmem:s20] =	stream.linear.scatter [tilespmem:s14], [sflag:$0xA], $0x1400, $0x38;
	[tilespmem:$0x1ED80] =	vst v63  }
0x79: {  	_ =	swait.ge [sflag:s15], $0x1400  }
0x7a: {  	[sflag:s15] =	ssyncset.done $0x0  }
0x7b: {  	s21 =	rddreg [dreg:$0xa];
	[sflag:s15] =	ssyncadd.s32 $0xFFFFEC00  }
0x7c: {  	[spmem:s21] =	stream.linear.scatter [tilespmem:s14], [sflag:$0xA], $0x1400, $0x38;
	[tilespmem:$0x1ED80] =	vst v63  }
0x7d: {  	_ =	swait.ge [sflag:s15], $0x1400  }
0x7e: {  	[sflag:s15] =	ssyncset.done $0x0  }
0x7f: {  	s22 =	rddreg [dreg:$0xb];
	[sflag:s15] =	ssyncadd.s32 $0xFFFFEC00  }
0x80: {  	[spmem:s22] =	stream.linear.scatter [tilespmem:s14], [sflag:$0xA], $0x1400, $0x38;
	[tilespmem:$0x1ED80] =	vst v63  }
0x81: {  	_ =	swait.ge [sflag:s15], $0x1400  }
0x82: {  	[sflag:s15] =	ssyncset.done $0x0  }
0x83: {  	s23 =	rddreg [dreg:$0xc];
	[sflag:s15] =	ssyncadd.s32 $0xFFFFEC00  }
0x84: {  	[spmem:s23] =	stream.linear.scatter [tilespmem:s14], [sflag:$0xA], $0x1400, $0x38;
	[tilespmem:$0x1ED80] =	vst v63  }
0x85: {  	_ =	swait.ge [sflag:s15], $0x1400  }
0x86: {  	[sflag:s15] =	ssyncset.done $0x0  }
0x87: {  	s24 =	rddreg [dreg:$0xd];
	[sflag:s15] =	ssyncadd.s32 $0xFFFFEC00  }
0x88: {  	[spmem:s24] =	stream.linear.scatter [tilespmem:s14], [sflag:$0xA], $0x1400, $0x38;
	[tilespmem:$0x1ED80] =	vst v63  }
0x89: {  	_ =	swait.ge [sflag:s15], $0x1400  }
0x8a: {  	[sflag:s15] =	ssyncset.done $0x0  }
0x8b: {  	s25 =	rddreg [dreg:$0xe];
	[sflag:s15] =	ssyncadd.s32 $0xFFFFEC00  }
0x8c: {  	[spmem:s25] =	stream.linear.scatter [tilespmem:s14], [sflag:$0xA], $0x1400, $0x38;
	[tilespmem:$0x1ED80] =	vst v63  }
0x8d: {  	_ =	swait.ge [sflag:s15], $0x1400  }
0x8e: {  	[sflag:s15] =	ssyncset.done $0x0  }
0x8f: {  	s20 =	rddreg [dreg:$0x16];
	[sflag:s15] =	ssyncadd.s32 $0xFFFFEC00  }
0x90: {  	[spmem:s20] =	stream.linear.scatter [tilespmem:s14], [sflag:$0xA], $0x1400, $0x38;
	[tilespmem:$0x1ED80] =	vst v63  }
0x91: {  	_ =	swait.ge [sflag:s15], $0x1400  }
0x92: {  	[sflag:s15] =	ssyncset.done $0x0  }
0x93: {  	s21 =	rddreg [dreg:$0x17];
	[sflag:s15] =	ssyncadd.s32 $0xFFFFEC00  }
0x94: {  	[spmem:s21] =	stream.linear.scatter [tilespmem:s14], [sflag:$0xA], $0x1400, $0x38;
	[tilespmem:$0x1ED80] =	vst v63  }
0x95: {  	_ =	swait.ge [sflag:s15], $0x1400  }
0x96: {  	[sflag:s15] =	ssyncset.done $0x0  }
0x97: {  	s22 =	rddreg [dreg:$0x18];
	[sflag:s15] =	ssyncadd.s32 $0xFFFFEC00  }
0x98: {  	[spmem:s22] =	stream.linear.scatter [tilespmem:s14], [sflag:$0xA], $0x1400, $0x38;
	[tilespmem:$0x1ED80] =	vst v63  }
0x99: {  	_ =	swait.ge [sflag:s15], $0x1400  }
0x9a: {  	[sflag:s15] =	ssyncset.done $0x0  }
0x9b: {  	s23 =	rddreg [dreg:$0x19];
	[sflag:s15] =	ssyncadd.s32 $0xFFFFEC00  }
0x9c: {  	[spmem:s23] =	stream.linear.scatter [tilespmem:s14], [sflag:$0xA], $0x1400, $0x38;
	[tilespmem:$0x1ED80] =	vst v63  }
0x9d: {  	_ =	swait.ge [sflag:s15], $0x1400  }
0x9e: {  	[sflag:s15] =	ssyncset.done $0x0  }
0x9f: {  	s24 =	rddreg [dreg:$0x1a];
	[sflag:s15] =	ssyncadd.s32 $0xFFFFEC00  }
0xa0: {  	[spmem:s24] =	stream.linear.scatter [tilespmem:s14], [sflag:$0xA], $0x1400, $0x38;
	[tilespmem:$0x1ED80] =	vst v63  }
0xa1: {  	_ =	swait.ge [sflag:s15], $0x1400  }
0xa2: {  	[sflag:s15] =	ssyncset.done $0x0  }
0xa3: {  	s25 =	rddreg [dreg:$0x1b];
	[sflag:s15] =	ssyncadd.s32 $0xFFFFEC00  }
0xa4: {  	[spmem:s25] =	stream.linear.scatter [tilespmem:s14], [sflag:$0xA], $0x1400, $0x38;
	[tilespmem:$0x1ED80] =	vst v63  }
0xa5: {  	_ =	swait.ge [sflag:s15], $0x1400  }
0xa6: {  	[sflag:s15] =	ssyncset.done $0x0  }
0xa7: {  	s20 =	rddreg [dreg:$0x1c];
	[sflag:s15] =	ssyncadd.s32 $0xFFFFEC00  }
0xa8: {  	[spmem:s20] =	stream.linear.scatter [tilespmem:s14], [sflag:$0xA], $0x1400, $0x38;
	[tilespmem:$0x1ED80] =	vst v63  }
0xa9: {  	_ =	swait.ge [sflag:s15], $0x1400  }
0xaa: {  	[sflag:s15] =	ssyncset.done $0x0  }
0xab: {  	s21 =	rddreg [dreg:$0x1d];
	[sflag:s15] =	ssyncadd.s32 $0xFFFFEC00  }
0xac: {  	[spmem:s21] =	stream.linear.scatter [tilespmem:s14], [sflag:$0xA], $0x1400, $0x38;
	[tilespmem:$0x1ED80] =	vst v63  }
0xad: {  	_ =	swait.ge [sflag:s15], $0x1400  }
0xae: {  	[sflag:s15] =	ssyncset.done $0x0  }
0xaf: {  	s22 =	rddreg [dreg:$0x1e];
	[sflag:s15] =	ssyncadd.s32 $0xFFFFEC00  }
0xb0: {  	[spmem:s22] =	stream.linear.scatter [tilespmem:s14], [sflag:$0xA], $0x1400, $0x38;
	[tilespmem:$0x1ED80] =	vst v63  }
0xb1: {  	_ =	swait.ge [sflag:s15], $0x1400  }
0xb2: {  	[sflag:s15] =	ssyncset.done $0x0  }
0xb3: {  	s23 =	rddreg [dreg:$0x1f];
	[sflag:s15] =	ssyncadd.s32 $0xFFFFEC00  }
0xb4: {  	[spmem:s23] =	stream.linear.scatter [tilespmem:s14], [sflag:$0xA], $0x1400, $0x38;
	[tilespmem:$0x1ED80] =	vst v63  }
0xb5: {  	_ =	swait.ge [sflag:s15], $0x1400  }
0xb6: {  	s24 =	sld [smem:$0x7FB]  }
0xb7: {  	[sflag:s15] =	ssyncset.done $0x0  }
0xb8: {  	[sflag:s15] =	ssyncadd.s32 $0xFFFFEC00  }
0xb9: {  	[spmem:s24] =	stream.linear.scatter [tilespmem:s14], [sflag:$0xA], $0x1400, $0x38;
	[tilespmem:$0x1ED80] =	vst v63  }
0xba: {  	_ =	swait.ge [sflag:s15], $0x1400  }
0xbb: {  	s25 =	sld [smem:$0x7FC]  }
0xbc: {  	[sflag:s15] =	ssyncset.done $0x0  }
0xbd: {  	[sflag:s15] =	ssyncadd.s32 $0xFFFFEC00  }
0xbe: {  	[spmem:s25] =	stream.linear.scatter [tilespmem:s14], [sflag:$0xA], $0x1400, $0x38;
	[tilespmem:$0x1ED80] =	vst v63  }
0xbf: {  	_ =	swait.ge [sflag:s15], $0x1400  }
0xc0: {  	[sflag:s15] =	ssyncset.done $0x0  }
0xc1: {  	[sflag:s15] =	ssyncadd.s32 $0xFFFFEC00  }
.LBB2_5:
0xc2: {  	s21 =	simm.s32 $0x0;
	s13 =	rddreg [dreg:$0xf]  }
0xc3: {  	[tilespmem:s21], [sflag:$0xA] =	stream.linear.gather [hbm4b:s13+s21], $0x2710, $0x38;
	[tilespmem:$0x1ED80] =	vst v63  }
0xc4: {  	_ =	swait.ge [sflag:s15], $0x2710  }
0xc5: {  	[sflag:s15] =	ssyncset.done $0x0  }
0xc6: {  	s24 =	rddreg [dreg:$0x10];
	[sflag:s15] =	ssyncadd.s32 $0xFFFFD8F0  }
0xc7: {  	[tilespmem:s16], [sflag:$0x1] =	stream.linear.gather [hbm4b:s24+s21], $0x50, $0x38;
	[tilespmem:$0x1ED80] =	vst v63  }
0xc8: {  	s25 =	sld [smem:$0x7FD]  }
0xc9: {  	[tilespmem:s18], [sflag:$0x4] =	stream.indirect.gather [hbm4b:s4+s17], $0x80, s21, s17, $0xb8;
	[tilespmem:$0x1ED80] =	vst v63  }
0xca: {  	_ = 	snop  }
0xcb: {  	[tilespmem:s0], [sflag:$0x2] =	stream.linear.gather [hbm4b:s25+s21], $0x50, $0x38;
	[tilespmem:$0x1ED80] =	vst v63  }
0xcc: {  	_ = 	snop  }
0xcd: {  	[tilespmem:s26], [sflag:$0x5] =	stream.indirect.gather [hbm4b:s4+s17], $0x80, s17, s17, $0xb8;
	[tilespmem:$0x1ED80] =	vst v63  }
.Ltmp4:
0xce: {  	_ = 	snop;
	(pc) =	sbr.rel .LBB2_6-.Ltmp4, $4  }
0xcf: {  	[bflag:$0x0] =	sbarrier.arrive $0xFFFF  }
0xd0: {  	s25 =	rddreg [dreg:$0x15]  }
0xd1: {  	s24 =	rddreg [dreg:$0x14]  }
0xd2: {  	s20 =	simm.s32 $0x0;
	s23 =	rddreg [dreg:$0x13]  }
.LBB2_9:
0xd3: {  	[tilespmem:s30], [sflag:$0x3] =	stream.linear.gather [hbm4b:s23+s3], $0x50, $0x38;
	[tilespmem:$0x1ED80] =	vst v63  }
0xd4: {  	s22 =	sshra.s32 s21, $0x2  }
0xd5: {  	s22 =	sadd.s32 $0xA0, s22  }
0xd6: {  	[tilespmem:s31], [sflag:$0x6] =	stream.indirect.gather [hbm4b:s4+s17], $0x80, s22, s17, $0xb8;
	[tilespmem:$0x1ED80] =	vst v63  }
.LBB2_10:
0xd7: {  	_ =	swait.ge [sflag:s1], $0x50  }
0xd8: {  	[sflag:s1] =	ssyncset.done $0x0  }
0xd9: {  	[sflag:s1] =	ssyncadd.s32 $0xFFFFFFB0  }
0xda: {  	_ =	swait.ge [sflag:s7], $0x2800  }
0xdb: {  	[sflag:s7] =	ssyncset.done $0x0  }
0xdc: {  	[sflag:s7] =	ssyncadd.s32 $0xFFFFD800  }
0xdd: {  	[spmem:s2] =	stream.indirect.scatter.add.f32 [tilespmem:s26], [sflag:$0x8], $0x80, s0, s17, $0xb8;
	[tilespmem:$0x1ED80] =	vst v63  }
0xde: {  	_ =	swait.ge [sflag:s8], $0x2800  }
0xdf: {  	s22 =	sshrl.u32 s25, $0x3;
	[sflag:s8] =	ssyncset.done $0x0  }
0xe0: {  	s22 =	sadd.s32 s5, s22;
	[sflag:s8] =	ssyncadd.s32 $0xFFFFD800  }
0xe1: {  	[tilespmem:s16], [sflag:$0x1] =	stream.linear.gather [hbm4b:s22+s3], $0x50, $0x38;
	[tilespmem:$0x1ED80] =	vst v63  }
0xe2: {  	s22 =	sshra.s32 s21, $0x2  }
0xe3: {  	s13 =	sadd.s32 $0xF0, s22  }
0xe4: {  	[tilespmem:s18], [sflag:$0x4] =	stream.indirect.gather [hbm4b:s4+s17], $0x80, s13, s17, $0xb8;
	[tilespmem:$0x1ED80] =	vst v63  }
0xe5: {  	_ =	swait.ge [sflag:s9], $0x50  }
0xe6: {  	[sflag:s9] =	ssyncset.done $0x0  }
0xe7: {  	[sflag:s9] =	ssyncadd.s32 $0xFFFFFFB0  }
0xe8: {  	_ =	swait.ge [sflag:s10], $0x2800  }
0xe9: {  	[sflag:s10] =	ssyncset.done $0x0  }
0xea: {  	s21 =	sadd.s32 $0x3C0, s21;
	[sflag:s10] =	ssyncadd.s32 $0xFFFFD800  }
0xeb: {  	[spmem:s2] =	stream.indirect.scatter.add.f32 [tilespmem:s31], [sflag:$0x9], $0x80, s30, s17, $0xb8;
	[tilespmem:$0x1ED80] =	vst v63  }
0xec: {  	p1 =	sne.s32 s21, $0x99C0;
	_ =	swait.ge [sflag:s11], $0x2800  }
.Ltmp5:
0xed: {  	[sflag:s11] =	ssyncset.done $0x0;
	(pc) =	sbr.rel @!p1 .LBB2_11-.Ltmp5, $4  }
0xee: {  	s20 =	sadd.s32 $0x1, s20;
	s23 =	sadd.s32 $0x1E, s23;
	[sflag:s11] =	ssyncadd.s32 $0xFFFFD800  }
0xef: {  	[tilespmem:s0], [sflag:$0x2] =	stream.linear.gather [hbm4b:s24+s3], $0x50, $0x38;
	[tilespmem:$0x1ED80] =	vst v63  }
0xf0: {  	s25 =	sadd.s32 $0xF0, s25;
	s22 =	sadd.s32 $0x140, s22;
	s24 =	sadd.s32 $0x1E, s24  }
0xf1: {  	[tilespmem:s26], [sflag:$0x5] =	stream.indirect.gather [hbm4b:s4+s17], $0x80, s22, s17, $0xb8;
	[tilespmem:$0x1ED80] =	vst v63  }
.LBB2_6:
0xf2: {  	_ =	swait.ge [sflag:s28], $0x50  }
0xf3: {  	p1 =	seq.s32 s20, $0x0;
	[sflag:s28] =	ssyncset.done $0x0  }
.Ltmp6:
0xf4: {  	[sflag:s28] =	ssyncadd.s32 $0xFFFFFFB0;
	(pc) =	sbr.rel @p1 .LBB2_9-.Ltmp6, $4  }
0xf5: {  	_ =	swait.ge [sflag:s29], $0x2800  }
0xf6: {  	[sflag:s29] =	ssyncset.done $0x0  }
0xf7: {  	[sflag:s29] =	ssyncadd.s32 $0xFFFFD800  }
0xf8: {  	[spmem:s2] =	stream.indirect.scatter.add.f32 [tilespmem:s18], [sflag:$0x7], $0x80, s16, s17, $0xb8;
	[tilespmem:$0x1ED80] =	vst v63  }
0xf9: {  	p1 =	seq.s32 s20, $0x29  }
.Ltmp7:
0xfa: {  	_ = 	snop;
	(pc) =	sbr.rel @p1 .LBB2_10-.Ltmp7, $1  }
0xfb: {  	_ =	sdelay $0x3  }
.Ltmp8:
0xfc: {  	(pc) =	sbr.rel .LBB2_9-.Ltmp8, $4  }
0xfd: {  	_ = 	snop  }
0xfe: {  	_ =	swait.ge [sflag:s12], $0x2800  }
0xff: {  	[sflag:s12] =	ssyncset.done $0x0  }
0x100: {  	[sflag:s12] =	ssyncadd.s32 $0xFFFFD800  }
.LBB2_12:
0x101: {  	_ =	sfence.sel $0x180000  }
0x102: {  	[bflag:$0x0] =	sbarrier.arrive $0xFFFF  }
0x103: {  	_ =	strace $0x9000004D  }
0x104: {  	s0 =	stileid.u32;
	[bflag:$0x2] =	sbarrier.arrive $0xFFFF  }
0x105: {  	p0 =	sne.s32 s0, $0x0;
	s0 =	rddreg [dreg:$0x2]  }
0x106: {  	s0 =	sadd.s32 @!p0 $0x100000, s0  }
0x107: {  	[sflag:s0] =	ssyncadd.tile.s32 @!p0 $0x1;
	_ =	shalt  }
.Lfunc_end2:
_tile_overlayer_lowered:
.L_overlay_start_2:
0x108: {  	(tag) =	ssettag $0x2  }
0x109: {  	s0 =	rddreg [dreg:$0x0];
	s2 =	stileid.u32  }
0x10a: {  	s1 =	rddreg [dreg:$0x1];
	p0 =	sne.s32 s2, $0x0  }
0x10b: {  	s3 =	rddreg [dreg:$0x2];
	[bflag:$0x3] =	sbarrier.arrive $0xFFFF;
	s2 =	simm.s32 @!p0 $0x1C0A  }
0x10c: {  	[timem:s3], [sflag:s2] =	dma.local @!p0 [hbm:s0], s1  }
0x10d: {  	s0 =	simm.s32 @!p0 $0xA  }
0x10e: {  	_ =	swait.ge @!p0 [sflag:s0], s1  }
0x10f: {  	s1 =	ssub.s32 @!p0 $0x0, s1;
	[sflag:s0] =	ssyncset.done @!p0 $0x0  }
0x110: {  	[sflag:s0] =	ssyncadd.s32 @!p0 s1  }
0x111: {  	[bflag:$0x3] =	sbarrier.arrive $0xFFFF  }
0x112: {  	_ =	shalt  }

// kernel: kernel.8.cloned.1.call-start
scs
__scs_entry_jumppad:
0x0: {  	(pc) =	sbr.rel $0x88, $3  }
0x1: {  	(tag) =	ssettag $0x0;
	lr =	simm.s32 $0x1  }
0x2: {  	[smem:$0x3F9A] =	sst lr;
	_ =	strace $0xD0000000  }
0x3: {  	_ = 	snop  }
0x4: {  	_ = 	snop  }
0x5: {  	_ = 	snop  }
0x6: {  	_ = 	snop  }
0x7: {  	_ = 	snop  }
__scs_overlays_trampoline_lowered:
0x8: {  	[smem:$0x3FA9] =	sst s0  }
0x9: {  	[smem:$0x3FAA] =	sst s1  }
0xa: {  	[smem:$0x3FAB] =	sst s2  }
0xb: {  	[smem:$0x3FAC] =	sst s3  }
0xc: {  	[smem:$0x3FAD] =	sst s4  }
0xd: {  	[smem:$0x3FAE] =	sst s5  }
0xe: {  	[smem:$0x3FAF] =	sst s6  }
0xf: {  	[smem:$0x3FB0] =	sst s7  }
0x10: {  	[smem:$0x3FB1] =	sst s8  }
0x11: {  	[smem:$0x3FB2] =	sst s9;
	s0 =	simm.s32 @!p0 $0x0  }
0x12: {  	s1 =	sld [smem:$0x3F98];
	s0 =	simm.s32 @p0 $0x1  }
0x13: {  	[smem:$0x3FB3] =	sst s0;
	s0 =	simm.s32 @!p1 $0x0  }
0x14: {  	s2 =	sld [smem:$0x3F97];
	s0 =	simm.s32 @p1 $0x1  }
0x15: {  	[smem:$0x3FB4] =	sst s0;
	s0 =	simm.s32 @!p2 $0x0  }
0x16: {  	s3 =	sld [smem:$0x3FDB];
	s0 =	simm.s32 @p2 $0x1  }
0x17: {  	s4 =	simm.s32 $0x1BF5;
	[smem:$0x3FB6] =	sst s0  }
0x18: {  	s0 =	sld [smem:$0x3F99];
	_ =	swait.ge [sflag:s4], $0x0  }
0x19: {  	s7 =	sld [smem:$0x3F9A]  }
0x1a: {  	s8 =	sadd.s32 $0xFFFFE003, lr  }
0x1b: {  	s9 =	sadd.s32 $0xFFFFFEF7, lr;
	s5 =	simm.s32 $0xFFFFFFFF;
	p2 =	slt.u32 s8, $0xFFFFF086  }
0x1c: {  	p1 =	slt.u32 s9, $0xF7A;
	s5 =	simm.s32 @!p2 $0x0  }
0x1d: {  	s5 =	simm.s32 @p1 $0x1;
	p0 =	seq.s32 s7, s2  }
0x1e: {  	s7 =	smul.u32 @!p0 $0xF7A, s2;
	p2 =	seq.s32 @!p0 s5, $0x0  }
0x1f: {  	s9 =	smul.u32 $0xF7A, s1;
	s8 =	simm.s32 @!p0 $0x1BF5;
	p2 =	por !p2, p0  }
0x20: {  	[sflag:s8] =	ssyncset.s32 @!p0 $0xFFFFF086;
	s6 =	sadd.s32 @!p0 s3, s7;
	s7 =	simm.s32 @!p0 $0x108  }
0x21: {  	s3 =	sadd.s32 s3, s9;
	s6 =	sadd.s32 @!p0 $0x88, s6;
	s7 =	simm.s32 @p2 $0x1082  }
0x22: {  	[simem:s7], [sflag:s8] =	dma.local @!p0 [hbm:s6], $0xF7A  }
0x23: {  	s9 =	sor.u32 $0xD0000000, s2;
	s6 =	simm.s32 $0x108;
	_ =	swait.ge @!p0 [sflag:s8], $0x0  }
0x24: {  	s3 =	sadd.s32 $0x88, s3;
	s6 =	simm.s32 @!p1 $0x1082;
	[sflag:s4] =	ssyncset.s32 $0xFFFFF086  }
0x25: {  	[simem:s6], [sflag:s4] =	dma.local [hbm:s3], $0xF7A  }
0x26: {  	[smem:$0x3F9A] =	sst s1;
	(tag) =	ssettag s2;
	_ =	strace s9  }
0x27: {  	s1 =	sld [smem:$0x3FAA]  }
0x28: {  	s2 =	sld [smem:$0x3FAB]  }
0x29: {  	s4 =	sld [smem:$0x3FAD]  }
0x2a: {  	p0 =	seq.s32 s5, $0x0;
	s5 =	sld [smem:$0x3FAE]  }
0x2b: {  	s6 =	sld [smem:$0x3FAF]  }
0x2c: {  	s7 =	sld [smem:$0x3FB0]  }
0x2d: {  	s3 =	simm.s32 $0x108;
	s8 =	sld [smem:$0x3FB1]  }
0x2e: {  	s3 =	simm.s32 @!p0 $0x1082;
	s9 =	sld [smem:$0x3FB2]  }
0x2f: {  	lr =	sadd.s32 s0, s3;
	s0 =	sld [smem:$0x3FA9]  }
0x30: {  	s3 =	sld [smem:$0x3FAC]  }
0x31: {  	[smem:$0x3FB5] =	sst s10  }
0x32: {  	s10 =	sld [smem:$0x3FB3];
	_ =	sdelay $0x3  }
0x33: {  	p0 =	seq.s32 s10, $0x1;
	s10 =	sld [smem:$0x3FB5];
	_ =	sdelay $0x3  }
0x34: {  	[smem:$0x3FB5] =	sst s10  }
0x35: {  	s10 =	sld [smem:$0x3FB4];
	_ =	sdelay $0x3  }
0x36: {  	p1 =	seq.s32 s10, $0x1;
	s10 =	sld [smem:$0x3FB5];
	_ =	sdelay $0x3  }
0x37: {  	[smem:$0x3FB5] =	sst s10  }
0x38: {  	s10 =	sld [smem:$0x3FB6]  }
0x39: {  	_ = 	snop;
	(pc) =	sbr.ind lr, $3  }
0x3a: {  	_ = 	snop  }
0x3b: {  	_ = 	snop  }
0x3c: {  	p2 =	seq.s32 s10, $0x1;
	s10 =	sld [smem:$0x3FB5]  }
0x3d: {  	_ =	shalt  }
0x3e: {  	_ =	shalt  }
0x3f: {  	_ =	shalt  }
0x40: {  	_ =	shalt  }
0x41: {  	_ =	shalt  }
0x42: {  	_ =	shalt  }
0x43: {  	_ =	shalt  }
0x44: {  	_ =	shalt  }
0x45: {  	_ =	shalt  }
0x46: {  	_ =	shalt  }
0x47: {  	_ =	shalt  }
0x48: {  	_ =	shalt  }
0x49: {  	_ =	shalt  }
0x4a: {  	_ =	shalt  }
0x4b: {  	_ =	shalt  }
0x4c: {  	_ =	shalt  }
0x4d: {  	_ =	shalt  }
0x4e: {  	_ =	shalt  }
0x4f: {  	_ =	shalt  }
0x50: {  	_ =	shalt  }
0x51: {  	_ =	shalt  }
0x52: {  	_ =	shalt  }
0x53: {  	_ =	shalt  }
0x54: {  	_ =	shalt  }
0x55: {  	_ =	shalt  }
0x56: {  	_ =	shalt  }
0x57: {  	_ =	shalt  }
0x58: {  	_ =	shalt  }
0x59: {  	_ =	shalt  }
0x5a: {  	_ =	shalt  }
0x5b: {  	_ =	shalt  }
0x5c: {  	_ =	shalt  }
0x5d: {  	_ =	shalt  }
0x5e: {  	_ =	shalt  }
0x5f: {  	_ =	shalt  }
0x60: {  	_ =	shalt  }
0x61: {  	_ =	shalt  }
0x62: {  	_ =	shalt  }
0x63: {  	_ =	shalt  }
0x64: {  	_ =	shalt  }
0x65: {  	_ =	shalt  }
0x66: {  	_ =	shalt  }
0x67: {  	_ =	shalt  }
0x68: {  	_ =	shalt  }
0x69: {  	_ =	shalt  }
0x6a: {  	_ =	shalt  }
0x6b: {  	_ =	shalt  }
0x6c: {  	_ =	shalt  }
0x6d: {  	_ =	shalt  }
0x6e: {  	_ =	shalt  }
0x6f: {  	_ =	shalt  }
0x70: {  	_ =	shalt  }
0x71: {  	_ =	shalt  }
0x72: {  	_ =	shalt  }
0x73: {  	_ =	shalt  }
0x74: {  	_ =	shalt  }
0x75: {  	_ =	shalt  }
0x76: {  	_ =	shalt  }
0x77: {  	_ =	shalt  }
0x78: {  	_ =	shalt  }
0x79: {  	_ =	shalt  }
0x7a: {  	_ =	shalt  }
0x7b: {  	_ =	shalt  }
0x7c: {  	_ =	shalt  }
0x7d: {  	_ =	shalt  }
0x7e: {  	_ =	shalt  }
0x7f: {  	_ =	shalt  }
0x80: {  	_ =	shalt  }
0x81: {  	_ =	shalt  }
0x82: {  	_ =	shalt  }
0x83: {  	_ =	shalt  }
0x84: {  	_ =	shalt  }
0x85: {  	_ =	shalt  }
0x86: {  	_ =	shalt  }
0x87: {  	_ =	shalt  }
.Lfunc_end0:
.L_simem_size_0:
called_computation_lowered:
.L_overlay_start_0:
0x88: {  	s2 =	sld [smem:$0x3FD9]  }
0x89: {  	s3 =	sld [smem:$0x3FFE];
	_ =	sdelay $0x1  }
0x8a: {  	s1 =	srdreg.scid  }
0x8b: {  	s0 =	sand.u32 $0x1, s1  }
0x8c: {  	s16 =	sshll.u32 s0, $0xA;
	s2 =	sadd.s32 s3, s2  }
0x8d: {  	s2 =	sadd.s32 s2, s16  }
0x8e: {  	[smem:$0x3FC1] =	sst s2  }
0x8f: {  	_ = 	snop  }
0x90: {  	(tm) =	ssettm $0x1  }
0x91: {  	s17 =	sld [smem:$0x3FFB];
	_ =	sdelay $0x3  }
0x92: {  	_ =	strace s17  }
0x93: {  	s2 =	sld [smem:$0x3FFC];
	_ =	sdelay $0x3  }
0x94: {  	_ =	strace s2  }
0x95: {  	s2 =	sld [smem:$0x3FFD];
	_ =	sdelay $0x3  }
0x96: {  	_ =	strace s2  }
0x97: {  	_ =	strace $0x8FFFFFFF  }
0x98: {  	s18 =	sld [smem:$0x3FDB];
	_ =	sdelay $0x1  }
0x99: {  	s19 =	simm.s32 $_scs_section_size  }
0x9a: {  	s4 =	simm.s32 $_size__tile_overlayer_lowered;
	s5 =	simm.s32 $_tile_overlayer_lowered  }
0x9b: {  	s22 =	simm.s32 $0x1BFF;
	s21 =	sshll.u32 s5, $0x1;
	s2 =	sadd.s32 s19, s18  }
0x9c: {  	s6 =	simm.s32 $0x0;
	s20 =	sshll.u32 s4, $0x1;
	s4 =	sadd.s32 s21, s2  }
0x9d: {  	[timem:s6], [sflag:s22] =	dma.local [hbm:s4], s20  }
0x9e: {  	_ =	swait.ge [sflag:s22], s20  }
0x9f: {  	s3 =	ssub.s32 $0x0, s20;
	[sflag:s22] =	ssyncset.done $0x0  }
0xa0: {  	[sflag:s22] =	ssyncadd.s32 s3;
	_ =	sdelay $0x1  }
0xa1: {  	s23 =	simm.s32 $0x1B8B  }
0xa2: {  	_ =	swait.ge [sflag:s23], $0x1  }
0xa3: {  	[sflag:s23] =	ssyncset.done $0x0  }
0xa4: {  	s25 =	simm.s32 $0x1B8E;
	s24 =	sld [smem:$0x3FFE];
	[sflag:s23] =	ssyncadd.s32 $0xFFFFFFFF  }
0xa5: {  	s26 =	simm.s32 $execute0_lowered;
	[smem:$0x3FD2] =	sst s25  }
0xa6: {  	s4 =	sshll.u32 s26, $0x1;
	_ =	strace $0x80000046;
	[dreg:$0x1] =	wrdreg $0xFFFFFFFF  }
0xa7: {  	s28 =	simm.s32 $_size_execute0_lowered;
	s2 =	sadd.s32 s2, s4;
	[dreg:$0x0] =	wrdreg $0x0  }
0xa8: {  	s4 =	sshll.u32 s28, $0x1;
	[dreg:$0x2] =	wrdreg s2  }
0xa9: {  	[dreg:$0x3] =	wrdreg s4  }
0xaa: {  	[dreg:$0x4] =	wrdreg $0xC0  }
0xab: {  	_ =	task [dreg:s6], $0x5FFFF  }
0xac: {  	[dreg:$0x1] =	wrdreg $0xFFFFFFFF  }
0xad: {  	[dreg:$0x0] =	wrdreg $0x60  }
0xae: {  	[dreg:$0x2] =	wrdreg s24  }
0xaf: {  	[dreg:$0x3] =	wrdreg $0x48000  }
0xb0: {  	[dreg:$0x4] =	wrdreg $0x9  }
0xb1: {  	_ =	task.clear_ibuf [dreg:s6], $0x5FFFF;
	_ =	strace $0x90000046  }
0xb2: {  	s29 =	simm.s32 $0x9;
	_ =	strace $0x80000048  }
0xb3: {  	_ =	swait.ge [sflag:s29], $0x1  }
0xb4: {  	[sflag:s29] =	ssyncadd.s32 $0xFFFFFFFF  }
0xb5: {  	_ =	strace $0x90000048  }
0xb6: {  	_ =	sfence  }
0xb7: {  	s30 =	sld [smem:$0x0];
	_ =	sdelay $0x2  }
0xb8: {  	s31 =	sshll.u32 s1, $0xD;
	s1 =	sshrl.u32 s1, $0x2  }
0xb9: {  	s3 =	sand.u32 $0x4000, s31;
	s1 =	sadd.s32 s1, s30  }
0xba: {  	s0 =	sor.u32 s3, s0;
	s1 =	sshll.u32 s1, $0x11  }
0xbb: {  	s0 =	sor.u32 s1, s0  }
0xbc: {  	s0 =	sadd.s32 $0x8F2B, s0  }
0xbd: {  	[sflag:s0] =	ssyncadd.remote.s32 $0x1  }
0xbe: {  	_ =	sfence.sel $0xFFFF  }
0xbf: {  	[dreg:$0x0] =	wrdreg $0xFFFFFFFF;
	(pc) =	sbr.abs _section_cstart, $3  }
0xc0: {  	[dreg:$0x1] =	wrdreg $0xFFFFFFFF  }
0xc1: {  	_ =	task.clear_ibuf [dreg:s6], $0x2FFFF;
	_ =	strace $0x9FFFFFFF  }
0xc2: {  	(tm) =	ssettm $0x7FFFFFFF  }
0xc3: {  	_ =	shalt  }
tec
execute0_lowered:
.L_overlay_start_1:
0x0: {  	(tag) =	ssettag $0x1  }
0x1: {  	s0 =	stileid.u32  }
0x2: {  	s1 =	srdreg.scid;
	s11 =	smul.u32 $0x3E80, s0  }
0x3: {  	s7 =	rddreg [dreg:$0x0];
	s9 =	smul.u32 $0xFA00, s0  }
0x4: {  	s10 =	sand.u32 $0x1, s1;
	s20 =	sshll.u32 s0, $0x1;
	s26 =	smul.u32 $0x1388, s0  }
0x5: {  	s18 =	simm.s32 $0x5;
	s1 =	sor.u32 s10, s20;
	s5 =	smul.u32 $0x27100, s10  }
0x6: {  	s19 =	simm.s32 $0x6;
	s23 =	ssub.s32 $0x2, s10;
	s1 =	smul.u32 $0x9C4, s1  }
0x7: {  	s16 =	smul.u32 $0x9C4, s10;
	s24 =	sshrl.u32 s23, $0x1;
	s9 =	sshrl.u32 s9, $0x2  }
0x8: {  	s5 =	sadd.s32 s11, s5;
	s14 =	ssub.s32 s23, s24;
	s2 =	sadd.s32 $0x9C4, s1  }
0x9: {  	s6 =	sshrl.u32 s1, $0x5;
	s8 =	sshrl.u32 s5, $0x3;
	s5 =	sadd.s32 $0xD200, s7  }
0xa: {  	s10 =	smax.u32 s14, $0x1;
	s21 =	sshrl.u32 s2, $0x5;
	s13 =	sshll.u32 s6, $0x4  }
0xb: {  	s12 =	sadd.s32 s8, s7;
	s1 =	ssub.s32 s21, s6;
	s7 =	sadd.s32 s5, s13  }
0xc: {  	s15 =	sadd.s32 $0x20, s13;
	s30 =	sadd.s32 $0x30, s13;
	s13 =	sadd.s32 $0x40, s13  }
0xd: {  	s21 =	simm.s32 $0x0;
	s22 =	sshll.u32 s1, $0x10;
	s3 =	smul.u32 $0xFFFFAAAB, s1  }
0xe: {  	p0 =	slt.s32 s1, $0xFFFFFFFF;
	s8 =	sadd.s32 $0x10, s7;
	s2 =	sadd.s32 $0x20000, s22  }
0xf: {  	s25 =	sadd.s32 $0xFFFFFFFF, s1;
	s28 =	sadd.s32 $0xFFFFFFFE, s1;
	s2 =	sshra.s32 s2, $0x10  }
0x10: {  	s29 =	sand.u32 $0x1FFFFFF0, s15;
	s3 =	sadd.s32 $0xFFFF8000, s3;
	s2 =	smul.u32 $0x5556, s2  }
0x11: {  	s14 =	sand.u32 $0x1FFFFFF0, s30;
	s13 =	sand.u32 $0x1FFFFFF0, s13;
	s3 =	sand.u32 $0xFFFF, s3  }
0x12: {  	p1 =	sgt.u32 s3, $0x5554;
	s4 =	sshrl.u32 s2, $0x1F;
	s2 =	sshrl.u32 s2, $0x10  }
0x13: {  	s3 =	simm.s32 $0x1;
	p0 =	por !p0, !p1;
	s2 =	sadd.s32 s4, s2  }
0x14: {  	p0 =	por !p0, !p0;
	s4 =	simm.s32 $0x0;
	s2 =	sshll.u32 s2, $0x10  }
0x15: {  	s3 =	simm.s32 @!p0 $0x0;
	[smem:$0x7FF] =	sst s4;
	s2 =	sshra.s32 s2, $0x10  }
0x16: {  	s13 =	sadd.s32 s5, s13;
	s17 =	ssub.s32 s2, s3;
	s2 =	rddreg [dreg:$0x1]  }
0x17: {  	p4 =	slt.s32 s17, $0x1;
	s6 =	sadd.s32 s9, s2;
	s9 =	sadd.s32 $0x17000, s12  }
0x18: {  	s20 =	sadd.s32 s11, s2;
	s11 =	sadd.s32 s5, s29;
	s12 =	sadd.s32 s16, s26  }
0x19: {  	s16 =	simm.s32 $0x80;
	p0 =	slt.s32 @!p4 s1, $0x1;
	p2 =	slt.s32 @!p4 s1, $0x2  }
0x1a: {  	s31 =	sshrl.u32 s12, $0x1;
	s12 =	sadd.s32 s5, s14;
	p1 =	por p0, p4  }
0x1b: {  	s14 =	sadd.s32 $0xFFFFFFFF, s17;
	p5 =	por p2, p4;
	p3 =	slt.u32 @!p1 s1, $0x3  }
0x1c: {  	s15 =	sand.u32 $0x1FFF0, s31;
	s3 =	simm.s32 @!p5 $0x0;
	p0 =	por @!p4 p3, p0  }
0x1d: {  	s3 =	simm.s32 @p5 $0x1;
	p3 =	slt.s32 @!p5 s1, $0x4;
	p5 =	slt.s32 @!p4 s1, $0x3  }
0x1e: {  	p6 =	por @!p4 p3, p2;
	p3 =	por p5, p4;
	p0 =	por p0, p4  }
0x1f: {  	[smem:$0x7F9] =	sst s3;
	p2 =	slt.s32 @!p3 s1, $0x5;
	s3 =	simm.s32 @!p0 $0x0  }
0x20: {  	p5 =	por @!p4 p2, p5;
	s3 =	simm.s32 @p0 $0x1;
	p2 =	por p6, p4  }
0x21: {  	_ =	strace $0x80000047;
	[smem:$0x7FA] =	sst s3;
	s3 =	simm.s32 @!p2 $0x0  }
0x22: {  	[dreg:$0x3] =	wrdreg s25;
	p0 =	seq.s32 @!p4 s17, $0x1;
	s3 =	simm.s32 @p2 $0x1  }
.Ltmp0:
0x23: {  	[smem:$0x7FB] =	sst s3;
	s3 =	simm.s32 @!p4 $0x0;
	(pc) =	sbr.rel .LBB2_1-.Ltmp0, $4  }
0x24: {  	p6 =	por p5, p4;
	s3 =	simm.s32 @p4 $0x1;
	p4 =	por p4, p0  }
0x25: {  	s15 =	sadd.s32 $0x50, s15;
	[smem:$0x7FC] =	sst s3;
	s3 =	simm.s32 @!p4 $0x0  }
0x26: {  	[dreg:$0x4] =	wrdreg s28;
	p0 =	sgt.u32 s0, $0x9;
	s3 =	simm.s32 @p4 $0x1  }
0x27: {  	v0 =	vimm.f32 $1.000000000e+00;
	v1 =	vimm.f32 $0.0e+00;
	s17 =	simm.s32 $0x4;
	s20 =	sshrl.u32 @!p0 s20, $0x3;
	[smem:$0x7FD] =	sst s3  }
.LBB2_8:
0x28: {  	p4 =	por $0x1, $0x1  }
.LBB2_11:
0x29: {  	p2 =	sge.s32 s23, s1;
	p4 =	por p5, !p4  }
0x2a: {  	[sflag:s26] =	ssyncadd.s32 @!p4 $0xFFFFF800;
	s3 =	simm.s32 @!p2 $0x1;
	s25 =	sadd.s32 @!p2 $0x2, s23  }
0x2b: {  	[tilespmem:s30], [sflag:$0x2] =	stream.linear.gather @!p4 [hbm4b:s29+s28], $0x80, $0x38;
	[tilespmem:$0x6F10] =	vst v63  }
0x2c: {  	s26 =	simm.s32 @!p2 $0x180;
	p4 =	sge.u32 @!p2 s25, s1;
	_ =	swait.ge @!p2 [sflag:s3], $0x80  }
0x2d: {  	s25 =	simm.s32 @!p2 $0x0;
	p4 =	por p4, p2;
	[sflag:s3] =	ssyncset.done @!p2 $0x0  }
0x2e: {  	s28 =	simm.s32 @!p2 $0x80;
	[sflag:s3] =	ssyncadd.s32 @!p2 $0xFFFFFF80;
	s3 =	simm.s32 @!p4 $0x6  }
0x2f: {  	[spmem:s2] =	stream.indirect.scatter.add.f32 @!p2 [tilespmem:s26], [sflag:$0x4], $0x10, s25, s28, $0xb8;
	[tilespmem:$0x6F10] =	vst v63  }
0x30: {  	s25 =	sand.u32 @!p4 $0x1FFFFFF0, s24;
	s28 =	simm.s32 @!p4 $0x100;
	_ =	swait.ge @!p4 [sflag:s3], $0x800  }
0x31: {  	s25 =	sadd.s32 @!p4 s5, s25;
	[sflag:s3] =	ssyncset.done @!p4 $0x0;
	s29 =	rddreg [dreg:$0x3]  }
0x32: {  	[sflag:s3] =	ssyncadd.s32 @!p4 $0xFFFFF800;
	s3 =	simm.s32 @!p4 $0x0;
	p2 =	sge.s32 s23, s29  }
0x33: {  	[tilespmem:s28], [sflag:$0x3] =	stream.linear.gather @!p4 [hbm4b:s25+s3], $0x80, $0x38;
	[tilespmem:$0x6F10] =	vst v63  }
0x34: {  	s3 =	simm.s32 @!p2 $0x2  }
0x35: {  	s25 =	sadd.s32 @!p2 $0x3, s23;
	_ =	swait.ge @!p2 [sflag:s3], $0x80  }
0x36: {  	s26 =	simm.s32 @!p2 $0x80;
	p4 =	sge.s32 @!p2 s25, s1;
	[sflag:s3] =	ssyncset.done @!p2 $0x0  }
0x37: {  	s25 =	simm.s32 @!p2 $0x180;
	p4 =	por p4, p2;
	[sflag:s3] =	ssyncadd.s32 @!p2 $0xFFFFFF80  }
0x38: {  	[spmem:s2] =	stream.indirect.scatter.add.f32 @!p2 [tilespmem:s25], [sflag:$0x5], $0x10, s26, s26, $0xb8;
	[tilespmem:$0x6F10] =	vst v63  }
0x39: {  	s3 =	simm.s32 @!p4 $0x4;
	s25 =	sadd.s32 @!p4 $0x10, s24  }
0x3a: {  	_ =	swait.ge @!p4 [sflag:s3], $0x800;
	s25 =	sand.u32 @!p4 $0x1FFFFFF0, s25  }
0x3b: {  	[sflag:s3] =	ssyncset.done @!p4 $0x0;
	s30 =	rddreg [dreg:$0x4];
	s25 =	sadd.s32 @!p4 s5, s25  }
0x3c: {  	[sflag:s3] =	ssyncadd.s32 @!p4 $0xFFFFF800;
	s3 =	simm.s32 @!p4 $0x0;
	p2 =	sge.s32 s23, s30  }
0x3d: {  	[tilespmem:s3], [sflag:$0x1] =	stream.linear.gather @!p4 [hbm4b:s25+s3], $0x80, $0x38;
	[tilespmem:$0x6F10] =	vst v63  }
0x3e: {  	s3 =	simm.s32 @!p2 $0x3;
	s23 =	sadd.s32 @!p2 $0x4, s23  }
0x3f: {  	s25 =	simm.s32 @!p2 $0x180;
	_ =	swait.ge @!p2 [sflag:s3], $0x80;
	p4 =	sge.s32 @!p2 s23, s1  }
0x40: {  	s26 =	simm.s32 @!p2 $0x80;
	[sflag:s3] =	ssyncset.done @!p2 $0x0;
	p4 =	por p4, p2  }
0x41: {  	s23 =	simm.s32 @!p2 $0x100;
	[sflag:s3] =	ssyncadd.s32 @!p2 $0xFFFFFF80;
	s3 =	simm.s32 @!p4 $0x5  }
0x42: {  	[spmem:s2] =	stream.indirect.scatter.add.f32 @!p2 [tilespmem:s25], [sflag:$0x6], $0x10, s23, s26, $0xb8;
	[tilespmem:$0x6F10] =	vst v63  }
0x43: {  	s23 =	sadd.s32 @!p4 $0x20, s24;
	s24 =	simm.s32 @!p4 $0x0;
	_ =	swait.ge @!p4 [sflag:s3], $0x800  }
0x44: {  	s23 =	sand.u32 @!p4 $0x1FFFFFF0, s23;
	[sflag:s3] =	ssyncset.done @!p4 $0x0;
	s31 =	sld [smem:$0x7FD]  }
0x45: {  	s25 =	simm.s32 @!p4 $0x80;
	s23 =	sadd.s32 @!p4 s5, s23;
	[sflag:s3] =	ssyncadd.s32 @!p4 $0xFFFFF800  }
0x46: {  	[tilespmem:s25], [sflag:$0x2] =	stream.linear.gather @!p4 [hbm4b:s23+s24], $0x80, $0x38;
	[tilespmem:$0x6F10] =	vst v63  }
0x47: {  	p4 =	seq.s32 s31, $0x1  }
.LBB2_12:
0x48: {  	_ =	swait.ge [sflag:s17], $0x800  }
0x49: {  	[sflag:s17] =	ssyncset.done $0x0  }
0x4a: {  	[sflag:s17] =	ssyncadd.s32 $0xFFFFF800  }
0x4b: {  	_ =	swait.ge [sflag:s18], $0x800  }
0x4c: {  	[sflag:s18] =	ssyncset.done $0x0  }
0x4d: {  	[sflag:s18] =	ssyncadd.s32 $0xFFFFF800  }
0x4e: {  	_ =	swait.ge [sflag:s19], $0x800  }
0x4f: {  	s21 =	sadd.s32 $0x1, s21;
	[sflag:s19] =	ssyncset.done $0x0  }
0x50: {  	s3 =	sshll.u32 @!p0 s0, $0x6;
	p2 =	sne.s32 s21, s10;
	[sflag:s19] =	ssyncadd.s32 $0xFFFFF800  }
.Ltmp1:
0x51: {  	s3 =	sor.u32 @!p0 $0x1C07, s3;
	[bflag:$0x0] =	sbarrier.arrive $0xFFFF;
	(pc) =	sbr.rel @!p2 .LBB2_13-.Ltmp1, $4  }
0x52: {  	[hbm:s9], [sflag:s3] =	dma.local @!p0 [spmem:s20], $0x7D0  }
0x53: {  	_ =	swait.ge @!p0 [sflag:s22], $0x7D0  }
0x54: {  	[sflag:s22] =	ssyncset.done @!p0 $0x0  }
0x55: {  	[sflag:s22] =	ssyncadd.s32 @!p0 $0xFFFFF830  }
.LBB2_1:
0x56: {  	s22 =	simm.s32 $0x0  }
.LBB2_2:
0x57: {  	p2 =	sne.s32 s22, $0x1FC0  }
.Ltmp2:
0x58: {  	_ = 	snop;
	(pc) =	sbr.rel @p2 .LBB2_2-.Ltmp2, $3  }
0x59: {  	_ =	sdelay $0x1  }
0x5a: {  	s23 =	sshra.s32 s22, $0x2  }
0x5b: {  	s22 =	sadd.s32 $0x40, s22;
	[tilespmem:s23+$0x180] =	vst v0  }
0x5c: {  	s22 =	simm.s32 $0x40;
	s23 =	simm.s32 $0x0  }
.LBB2_4:
0x5d: {  	p2 =	sne.s32 s22, $0xF9C0;
	[tilespmem:s23+$0x980] =	vst v1;
	s23 =	smov.u32 s22;
	s22 =	sadd.s32 $0x40, s22  }
.Ltmp3:
0x5e: {  	(pc) =	sbr.rel @p2 .LBB2_4-.Ltmp3, $2  }
0x5f: {  	_ =	sdelay $0x2  }
0x60: {  	s23 =	sshra.s32 s23, $0x2  }
0x61: {  	[tilespmem:s23+$0x980] =	vst v1;
	s22 =	simm.s32 @!p0 $0x980  }
0x62: {  	[spmem:s6] =	stream.linear.scatter @!p0 [tilespmem:s22], [sflag:$0x7], $0x3E80, $0x38;
	[tilespmem:$0x6F10] =	vst v63  }
0x63: {  	s22 =	simm.s32 @!p0 $0x7  }
0x64: {  	_ =	swait.ge @!p0 [sflag:s22], $0x3E80  }
0x65: {  	[sflag:s22] =	ssyncset.done @!p0 $0x0  }
0x66: {  	[sflag:s22] =	ssyncadd.s32 @!p0 $0xFFFFC180  }
0x67: {  	[tilespmem:s4], [sflag:$0x1] =	stream.linear.gather [hbm4b:s7+s4], $0x80, $0x38;
	[tilespmem:$0x6F10] =	vst v63  }
0x68: {  	_ = 	snop  }
0x69: {  	[tilespmem:s16], [sflag:$0x2] =	stream.linear.gather [hbm4b:s8+s4], $0x80, $0x38;
	[tilespmem:$0x6F10] =	vst v63  }
0x6a: {  	s23 =	simm.s32 @!p1 $0x1;
	[bflag:$0x0] =	sbarrier.arrive $0xFFFF  }
0x6b: {  	_ =	swait.ge @!p1 [sflag:s23], $0x80  }
0x6c: {  	s24 =	simm.s32 @!p1 $0x0;
	[sflag:s23] =	ssyncset.done @!p1 $0x0;
	s3 =	sld [smem:$0x7FA]  }
0x6d: {  	s25 =	simm.s32 @!p1 $0x180;
	[sflag:s23] =	ssyncadd.s32 @!p1 $0xFFFFFF80;
	s23 =	simm.s32 @!p1 $0x80  }
0x6e: {  	[spmem:s2] =	stream.indirect.scatter.add.f32 @!p1 [tilespmem:s25], [sflag:$0x4], $0x10, s24, s23, $0xb8;
	[tilespmem:$0x6F10] =	vst v63  }
0x6f: {  	s29 =	sld [smem:$0x7F9];
	p2 =	seq.s32 s3, $0x1  }
0x70: {  	s23 =	simm.s32 @!p2 $0x0;
	s24 =	simm.s32 @!p2 $0x100  }
0x71: {  	[tilespmem:s24], [sflag:$0x3] =	stream.linear.gather @!p2 [hbm4b:s11+s23], $0x80, $0x38;
	[tilespmem:$0x6F10] =	vst v63  }
0x72: {  	p2 =	seq.s32 s29, $0x1  }
0x73: {  	s23 =	simm.s32 @!p2 $0x2  }
0x74: {  	_ =	swait.ge @!p2 [sflag:s23], $0x80  }
0x75: {  	[sflag:s23] =	ssyncset.done @!p2 $0x0;
	s30 =	sld [smem:$0x7FB]  }
0x76: {  	s24 =	simm.s32 @!p2 $0x180;
	[sflag:s23] =	ssyncadd.s32 @!p2 $0xFFFFFF80;
	s23 =	simm.s32 @!p2 $0x80  }
0x77: {  	[spmem:s2] =	stream.indirect.scatter.add.f32 @!p2 [tilespmem:s24], [sflag:$0x5], $0x10, s23, s23, $0xb8;
	[tilespmem:$0x6F10] =	vst v63  }
0x78: {  	p2 =	seq.s32 s30, $0x1  }
0x79: {  	s23 =	simm.s32 @!p2 $0x4  }
0x7a: {  	_ =	swait.ge @!p2 [sflag:s23], $0x800  }
0x7b: {  	[sflag:s23] =	ssyncset.done @!p2 $0x0  }
0x7c: {  	[sflag:s23] =	ssyncadd.s32 @!p2 $0xFFFFF800;
	s23 =	simm.s32 @!p2 $0x0  }
0x7d: {  	[tilespmem:s23], [sflag:$0x1] =	stream.linear.gather @!p2 [hbm4b:s12+s23], $0x80, $0x38;
	[tilespmem:$0x6F10] =	vst v63  }
0x7e: {  	s23 =	simm.s32 @!p3 $0x3  }
0x7f: {  	_ =	swait.ge @!p3 [sflag:s23], $0x80  }
0x80: {  	s25 =	simm.s32 @!p3 $0x180;
	[sflag:s23] =	ssyncset.done @!p3 $0x0  }
0x81: {  	s24 =	simm.s32 @!p3 $0x100;
	[sflag:s23] =	ssyncadd.s32 @!p3 $0xFFFFFF80;
	s23 =	simm.s32 @!p3 $0x80  }
0x82: {  	[spmem:s2] =	stream.indirect.scatter.add.f32 @!p3 [tilespmem:s25], [sflag:$0x6], $0x10, s24, s23, $0xb8;
	[tilespmem:$0x6F10] =	vst v63  }
0x83: {  	s23 =	simm.s32 @!p6 $0x5  }
0x84: {  	_ =	swait.ge @!p6 [sflag:s23], $0x800  }
.Ltmp4:
0x85: {  	[sflag:s23] =	ssyncset.done @!p6 $0x0;
	s31 =	sld [smem:$0x7FC];
	(pc) =	sbr.rel @p4 .LBB2_12-.Ltmp4, $4  }
0x86: {  	s24 =	simm.s32 @!p6 $0x80;
	[sflag:s23] =	ssyncadd.s32 @!p6 $0xFFFFF800;
	s23 =	simm.s32 @!p6 $0x0  }
0x87: {  	[tilespmem:s24], [sflag:$0x2] =	stream.linear.gather @!p6 [hbm4b:s13+s23], $0x80, $0x38;
	[tilespmem:$0x6F10] =	vst v63  }
0x88: {  	p2 =	seq.s32 s31, $0x1  }
0x89: {  	s23 =	simm.s32 @!p2 $0x3  }
0x8a: {  	s25 =	sadd.s32 $0xFFFFFFFF, s14  }
0x8b: {  	p2 =	sne.s32 s25, $0x0  }
.Ltmp5:
0x8c: {  	_ = 	snop;
	(pc) =	sbr.rel @!p2 .LBB2_11-.Ltmp5, $2  }
0x8d: {  	_ =	sdelay $0x2  }
0x8e: {  	p4 =	por $0x0, $0x0;
	s24 =	smov.u32 s15  }
0x8f: {  	p2 =	sle.s32 s1, $0x3  }
0x90: {  	s23 =	simm.s32 @!p2 $0x1  }
0x91: {  	s24 =	simm.s32 @!p2 $0x180;
	p4 =	sle.u32 @!p2 s1, $0x5;
	_ =	swait.ge @!p2 [sflag:s23], $0x80  }
0x92: {  	s26 =	simm.s32 @!p2 $0x0;
	p4 =	por p4, p2;
	[sflag:s23] =	ssyncset.done @!p2 $0x0  }
0x93: {  	s28 =	simm.s32 @!p2 $0x80;
	[sflag:s23] =	ssyncadd.s32 @!p2 $0xFFFFFF80;
	s23 =	simm.s32 @!p4 $0x6  }
0x94: {  	[spmem:s2] =	stream.indirect.scatter.add.f32 @!p2 [tilespmem:s24], [sflag:$0x4], $0x10, s26, s28, $0xb8;
	[tilespmem:$0x6F10] =	vst v63  }
0x95: {  	s24 =	sand.u32 @!p4 $0x1FFFFFF0, s15;
	s28 =	simm.s32 @!p4 $0x100;
	_ =	swait.ge @!p4 [sflag:s23], $0x800  }
0x96: {  	s24 =	sadd.s32 @!p4 s5, s24;
	[sflag:s23] =	ssyncset.done @!p4 $0x0;
	s3 =	rddreg [dreg:$0x3]  }
0x97: {  	[sflag:s23] =	ssyncadd.s32 @!p4 $0xFFFFF800;
	s23 =	simm.s32 @!p4 $0x0;
	p2 =	sle.s32 s3, $0x3  }
0x98: {  	[tilespmem:s28], [sflag:$0x3] =	stream.linear.gather @!p4 [hbm4b:s24+s23], $0x80, $0x38;
	[tilespmem:$0x6F10] =	vst v63  }
0x99: {  	s23 =	simm.s32 @!p2 $0x2  }
0x9a: {  	_ =	swait.ge @!p2 [sflag:s23], $0x80  }
0x9b: {  	p4 =	sle.s32 @!p2 s1, $0x6;
	s24 =	simm.s32 @!p2 $0x180;
	[sflag:s23] =	ssyncset.done @!p2 $0x0  }
0x9c: {  	s26 =	simm.s32 @!p2 $0x80;
	p4 =	por p4, p2;
	[sflag:s23] =	ssyncadd.s32 @!p2 $0xFFFFFF80  }
0x9d: {  	[spmem:s2] =	stream.indirect.scatter.add.f32 @!p2 [tilespmem:s24], [sflag:$0x5], $0x10, s26, s26, $0xb8;
	[tilespmem:$0x6F10] =	vst v63  }
0x9e: {  	s23 =	simm.s32 @!p4 $0x4;
	s24 =	sadd.s32 @!p4 $0x10, s15  }
0x9f: {  	s25 =	sadd.s32 $0xFFFFFFFF, s25;
	_ =	swait.ge @!p4 [sflag:s23], $0x800;
	s24 =	sand.u32 @!p4 $0x1FFFFFF0, s24  }
0xa0: {  	[sflag:s23] =	ssyncset.done @!p4 $0x0;
	s31 =	rddreg [dreg:$0x4];
	s24 =	sadd.s32 @!p4 s5, s24  }
0xa1: {  	[sflag:s23] =	ssyncadd.s32 @!p4 $0xFFFFF800;
	s23 =	simm.s32 @!p4 $0x0;
	p2 =	sle.s32 s31, $0x3  }
0xa2: {  	[tilespmem:s23], [sflag:$0x1] =	stream.linear.gather @!p4 [hbm4b:s24+s23], $0x80, $0x38;
	[tilespmem:$0x6F10] =	vst v63  }
0xa3: {  	p4 =	sne.s32 s25, $0x0;
	s23 =	simm.s32 $0x6;
	s24 =	simm.s32 @!p2 $0x3  }
0xa4: {  	s28 =	simm.s32 @!p2 $0x180;
	p5 =	sle.s32 @!p2 s1, $0x7;
	_ =	swait.ge @!p2 [sflag:s24], $0x80  }
0xa5: {  	s29 =	simm.s32 @!p2 $0x100;
	s30 =	simm.s32 @!p2 $0x80;
	[sflag:s24] =	ssyncset.done @!p2 $0x0  }
.Ltmp6:
0xa6: {  	p5 =	por p5, p2;
	[sflag:s24] =	ssyncadd.s32 @!p2 $0xFFFFFF80;
	(pc) =	sbr.rel @!p4 .LBB2_8-.Ltmp6, $4  }
0xa7: {  	[spmem:s2] =	stream.indirect.scatter.add.f32 @!p2 [tilespmem:s28], [sflag:$0x6], $0x10, s29, s30, $0xb8;
	[tilespmem:$0x6F10] =	vst v63  }
0xa8: {  	s26 =	simm.s32 @!p5 $0x5;
	s24 =	sadd.s32 $0x30, s15;
	s28 =	sadd.s32 @!p5 $0x20, s15  }
0xa9: {  	s30 =	simm.s32 @!p5 $0x80;
	_ =	swait.ge @!p5 [sflag:s26], $0x800;
	s29 =	sand.u32 @!p5 $0x1FFFFFF0, s28  }
0xaa: {  	s28 =	simm.s32 @!p5 $0x0;
	[sflag:s26] =	ssyncset.done @!p5 $0x0;
	s29 =	sadd.s32 @!p5 s5, s29  }
.LBB2_9:
0xab: {  	p4 =	sge.s32 s23, s1  }
0xac: {  	[sflag:s26] =	ssyncadd.s32 @!p5 $0xFFFFF800;
	s26 =	simm.s32 @!p4 $0x1;
	s3 =	sadd.s32 @!p4 $0x2, s23  }
0xad: {  	[tilespmem:s30], [sflag:$0x2] =	stream.linear.gather @!p5 [hbm4b:s29+s28], $0x80, $0x38;
	[tilespmem:$0x6F10] =	vst v63  }
0xae: {  	s31 =	simm.s32 @!p4 $0x180;
	_ =	swait.ge @!p4 [sflag:s26], $0x80;
	p2 =	sge.u32 @!p4 s3, s1  }
0xaf: {  	s28 =	simm.s32 @!p4 $0x0;
	[sflag:s26] =	ssyncset.done @!p4 $0x0;
	p2 =	por p2, p4  }
0xb0: {  	s3 =	simm.s32 @!p4 $0x80;
	[sflag:s26] =	ssyncadd.s32 @!p4 $0xFFFFFF80;
	s26 =	simm.s32 @!p2 $0x6  }
0xb1: {  	[spmem:s2] =	stream.indirect.scatter.add.f32 @!p4 [tilespmem:s31], [sflag:$0x4], $0x10, s28, s3, $0xb8;
	[tilespmem:$0x6F10] =	vst v63  }
0xb2: {  	s25 =	sadd.s32 $0xFFFFFFFF, s25;
	s29 =	sand.u32 @!p2 $0x1FFFFFF0, s24;
	_ =	swait.ge @!p2 [sflag:s26], $0x800  }
0xb3: {  	s30 =	simm.s32 @!p2 $0x100;
	s3 =	sadd.s32 @!p2 s5, s29;
	[sflag:s26] =	ssyncset.done @!p2 $0x0  }
0xb4: {  	s28 =	rddreg [dreg:$0x3];
	[sflag:s26] =	ssyncadd.s32 @!p2 $0xFFFFF800;
	s26 =	simm.s32 @!p2 $0x0  }
0xb5: {  	[tilespmem:s30], [sflag:$0x3] =	stream.linear.gather @!p2 [hbm4b:s3+s26], $0x80, $0x38;
	[tilespmem:$0x6F10] =	vst v63  }
0xb6: {  	p4 =	sne.s32 s25, $0x0;
	p2 =	sge.s32 s23, s28  }
0xb7: {  	s29 =	smov.u32 s23;
	s26 =	simm.s32 @!p2 $0x2;
	s28 =	sadd.s32 @!p2 $0x3, s23  }
0xb8: {  	s30 =	simm.s32 @!p2 $0x180;
	_ =	swait.ge @!p2 [sflag:s26], $0x80;
	p5 =	sge.s32 @!p2 s28, s1  }
0xb9: {  	s28 =	simm.s32 @!p2 $0x80;
	[sflag:s26] =	ssyncset.done @!p2 $0x0;
	p5 =	por p5, p2  }
0xba: {  	[sflag:s26] =	ssyncadd.s32 @!p2 $0xFFFFFF80;
	s26 =	simm.s32 @!p5 $0x4;
	s31 =	sadd.s32 @!p5 $0x10, s24  }
0xbb: {  	[spmem:s2] =	stream.indirect.scatter.add.f32 @!p2 [tilespmem:s30], [sflag:$0x5], $0x10, s28, s28, $0xb8;
	[tilespmem:$0x6F10] =	vst v63  }
0xbc: {  	s3 =	smov.u32 s24;
	s28 =	sand.u32 @!p5 $0x1FFFFFF0, s31;
	_ =	swait.ge @!p5 [sflag:s26], $0x800  }
0xbd: {  	s28 =	sadd.s32 @!p5 s5, s28;
	[sflag:s26] =	ssyncset.done @!p5 $0x0;
	s30 =	rddreg [dreg:$0x4]  }
0xbe: {  	[sflag:s26] =	ssyncadd.s32 @!p5 $0xFFFFF800;
	s26 =	simm.s32 @!p5 $0x0;
	p2 =	sge.s32 s29, s30  }
0xbf: {  	[tilespmem:s26], [sflag:$0x1] =	stream.linear.gather @!p5 [hbm4b:s28+s26], $0x80, $0x38;
	[tilespmem:$0x6F10] =	vst v63  }
0xc0: {  	s23 =	sadd.s32 $0x3, s23;
	s24 =	sadd.s32 $0x30, s24;
	s26 =	simm.s32 @!p2 $0x3  }
0xc1: {  	s28 =	simm.s32 @!p2 $0x180;
	s29 =	sadd.s32 @!p2 $0x4, s29;
	s30 =	simm.s32 @!p2 $0x100  }
0xc2: {  	_ =	swait.ge @!p2 [sflag:s26], $0x80;
	p5 =	sge.s32 @!p2 s29, s1;
	s29 =	simm.s32 @!p2 $0x80  }
.Ltmp7:
0xc3: {  	[sflag:s26] =	ssyncset.done @!p2 $0x0;
	p5 =	por p5, p2;
	(pc) =	sbr.rel @p4 .LBB2_9-.Ltmp7, $4  }
0xc4: {  	[sflag:s26] =	ssyncadd.s32 @!p2 $0xFFFFFF80;
	s26 =	simm.s32 @!p5 $0x5;
	s3 =	sadd.s32 @!p5 $0x20, s3  }
0xc5: {  	[spmem:s2] =	stream.indirect.scatter.add.f32 @!p2 [tilespmem:s28], [sflag:$0x6], $0x10, s30, s29, $0xb8;
	[tilespmem:$0x6F10] =	vst v63  }
0xc6: {  	s3 =	sand.u32 @!p5 $0x1FFFFFF0, s3;
	s28 =	simm.s32 @!p5 $0x0;
	_ =	swait.ge @!p5 [sflag:s26], $0x800  }
0xc7: {  	s30 =	simm.s32 @!p5 $0x80;
	s29 =	sadd.s32 @!p5 s5, s3;
	[sflag:s26] =	ssyncset.done @!p5 $0x0  }
.Ltmp8:
0xc8: {  	(pc) =	sbr.rel .LBB2_11-.Ltmp8, $2  }
0xc9: {  	_ =	sdelay $0x2  }
0xca: {  	p4 =	por $0x1, $0x1  }
.LBB2_13:
0xcb: {  	_ =	sfence.sel $0x180000  }
0xcc: {  	[bflag:$0x0] =	sbarrier.arrive $0xFFFF  }
0xcd: {  	_ =	strace $0x90000047  }
0xce: {  	[bflag:$0x2] =	sbarrier.arrive $0xFFFF  }
0xcf: {  	p0 =	sne.s32 s0, $0x0;
	s0 =	rddreg [dreg:$0x2]  }
0xd0: {  	s0 =	sadd.s32 @!p0 $0x100000, s0  }
0xd1: {  	[sflag:s0] =	ssyncadd.tile.s32 @!p0 $0x1;
	_ =	shalt  }
.Lfunc_end2:
_tile_overlayer_lowered:
.L_overlay_start_2:
0xd2: {  	(tag) =	ssettag $0x2  }
0xd3: {  	s0 =	rddreg [dreg:$0x0];
	s2 =	stileid.u32  }
0xd4: {  	s1 =	rddreg [dreg:$0x1];
	p0 =	sne.s32 s2, $0x0  }
0xd5: {  	s3 =	rddreg [dreg:$0x2];
	[bflag:$0x3] =	sbarrier.arrive $0xFFFF;
	s2 =	simm.s32 @!p0 $0x1C07  }
0xd6: {  	[timem:s3], [sflag:s2] =	dma.local @!p0 [hbm:s0], s1  }
0xd7: {  	s0 =	simm.s32 @!p0 $0x7  }
0xd8: {  	_ =	swait.ge @!p0 [sflag:s0], s1  }
0xd9: {  	s1 =	ssub.s32 @!p0 $0x0, s1;
	[sflag:s0] =	ssyncset.done @!p0 $0x0  }
0xda: {  	[sflag:s0] =	ssyncadd.s32 @!p0 s1  }
0xdb: {  	[bflag:$0x3] =	sbarrier.arrive $0xFFFF  }
0xdc: {  	_ =	shalt  }

</sc_bundles>
